<compile_context>
chip_gen: v7x
topology: tpu7x:2x2x1
jax: 0.10.2.dev20260603
libtpu: 0.0.44.dev20260713+nightly
codegen_flags: <defaults>
</compile_context>

<pallas_src>
import jax
import jax.numpy as jnp
from jax import lax
from jax.experimental import pallas as pl
from jax.experimental.pallas import tpu as pltpu
from jax.experimental.pallas import tpu_sc as plsc

B = 16384
D = 32
NC = 2
NS = 16
NW = NC * NS
BPW = B // NW
CHUNK = 128
NCHUNK = BPW // CHUNK
TROWS = 250000


def _shuffle(x, idx):
    return lax.gather(
        x, idx[:, None],
        dimension_numbers=lax.GatherDimensionNumbers(
            offset_dims=(), collapsed_slice_dims=(0,), start_index_map=(0,)),
        slice_sizes=(1,),
        mode=lax.GatherScatterMode.PROMISE_IN_BOUNDS)


def _body(uq_hbm, iq_hbm, uo_hbm, io_hbm, utab_hbm, itab_hbm, out_hbm,
          uq_v, iq_v, uo_v, io_v, urows, irows, out_v, usem, isem):
    wid = lax.axis_index("s") * NC + lax.axis_index("c")
    base = wid * BPW

    pltpu.sync_copy(uq_hbm.at[pl.ds(wid * NCHUNK, NCHUNK)], uq_v)
    pltpu.sync_copy(iq_hbm.at[pl.ds(wid * NCHUNK, NCHUNK)], iq_v)
    pltpu.sync_copy(uo_hbm.at[pl.ds(base, BPW)], uo_v)
    pltpu.sync_copy(io_hbm.at[pl.ds(base, BPW)], io_v)

    lanes = lax.iota(jnp.int32, 16)

    for c in range(NCHUNK):
        cu = pltpu.async_copy(utab_hbm.at[uq_v.at[c]], urows, usem)
        ci = pltpu.async_copy(itab_hbm.at[iq_v.at[c]], irows, isem)
        cu.wait()
        ci.wait()

        def stage(g, carry, c=c):
            acc = jnp.zeros((16,), jnp.float32)
            uoffs = uo_v[pl.ds(c * CHUNK + g * 16, 16)]
            ioffs = io_v[pl.ds(c * CHUNK + g * 16, 16)]
            for j in range(16):
                r = g * 16 + j
                uoff = pl.multiple_of(uoffs[j], 32)
                ioff = pl.multiple_of(ioffs[j], 32)
                u0 = urows[r, pl.ds(uoff, 16)]
                u1 = urows[r, pl.ds(uoff + 16, 16)]
                i0 = irows[r, pl.ds(ioff, 16)]
                i1 = irows[r, pl.ds(ioff + 16, 16)]
                p = u0 * i0 + u1 * i1
                for k in (8, 4, 2, 1):
                    p = p + _shuffle(p, (lanes + k) & 15)
                acc = jnp.where(lanes == j, p, acc)
            out_v[pl.ds(c * CHUNK + g * 16, 16)] = acc
            return carry

        lax.fori_loop(0, CHUNK // 16, stage, 0)

    pltpu.sync_copy(out_v, out_hbm.at[pl.ds(base, BPW)])


def kernel(user_ids, item_ids, user_table, item_table, user_bias, item_bias,
           global_bias):
    uid = user_ids.astype(jnp.int32)
    iid = item_ids.astype(jnp.int32)
    uq = (uid >> 2).reshape(NW * NCHUNK, CHUNK)
    iq = (iid >> 2).reshape(NW * NCHUNK, CHUNK)
    uo = (uid & 3) << 5
    io = (iid & 3) << 5
    utab = user_table.astype(jnp.float32).reshape(TROWS, 128)
    itab = item_table.astype(jnp.float32).reshape(TROWS, 128)
    mesh = plsc.VectorSubcoreMesh(core_axis_name="c", subcore_axis_name="s")
    f = pl.kernel(
        _body,
        mesh=mesh,
        compiler_params=pltpu.CompilerParams(use_tc_tiling_on_sc=False),
        out_type=jax.ShapeDtypeStruct((B,), jnp.float32),
        scratch_types=[
            pltpu.VMEM((NCHUNK, CHUNK), jnp.int32),
            pltpu.VMEM((NCHUNK, CHUNK), jnp.int32),
            pltpu.VMEM((BPW,), jnp.int32),
            pltpu.VMEM((BPW,), jnp.int32),
            pltpu.VMEM((CHUNK, 128), jnp.float32),
            pltpu.VMEM((CHUNK, 128), jnp.float32),
            pltpu.VMEM((BPW,), jnp.float32),
            pltpu.SemaphoreType.DMA,
            pltpu.SemaphoreType.DMA,
        ],
    )
    return f(uq, iq, uo, io, utab, itab)

# --- scband reference (transcript-rebuilt; emitter-appended) ---
"""Pipeline reference for scband-matrix-factorization-16827681866293 (READ-ONLY COPY).

The authoritative reference and input builder live on the scoring server;
editing this copy changes nothing except your own understanding.
"""

import jax, jax.numpy as jnp
import numpy as np

B = 16384
NU = 1000000
NI = 1000000
D = 32

def setup_inputs(seed: int = 0) -> dict:
    key = jax.random.key(seed)
    k1, k2, k3, k4 = jax.random.split(key, 4)
    user_ids = jax.random.randint(k1, (B,), 0, NU)
    item_ids = jax.random.randint(k2, (B,), 0, NI)
    user_table = jax.random.normal(k3, (NU, D), dtype=jnp.float32) * 0.01
    item_table = jax.random.normal(k4, (NI, D), dtype=jnp.float32) * 0.01
    user_bias = jnp.zeros((NU, 1), dtype=jnp.float32)
    item_bias = jnp.zeros((NI, 1), dtype=jnp.float32)
    global_bias = jnp.zeros((1,), dtype=jnp.float32)
    return {
        "user_ids": user_ids,
        "item_ids": item_ids,
        "user_table": user_table,
        "item_table": item_table,
        "user_bias": user_bias,
        "item_bias": item_bias,
        "global_bias": global_bias,
    }

def reference(user_ids, item_ids, user_table, item_table, user_bias, item_bias, global_bias):
    user_emb = jnp.take(user_table, user_ids, axis=0)
    item_emb = jnp.take(item_table, item_ids, axis=0)
    user_b = jnp.take(user_bias, user_ids, axis=0).squeeze()
    item_b = jnp.take(item_bias, item_ids, axis=0).squeeze()
    rating = (user_emb * item_emb).sum(axis=1) + user_b + item_b + global_bias
    return rating

if __name__ == "__main__":
    import jax
    _d = setup_inputs()
    print(jax.jit(kernel)(*tuple(_d.values())))

</pallas_src>

<mosaic_0001>
#map = affine_map<(d0, d1) -> (0, 0)>
#map1 = affine_map<(d0, d1) -> (0)>
module attributes {stable_mosaic.version = 14 : i64} {
  func.func @_body(%arg0: i32, %arg1: i32, %arg2: memref<128x128xi32, #tpu.memory_space<hbm>>, %arg3: memref<128x128xi32, #tpu.memory_space<hbm>>, %arg4: memref<16384xi32, #tpu.memory_space<hbm>>, %arg5: memref<16384xi32, #tpu.memory_space<hbm>>, %arg6: memref<250000x128xf32, #tpu.memory_space<hbm>>, %arg7: memref<250000x128xf32, #tpu.memory_space<hbm>>, %arg8: memref<16384xf32, #tpu.memory_space<hbm>>, %arg9: memref<4x128xi32, #tpu.memory_space<vmem>>, %arg10: memref<4x128xi32, #tpu.memory_space<vmem>>, %arg11: memref<512xi32, #tpu.memory_space<vmem>>, %arg12: memref<512xi32, #tpu.memory_space<vmem>>, %arg13: memref<128x128xf32, #tpu.memory_space<vmem>>, %arg14: memref<128x128xf32, #tpu.memory_space<vmem>>, %arg15: memref<512xf32, #tpu.memory_space<vmem>>, %arg16: memref<!tpu.dma_semaphore, #tpu.memory_space<semaphore_mem>>, %arg17: memref<!tpu.dma_semaphore, #tpu.memory_space<semaphore_mem>>) attributes {dimension_semantics = [#tpu.dimension_semantics<core_parallel>, #tpu.dimension_semantics<subcore_parallel>], iteration_bounds = array<i64: 2, 16>, scalar_prefetch = 0 : i64, scratch_operands = 9 : i64, tpu.core_type = #tpu.core_type<sc_vector_subcore>, window_params = [{transform_indices = #map}, {transform_indices = #map}, {transform_indices = #map1}, {transform_indices = #map1}, {transform_indices = #map}, {transform_indices = #map}, {transform_indices = #map1}]} {
    %mul3A = arith.constant 2 : i32
    %mul3A_0 = arith.muli %arg1, %mul3A : i32
    %add3A = arith.addi %mul3A_0, %arg0 : i32
    %mul3A_1 = arith.constant 512 : i32
    %mul3A_2 = arith.muli %add3A, %mul3A_1 : i32
    %mul3A_3 = arith.constant 4 : i32
    %mul3A_4 = arith.muli %add3A, %mul3A_3 : i32
    "tpu.region"() ({
      %run_scoped3A = tpu.sem_alloc : memref<!tpu.dma_semaphore, #tpu.memory_space<semaphore_mem>>
      %dma_start3A_140 = arith.constant 0 : i32
      %dma_start3A_141 = tpu.memref_slice %arg2[%mul3A_4, %dma_start3A_140] : memref<128x128xi32, #tpu.memory_space<hbm>> -> memref<4x128xi32, #tpu.memory_space<hbm>>
      %dma_start3A_142 = arith.constant 0 : i32
      %dma_start3A_143 = tpu.memref_slice %arg2[%mul3A_4, %dma_start3A_142] : memref<128x128xi32, #tpu.memory_space<hbm>> -> memref<4x128xi32, #tpu.memory_space<hbm>>
      tpu.enqueue_dma source(%dma_start3A_143 : memref<4x128xi32, #tpu.memory_space<hbm>>) target(%arg9 : memref<4x128xi32, #tpu.memory_space<vmem>>) target_semaphore(%run_scoped3A : memref<!tpu.dma_semaphore, #tpu.memory_space<semaphore_mem>>)
      %dma_wait3A_144 = arith.constant 0 : i32
      %dma_wait3A_145 = tpu.memref_slice %arg2[%mul3A_4, %dma_wait3A_144] : memref<128x128xi32, #tpu.memory_space<hbm>> -> memref<4x128xi32, #tpu.memory_space<hbm>>
      %dma_wait3A_146 = arith.constant 0 : i32
      %dma_wait3A_147 = tpu.memref_slice %arg2[%mul3A_4, %dma_wait3A_146] : memref<128x128xi32, #tpu.memory_space<hbm>> -> memref<4x128xi32, #tpu.memory_space<hbm>>
      tpu.wait_dma2 semaphore(%run_scoped3A : memref<!tpu.dma_semaphore, #tpu.memory_space<semaphore_mem>>) src(%dma_wait3A_147 : memref<4x128xi32, #tpu.memory_space<hbm>>) dst(%arg9 : memref<4x128xi32, #tpu.memory_space<vmem>>)
      tpu.yield
    }) : () -> ()
    %mul3A_5 = arith.constant 4 : i32
    %mul3A_6 = arith.muli %add3A, %mul3A_5 : i32
    "tpu.region"() ({
      %run_scoped3A = tpu.sem_alloc : memref<!tpu.dma_semaphore, #tpu.memory_space<semaphore_mem>>
      %dma_start3A_140 = arith.constant 0 : i32
      %dma_start3A_141 = tpu.memref_slice %arg3[%mul3A_6, %dma_start3A_140] : memref<128x128xi32, #tpu.memory_space<hbm>> -> memref<4x128xi32, #tpu.memory_space<hbm>>
      %dma_start3A_142 = arith.constant 0 : i32
      %dma_start3A_143 = tpu.memref_slice %arg3[%mul3A_6, %dma_start3A_142] : memref<128x128xi32, #tpu.memory_space<hbm>> -> memref<4x128xi32, #tpu.memory_space<hbm>>
      tpu.enqueue_dma source(%dma_start3A_143 : memref<4x128xi32, #tpu.memory_space<hbm>>) target(%arg10 : memref<4x128xi32, #tpu.memory_space<vmem>>) target_semaphore(%run_scoped3A : memref<!tpu.dma_semaphore, #tpu.memory_space<semaphore_mem>>)
      %dma_wait3A_144 = arith.constant 0 : i32
      %dma_wait3A_145 = tpu.memref_slice %arg3[%mul3A_6, %dma_wait3A_144] : memref<128x128xi32, #tpu.memory_space<hbm>> -> memref<4x128xi32, #tpu.memory_space<hbm>>
      %dma_wait3A_146 = arith.constant 0 : i32
      %dma_wait3A_147 = tpu.memref_slice %arg3[%mul3A_6, %dma_wait3A_146] : memref<128x128xi32, #tpu.memory_space<hbm>> -> memref<4x128xi32, #tpu.memory_space<hbm>>
      tpu.wait_dma2 semaphore(%run_scoped3A : memref<!tpu.dma_semaphore, #tpu.memory_space<semaphore_mem>>) src(%dma_wait3A_147 : memref<4x128xi32, #tpu.memory_space<hbm>>) dst(%arg10 : memref<4x128xi32, #tpu.memory_space<vmem>>)
      tpu.yield
    }) : () -> ()
    "tpu.region"() ({
      %run_scoped3A = tpu.sem_alloc : memref<!tpu.dma_semaphore, #tpu.memory_space<semaphore_mem>>
      %dma_start3A_140 = tpu.memref_slice %arg4[%mul3A_2] : memref<16384xi32, #tpu.memory_space<hbm>> -> memref<512xi32, #tpu.memory_space<hbm>>
      %dma_start3A_141 = tpu.memref_slice %arg4[%mul3A_2] : memref<16384xi32, #tpu.memory_space<hbm>> -> memref<512xi32, #tpu.memory_space<hbm>>
      tpu.enqueue_dma source(%dma_start3A_141 : memref<512xi32, #tpu.memory_space<hbm>>) target(%arg11 : memref<512xi32, #tpu.memory_space<vmem>>) target_semaphore(%run_scoped3A : memref<!tpu.dma_semaphore, #tpu.memory_space<semaphore_mem>>)
      %dma_wait3A_142 = tpu.memref_slice %arg4[%mul3A_2] : memref<16384xi32, #tpu.memory_space<hbm>> -> memref<512xi32, #tpu.memory_space<hbm>>
      %dma_wait3A_143 = tpu.memref_slice %arg4[%mul3A_2] : memref<16384xi32, #tpu.memory_space<hbm>> -> memref<512xi32, #tpu.memory_space<hbm>>
      tpu.wait_dma2 semaphore(%run_scoped3A : memref<!tpu.dma_semaphore, #tpu.memory_space<semaphore_mem>>) src(%dma_wait3A_143 : memref<512xi32, #tpu.memory_space<hbm>>) dst(%arg11 : memref<512xi32, #tpu.memory_space<vmem>>)
      tpu.yield
    }) : () -> ()
    "tpu.region"() ({
      %run_scoped3A = tpu.sem_alloc : memref<!tpu.dma_semaphore, #tpu.memory_space<semaphore_mem>>
      %dma_start3A_140 = tpu.memref_slice %arg5[%mul3A_2] : memref<16384xi32, #tpu.memory_space<hbm>> -> memref<512xi32, #tpu.memory_space<hbm>>
      %dma_start3A_141 = tpu.memref_slice %arg5[%mul3A_2] : memref<16384xi32, #tpu.memory_space<hbm>> -> memref<512xi32, #tpu.memory_space<hbm>>
      tpu.enqueue_dma source(%dma_start3A_141 : memref<512xi32, #tpu.memory_space<hbm>>) target(%arg12 : memref<512xi32, #tpu.memory_space<vmem>>) target_semaphore(%run_scoped3A : memref<!tpu.dma_semaphore, #tpu.memory_space<semaphore_mem>>)
      %dma_wait3A_142 = tpu.memref_slice %arg5[%mul3A_2] : memref<16384xi32, #tpu.memory_space<hbm>> -> memref<512xi32, #tpu.memory_space<hbm>>
      %dma_wait3A_143 = tpu.memref_slice %arg5[%mul3A_2] : memref<16384xi32, #tpu.memory_space<hbm>> -> memref<512xi32, #tpu.memory_space<hbm>>
      tpu.wait_dma2 semaphore(%run_scoped3A : memref<!tpu.dma_semaphore, #tpu.memory_space<semaphore_mem>>) src(%dma_wait3A_143 : memref<512xi32, #tpu.memory_space<hbm>>) dst(%arg12 : memref<512xi32, #tpu.memory_space<vmem>>)
      tpu.yield
    }) : () -> ()
    %iota3A = tpu.iota {dimensions = array<i32: 0>} : vector<16xi32>
    %dma_start3A = arith.constant 0 : i32
    %dma_start3A_7 = arith.constant 0 : i32
    %dma_start3A_8 = tpu.memref_slice %arg9[%dma_start3A, %dma_start3A_7] : memref<4x128xi32, #tpu.memory_space<vmem>> -> memref<1x128xi32, #tpu.memory_space<vmem>>
    %dma_start3A_9 = tpu.memref_squeeze %dma_start3A_8 : memref<1x128xi32, #tpu.memory_space<vmem>> -> memref<128xi32, #tpu.memory_space<vmem>>
    %dma_start3A_10 = arith.constant 0 : i32
    %dma_start3A_11 = arith.constant 0 : i32
    %dma_start3A_12 = tpu.memref_slice %arg6[%dma_start3A_10, %dma_start3A_11] : memref<250000x128xf32, #tpu.memory_space<hbm>> -> memref<250000x128xf32, #tpu.memory_space<hbm>>
    tpu.enqueue_indirect_dma source(%dma_start3A_12 : memref<250000x128xf32, #tpu.memory_space<hbm>>) target(%arg13 : memref<128x128xf32, #tpu.memory_space<vmem>>) offsets(%dma_start3A_9 : memref<128xi32, #tpu.memory_space<vmem>>) semaphore(%arg16 : memref<!tpu.dma_semaphore, #tpu.memory_space<semaphore_mem>>)
    %dma_start3A_13 = arith.constant 0 : i32
    %dma_start3A_14 = arith.constant 0 : i32
    %dma_start3A_15 = tpu.memref_slice %arg10[%dma_start3A_13, %dma_start3A_14] : memref<4x128xi32, #tpu.memory_space<vmem>> -> memref<1x128xi32, #tpu.memory_space<vmem>>
    %dma_start3A_16 = tpu.memref_squeeze %dma_start3A_15 : memref<1x128xi32, #tpu.memory_space<vmem>> -> memref<128xi32, #tpu.memory_space<vmem>>
    %dma_start3A_17 = arith.constant 0 : i32
    %dma_start3A_18 = arith.constant 0 : i32
    %dma_start3A_19 = tpu.memref_slice %arg7[%dma_start3A_17, %dma_start3A_18] : memref<250000x128xf32, #tpu.memory_space<hbm>> -> memref<250000x128xf32, #tpu.memory_space<hbm>>
    tpu.enqueue_indirect_dma source(%dma_start3A_19 : memref<250000x128xf32, #tpu.memory_space<hbm>>) target(%arg14 : memref<128x128xf32, #tpu.memory_space<vmem>>) offsets(%dma_start3A_16 : memref<128xi32, #tpu.memory_space<vmem>>) semaphore(%arg17 : memref<!tpu.dma_semaphore, #tpu.memory_space<semaphore_mem>>)
    %dma_wait3A = arith.constant 0 : i32
    %dma_wait3A_20 = arith.constant 0 : i32
    %dma_wait3A_21 = tpu.memref_slice %arg9[%dma_wait3A, %dma_wait3A_20] : memref<4x128xi32, #tpu.memory_space<vmem>> -> memref<1x128xi32, #tpu.memory_space<vmem>>
    %dma_wait3A_22 = tpu.memref_squeeze %dma_wait3A_21 : memref<1x128xi32, #tpu.memory_space<vmem>> -> memref<128xi32, #tpu.memory_space<vmem>>
    %dma_wait3A_23 = arith.constant 0 : i32
    %dma_wait3A_24 = arith.constant 0 : i32
    %dma_wait3A_25 = tpu.memref_slice %arg6[%dma_wait3A_23, %dma_wait3A_24] : memref<250000x128xf32, #tpu.memory_space<hbm>> -> memref<250000x128xf32, #tpu.memory_space<hbm>>
    tpu.wait_indirect_dma semaphore(%arg16 : memref<!tpu.dma_semaphore, #tpu.memory_space<semaphore_mem>>) src(%dma_wait3A_25 : memref<250000x128xf32, #tpu.memory_space<hbm>>) dst(%arg13 : memref<128x128xf32, #tpu.memory_space<vmem>>)
    %dma_wait3A_26 = arith.constant 0 : i32
    %dma_wait3A_27 = arith.constant 0 : i32
    %dma_wait3A_28 = tpu.memref_slice %arg10[%dma_wait3A_26, %dma_wait3A_27] : memref<4x128xi32, #tpu.memory_space<vmem>> -> memref<1x128xi32, #tpu.memory_space<vmem>>
    %dma_wait3A_29 = tpu.memref_squeeze %dma_wait3A_28 : memref<1x128xi32, #tpu.memory_space<vmem>> -> memref<128xi32, #tpu.memory_space<vmem>>
    %dma_wait3A_30 = arith.constant 0 : i32
    %dma_wait3A_31 = arith.constant 0 : i32
    %dma_wait3A_32 = tpu.memref_slice %arg7[%dma_wait3A_30, %dma_wait3A_31] : memref<250000x128xf32, #tpu.memory_space<hbm>> -> memref<250000x128xf32, #tpu.memory_space<hbm>>
    tpu.wait_indirect_dma semaphore(%arg17 : memref<!tpu.dma_semaphore, #tpu.memory_space<semaphore_mem>>) src(%dma_wait3A_32 : memref<250000x128xf32, #tpu.memory_space<hbm>>) dst(%arg14 : memref<128x128xf32, #tpu.memory_space<vmem>>)
    %scan3A = arith.constant 0 : i32
    %scan3A_33 = arith.constant 0 : i32
    %scan3A_34 = arith.constant 8 : i32
    %scan3A_35 = arith.addi %scan3A_33, %scan3A_34 : i32
    %scan3A_36 = arith.constant 1 : i32
    scf.for %scan3A_140 = %scan3A_33 to %scan3A_35 step %scan3A_36  : i32 {
      %broadcast_in_dim3A = arith.constant 0.000000e+00 : f32
      %broadcast_in_dim3A_141 = vector.broadcast %broadcast_in_dim3A : f32 to vector<16xf32>
      %mul3A_142 = arith.constant 16 : i32
      %mul3A_143 = arith.muli %scan3A_140, %mul3A_142 : i32
      %add3A_144 = arith.constant 0 : i32
      %add3A_145 = arith.addi %add3A_144, %mul3A_143 : i32
      %get3A = arith.index_cast %add3A_145 : i32 to index
      %get3A_146 = tpu.vector_load %arg11[%get3A] {strides = array<i32>} : memref<512xi32, #tpu.memory_space<vmem>>, vector<16xi32>,
      %get3A_147 = vector.shape_cast %get3A_146 : vector<16xi32> to vector<16xi32>
      %mul3A_148 = arith.constant 16 : i32
      %mul3A_149 = arith.muli %scan3A_140, %mul3A_148 : i32
      %add3A_150 = arith.constant 0 : i32
      %add3A_151 = arith.addi %add3A_150, %mul3A_149 : i32
      %get3A_152 = arith.index_cast %add3A_151 : i32 to index
      %get3A_153 = tpu.vector_load %arg12[%get3A_152] {strides = array<i32>} : memref<512xi32, #tpu.memory_space<vmem>>, vector<16xi32>,
      %get3A_154 = vector.shape_cast %get3A_153 : vector<16xi32> to vector<16xi32>
      %mul3A_155 = arith.constant 16 : i32
      %mul3A_156 = arith.muli %scan3A_140, %mul3A_155 : i32
      %add3A_157 = arith.constant 0 : i32
      %add3A_158 = arith.addi %mul3A_156, %add3A_157 : i32
      %slice3A = vector.extract_strided_slice %get3A_147 {offsets = [0], sizes = [1], strides = [1]} : vector<16xi32> to vector<1xi32>
      %squeeze3A = vector.extract %slice3A[0] : i32 from vector<1xi32>
      %multiple_of3A = tpu.assume_multiple %squeeze3A, 32 : i32
      %slice3A_159 = vector.extract_strided_slice %get3A_154 {offsets = [0], sizes = [1], strides = [1]} : vector<16xi32> to vector<1xi32>
      %squeeze3A_160 = vector.extract %slice3A_159[0] : i32 from vector<1xi32>
      %multiple_of3A_161 = tpu.assume_multiple %squeeze3A_160, 32 : i32
      %get3A_162 = arith.index_cast %add3A_158 : i32 to index
      %get3A_163 = arith.index_cast %multiple_of3A : i32 to index
      %get3A_164 = tpu.vector_load %arg13[%get3A_162, %get3A_163] {strides = array<i32>} : memref<128x128xf32, #tpu.memory_space<vmem>>, vector<1x16xf32>,
      %get3A_165 = vector.shape_cast %get3A_164 : vector<1x16xf32> to vector<16xf32>
      %add3A_166 = arith.constant 16 : i32
      %add3A_167 = arith.addi %multiple_of3A, %add3A_166 : i32
      %get3A_168 = arith.index_cast %add3A_158 : i32 to index
      %get3A_169 = arith.index_cast %add3A_167 : i32 to index
      %get3A_170 = tpu.vector_load %arg13[%get3A_168, %get3A_169] {strides = array<i32>} : memref<128x128xf32, #tpu.memory_space<vmem>>, vector<1x16xf32>,
      %get3A_171 = vector.shape_cast %get3A_170 : vector<1x16xf32> to vector<16xf32>
      %get3A_172 = arith.index_cast %add3A_158 : i32 to index
      %get3A_173 = arith.index_cast %multiple_of3A_161 : i32 to index
      %get3A_174 = tpu.vector_load %arg14[%get3A_172, %get3A_173] {strides = array<i32>} : memref<128x128xf32, #tpu.memory_space<vmem>>, vector<1x16xf32>,
      %get3A_175 = vector.shape_cast %get3A_174 : vector<1x16xf32> to vector<16xf32>
      %add3A_176 = arith.constant 16 : i32
      %add3A_177 = arith.addi %multiple_of3A_161, %add3A_176 : i32
      %get3A_178 = arith.index_cast %add3A_158 : i32 to index
      %get3A_179 = arith.index_cast %add3A_177 : i32 to index
      %get3A_180 = tpu.vector_load %arg14[%get3A_178, %get3A_179] {strides = array<i32>} : memref<128x128xf32, #tpu.memory_space<vmem>>, vector<1x16xf32>,
      %get3A_181 = vector.shape_cast %get3A_180 : vector<1x16xf32> to vector<16xf32>
      %mul3A_182 = arith.mulf %get3A_165, %get3A_175 : vector<16xf32>
      %mul3A_183 = arith.mulf %get3A_171, %get3A_181 : vector<16xf32>
      %add3A_184 = arith.addf %mul3A_182, %mul3A_183 : vector<16xf32>
      %add3A_185 = arith.constant 8 : i32
      %add3A_186 = vector.broadcast %add3A_185 : i32 to vector<16xi32>
      %add3A_187 = arith.addi %iota3A, %add3A_186 : vector<16xi32>
      %and3A = arith.constant 15 : i32
      %and3A_188 = vector.broadcast %and3A : i32 to vector<16xi32>
      %and3A_189 = arith.andi %add3A_187, %and3A_188 : vector<16xi32>
      %broadcast_in_dim3A_190 = vector.shape_cast %and3A_189 : vector<16xi32> to vector<16x1xi32>
      %gather3A = vector.shape_cast %broadcast_in_dim3A_190 : vector<16x1xi32> to vector<16xi32>
      %gather3A_191 = tpu.dynamic_gather %add3A_184[%gather3A] in [0] : vector<16xf32>, vector<16xi32> -> vector<16xf32>
      %add3A_192 = arith.addf %add3A_184, %gather3A_191 : vector<16xf32>
      %add3A_193 = arith.constant 4 : i32
      %add3A_194 = vector.broadcast %add3A_193 : i32 to vector<16xi32>
      %add3A_195 = arith.addi %iota3A, %add3A_194 : vector<16xi32>
      %and3A_196 = arith.constant 15 : i32
      %and3A_197 = vector.broadcast %and3A_196 : i32 to vector<16xi32>
      %and3A_198 = arith.andi %add3A_195, %and3A_197 : vector<16xi32>
      %broadcast_in_dim3A_199 = vector.shape_cast %and3A_198 : vector<16xi32> to vector<16x1xi32>
      %gather3A_200 = vector.shape_cast %broadcast_in_dim3A_199 : vector<16x1xi32> to vector<16xi32>
      %gather3A_201 = tpu.dynamic_gather %add3A_192[%gather3A_200] in [0] : vector<16xf32>, vector<16xi32> -> vector<16xf32>
      %add3A_202 = arith.addf %add3A_192, %gather3A_201 : vector<16xf32>
      %add3A_203 = arith.constant 2 : i32
      %add3A_204 = vector.broadcast %add3A_203 : i32 to vector<16xi32>
      %add3A_205 = arith.addi %iota3A, %add3A_204 : vector<16xi32>
      %and3A_206 = arith.constant 15 : i32
      %and3A_207 = vector.broadcast %and3A_206 : i32 to vector<16xi32>
      %and3A_208 = arith.andi %add3A_205, %and3A_207 : vector<16xi32>
      %broadcast_in_dim3A_209 = vector.shape_cast %and3A_208 : vector<16xi32> to vector<16x1xi32>
      %gather3A_210 = vector.shape_cast %broadcast_in_dim3A_209 : vector<16x1xi32> to vector<16xi32>
      %gather3A_211 = tpu.dynamic_gather %add3A_202[%gather3A_210] in [0] : vector<16xf32>, vector<16xi32> -> vector<16xf32>
      %add3A_212 = arith.addf %add3A_202, %gather3A_211 : vector<16xf32>
      %add3A_213 = arith.constant 1 : i32
      %add3A_214 = vector.broadcast %add3A_213 : i32 to vector<16xi32>
      %add3A_215 = arith.addi %iota3A, %add3A_214 : vector<16xi32>
      %and3A_216 = arith.constant 15 : i32
      %and3A_217 = vector.broadcast %and3A_216 : i32 to vector<16xi32>
      %and3A_218 = arith.andi %add3A_215, %and3A_217 : vector<16xi32>
      %broadcast_in_dim3A_219 = vector.shape_cast %and3A_218 : vector<16xi32> to vector<16x1xi32>
      %gather3A_220 = vector.shape_cast %broadcast_in_dim3A_219 : vector<16x1xi32> to vector<16xi32>
      %gather3A_221 = tpu.dynamic_gather %add3A_212[%gather3A_220] in [0] : vector<16xf32>, vector<16xi32> -> vector<16xf32>
      %add3A_222 = arith.addf %add3A_212, %gather3A_221 : vector<16xf32>
      %eq3A = arith.constant 0 : i32
      %eq3A_223 = vector.broadcast %eq3A : i32 to vector<16xi32>
      %eq3A_224 = arith.cmpi eq, %iota3A, %eq3A_223 : vector<16xi32>
      %select_n3A = arith.select %eq3A_224, %add3A_222, %broadcast_in_dim3A_141 : vector<16xi1>, vector<16xf32>
      %mul3A_225 = arith.constant 16 : i32
      %mul3A_226 = arith.muli %scan3A_140, %mul3A_225 : i32
      %add3A_227 = arith.constant 1 : i32
      %add3A_228 = arith.addi %mul3A_226, %add3A_227 : i32
      %slice3A_229 = vector.extract_strided_slice %get3A_147 {offsets = [1], sizes = [1], strides = [1]} : vector<16xi32> to vector<1xi32>
      %squeeze3A_230 = vector.extract %slice3A_229[0] : i32 from vector<1xi32>
      %multiple_of3A_231 = tpu.assume_multiple %squeeze3A_230, 32 : i32
      %slice3A_232 = vector.extract_strided_slice %get3A_154 {offsets = [1], sizes = [1], strides = [1]} : vector<16xi32> to vector<1xi32>
      %squeeze3A_233 = vector.extract %slice3A_232[0] : i32 from vector<1xi32>
      %multiple_of3A_234 = tpu.assume_multiple %squeeze3A_233, 32 : i32
      %get3A_235 = arith.index_cast %add3A_228 : i32 to index
      %get3A_236 = arith.index_cast %multiple_of3A_231 : i32 to index
      %get3A_237 = tpu.vector_load %arg13[%get3A_235, %get3A_236] {strides = array<i32>} : memref<128x128xf32, #tpu.memory_space<vmem>>, vector<1x16xf32>,
      %get3A_238 = vector.shape_cast %get3A_237 : vector<1x16xf32> to vector<16xf32>
      %add3A_239 = arith.constant 16 : i32
      %add3A_240 = arith.addi %multiple_of3A_231, %add3A_239 : i32
      %get3A_241 = arith.index_cast %add3A_228 : i32 to index
      %get3A_242 = arith.index_cast %add3A_240 : i32 to index
      %get3A_243 = tpu.vector_load %arg13[%get3A_241, %get3A_242] {strides = array<i32>} : memref<128x128xf32, #tpu.memory_space<vmem>>, vector<1x16xf32>,
      %get3A_244 = vector.shape_cast %get3A_243 : vector<1x16xf32> to vector<16xf32>
      %get3A_245 = arith.index_cast %add3A_228 : i32 to index
      %get3A_246 = arith.index_cast %multiple_of3A_234 : i32 to index
      %get3A_247 = tpu.vector_load %arg14[%get3A_245, %get3A_246] {strides = array<i32>} : memref<128x128xf32, #tpu.memory_space<vmem>>, vector<1x16xf32>,
      %get3A_248 = vector.shape_cast %get3A_247 : vector<1x16xf32> to vector<16xf32>
      %add3A_249 = arith.constant 16 : i32
      %add3A_250 = arith.addi %multiple_of3A_234, %add3A_249 : i32
      %get3A_251 = arith.index_cast %add3A_228 : i32 to index
      %get3A_252 = arith.index_cast %add3A_250 : i32 to index
      %get3A_253 = tpu.vector_load %arg14[%get3A_251, %get3A_252] {strides = array<i32>} : memref<128x128xf32, #tpu.memory_space<vmem>>, vector<1x16xf32>,
      %get3A_254 = vector.shape_cast %get3A_253 : vector<1x16xf32> to vector<16xf32>
      %mul3A_255 = arith.mulf %get3A_238, %get3A_248 : vector<16xf32>
      %mul3A_256 = arith.mulf %get3A_244, %get3A_254 : vector<16xf32>
      %add3A_257 = arith.addf %mul3A_255, %mul3A_256 : vector<16xf32>
      %add3A_258 = arith.constant 8 : i32
      %add3A_259 = vector.broadcast %add3A_258 : i32 to vector<16xi32>
      %add3A_260 = arith.addi %iota3A, %add3A_259 : vector<16xi32>
      %and3A_261 = arith.constant 15 : i32
      %and3A_262 = vector.broadcast %and3A_261 : i32 to vector<16xi32>
      %and3A_263 = arith.andi %add3A_260, %and3A_262 : vector<16xi32>
      %broadcast_in_dim3A_264 = vector.shape_cast %and3A_263 : vector<16xi32> to vector<16x1xi32>
      %gather3A_265 = vector.shape_cast %broadcast_in_dim3A_264 : vector<16x1xi32> to vector<16xi32>
      %gather3A_266 = tpu.dynamic_gather %add3A_257[%gather3A_265] in [0] : vector<16xf32>, vector<16xi32> -> vector<16xf32>
      %add3A_267 = arith.addf %add3A_257, %gather3A_266 : vector<16xf32>
      %add3A_268 = arith.constant 4 : i32
      %add3A_269 = vector.broadcast %add3A_268 : i32 to vector<16xi32>
      %add3A_270 = arith.addi %iota3A, %add3A_269 : vector<16xi32>
      %and3A_271 = arith.constant 15 : i32
      %and3A_272 = vector.broadcast %and3A_271 : i32 to vector<16xi32>
      %and3A_273 = arith.andi %add3A_270, %and3A_272 : vector<16xi32>
      %broadcast_in_dim3A_274 = vector.shape_cast %and3A_273 : vector<16xi32> to vector<16x1xi32>
      %gather3A_275 = vector.shape_cast %broadcast_in_dim3A_274 : vector<16x1xi32> to vector<16xi32>
      %gather3A_276 = tpu.dynamic_gather %add3A_267[%gather3A_275] in [0] : vector<16xf32>, vector<16xi32> -> vector<16xf32>
      %add3A_277 = arith.addf %add3A_267, %gather3A_276 : vector<16xf32>
      %add3A_278 = arith.constant 2 : i32
      %add3A_279 = vector.broadcast %add3A_278 : i32 to vector<16xi32>
      %add3A_280 = arith.addi %iota3A, %add3A_279 : vector<16xi32>
      %and3A_281 = arith.constant 15 : i32
      %and3A_282 = vector.broadcast %and3A_281 : i32 to vector<16xi32>
      %and3A_283 = arith.andi %add3A_280, %and3A_282 : vector<16xi32>
      %broadcast_in_dim3A_284 = vector.shape_cast %and3A_283 : vector<16xi32> to vector<16x1xi32>
      %gather3A_285 = vector.shape_cast %broadcast_in_dim3A_284 : vector<16x1xi32> to vector<16xi32>
      %gather3A_286 = tpu.dynamic_gather %add3A_277[%gather3A_285] in [0] : vector<16xf32>, vector<16xi32> -> vector<16xf32>
      %add3A_287 = arith.addf %add3A_277, %gather3A_286 : vector<16xf32>
      %add3A_288 = arith.constant 1 : i32
      %add3A_289 = vector.broadcast %add3A_288 : i32 to vector<16xi32>
      %add3A_290 = arith.addi %iota3A, %add3A_289 : vector<16xi32>
      %and3A_291 = arith.constant 15 : i32
      %and3A_292 = vector.broadcast %and3A_291 : i32 to vector<16xi32>
      %and3A_293 = arith.andi %add3A_290, %and3A_292 : vector<16xi32>
      %broadcast_in_dim3A_294 = vector.shape_cast %and3A_293 : vector<16xi32> to vector<16x1xi32>
      %gather3A_295 = vector.shape_cast %broadcast_in_dim3A_294 : vector<16x1xi32> to vector<16xi32>
      %gather3A_296 = tpu.dynamic_gather %add3A_287[%gather3A_295] in [0] : vector<16xf32>, vector<16xi32> -> vector<16xf32>
      %add3A_297 = arith.addf %add3A_287, %gather3A_296 : vector<16xf32>
      %eq3A_298 = arith.constant 1 : i32
      %eq3A_299 = vector.broadcast %eq3A_298 : i32 to vector<16xi32>
      %eq3A_300 = arith.cmpi eq, %iota3A, %eq3A_299 : vector<16xi32>
      %select_n3A_301 = arith.select %eq3A_300, %add3A_297, %select_n3A : vector<16xi1>, vector<16xf32>
      %mul3A_302 = arith.constant 16 : i32
      %mul3A_303 = arith.muli %scan3A_140, %mul3A_302 : i32
      %add3A_304 = arith.constant 2 : i32
      %add3A_305 = arith.addi %mul3A_303, %add3A_304 : i32
      %slice3A_306 = vector.extract_strided_slice %get3A_147 {offsets = [2], sizes = [1], strides = [1]} : vector<16xi32> to vector<1xi32>
      %squeeze3A_307 = vector.extract %slice3A_306[0] : i32 from vector<1xi32>
      %multiple_of3A_308 = tpu.assume_multiple %squeeze3A_307, 32 : i32
      %slice3A_309 = vector.extract_strided_slice %get3A_154 {offsets = [2], sizes = [1], strides = [1]} : vector<16xi32> to vector<1xi32>
      %squeeze3A_310 = vector.extract %slice3A_309[0] : i32 from vector<1xi32>
      %multiple_of3A_311 = tpu.assume_multiple %squeeze3A_310, 32 : i32
      %get3A_312 = arith.index_cast %add3A_305 : i32 to index
      %get3A_313 = arith.index_cast %multiple_of3A_308 : i32 to index
      %get3A_314 = tpu.vector_load %arg13[%get3A_312, %get3A_313] {strides = array<i32>} : memref<128x128xf32, #tpu.memory_space<vmem>>, vector<1x16xf32>,
      %get3A_315 = vector.shape_cast %get3A_314 : vector<1x16xf32> to vector<16xf32>
      %add3A_316 = arith.constant 16 : i32
      %add3A_317 = arith.addi %multiple_of3A_308, %add3A_316 : i32
      %get3A_318 = arith.index_cast %add3A_305 : i32 to index
      %get3A_319 = arith.index_cast %add3A_317 : i32 to index
      %get3A_320 = tpu.vector_load %arg13[%get3A_318, %get3A_319] {strides = array<i32>} : memref<128x128xf32, #tpu.memory_space<vmem>>, vector<1x16xf32>,
      %get3A_321 = vector.shape_cast %get3A_320 : vector<1x16xf32> to vector<16xf32>
      %get3A_322 = arith.index_cast %add3A_305 : i32 to index
      %get3A_323 = arith.index_cast %multiple_of3A_311 : i32 to index
      %get3A_324 = tpu.vector_load %arg14[%get3A_322, %get3A_323] {strides = array<i32>} : memref<128x128xf32, #tpu.memory_space<vmem>>, vector<1x16xf32>,
      %get3A_325 = vector.shape_cast %get3A_324 : vector<1x16xf32> to vector<16xf32>
      %add3A_326 = arith.constant 16 : i32
      %add3A_327 = arith.addi %multiple_of3A_311, %add3A_326 : i32
      %get3A_328 = arith.index_cast %add3A_305 : i32 to index
      %get3A_329 = arith.index_cast %add3A_327 : i32 to index
      %get3A_330 = tpu.vector_load %arg14[%get3A_328, %get3A_329] {strides = array<i32>} : memref<128x128xf32, #tpu.memory_space<vmem>>, vector<1x16xf32>,
      %get3A_331 = vector.shape_cast %get3A_330 : vector<1x16xf32> to vector<16xf32>
      %mul3A_332 = arith.mulf %get3A_315, %get3A_325 : vector<16xf32>
      %mul3A_333 = arith.mulf %get3A_321, %get3A_331 : vector<16xf32>
      %add3A_334 = arith.addf %mul3A_332, %mul3A_333 : vector<16xf32>
      %add3A_335 = arith.constant 8 : i32
      %add3A_336 = vector.broadcast %add3A_335 : i32 to vector<16xi32>
      %add3A_337 = arith.addi %iota3A, %add3A_336 : vector<16xi32>
      %and3A_338 = arith.constant 15 : i32
      %and3A_339 = vector.broadcast %and3A_338 : i32 to vector<16xi32>
      %and3A_340 = arith.andi %add3A_337, %and3A_339 : vector<16xi32>
      %broadcast_in_dim3A_341 = vector.shape_cast %and3A_340 : vector<16xi32> to vector<16x1xi32>
      %gather3A_342 = vector.shape_cast %broadcast_in_dim3A_341 : vector<16x1xi32> to vector<16xi32>
      %gather3A_343 = tpu.dynamic_gather %add3A_334[%gather3A_342] in [0] : vector<16xf32>, vector<16xi32> -> vector<16xf32>
      %add3A_344 = arith.addf %add3A_334, %gather3A_343 : vector<16xf32>
      %add3A_345 = arith.constant 4 : i32
      %add3A_346 = vector.broadcast %add3A_345 : i32 to vector<16xi32>
      %add3A_347 = arith.addi %iota3A, %add3A_346 : vector<16xi32>
      %and3A_348 = arith.constant 15 : i32
      %and3A_349 = vector.broadcast %and3A_348 : i32 to vector<16xi32>
      %and3A_350 = arith.andi %add3A_347, %and3A_349 : vector<16xi32>
      %broadcast_in_dim3A_351 = vector.shape_cast %and3A_350 : vector<16xi32> to vector<16x1xi32>
      %gather3A_352 = vector.shape_cast %broadcast_in_dim3A_351 : vector<16x1xi32> to vector<16xi32>
      %gather3A_353 = tpu.dynamic_gather %add3A_344[%gather3A_352] in [0] : vector<16xf32>, vector<16xi32> -> vector<16xf32>
      %add3A_354 = arith.addf %add3A_344, %gather3A_353 : vector<16xf32>
      %add3A_355 = arith.constant 2 : i32
      %add3A_356 = vector.broadcast %add3A_355 : i32 to vector<16xi32>
      %add3A_357 = arith.addi %iota3A, %add3A_356 : vector<16xi32>
      %and3A_358 = arith.constant 15 : i32
      %and3A_359 = vector.broadcast %and3A_358 : i32 to vector<16xi32>
      %and3A_360 = arith.andi %add3A_357, %and3A_359 : vector<16xi32>
      %broadcast_in_dim3A_361 = vector.shape_cast %and3A_360 : vector<16xi32> to vector<16x1xi32>
      %gather3A_362 = vector.shape_cast %broadcast_in_dim3A_361 : vector<16x1xi32> to vector<16xi32>
      %gather3A_363 = tpu.dynamic_gather %add3A_354[%gather3A_362] in [0] : vector<16xf32>, vector<16xi32> -> vector<16xf32>
      %add3A_364 = arith.addf %add3A_354, %gather3A_363 : vector<16xf32>
      %add3A_365 = arith.constant 1 : i32
      %add3A_366 = vector.broadcast %add3A_365 : i32 to vector<16xi32>
      %add3A_367 = arith.addi %iota3A, %add3A_366 : vector<16xi32>
      %and3A_368 = arith.constant 15 : i32
      %and3A_369 = vector.broadcast %and3A_368 : i32 to vector<16xi32>
      %and3A_370 = arith.andi %add3A_367, %and3A_369 : vector<16xi32>
      %broadcast_in_dim3A_371 = vector.shape_cast %and3A_370 : vector<16xi32> to vector<16x1xi32>
      %gather3A_372 = vector.shape_cast %broadcast_in_dim3A_371 : vector<16x1xi32> to vector<16xi32>
      %gather3A_373 = tpu.dynamic_gather %add3A_364[%gather3A_372] in [0] : vector<16xf32>, vector<16xi32> -> vector<16xf32>
      %add3A_374 = arith.addf %add3A_364, %gather3A_373 : vector<16xf32>
      %eq3A_375 = arith.constant 2 : i32
      %eq3A_376 = vector.broadcast %eq3A_375 : i32 to vector<16xi32>
      %eq3A_377 = arith.cmpi eq, %iota3A, %eq3A_376 : vector<16xi32>
      %select_n3A_378 = arith.select %eq3A_377, %add3A_374, %select_n3A_301 : vector<16xi1>, vector<16xf32>
      %mul3A_379 = arith.constant 16 : i32
      %mul3A_380 = arith.muli %scan3A_140, %mul3A_379 : i32
      %add3A_381 = arith.constant 3 : i32
      %add3A_382 = arith.addi %mul3A_380, %add3A_381 : i32
      %slice3A_383 = vector.extract_strided_slice %get3A_147 {offsets = [3], sizes = [1], strides = [1]} : vector<16xi32> to vector<1xi32>
      %squeeze3A_384 = vector.extract %slice3A_383[0] : i32 from vector<1xi32>
      %multiple_of3A_385 = tpu.assume_multiple %squeeze3A_384, 32 : i32
      %slice3A_386 = vector.extract_strided_slice %get3A_154 {offsets = [3], sizes = [1], strides = [1]} : vector<16xi32> to vector<1xi32>
      %squeeze3A_387 = vector.extract %slice3A_386[0] : i32 from vector<1xi32>
      %multiple_of3A_388 = tpu.assume_multiple %squeeze3A_387, 32 : i32
      %get3A_389 = arith.index_cast %add3A_382 : i32 to index
      %get3A_390 = arith.index_cast %multiple_of3A_385 : i32 to index
      %get3A_391 = tpu.vector_load %arg13[%get3A_389, %get3A_390] {strides = array<i32>} : memref<128x128xf32, #tpu.memory_space<vmem>>, vector<1x16xf32>,
      %get3A_392 = vector.shape_cast %get3A_391 : vector<1x16xf32> to vector<16xf32>
      %add3A_393 = arith.constant 16 : i32
      %add3A_394 = arith.addi %multiple_of3A_385, %add3A_393 : i32
      %get3A_395 = arith.index_cast %add3A_382 : i32 to index
      %get3A_396 = arith.index_cast %add3A_394 : i32 to index
      %get3A_397 = tpu.vector_load %arg13[%get3A_395, %get3A_396] {strides = array<i32>} : memref<128x128xf32, #tpu.memory_space<vmem>>, vector<1x16xf32>,
      %get3A_398 = vector.shape_cast %get3A_397 : vector<1x16xf32> to vector<16xf32>
      %get3A_399 = arith.index_cast %add3A_382 : i32 to index
      %get3A_400 = arith.index_cast %multiple_of3A_388 : i32 to index
      %get3A_401 = tpu.vector_load %arg14[%get3A_399, %get3A_400] {strides = array<i32>} : memref<128x128xf32, #tpu.memory_space<vmem>>, vector<1x16xf32>,
      %get3A_402 = vector.shape_cast %get3A_401 : vector<1x16xf32> to vector<16xf32>
      %add3A_403 = arith.constant 16 : i32
      %add3A_404 = arith.addi %multiple_of3A_388, %add3A_403 : i32
      %get3A_405 = arith.index_cast %add3A_382 : i32 to index
      %get3A_406 = arith.index_cast %add3A_404 : i32 to index
      %get3A_407 = tpu.vector_load %arg14[%get3A_405, %get3A_406] {strides = array<i32>} : memref<128x128xf32, #tpu.memory_space<vmem>>, vector<1x16xf32>,
      %get3A_408 = vector.shape_cast %get3A_407 : vector<1x16xf32> to vector<16xf32>
      %mul3A_409 = arith.mulf %get3A_392, %get3A_402 : vector<16xf32>
      %mul3A_410 = arith.mulf %get3A_398, %get3A_408 : vector<16xf32>
      %add3A_411 = arith.addf %mul3A_409, %mul3A_410 : vector<16xf32>
      %add3A_412 = arith.constant 8 : i32
      %add3A_413 = vector.broadcast %add3A_412 : i32 to vector<16xi32>
      %add3A_414 = arith.addi %iota3A, %add3A_413 : vector<16xi32>
      %and3A_415 = arith.constant 15 : i32
      %and3A_416 = vector.broadcast %and3A_415 : i32 to vector<16xi32>
      %and3A_417 = arith.andi %add3A_414, %and3A_416 : vector<16xi32>
      %broadcast_in_dim3A_418 = vector.shape_cast %and3A_417 : vector<16xi32> to vector<16x1xi32>
      %gather3A_419 = vector.shape_cast %broadcast_in_dim3A_418 : vector<16x1xi32> to vector<16xi32>
      %gather3A_420 = tpu.dynamic_gather %add3A_411[%gather3A_419] in [0] : vector<16xf32>, vector<16xi32> -> vector<16xf32>
      %add3A_421 = arith.addf %add3A_411, %gather3A_420 : vector<16xf32>
      %add3A_422 = arith.constant 4 : i32
      %add3A_423 = vector.broadcast %add3A_422 : i32 to vector<16xi32>
      %add3A_424 = arith.addi %iota3A, %add3A_423 : vector<16xi32>
      %and3A_425 = arith.constant 15 : i32
      %and3A_426 = vector.broadcast %and3A_425 : i32 to vector<16xi32>
      %and3A_427 = arith.andi %add3A_424, %and3A_426 : vector<16xi32>
      %broadcast_in_dim3A_428 = vector.shape_cast %and3A_427 : vector<16xi32> to vector<16x1xi32>
      %gather3A_429 = vector.shape_cast %broadcast_in_dim3A_428 : vector<16x1xi32> to vector<16xi32>
      %gather3A_430 = tpu.dynamic_gather %add3A_421[%gather3A_429] in [0] : vector<16xf32>, vector<16xi32> -> vector<16xf32>
      %add3A_431 = arith.addf %add3A_421, %gather3A_430 : vector<16xf32>
      %add3A_432 = arith.constant 2 : i32
      %add3A_433 = vector.broadcast %add3A_432 : i32 to vector<16xi32>
      %add3A_434 = arith.addi %iota3A, %add3A_433 : vector<16xi32>
      %and3A_435 = arith.constant 15 : i32
      %and3A_436 = vector.broadcast %and3A_435 : i32 to vector<16xi32>
      %and3A_437 = arith.andi %add3A_434, %and3A_436 : vector<16xi32>
      %broadcast_in_dim3A_438 = vector.shape_cast %and3A_437 : vector<16xi32> to vector<16x1xi32>
      %gather3A_439 = vector.shape_cast %broadcast_in_dim3A_438 : vector<16x1xi32> to vector<16xi32>
      %gather3A_440 = tpu.dynamic_gather %add3A_431[%gather3A_439] in [0] : vector<16xf32>, vector<16xi32> -> vector<16xf32>
      %add3A_441 = arith.addf %add3A_431, %gather3A_440 : vector<16xf32>
      %add3A_442 = arith.constant 1 : i32
      %add3A_443 = vector.broadcast %add3A_442 : i32 to vector<16xi32>
      %add3A_444 = arith.addi %iota3A, %add3A_443 : vector<16xi32>
      %and3A_445 = arith.constant 15 : i32
      %and3A_446 = vector.broadcast %and3A_445 : i32 to vector<16xi32>
      %and3A_447 = arith.andi %add3A_444, %and3A_446 : vector<16xi32>
      %broadcast_in_dim3A_448 = vector.shape_cast %and3A_447 : vector<16xi32> to vector<16x1xi32>
      %gather3A_449 = vector.shape_cast %broadcast_in_dim3A_448 : vector<16x1xi32> to vector<16xi32>
      %gather3A_450 = tpu.dynamic_gather %add3A_441[%gather3A_449] in [0] : vector<16xf32>, vector<16xi32> -> vector<16xf32>
      %add3A_451 = arith.addf %add3A_441, %gather3A_450 : vector<16xf32>
      %eq3A_452 = arith.constant 3 : i32
      %eq3A_453 = vector.broadcast %eq3A_452 : i32 to vector<16xi32>
      %eq3A_454 = arith.cmpi eq, %iota3A, %eq3A_453 : vector<16xi32>
      %select_n3A_455 = arith.select %eq3A_454, %add3A_451, %select_n3A_378 : vector<16xi1>, vector<16xf32>
      %mul3A_456 = arith.constant 16 : i32
      %mul3A_457 = arith.muli %scan3A_140, %mul3A_456 : i32
      %add3A_458 = arith.constant 4 : i32
      %add3A_459 = arith.addi %mul3A_457, %add3A_458 : i32
      %slice3A_460 = vector.extract_strided_slice %get3A_147 {offsets = [4], sizes = [1], strides = [1]} : vector<16xi32> to vector<1xi32>
      %squeeze3A_461 = vector.extract %slice3A_460[0] : i32 from vector<1xi32>
      %multiple_of3A_462 = tpu.assume_multiple %squeeze3A_461, 32 : i32
      %slice3A_463 = vector.extract_strided_slice %get3A_154 {offsets = [4], sizes = [1], strides = [1]} : vector<16xi32> to vector<1xi32>
      %squeeze3A_464 = vector.extract %slice3A_463[0] : i32 from vector<1xi32>
      %multiple_of3A_465 = tpu.assume_multiple %squeeze3A_464, 32 : i32
      %get3A_466 = arith.index_cast %add3A_459 : i32 to index
      %get3A_467 = arith.index_cast %multiple_of3A_462 : i32 to index
      %get3A_468 = tpu.vector_load %arg13[%get3A_466, %get3A_467] {strides = array<i32>} : memref<128x128xf32, #tpu.memory_space<vmem>>, vector<1x16xf32>,
      %get3A_469 = vector.shape_cast %get3A_468 : vector<1x16xf32> to vector<16xf32>
      %add3A_470 = arith.constant 16 : i32
      %add3A_471 = arith.addi %multiple_of3A_462, %add3A_470 : i32
      %get3A_472 = arith.index_cast %add3A_459 : i32 to index
      %get3A_473 = arith.index_cast %add3A_471 : i32 to index
      %get3A_474 = tpu.vector_load %arg13[%get3A_472, %get3A_473] {strides = array<i32>} : memref<128x128xf32, #tpu.memory_space<vmem>>, vector<1x16xf32>,
      %get3A_475 = vector.shape_cast %get3A_474 : vector<1x16xf32> to vector<16xf32>
      %get3A_476 = arith.index_cast %add3A_459 : i32 to index
      %get3A_477 = arith.index_cast %multiple_of3A_465 : i32 to index
      %get3A_478 = tpu.vector_load %arg14[%get3A_476, %get3A_477] {strides = array<i32>} : memref<128x128xf32, #tpu.memory_space<vmem>>, vector<1x16xf32>,
      %get3A_479 = vector.shape_cast %get3A_478 : vector<1x16xf32> to vector<16xf32>
      %add3A_480 = arith.constant 16 : i32
      %add3A_481 = arith.addi %multiple_of3A_465, %add3A_480 : i32
      %get3A_482 = arith.index_cast %add3A_459 : i32 to index
      %get3A_483 = arith.index_cast %add3A_481 : i32 to index
      %get3A_484 = tpu.vector_load %arg14[%get3A_482, %get3A_483] {strides = array<i32>} : memref<128x128xf32, #tpu.memory_space<vmem>>, vector<1x16xf32>,
      %get3A_485 = vector.shape_cast %get3A_484 : vector<1x16xf32> to vector<16xf32>
      %mul3A_486 = arith.mulf %get3A_469, %get3A_479 : vector<16xf32>
      %mul3A_487 = arith.mulf %get3A_475, %get3A_485 : vector<16xf32>
      %add3A_488 = arith.addf %mul3A_486, %mul3A_487 : vector<16xf32>
      %add3A_489 = arith.constant 8 : i32
      %add3A_490 = vector.broadcast %add3A_489 : i32 to vector<16xi32>
      %add3A_491 = arith.addi %iota3A, %add3A_490 : vector<16xi32>
      %and3A_492 = arith.constant 15 : i32
      %and3A_493 = vector.broadcast %and3A_492 : i32 to vector<16xi32>
      %and3A_494 = arith.andi %add3A_491, %and3A_493 : vector<16xi32>
      %broadcast_in_dim3A_495 = vector.shape_cast %and3A_494 : vector<16xi32> to vector<16x1xi32>
      %gather3A_496 = vector.shape_cast %broadcast_in_dim3A_495 : vector<16x1xi32> to vector<16xi32>
      %gather3A_497 = tpu.dynamic_gather %add3A_488[%gather3A_496] in [0] : vector<16xf32>, vector<16xi32> -> vector<16xf32>
      %add3A_498 = arith.addf %add3A_488, %gather3A_497 : vector<16xf32>
      %add3A_499 = arith.constant 4 : i32
      %add3A_500 = vector.broadcast %add3A_499 : i32 to vector<16xi32>
      %add3A_501 = arith.addi %iota3A, %add3A_500 : vector<16xi32>
      %and3A_502 = arith.constant 15 : i32
      %and3A_503 = vector.broadcast %and3A_502 : i32 to vector<16xi32>
      %and3A_504 = arith.andi %add3A_501, %and3A_503 : vector<16xi32>
      %broadcast_in_dim3A_505 = vector.shape_cast %and3A_504 : vector<16xi32> to vector<16x1xi32>
      %gather3A_506 = vector.shape_cast %broadcast_in_dim3A_505 : vector<16x1xi32> to vector<16xi32>
      %gather3A_507 = tpu.dynamic_gather %add3A_498[%gather3A_506] in [0] : vector<16xf32>, vector<16xi32> -> vector<16xf32>
      %add3A_508 = arith.addf %add3A_498, %gather3A_507 : vector<16xf32>
      %add3A_509 = arith.constant 2 : i32
      %add3A_510 = vector.broadcast %add3A_509 : i32 to vector<16xi32>
      %add3A_511 = arith.addi %iota3A, %add3A_510 : vector<16xi32>
      %and3A_512 = arith.constant 15 : i32
      %and3A_513 = vector.broadcast %and3A_512 : i32 to vector<16xi32>
      %and3A_514 = arith.andi %add3A_511, %and3A_513 : vector<16xi32>
      %broadcast_in_dim3A_515 = vector.shape_cast %and3A_514 : vector<16xi32> to vector<16x1xi32>
      %gather3A_516 = vector.shape_cast %broadcast_in_dim3A_515 : vector<16x1xi32> to vector<16xi32>
      %gather3A_517 = tpu.dynamic_gather %add3A_508[%gather3A_516] in [0] : vector<16xf32>, vector<16xi32> -> vector<16xf32>
      %add3A_518 = arith.addf %add3A_508, %gather3A_517 : vector<16xf32>
      %add3A_519 = arith.constant 1 : i32
      %add3A_520 = vector.broadcast %add3A_519 : i32 to vector<16xi32>
      %add3A_521 = arith.addi %iota3A, %add3A_520 : vector<16xi32>
      %and3A_522 = arith.constant 15 : i32
      %and3A_523 = vector.broadcast %and3A_522 : i32 to vector<16xi32>
      %and3A_524 = arith.andi %add3A_521, %and3A_523 : vector<16xi32>
      %broadcast_in_dim3A_525 = vector.shape_cast %and3A_524 : vector<16xi32> to vector<16x1xi32>
      %gather3A_526 = vector.shape_cast %broadcast_in_dim3A_525 : vector<16x1xi32> to vector<16xi32>
      %gather3A_527 = tpu.dynamic_gather %add3A_518[%gather3A_526] in [0] : vector<16xf32>, vector<16xi32> -> vector<16xf32>
      %add3A_528 = arith.addf %add3A_518, %gather3A_527 : vector<16xf32>
      %eq3A_529 = arith.constant 4 : i32
      %eq3A_530 = vector.broadcast %eq3A_529 : i32 to vector<16xi32>
      %eq3A_531 = arith.cmpi eq, %iota3A, %eq3A_530 : vector<16xi32>
      %select_n3A_532 = arith.select %eq3A_531, %add3A_528, %select_n3A_455 : vector<16xi1>, vector<16xf32>
      %mul3A_533 = arith.constant 16 : i32
      %mul3A_534 = arith.muli %scan3A_140, %mul3A_533 : i32
      %add3A_535 = arith.constant 5 : i32
      %add3A_536 = arith.addi %mul3A_534, %add3A_535 : i32
      %slice3A_537 = vector.extract_strided_slice %get3A_147 {offsets = [5], sizes = [1], strides = [1]} : vector<16xi32> to vector<1xi32>
      %squeeze3A_538 = vector.extract %slice3A_537[0] : i32 from vector<1xi32>
      %multiple_of3A_539 = tpu.assume_multiple %squeeze3A_538, 32 : i32
      %slice3A_540 = vector.extract_strided_slice %get3A_154 {offsets = [5], sizes = [1], strides = [1]} : vector<16xi32> to vector<1xi32>
      %squeeze3A_541 = vector.extract %slice3A_540[0] : i32 from vector<1xi32>
      %multiple_of3A_542 = tpu.assume_multiple %squeeze3A_541, 32 : i32
      %get3A_543 = arith.index_cast %add3A_536 : i32 to index
      %get3A_544 = arith.index_cast %multiple_of3A_539 : i32 to index
      %get3A_545 = tpu.vector_load %arg13[%get3A_543, %get3A_544] {strides = array<i32>} : memref<128x128xf32, #tpu.memory_space<vmem>>, vector<1x16xf32>,
      %get3A_546 = vector.shape_cast %get3A_545 : vector<1x16xf32> to vector<16xf32>
      %add3A_547 = arith.constant 16 : i32
      %add3A_548 = arith.addi %multiple_of3A_539, %add3A_547 : i32
      %get3A_549 = arith.index_cast %add3A_536 : i32 to index
      %get3A_550 = arith.index_cast %add3A_548 : i32 to index
      %get3A_551 = tpu.vector_load %arg13[%get3A_549, %get3A_550] {strides = array<i32>} : memref<128x128xf32, #tpu.memory_space<vmem>>, vector<1x16xf32>,
      %get3A_552 = vector.shape_cast %get3A_551 : vector<1x16xf32> to vector<16xf32>
      %get3A_553 = arith.index_cast %add3A_536 : i32 to index
      %get3A_554 = arith.index_cast %multiple_of3A_542 : i32 to index
      %get3A_555 = tpu.vector_load %arg14[%get3A_553, %get3A_554] {strides = array<i32>} : memref<128x128xf32, #tpu.memory_space<vmem>>, vector<1x16xf32>,
      %get3A_556 = vector.shape_cast %get3A_555 : vector<1x16xf32> to vector<16xf32>
      %add3A_557 = arith.constant 16 : i32
      %add3A_558 = arith.addi %multiple_of3A_542, %add3A_557 : i32
      %get3A_559 = arith.index_cast %add3A_536 : i32 to index
      %get3A_560 = arith.index_cast %add3A_558 : i32 to index
      %get3A_561 = tpu.vector_load %arg14[%get3A_559, %get3A_560] {strides = array<i32>} : memref<128x128xf32, #tpu.memory_space<vmem>>, vector<1x16xf32>,
      %get3A_562 = vector.shape_cast %get3A_561 : vector<1x16xf32> to vector<16xf32>
      %mul3A_563 = arith.mulf %get3A_546, %get3A_556 : vector<16xf32>
      %mul3A_564 = arith.mulf %get3A_552, %get3A_562 : vector<16xf32>
      %add3A_565 = arith.addf %mul3A_563, %mul3A_564 : vector<16xf32>
      %add3A_566 = arith.constant 8 : i32
      %add3A_567 = vector.broadcast %add3A_566 : i32 to vector<16xi32>
      %add3A_568 = arith.addi %iota3A, %add3A_567 : vector<16xi32>
      %and3A_569 = arith.constant 15 : i32
      %and3A_570 = vector.broadcast %and3A_569 : i32 to vector<16xi32>
      %and3A_571 = arith.andi %add3A_568, %and3A_570 : vector<16xi32>
      %broadcast_in_dim3A_572 = vector.shape_cast %and3A_571 : vector<16xi32> to vector<16x1xi32>
      %gather3A_573 = vector.shape_cast %broadcast_in_dim3A_572 : vector<16x1xi32> to vector<16xi32>
      %gather3A_574 = tpu.dynamic_gather %add3A_565[%gather3A_573] in [0] : vector<16xf32>, vector<16xi32> -> vector<16xf32>
      %add3A_575 = arith.addf %add3A_565, %gather3A_574 : vector<16xf32>
      %add3A_576 = arith.constant 4 : i32
      %add3A_577 = vector.broadcast %add3A_576 : i32 to vector<16xi32>
      %add3A_578 = arith.addi %iota3A, %add3A_577 : vector<16xi32>
      %and3A_579 = arith.constant 15 : i32
      %and3A_580 = vector.broadcast %and3A_579 : i32 to vector<16xi32>
      %and3A_581 = arith.andi %add3A_578, %and3A_580 : vector<16xi32>
      %broadcast_in_dim3A_582 = vector.shape_cast %and3A_581 : vector<16xi32> to vector<16x1xi32>
      %gather3A_583 = vector.shape_cast %broadcast_in_dim3A_582 : vector<16x1xi32> to vector<16xi32>
      %gather3A_584 = tpu.dynamic_gather %add3A_575[%gather3A_583] in [0] : vector<16xf32>, vector<16xi32> -> vector<16xf32>
      %add3A_585 = arith.addf %add3A_575, %gather3A_584 : vector<16xf32>
      %add3A_586 = arith.constant 2 : i32
      %add3A_587 = vector.broadcast %add3A_586 : i32 to vector<16xi32>
      %add3A_588 = arith.addi %iota3A, %add3A_587 : vector<16xi32>
      %and3A_589 = arith.constant 15 : i32
      %and3A_590 = vector.broadcast %and3A_589 : i32 to vector<16xi32>
      %and3A_591 = arith.andi %add3A_588, %and3A_590 : vector<16xi32>
      %broadcast_in_dim3A_592 = vector.shape_cast %and3A_591 : vector<16xi32> to vector<16x1xi32>
      %gather3A_593 = vector.shape_cast %broadcast_in_dim3A_592 : vector<16x1xi32> to vector<16xi32>
      %gather3A_594 = tpu.dynamic_gather %add3A_585[%gather3A_593] in [0] : vector<16xf32>, vector<16xi32> -> vector<16xf32>
      %add3A_595 = arith.addf %add3A_585, %gather3A_594 : vector<16xf32>
      %add3A_596 = arith.constant 1 : i32
      %add3A_597 = vector.broadcast %add3A_596 : i32 to vector<16xi32>
      %add3A_598 = arith.addi %iota3A, %add3A_597 : vector<16xi32>
      %and3A_599 = arith.constant 15 : i32
      %and3A_600 = vector.broadcast %and3A_599 : i32 to vector<16xi32>
      %and3A_601 = arith.andi %add3A_598, %and3A_600 : vector<16xi32>
      %broadcast_in_dim3A_602 = vector.shape_cast %and3A_601 : vector<16xi32> to vector<16x1xi32>
      %gather3A_603 = vector.shape_cast %broadcast_in_dim3A_602 : vector<16x1xi32> to vector<16xi32>
      %gather3A_604 = tpu.dynamic_gather %add3A_595[%gather3A_603] in [0] : vector<16xf32>, vector<16xi32> -> vector<16xf32>
      %add3A_605 = arith.addf %add3A_595, %gather3A_604 : vector<16xf32>
      %eq3A_606 = arith.constant 5 : i32
      %eq3A_607 = vector.broadcast %eq3A_606 : i32 to vector<16xi32>
      %eq3A_608 = arith.cmpi eq, %iota3A, %eq3A_607 : vector<16xi32>
      %select_n3A_609 = arith.select %eq3A_608, %add3A_605, %select_n3A_532 : vector<16xi1>, vector<16xf32>
      %mul3A_610 = arith.constant 16 : i32
      %mul3A_611 = arith.muli %scan3A_140, %mul3A_610 : i32
      %add3A_612 = arith.constant 6 : i32
      %add3A_613 = arith.addi %mul3A_611, %add3A_612 : i32
      %slice3A_614 = vector.extract_strided_slice %get3A_147 {offsets = [6], sizes = [1], strides = [1]} : vector<16xi32> to vector<1xi32>
      %squeeze3A_615 = vector.extract %slice3A_614[0] : i32 from vector<1xi32>
      %multiple_of3A_616 = tpu.assume_multiple %squeeze3A_615, 32 : i32
      %slice3A_617 = vector.extract_strided_slice %get3A_154 {offsets = [6], sizes = [1], strides = [1]} : vector<16xi32> to vector<1xi32>
      %squeeze3A_618 = vector.extract %slice3A_617[0] : i32 from vector<1xi32>
      %multiple_of3A_619 = tpu.assume_multiple %squeeze3A_618, 32 : i32
      %get3A_620 = arith.index_cast %add3A_613 : i32 to index
      %get3A_621 = arith.index_cast %multiple_of3A_616 : i32 to index
      %get3A_622 = tpu.vector_load %arg13[%get3A_620, %get3A_621] {strides = array<i32>} : memref<128x128xf32, #tpu.memory_space<vmem>>, vector<1x16xf32>,
      %get3A_623 = vector.shape_cast %get3A_622 : vector<1x16xf32> to vector<16xf32>
      %add3A_624 = arith.constant 16 : i32
      %add3A_625 = arith.addi %multiple_of3A_616, %add3A_624 : i32
      %get3A_626 = arith.index_cast %add3A_613 : i32 to index
      %get3A_627 = arith.index_cast %add3A_625 : i32 to index
      %get3A_628 = tpu.vector_load %arg13[%get3A_626, %get3A_627] {strides = array<i32>} : memref<128x128xf32, #tpu.memory_space<vmem>>, vector<1x16xf32>,
      %get3A_629 = vector.shape_cast %get3A_628 : vector<1x16xf32> to vector<16xf32>
      %get3A_630 = arith.index_cast %add3A_613 : i32 to index
      %get3A_631 = arith.index_cast %multiple_of3A_619 : i32 to index
      %get3A_632 = tpu.vector_load %arg14[%get3A_630, %get3A_631] {strides = array<i32>} : memref<128x128xf32, #tpu.memory_space<vmem>>, vector<1x16xf32>,
      %get3A_633 = vector.shape_cast %get3A_632 : vector<1x16xf32> to vector<16xf32>
      %add3A_634 = arith.constant 16 : i32
      %add3A_635 = arith.addi %multiple_of3A_619, %add3A_634 : i32
      %get3A_636 = arith.index_cast %add3A_613 : i32 to index
      %get3A_637 = arith.index_cast %add3A_635 : i32 to index
      %get3A_638 = tpu.vector_load %arg14[%get3A_636, %get3A_637] {strides = array<i32>} : memref<128x128xf32, #tpu.memory_space<vmem>>, vector<1x16xf32>,
      %get3A_639 = vector.shape_cast %get3A_638 : vector<1x16xf32> to vector<16xf32>
      %mul3A_640 = arith.mulf %get3A_623, %get3A_633 : vector<16xf32>
      %mul3A_641 = arith.mulf %get3A_629, %get3A_639 : vector<16xf32>
      %add3A_642 = arith.addf %mul3A_640, %mul3A_641 : vector<16xf32>
      %add3A_643 = arith.constant 8 : i32
      %add3A_644 = vector.broadcast %add3A_643 : i32 to vector<16xi32>
      %add3A_645 = arith.addi %iota3A, %add3A_644 : vector<16xi32>
      %and3A_646 = arith.constant 15 : i32
      %and3A_647 = vector.broadcast %and3A_646 : i32 to vector<16xi32>
      %and3A_648 = arith.andi %add3A_645, %and3A_647 : vector<16xi32>
      %broadcast_in_dim3A_649 = vector.shape_cast %and3A_648 : vector<16xi32> to vector<16x1xi32>
      %gather3A_650 = vector.shape_cast %broadcast_in_dim3A_649 : vector<16x1xi32> to vector<16xi32>
      %gather3A_651 = tpu.dynamic_gather %add3A_642[%gather3A_650] in [0] : vector<16xf32>, vector<16xi32> -> vector<16xf32>
      %add3A_652 = arith.addf %add3A_642, %gather3A_651 : vector<16xf32>
      %add3A_653 = arith.constant 4 : i32
      %add3A_654 = vector.broadcast %add3A_653 : i32 to vector<16xi32>
      %add3A_655 = arith.addi %iota3A, %add3A_654 : vector<16xi32>
      %and3A_656 = arith.constant 15 : i32
      %and3A_657 = vector.broadcast %and3A_656 : i32 to vector<16xi32>
      %and3A_658 = arith.andi %add3A_655, %and3A_657 : vector<16xi32>
      %broadcast_in_dim3A_659 = vector.shape_cast %and3A_658 : vector<16xi32> to vector<16x1xi32>
      %gather3A_660 = vector.shape_cast %broadcast_in_dim3A_659 : vector<16x1xi32> to vector<16xi32>
      %gather3A_661 = tpu.dynamic_gather %add3A_652[%gather3A_660] in [0] : vector<16xf32>, vector<16xi32> -> vector<16xf32>
      %add3A_662 = arith.addf %add3A_652, %gather3A_661 : vector<16xf32>
      %add3A_663 = arith.constant 2 : i32
      %add3A_664 = vector.broadcast %add3A_663 : i32 to vector<16xi32>
      %add3A_665 = arith.addi %iota3A, %add3A_664 : vector<16xi32>
      %and3A_666 = arith.constant 15 : i32
      %and3A_667 = vector.broadcast %and3A_666 : i32 to vector<16xi32>
      %and3A_668 = arith.andi %add3A_665, %and3A_667 : vector<16xi32>
      %broadcast_in_dim3A_669 = vector.shape_cast %and3A_668 : vector<16xi32> to vector<16x1xi32>
      %gather3A_670 = vector.shape_cast %broadcast_in_dim3A_669 : vector<16x1xi32> to vector<16xi32>
      %gather3A_671 = tpu.dynamic_gather %add3A_662[%gather3A_670] in [0] : vector<16xf32>, vector<16xi32> -> vector<16xf32>
      %add3A_672 = arith.addf %add3A_662, %gather3A_671 : vector<16xf32>
      %add3A_673 = arith.constant 1 : i32
      %add3A_674 = vector.broadcast %add3A_673 : i32 to vector<16xi32>
      %add3A_675 = arith.addi %iota3A, %add3A_674 : vector<16xi32>
      %and3A_676 = arith.constant 15 : i32
      %and3A_677 = vector.broadcast %and3A_676 : i32 to vector<16xi32>
      %and3A_678 = arith.andi %add3A_675, %and3A_677 : vector<16xi32>
      %broadcast_in_dim3A_679 = vector.shape_cast %and3A_678 : vector<16xi32> to vector<16x1xi32>
      %gather3A_680 = vector.shape_cast %broadcast_in_dim3A_679 : vector<16x1xi32> to vector<16xi32>
      %gather3A_681 = tpu.dynamic_gather %add3A_672[%gather3A_680] in [0] : vector<16xf32>, vector<16xi32> -> vector<16xf32>
      %add3A_682 = arith.addf %add3A_672, %gather3A_681 : vector<16xf32>
      %eq3A_683 = arith.constant 6 : i32
      %eq3A_684 = vector.broadcast %eq3A_683 : i32 to vector<16xi32>
      %eq3A_685 = arith.cmpi eq, %iota3A, %eq3A_684 : vector<16xi32>
      %select_n3A_686 = arith.select %eq3A_685, %add3A_682, %select_n3A_609 : vector<16xi1>, vector<16xf32>
      %mul3A_687 = arith.constant 16 : i32
      %mul3A_688 = arith.muli %scan3A_140, %mul3A_687 : i32
      %add3A_689 = arith.constant 7 : i32
      %add3A_690 = arith.addi %mul3A_688, %add3A_689 : i32
      %slice3A_691 = vector.extract_strided_slice %get3A_147 {offsets = [7], sizes = [1], strides = [1]} : vector<16xi32> to vector<1xi32>
      %squeeze3A_692 = vector.extract %slice3A_691[0] : i32 from vector<1xi32>
      %multiple_of3A_693 = tpu.assume_multiple %squeeze3A_692, 32 : i32
      %slice3A_694 = vector.extract_strided_slice %get3A_154 {offsets = [7], sizes = [1], strides = [1]} : vector<16xi32> to vector<1xi32>
      %squeeze3A_695 = vector.extract %slice3A_694[0] : i32 from vector<1xi32>
      %multiple_of3A_696 = tpu.assume_multiple %squeeze3A_695, 32 : i32
      %get3A_697 = arith.index_cast %add3A_690 : i32 to index
      %get3A_698 = arith.index_cast %multiple_of3A_693 : i32 to index
      %get3A_699 = tpu.vector_load %arg13[%get3A_697, %get3A_698] {strides = array<i32>} : memref<128x128xf32, #tpu.memory_space<vmem>>, vector<1x16xf32>,
      %get3A_700 = vector.shape_cast %get3A_699 : vector<1x16xf32> to vector<16xf32>
      %add3A_701 = arith.constant 16 : i32
      %add3A_702 = arith.addi %multiple_of3A_693, %add3A_701 : i32
      %get3A_703 = arith.index_cast %add3A_690 : i32 to index
      %get3A_704 = arith.index_cast %add3A_702 : i32 to index
      %get3A_705 = tpu.vector_load %arg13[%get3A_703, %get3A_704] {strides = array<i32>} : memref<128x128xf32, #tpu.memory_space<vmem>>, vector<1x16xf32>,
      %get3A_706 = vector.shape_cast %get3A_705 : vector<1x16xf32> to vector<16xf32>
      %get3A_707 = arith.index_cast %add3A_690 : i32 to index
      %get3A_708 = arith.index_cast %multiple_of3A_696 : i32 to index
      %get3A_709 = tpu.vector_load %arg14[%get3A_707, %get3A_708] {strides = array<i32>} : memref<128x128xf32, #tpu.memory_space<vmem>>, vector<1x16xf32>,
      %get3A_710 = vector.shape_cast %get3A_709 : vector<1x16xf32> to vector<16xf32>
      %add3A_711 = arith.constant 16 : i32
      %add3A_712 = arith.addi %multiple_of3A_696, %add3A_711 : i32
      %get3A_713 = arith.index_cast %add3A_690 : i32 to index
      %get3A_714 = arith.index_cast %add3A_712 : i32 to index
      %get3A_715 = tpu.vector_load %arg14[%get3A_713, %get3A_714] {strides = array<i32>} : memref<128x128xf32, #tpu.memory_space<vmem>>, vector<1x16xf32>,
      %get3A_716 = vector.shape_cast %get3A_715 : vector<1x16xf32> to vector<16xf32>
      %mul3A_717 = arith.mulf %get3A_700, %get3A_710 : vector<16xf32>
      %mul3A_718 = arith.mulf %get3A_706, %get3A_716 : vector<16xf32>
      %add3A_719 = arith.addf %mul3A_717, %mul3A_718 : vector<16xf32>
      %add3A_720 = arith.constant 8 : i32
      %add3A_721 = vector.broadcast %add3A_720 : i32 to vector<16xi32>
      %add3A_722 = arith.addi %iota3A, %add3A_721 : vector<16xi32>
      %and3A_723 = arith.constant 15 : i32
      %and3A_724 = vector.broadcast %and3A_723 : i32 to vector<16xi32>
      %and3A_725 = arith.andi %add3A_722, %and3A_724 : vector<16xi32>
      %broadcast_in_dim3A_726 = vector.shape_cast %and3A_725 : vector<16xi32> to vector<16x1xi32>
      %gather3A_727 = vector.shape_cast %broadcast_in_dim3A_726 : vector<16x1xi32> to vector<16xi32>
      %gather3A_728 = tpu.dynamic_gather %add3A_719[%gather3A_727] in [0] : vector<16xf32>, vector<16xi32> -> vector<16xf32>
      %add3A_729 = arith.addf %add3A_719, %gather3A_728 : vector<16xf32>
      %add3A_730 = arith.constant 4 : i32
      %add3A_731 = vector.broadcast %add3A_730 : i32 to vector<16xi32>
      %add3A_732 = arith.addi %iota3A, %add3A_731 : vector<16xi32>
      %and3A_733 = arith.constant 15 : i32
      %and3A_734 = vector.broadcast %and3A_733 : i32 to vector<16xi32>
      %and3A_735 = arith.andi %add3A_732, %and3A_734 : vector<16xi32>
      %broadcast_in_dim3A_736 = vector.shape_cast %and3A_735 : vector<16xi32> to vector<16x1xi32>
      %gather3A_737 = vector.shape_cast %broadcast_in_dim3A_736 : vector<16x1xi32> to vector<16xi32>
      %gather3A_738 = tpu.dynamic_gather %add3A_729[%gather3A_737] in [0] : vector<16xf32>, vector<16xi32> -> vector<16xf32>
      %add3A_739 = arith.addf %add3A_729, %gather3A_738 : vector<16xf32>
      %add3A_740 = arith.constant 2 : i32
      %add3A_741 = vector.broadcast %add3A_740 : i32 to vector<16xi32>
      %add3A_742 = arith.addi %iota3A, %add3A_741 : vector<16xi32>
      %and3A_743 = arith.constant 15 : i32
      %and3A_744 = vector.broadcast %and3A_743 : i32 to vector<16xi32>
      %and3A_745 = arith.andi %add3A_742, %and3A_744 : vector<16xi32>
      %broadcast_in_dim3A_746 = vector.shape_cast %and3A_745 : vector<16xi32> to vector<16x1xi32>
      %gather3A_747 = vector.shape_cast %broadcast_in_dim3A_746 : vector<16x1xi32> to vector<16xi32>
      %gather3A_748 = tpu.dynamic_gather %add3A_739[%gather3A_747] in [0] : vector<16xf32>, vector<16xi32> -> vector<16xf32>
      %add3A_749 = arith.addf %add3A_739, %gather3A_748 : vector<16xf32>
      %add3A_750 = arith.constant 1 : i32
      %add3A_751 = vector.broadcast %add3A_750 : i32 to vector<16xi32>
      %add3A_752 = arith.addi %iota3A, %add3A_751 : vector<16xi32>
      %and3A_753 = arith.constant 15 : i32
      %and3A_754 = vector.broadcast %and3A_753 : i32 to vector<16xi32>
      %and3A_755 = arith.andi %add3A_752, %and3A_754 : vector<16xi32>
      %broadcast_in_dim3A_756 = vector.shape_cast %and3A_755 : vector<16xi32> to vector<16x1xi32>
      %gather3A_757 = vector.shape_cast %broadcast_in_dim3A_756 : vector<16x1xi32> to vector<16xi32>
      %gather3A_758 = tpu.dynamic_gather %add3A_749[%gather3A_757] in [0] : vector<16xf32>, vector<16xi32> -> vector<16xf32>
      %add3A_759 = arith.addf %add3A_749, %gather3A_758 : vector<16xf32>
      %eq3A_760 = arith.constant 7 : i32
      %eq3A_761 = vector.broadcast %eq3A_760 : i32 to vector<16xi32>
      %eq3A_762 = arith.cmpi eq, %iota3A, %eq3A_761 : vector<16xi32>
      %select_n3A_763 = arith.select %eq3A_762, %add3A_759, %select_n3A_686 : vector<16xi1>, vector<16xf32>
      %mul3A_764 = arith.constant 16 : i32
      %mul3A_765 = arith.muli %scan3A_140, %mul3A_764 : i32
      %add3A_766 = arith.constant 8 : i32
      %add3A_767 = arith.addi %mul3A_765, %add3A_766 : i32
      %slice3A_768 = vector.extract_strided_slice %get3A_147 {offsets = [8], sizes = [1], strides = [1]} : vector<16xi32> to vector<1xi32>
      %squeeze3A_769 = vector.extract %slice3A_768[0] : i32 from vector<1xi32>
      %multiple_of3A_770 = tpu.assume_multiple %squeeze3A_769, 32 : i32
      %slice3A_771 = vector.extract_strided_slice %get3A_154 {offsets = [8], sizes = [1], strides = [1]} : vector<16xi32> to vector<1xi32>
      %squeeze3A_772 = vector.extract %slice3A_771[0] : i32 from vector<1xi32>
      %multiple_of3A_773 = tpu.assume_multiple %squeeze3A_772, 32 : i32
      %get3A_774 = arith.index_cast %add3A_767 : i32 to index
      %get3A_775 = arith.index_cast %multiple_of3A_770 : i32 to index
      %get3A_776 = tpu.vector_load %arg13[%get3A_774, %get3A_775] {strides = array<i32>} : memref<128x128xf32, #tpu.memory_space<vmem>>, vector<1x16xf32>,
      %get3A_777 = vector.shape_cast %get3A_776 : vector<1x16xf32> to vector<16xf32>
      %add3A_778 = arith.constant 16 : i32
      %add3A_779 = arith.addi %multiple_of3A_770, %add3A_778 : i32
      %get3A_780 = arith.index_cast %add3A_767 : i32 to index
      %get3A_781 = arith.index_cast %add3A_779 : i32 to index
      %get3A_782 = tpu.vector_load %arg13[%get3A_780, %get3A_781] {strides = array<i32>} : memref<128x128xf32, #tpu.memory_space<vmem>>, vector<1x16xf32>,
      %get3A_783 = vector.shape_cast %get3A_782 : vector<1x16xf32> to vector<16xf32>
      %get3A_784 = arith.index_cast %add3A_767 : i32 to index
      %get3A_785 = arith.index_cast %multiple_of3A_773 : i32 to index
      %get3A_786 = tpu.vector_load %arg14[%get3A_784, %get3A_785] {strides = array<i32>} : memref<128x128xf32, #tpu.memory_space<vmem>>, vector<1x16xf32>,
      %get3A_787 = vector.shape_cast %get3A_786 : vector<1x16xf32> to vector<16xf32>
      %add3A_788 = arith.constant 16 : i32
      %add3A_789 = arith.addi %multiple_of3A_773, %add3A_788 : i32
      %get3A_790 = arith.index_cast %add3A_767 : i32 to index
      %get3A_791 = arith.index_cast %add3A_789 : i32 to index
      %get3A_792 = tpu.vector_load %arg14[%get3A_790, %get3A_791] {strides = array<i32>} : memref<128x128xf32, #tpu.memory_space<vmem>>, vector<1x16xf32>,
      %get3A_793 = vector.shape_cast %get3A_792 : vector<1x16xf32> to vector<16xf32>
      %mul3A_794 = arith.mulf %get3A_777, %get3A_787 : vector<16xf32>
      %mul3A_795 = arith.mulf %get3A_783, %get3A_793 : vector<16xf32>
      %add3A_796 = arith.addf %mul3A_794, %mul3A_795 : vector<16xf32>
      %add3A_797 = arith.constant 8 : i32
      %add3A_798 = vector.broadcast %add3A_797 : i32 to vector<16xi32>
      %add3A_799 = arith.addi %iota3A, %add3A_798 : vector<16xi32>
      %and3A_800 = arith.constant 15 : i32
      %and3A_801 = vector.broadcast %and3A_800 : i32 to vector<16xi32>
      %and3A_802 = arith.andi %add3A_799, %and3A_801 : vector<16xi32>
      %broadcast_in_dim3A_803 = vector.shape_cast %and3A_802 : vector<16xi32> to vector<16x1xi32>
      %gather3A_804 = vector.shape_cast %broadcast_in_dim3A_803 : vector<16x1xi32> to vector<16xi32>
      %gather3A_805 = tpu.dynamic_gather %add3A_796[%gather3A_804] in [0] : vector<16xf32>, vector<16xi32> -> vector<16xf32>
      %add3A_806 = arith.addf %add3A_796, %gather3A_805 : vector<16xf32>
      %add3A_807 = arith.constant 4 : i32
      %add3A_808 = vector.broadcast %add3A_807 : i32 to vector<16xi32>
      %add3A_809 = arith.addi %iota3A, %add3A_808 : vector<16xi32>
      %and3A_810 = arith.constant 15 : i32
      %and3A_811 = vector.broadcast %and3A_810 : i32 to vector<16xi32>
      %and3A_812 = arith.andi %add3A_809, %and3A_811 : vector<16xi32>
      %broadcast_in_dim3A_813 = vector.shape_cast %and3A_812 : vector<16xi32> to vector<16x1xi32>
      %gather3A_814 = vector.shape_cast %broadcast_in_dim3A_813 : vector<16x1xi32> to vector<16xi32>
      %gather3A_815 = tpu.dynamic_gather %add3A_806[%gather3A_814] in [0] : vector<16xf32>, vector<16xi32> -> vector<16xf32>
      %add3A_816 = arith.addf %add3A_806, %gather3A_815 : vector<16xf32>
      %add3A_817 = arith.constant 2 : i32
      %add3A_818 = vector.broadcast %add3A_817 : i32 to vector<16xi32>
      %add3A_819 = arith.addi %iota3A, %add3A_818 : vector<16xi32>
      %and3A_820 = arith.constant 15 : i32
      %and3A_821 = vector.broadcast %and3A_820 : i32 to vector<16xi32>
      %and3A_822 = arith.andi %add3A_819, %and3A_821 : vector<16xi32>
      %broadcast_in_dim3A_823 = vector.shape_cast %and3A_822 : vector<16xi32> to vector<16x1xi32>
      %gather3A_824 = vector.shape_cast %broadcast_in_dim3A_823 : vector<16x1xi32> to vector<16xi32>
      %gather3A_825 = tpu.dynamic_gather %add3A_816[%gather3A_824] in [0] : vector<16xf32>, vector<16xi32> -> vector<16xf32>
      %add3A_826 = arith.addf %add3A_816, %gather3A_825 : vector<16xf32>
      %add3A_827 = arith.constant 1 : i32
      %add3A_828 = vector.broadcast %add3A_827 : i32 to vector<16xi32>
      %add3A_829 = arith.addi %iota3A, %add3A_828 : vector<16xi32>
      %and3A_830 = arith.constant 15 : i32
      %and3A_831 = vector.broadcast %and3A_830 : i32 to vector<16xi32>
      %and3A_832 = arith.andi %add3A_829, %and3A_831 : vector<16xi32>
      %broadcast_in_dim3A_833 = vector.shape_cast %and3A_832 : vector<16xi32> to vector<16x1xi32>
      %gather3A_834 = vector.shape_cast %broadcast_in_dim3A_833 : vector<16x1xi32> to vector<16xi32>
      %gather3A_835 = tpu.dynamic_gather %add3A_826[%gather3A_834] in [0] : vector<16xf32>, vector<16xi32> -> vector<16xf32>
      %add3A_836 = arith.addf %add3A_826, %gather3A_835 : vector<16xf32>
      %eq3A_837 = arith.constant 8 : i32
      %eq3A_838 = vector.broadcast %eq3A_837 : i32 to vector<16xi32>
      %eq3A_839 = arith.cmpi eq, %iota3A, %eq3A_838 : vector<16xi32>
      %select_n3A_840 = arith.select %eq3A_839, %add3A_836, %select_n3A_763 : vector<16xi1>, vector<16xf32>
      %mul3A_841 = arith.constant 16 : i32
      %mul3A_842 = arith.muli %scan3A_140, %mul3A_841 : i32
      %add3A_843 = arith.constant 9 : i32
      %add3A_844 = arith.addi %mul3A_842, %add3A_843 : i32
      %slice3A_845 = vector.extract_strided_slice %get3A_147 {offsets = [9], sizes = [1], strides = [1]} : vector<16xi32> to vector<1xi32>
      %squeeze3A_846 = vector.extract %slice3A_845[0] : i32 from vector<1xi32>
      %multiple_of3A_847 = tpu.assume_multiple %squeeze3A_846, 32 : i32
      %slice3A_848 = vector.extract_strided_slice %get3A_154 {offsets = [9], sizes = [1], strides = [1]} : vector<16xi32> to vector<1xi32>
      %squeeze3A_849 = vector.extract %slice3A_848[0] : i32 from vector<1xi32>
      %multiple_of3A_850 = tpu.assume_multiple %squeeze3A_849, 32 : i32
      %get3A_851 = arith.index_cast %add3A_844 : i32 to index
      %get3A_852 = arith.index_cast %multiple_of3A_847 : i32 to index
      %get3A_853 = tpu.vector_load %arg13[%get3A_851, %get3A_852] {strides = array<i32>} : memref<128x128xf32, #tpu.memory_space<vmem>>, vector<1x16xf32>,
      %get3A_854 = vector.shape_cast %get3A_853 : vector<1x16xf32> to vector<16xf32>
      %add3A_855 = arith.constant 16 : i32
      %add3A_856 = arith.addi %multiple_of3A_847, %add3A_855 : i32
      %get3A_857 = arith.index_cast %add3A_844 : i32 to index
      %get3A_858 = arith.index_cast %add3A_856 : i32 to index
      %get3A_859 = tpu.vector_load %arg13[%get3A_857, %get3A_858] {strides = array<i32>} : memref<128x128xf32, #tpu.memory_space<vmem>>, vector<1x16xf32>,
      %get3A_860 = vector.shape_cast %get3A_859 : vector<1x16xf32> to vector<16xf32>
      %get3A_861 = arith.index_cast %add3A_844 : i32 to index
      %get3A_862 = arith.index_cast %multiple_of3A_850 : i32 to index
      %get3A_863 = tpu.vector_load %arg14[%get3A_861, %get3A_862] {strides = array<i32>} : memref<128x128xf32, #tpu.memory_space<vmem>>, vector<1x16xf32>,
      %get3A_864 = vector.shape_cast %get3A_863 : vector<1x16xf32> to vector<16xf32>
      %add3A_865 = arith.constant 16 : i32
      %add3A_866 = arith.addi %multiple_of3A_850, %add3A_865 : i32
      %get3A_867 = arith.index_cast %add3A_844 : i32 to index
      %get3A_868 = arith.index_cast %add3A_866 : i32 to index
      %get3A_869 = tpu.vector_load %arg14[%get3A_867, %get3A_868] {strides = array<i32>} : memref<128x128xf32, #tpu.memory_space<vmem>>, vector<1x16xf32>,
      %get3A_870 = vector.shape_cast %get3A_869 : vector<1x16xf32> to vector<16xf32>
      %mul3A_871 = arith.mulf %get3A_854, %get3A_864 : vector<16xf32>
      %mul3A_872 = arith.mulf %get3A_860, %get3A_870 : vector<16xf32>
      %add3A_873 = arith.addf %mul3A_871, %mul3A_872 : vector<16xf32>
      %add3A_874 = arith.constant 8 : i32
      %add3A_875 = vector.broadcast %add3A_874 : i32 to vector<16xi32>
      %add3A_876 = arith.addi %iota3A, %add3A_875 : vector<16xi32>
      %and3A_877 = arith.constant 15 : i32
      %and3A_878 = vector.broadcast %and3A_877 : i32 to vector<16xi32>
      %and3A_879 = arith.andi %add3A_876, %and3A_878 : vector<16xi32>
      %broadcast_in_dim3A_880 = vector.shape_cast %and3A_879 : vector<16xi32> to vector<16x1xi32>
      %gather3A_881 = vector.shape_cast %broadcast_in_dim3A_880 : vector<16x1xi32> to vector<16xi32>
      %gather3A_882 = tpu.dynamic_gather %add3A_873[%gather3A_881] in [0] : vector<16xf32>, vector<16xi32> -> vector<16xf32>
      %add3A_883 = arith.addf %add3A_873, %gather3A_882 : vector<16xf32>
      %add3A_884 = arith.constant 4 : i32
      %add3A_885 = vector.broadcast %add3A_884 : i32 to vector<16xi32>
      %add3A_886 = arith.addi %iota3A, %add3A_885 : vector<16xi32>
      %and3A_887 = arith.constant 15 : i32
      %and3A_888 = vector.broadcast %and3A_887 : i32 to vector<16xi32>
      %and3A_889 = arith.andi %add3A_886, %and3A_888 : vector<16xi32>
      %broadcast_in_dim3A_890 = vector.shape_cast %and3A_889 : vector<16xi32> to vector<16x1xi32>
      %gather3A_891 = vector.shape_cast %broadcast_in_dim3A_890 : vector<16x1xi32> to vector<16xi32>
      %gather3A_892 = tpu.dynamic_gather %add3A_883[%gather3A_891] in [0] : vector<16xf32>, vector<16xi32> -> vector<16xf32>
      %add3A_893 = arith.addf %add3A_883, %gather3A_892 : vector<16xf32>
      %add3A_894 = arith.constant 2 : i32
      %add3A_895 = vector.broadcast %add3A_894 : i32 to vector<16xi32>
      %add3A_896 = arith.addi %iota3A, %add3A_895 : vector<16xi32>
      %and3A_897 = arith.constant 15 : i32
      %and3A_898 = vector.broadcast %and3A_897 : i32 to vector<16xi32>
      %and3A_899 = arith.andi %add3A_896, %and3A_898 : vector<16xi32>
      %broadcast_in_dim3A_900 = vector.shape_cast %and3A_899 : vector<16xi32> to vector<16x1xi32>
      %gather3A_901 = vector.shape_cast %broadcast_in_dim3A_900 : vector<16x1xi32> to vector<16xi32>
      %gather3A_902 = tpu.dynamic_gather %add3A_893[%gather3A_901] in [0] : vector<16xf32>, vector<16xi32> -> vector<16xf32>
      %add3A_903 = arith.addf %add3A_893, %gather3A_902 : vector<16xf32>
      %add3A_904 = arith.constant 1 : i32
      %add3A_905 = vector.broadcast %add3A_904 : i32 to vector<16xi32>
      %add3A_906 = arith.addi %iota3A, %add3A_905 : vector<16xi32>
      %and3A_907 = arith.constant 15 : i32
      %and3A_908 = vector.broadcast %and3A_907 : i32 to vector<16xi32>
      %and3A_909 = arith.andi %add3A_906, %and3A_908 : vector<16xi32>
      %broadcast_in_dim3A_910 = vector.shape_cast %and3A_909 : vector<16xi32> to vector<16x1xi32>
      %gather3A_911 = vector.shape_cast %broadcast_in_dim3A_910 : vector<16x1xi32> to vector<16xi32>
      %gather3A_912 = tpu.dynamic_gather %add3A_903[%gather3A_911] in [0] : vector<16xf32>, vector<16xi32> -> vector<16xf32>
      %add3A_913 = arith.addf %add3A_903, %gather3A_912 : vector<16xf32>
      %eq3A_914 = arith.constant 9 : i32
      %eq3A_915 = vector.broadcast %eq3A_914 : i32 to vector<16xi32>
      %eq3A_916 = arith.cmpi eq, %iota3A, %eq3A_915 : vector<16xi32>
      %select_n3A_917 = arith.select %eq3A_916, %add3A_913, %select_n3A_840 : vector<16xi1>, vector<16xf32>
      %mul3A_918 = arith.constant 16 : i32
      %mul3A_919 = arith.muli %scan3A_140, %mul3A_918 : i32
      %add3A_920 = arith.constant 10 : i32
      %add3A_921 = arith.addi %mul3A_919, %add3A_920 : i32
      %slice3A_922 = vector.extract_strided_slice %get3A_147 {offsets = [10], sizes = [1], strides = [1]} : vector<16xi32> to vector<1xi32>
      %squeeze3A_923 = vector.extract %slice3A_922[0] : i32 from vector<1xi32>
      %multiple_of3A_924 = tpu.assume_multiple %squeeze3A_923, 32 : i32
      %slice3A_925 = vector.extract_strided_slice %get3A_154 {offsets = [10], sizes = [1], strides = [1]} : vector<16xi32> to vector<1xi32>
      %squeeze3A_926 = vector.extract %slice3A_925[0] : i32 from vector<1xi32>
      %multiple_of3A_927 = tpu.assume_multiple %squeeze3A_926, 32 : i32
      %get3A_928 = arith.index_cast %add3A_921 : i32 to index
      %get3A_929 = arith.index_cast %multiple_of3A_924 : i32 to index
      %get3A_930 = tpu.vector_load %arg13[%get3A_928, %get3A_929] {strides = array<i32>} : memref<128x128xf32, #tpu.memory_space<vmem>>, vector<1x16xf32>,
      %get3A_931 = vector.shape_cast %get3A_930 : vector<1x16xf32> to vector<16xf32>
      %add3A_932 = arith.constant 16 : i32
      %add3A_933 = arith.addi %multiple_of3A_924, %add3A_932 : i32
      %get3A_934 = arith.index_cast %add3A_921 : i32 to index
      %get3A_935 = arith.index_cast %add3A_933 : i32 to index
      %get3A_936 = tpu.vector_load %arg13[%get3A_934, %get3A_935] {strides = array<i32>} : memref<128x128xf32, #tpu.memory_space<vmem>>, vector<1x16xf32>,
      %get3A_937 = vector.shape_cast %get3A_936 : vector<1x16xf32> to vector<16xf32>
      %get3A_938 = arith.index_cast %add3A_921 : i32 to index
      %get3A_939 = arith.index_cast %multiple_of3A_927 : i32 to index
      %get3A_940 = tpu.vector_load %arg14[%get3A_938, %get3A_939] {strides = array<i32>} : memref<128x128xf32, #tpu.memory_space<vmem>>, vector<1x16xf32>,
      %get3A_941 = vector.shape_cast %get3A_940 : vector<1x16xf32> to vector<16xf32>
      %add3A_942 = arith.constant 16 : i32
      %add3A_943 = arith.addi %multiple_of3A_927, %add3A_942 : i32
      %get3A_944 = arith.index_cast %add3A_921 : i32 to index
      %get3A_945 = arith.index_cast %add3A_943 : i32 to index
      %get3A_946 = tpu.vector_load %arg14[%get3A_944, %get3A_945] {strides = array<i32>} : memref<128x128xf32, #tpu.memory_space<vmem>>, vector<1x16xf32>,
      %get3A_947 = vector.shape_cast %get3A_946 : vector<1x16xf32> to vector<16xf32>
      %mul3A_948 = arith.mulf %get3A_931, %get3A_941 : vector<16xf32>
      %mul3A_949 = arith.mulf %get3A_937, %get3A_947 : vector<16xf32>
      %add3A_950 = arith.addf %mul3A_948, %mul3A_949 : vector<16xf32>
      %add3A_951 = arith.constant 8 : i32
      %add3A_952 = vector.broadcast %add3A_951 : i32 to vector<16xi32>
      %add3A_953 = arith.addi %iota3A, %add3A_952 : vector<16xi32>
      %and3A_954 = arith.constant 15 : i32
      %and3A_955 = vector.broadcast %and3A_954 : i32 to vector<16xi32>
      %and3A_956 = arith.andi %add3A_953, %and3A_955 : vector<16xi32>
      %broadcast_in_dim3A_957 = vector.shape_cast %and3A_956 : vector<16xi32> to vector<16x1xi32>
      %gather3A_958 = vector.shape_cast %broadcast_in_dim3A_957 : vector<16x1xi32> to vector<16xi32>
      %gather3A_959 = tpu.dynamic_gather %add3A_950[%gather3A_958] in [0] : vector<16xf32>, vector<16xi32> -> vector<16xf32>
      %add3A_960 = arith.addf %add3A_950, %gather3A_959 : vector<16xf32>
      %add3A_961 = arith.constant 4 : i32
      %add3A_962 = vector.broadcast %add3A_961 : i32 to vector<16xi32>
      %add3A_963 = arith.addi %iota3A, %add3A_962 : vector<16xi32>
      %and3A_964 = arith.constant 15 : i32
      %and3A_965 = vector.broadcast %and3A_964 : i32 to vector<16xi32>
      %and3A_966 = arith.andi %add3A_963, %and3A_965 : vector<16xi32>
      %broadcast_in_dim3A_967 = vector.shape_cast %and3A_966 : vector<16xi32> to vector<16x1xi32>
      %gather3A_968 = vector.shape_cast %broadcast_in_dim3A_967 : vector<16x1xi32> to vector<16xi32>
      %gather3A_969 = tpu.dynamic_gather %add3A_960[%gather3A_968] in [0] : vector<16xf32>, vector<16xi32> -> vector<16xf32>
      %add3A_970 = arith.addf %add3A_960, %gather3A_969 : vector<16xf32>
      %add3A_971 = arith.constant 2 : i32
      %add3A_972 = vector.broadcast %add3A_971 : i32 to vector<16xi32>
      %add3A_973 = arith.addi %iota3A, %add3A_972 : vector<16xi32>
      %and3A_974 = arith.constant 15 : i32
      %and3A_975 = vector.broadcast %and3A_974 : i32 to vector<16xi32>
      %and3A_976 = arith.andi %add3A_973, %and3A_975 : vector<16xi32>
      %broadcast_in_dim3A_977 = vector.shape_cast %and3A_976 : vector<16xi32> to vector<16x1xi32>
      %gather3A_978 = vector.shape_cast %broadcast_in_dim3A_977 : vector<16x1xi32> to vector<16xi32>
      %gather3A_979 = tpu.dynamic_gather %add3A_970[%gather3A_978] in [0] : vector<16xf32>, vector<16xi32> -> vector<16xf32>
      %add3A_980 = arith.addf %add3A_970, %gather3A_979 : vector<16xf32>
      %add3A_981 = arith.constant 1 : i32
      %add3A_982 = vector.broadcast %add3A_981 : i32 to vector<16xi32>
      %add3A_983 = arith.addi %iota3A, %add3A_982 : vector<16xi32>
      %and3A_984 = arith.constant 15 : i32
      %and3A_985 = vector.broadcast %and3A_984 : i32 to vector<16xi32>
      %and3A_986 = arith.andi %add3A_983, %and3A_985 : vector<16xi32>
      %broadcast_in_dim3A_987 = vector.shape_cast %and3A_986 : vector<16xi32> to vector<16x1xi32>
      %gather3A_988 = vector.shape_cast %broadcast_in_dim3A_987 : vector<16x1xi32> to vector<16xi32>
      %gather3A_989 = tpu.dynamic_gather %add3A_980[%gather3A_988] in [0] : vector<16xf32>, vector<16xi32> -> vector<16xf32>
      %add3A_990 = arith.addf %add3A_980, %gather3A_989 : vector<16xf32>
      %eq3A_991 = arith.constant 10 : i32
      %eq3A_992 = vector.broadcast %eq3A_991 : i32 to vector<16xi32>
      %eq3A_993 = arith.cmpi eq, %iota3A, %eq3A_992 : vector<16xi32>
      %select_n3A_994 = arith.select %eq3A_993, %add3A_990, %select_n3A_917 : vector<16xi1>, vector<16xf32>
      %mul3A_995 = arith.constant 16 : i32
      %mul3A_996 = arith.muli %scan3A_140, %mul3A_995 : i32
      %add3A_997 = arith.constant 11 : i32
      %add3A_998 = arith.addi %mul3A_996, %add3A_997 : i32
      %slice3A_999 = vector.extract_strided_slice %get3A_147 {offsets = [11], sizes = [1], strides = [1]} : vector<16xi32> to vector<1xi32>
      %squeeze3A_1000 = vector.extract %slice3A_999[0] : i32 from vector<1xi32>
      %multiple_of3A_1001 = tpu.assume_multiple %squeeze3A_1000, 32 : i32
      %slice3A_1002 = vector.extract_strided_slice %get3A_154 {offsets = [11], sizes = [1], strides = [1]} : vector<16xi32> to vector<1xi32>
      %squeeze3A_1003 = vector.extract %slice3A_1002[0] : i32 from vector<1xi32>
      %multiple_of3A_1004 = tpu.assume_multiple %squeeze3A_1003, 32 : i32
      %get3A_1005 = arith.index_cast %add3A_998 : i32 to index
      %get3A_1006 = arith.index_cast %multiple_of3A_1001 : i32 to index
      %get3A_1007 = tpu.vector_load %arg13[%get3A_1005, %get3A_1006] {strides = array<i32>} : memref<128x128xf32, #tpu.memory_space<vmem>>, vector<1x16xf32>,
      %get3A_1008 = vector.shape_cast %get3A_1007 : vector<1x16xf32> to vector<16xf32>
      %add3A_1009 = arith.constant 16 : i32
      %add3A_1010 = arith.addi %multiple_of3A_1001, %add3A_1009 : i32
      %get3A_1011 = arith.index_cast %add3A_998 : i32 to index
      %get3A_1012 = arith.index_cast %add3A_1010 : i32 to index
      %get3A_1013 = tpu.vector_load %arg13[%get3A_1011, %get3A_1012] {strides = array<i32>} : memref<128x128xf32, #tpu.memory_space<vmem>>, vector<1x16xf32>,
      %get3A_1014 = vector.shape_cast %get3A_1013 : vector<1x16xf32> to vector<16xf32>
      %get3A_1015 = arith.index_cast %add3A_998 : i32 to index
      %get3A_1016 = arith.index_cast %multiple_of3A_1004 : i32 to index
      %get3A_1017 = tpu.vector_load %arg14[%get3A_1015, %get3A_1016] {strides = array<i32>} : memref<128x128xf32, #tpu.memory_space<vmem>>, vector<1x16xf32>,
      %get3A_1018 = vector.shape_cast %get3A_1017 : vector<1x16xf32> to vector<16xf32>
      %add3A_1019 = arith.constant 16 : i32
      %add3A_1020 = arith.addi %multiple_of3A_1004, %add3A_1019 : i32
      %get3A_1021 = arith.index_cast %add3A_998 : i32 to index
      %get3A_1022 = arith.index_cast %add3A_1020 : i32 to index
      %get3A_1023 = tpu.vector_load %arg14[%get3A_1021, %get3A_1022] {strides = array<i32>} : memref<128x128xf32, #tpu.memory_space<vmem>>, vector<1x16xf32>,
      %get3A_1024 = vector.shape_cast %get3A_1023 : vector<1x16xf32> to vector<16xf32>
      %mul3A_1025 = arith.mulf %get3A_1008, %get3A_1018 : vector<16xf32>
      %mul3A_1026 = arith.mulf %get3A_1014, %get3A_1024 : vector<16xf32>
      %add3A_1027 = arith.addf %mul3A_1025, %mul3A_1026 : vector<16xf32>
      %add3A_1028 = arith.constant 8 : i32
      %add3A_1029 = vector.broadcast %add3A_1028 : i32 to vector<16xi32>
      %add3A_1030 = arith.addi %iota3A, %add3A_1029 : vector<16xi32>
      %and3A_1031 = arith.constant 15 : i32
      %and3A_1032 = vector.broadcast %and3A_1031 : i32 to vector<16xi32>
      %and3A_1033 = arith.andi %add3A_1030, %and3A_1032 : vector<16xi32>
      %broadcast_in_dim3A_1034 = vector.shape_cast %and3A_1033 : vector<16xi32> to vector<16x1xi32>
      %gather3A_1035 = vector.shape_cast %broadcast_in_dim3A_1034 : vector<16x1xi32> to vector<16xi32>
      %gather3A_1036 = tpu.dynamic_gather %add3A_1027[%gather3A_1035] in [0] : vector<16xf32>, vector<16xi32> -> vector<16xf32>
      %add3A_1037 = arith.addf %add3A_1027, %gather3A_1036 : vector<16xf32>
      %add3A_1038 = arith.constant 4 : i32
      %add3A_1039 = vector.broadcast %add3A_1038 : i32 to vector<16xi32>
      %add3A_1040 = arith.addi %iota3A, %add3A_1039 : vector<16xi32>
      %and3A_1041 = arith.constant 15 : i32
      %and3A_1042 = vector.broadcast %and3A_1041 : i32 to vector<16xi32>
      %and3A_1043 = arith.andi %add3A_1040, %and3A_1042 : vector<16xi32>
      %broadcast_in_dim3A_1044 = vector.shape_cast %and3A_1043 : vector<16xi32> to vector<16x1xi32>
      %gather3A_1045 = vector.shape_cast %broadcast_in_dim3A_1044 : vector<16x1xi32> to vector<16xi32>
      %gather3A_1046 = tpu.dynamic_gather %add3A_1037[%gather3A_1045] in [0] : vector<16xf32>, vector<16xi32> -> vector<16xf32>
      %add3A_1047 = arith.addf %add3A_1037, %gather3A_1046 : vector<16xf32>
      %add3A_1048 = arith.constant 2 : i32
      %add3A_1049 = vector.broadcast %add3A_1048 : i32 to vector<16xi32>
      %add3A_1050 = arith.addi %iota3A, %add3A_1049 : vector<16xi32>
      %and3A_1051 = arith.constant 15 : i32
      %and3A_1052 = vector.broadcast %and3A_1051 : i32 to vector<16xi32>
      %and3A_1053 = arith.andi %add3A_1050, %and3A_1052 : vector<16xi32>
      %broadcast_in_dim3A_1054 = vector.shape_cast %and3A_1053 : vector<16xi32> to vector<16x1xi32>
      %gather3A_1055 = vector.shape_cast %broadcast_in_dim3A_1054 : vector<16x1xi32> to vector<16xi32>
      %gather3A_1056 = tpu.dynamic_gather %add3A_1047[%gather3A_1055] in [0] : vector<16xf32>, vector<16xi32> -> vector<16xf32>
      %add3A_1057 = arith.addf %add3A_1047, %gather3A_1056 : vector<16xf32>
      %add3A_1058 = arith.constant 1 : i32
      %add3A_1059 = vector.broadcast %add3A_1058 : i32 to vector<16xi32>
      %add3A_1060 = arith.addi %iota3A, %add3A_1059 : vector<16xi32>
      %and3A_1061 = arith.constant 15 : i32
      %and3A_1062 = vector.broadcast %and3A_1061 : i32 to vector<16xi32>
      %and3A_1063 = arith.andi %add3A_1060, %and3A_1062 : vector<16xi32>
      %broadcast_in_dim3A_1064 = vector.shape_cast %and3A_1063 : vector<16xi32> to vector<16x1xi32>
      %gather3A_1065 = vector.shape_cast %broadcast_in_dim3A_1064 : vector<16x1xi32> to vector<16xi32>
      %gather3A_1066 = tpu.dynamic_gather %add3A_1057[%gather3A_1065] in [0] : vector<16xf32>, vector<16xi32> -> vector<16xf32>
      %add3A_1067 = arith.addf %add3A_1057, %gather3A_1066 : vector<16xf32>
      %eq3A_1068 = arith.constant 11 : i32
      %eq3A_1069 = vector.broadcast %eq3A_1068 : i32 to vector<16xi32>
      %eq3A_1070 = arith.cmpi eq, %iota3A, %eq3A_1069 : vector<16xi32>
      %select_n3A_1071 = arith.select %eq3A_1070, %add3A_1067, %select_n3A_994 : vector<16xi1>, vector<16xf32>
      %mul3A_1072 = arith.constant 16 : i32
      %mul3A_1073 = arith.muli %scan3A_140, %mul3A_1072 : i32
      %add3A_1074 = arith.constant 12 : i32
      %add3A_1075 = arith.addi %mul3A_1073, %add3A_1074 : i32
      %slice3A_1076 = vector.extract_strided_slice %get3A_147 {offsets = [12], sizes = [1], strides = [1]} : vector<16xi32> to vector<1xi32>
      %squeeze3A_1077 = vector.extract %slice3A_1076[0] : i32 from vector<1xi32>
      %multiple_of3A_1078 = tpu.assume_multiple %squeeze3A_1077, 32 : i32
      %slice3A_1079 = vector.extract_strided_slice %get3A_154 {offsets = [12], sizes = [1], strides = [1]} : vector<16xi32> to vector<1xi32>
      %squeeze3A_1080 = vector.extract %slice3A_1079[0] : i32 from vector<1xi32>
      %multiple_of3A_1081 = tpu.assume_multiple %squeeze3A_1080, 32 : i32
      %get3A_1082 = arith.index_cast %add3A_1075 : i32 to index
      %get3A_1083 = arith.index_cast %multiple_of3A_1078 : i32 to index
      %get3A_1084 = tpu.vector_load %arg13[%get3A_1082, %get3A_1083] {strides = array<i32>} : memref<128x128xf32, #tpu.memory_space<vmem>>, vector<1x16xf32>,
      %get3A_1085 = vector.shape_cast %get3A_1084 : vector<1x16xf32> to vector<16xf32>
      %add3A_1086 = arith.constant 16 : i32
      %add3A_1087 = arith.addi %multiple_of3A_1078, %add3A_1086 : i32
      %get3A_1088 = arith.index_cast %add3A_1075 : i32 to index
      %get3A_1089 = arith.index_cast %add3A_1087 : i32 to index
      %get3A_1090 = tpu.vector_load %arg13[%get3A_1088, %get3A_1089] {strides = array<i32>} : memref<128x128xf32, #tpu.memory_space<vmem>>, vector<1x16xf32>,
      %get3A_1091 = vector.shape_cast %get3A_1090 : vector<1x16xf32> to vector<16xf32>
      %get3A_1092 = arith.index_cast %add3A_1075 : i32 to index
      %get3A_1093 = arith.index_cast %multiple_of3A_1081 : i32 to index
      %get3A_1094 = tpu.vector_load %arg14[%get3A_1092, %get3A_1093] {strides = array<i32>} : memref<128x128xf32, #tpu.memory_space<vmem>>, vector<1x16xf32>,
      %get3A_1095 = vector.shape_cast %get3A_1094 : vector<1x16xf32> to vector<16xf32>
      %add3A_1096 = arith.constant 16 : i32
      %add3A_1097 = arith.addi %multiple_of3A_1081, %add3A_1096 : i32
      %get3A_1098 = arith.index_cast %add3A_1075 : i32 to index
      %get3A_1099 = arith.index_cast %add3A_1097 : i32 to index
      %get3A_1100 = tpu.vector_load %arg14[%get3A_1098, %get3A_1099] {strides = array<i32>} : memref<128x128xf32, #tpu.memory_space<vmem>>, vector<1x16xf32>,
      %get3A_1101 = vector.shape_cast %get3A_1100 : vector<1x16xf32> to vector<16xf32>
      %mul3A_1102 = arith.mulf %get3A_1085, %get3A_1095 : vector<16xf32>
      %mul3A_1103 = arith.mulf %get3A_1091, %get3A_1101 : vector<16xf32>
      %add3A_1104 = arith.addf %mul3A_1102, %mul3A_1103 : vector<16xf32>
      %add3A_1105 = arith.constant 8 : i32
      %add3A_1106 = vector.broadcast %add3A_1105 : i32 to vector<16xi32>
      %add3A_1107 = arith.addi %iota3A, %add3A_1106 : vector<16xi32>
      %and3A_1108 = arith.constant 15 : i32
      %and3A_1109 = vector.broadcast %and3A_1108 : i32 to vector<16xi32>
      %and3A_1110 = arith.andi %add3A_1107, %and3A_1109 : vector<16xi32>
      %broadcast_in_dim3A_1111 = vector.shape_cast %and3A_1110 : vector<16xi32> to vector<16x1xi32>
      %gather3A_1112 = vector.shape_cast %broadcast_in_dim3A_1111 : vector<16x1xi32> to vector<16xi32>
      %gather3A_1113 = tpu.dynamic_gather %add3A_1104[%gather3A_1112] in [0] : vector<16xf32>, vector<16xi32> -> vector<16xf32>
      %add3A_1114 = arith.addf %add3A_1104, %gather3A_1113 : vector<16xf32>
      %add3A_1115 = arith.constant 4 : i32
      %add3A_1116 = vector.broadcast %add3A_1115 : i32 to vector<16xi32>
      %add3A_1117 = arith.addi %iota3A, %add3A_1116 : vector<16xi32>
      %and3A_1118 = arith.constant 15 : i32
      %and3A_1119 = vector.broadcast %and3A_1118 : i32 to vector<16xi32>
      %and3A_1120 = arith.andi %add3A_1117, %and3A_1119 : vector<16xi32>
      %broadcast_in_dim3A_1121 = vector.shape_cast %and3A_1120 : vector<16xi32> to vector<16x1xi32>
      %gather3A_1122 = vector.shape_cast %broadcast_in_dim3A_1121 : vector<16x1xi32> to vector<16xi32>
      %gather3A_1123 = tpu.dynamic_gather %add3A_1114[%gather3A_1122] in [0] : vector<16xf32>, vector<16xi32> -> vector<16xf32>
      %add3A_1124 = arith.addf %add3A_1114, %gather3A_1123 : vector<16xf32>
      %add3A_1125 = arith.constant 2 : i32
      %add3A_1126 = vector.broadcast %add3A_1125 : i32 to vector<16xi32>
      %add3A_1127 = arith.addi %iota3A, %add3A_1126 : vector<16xi32>
      %and3A_1128 = arith.constant 15 : i32
      %and3A_1129 = vector.broadcast %and3A_1128 : i32 to vector<16xi32>
      %and3A_1130 = arith.andi %add3A_1127, %and3A_1129 : vector<16xi32>
      %broadcast_in_dim3A_1131 = vector.shape_cast %and3A_1130 : vector<16xi32> to vector<16x1xi32>
      %gather3A_1132 = vector.shape_cast %broadcast_in_dim3A_1131 : vector<16x1xi32> to vector<16xi32>
      %gather3A_1133 = tpu.dynamic_gather %add3A_1124[%gather3A_1132] in [0] : vector<16xf32>, vector<16xi32> -> vector<16xf32>
      %add3A_1134 = arith.addf %add3A_1124, %gather3A_1133 : vector<16xf32>
      %add3A_1135 = arith.constant 1 : i32
      %add3A_1136 = vector.broadcast %add3A_1135 : i32 to vector<16xi32>
      %add3A_1137 = arith.addi %iota3A, %add3A_1136 : vector<16xi32>
      %and3A_1138 = arith.constant 15 : i32
      %and3A_1139 = vector.broadcast %and3A_1138 : i32 to vector<16xi32>
      %and3A_1140 = arith.andi %add3A_1137, %and3A_1139 : vector<16xi32>
      %broadcast_in_dim3A_1141 = vector.shape_cast %and3A_1140 : vector<16xi32> to vector<16x1xi32>
      %gather3A_1142 = vector.shape_cast %broadcast_in_dim3A_1141 : vector<16x1xi32> to vector<16xi32>
      %gather3A_1143 = tpu.dynamic_gather %add3A_1134[%gather3A_1142] in [0] : vector<16xf32>, vector<16xi32> -> vector<16xf32>
      %add3A_1144 = arith.addf %add3A_1134, %gather3A_1143 : vector<16xf32>
      %eq3A_1145 = arith.constant 12 : i32
      %eq3A_1146 = vector.broadcast %eq3A_1145 : i32 to vector<16xi32>
      %eq3A_1147 = arith.cmpi eq, %iota3A, %eq3A_1146 : vector<16xi32>
      %select_n3A_1148 = arith.select %eq3A_1147, %add3A_1144, %select_n3A_1071 : vector<16xi1>, vector<16xf32>
      %mul3A_1149 = arith.constant 16 : i32
      %mul3A_1150 = arith.muli %scan3A_140, %mul3A_1149 : i32
      %add3A_1151 = arith.constant 13 : i32
      %add3A_1152 = arith.addi %mul3A_1150, %add3A_1151 : i32
      %slice3A_1153 = vector.extract_strided_slice %get3A_147 {offsets = [13], sizes = [1], strides = [1]} : vector<16xi32> to vector<1xi32>
      %squeeze3A_1154 = vector.extract %slice3A_1153[0] : i32 from vector<1xi32>
      %multiple_of3A_1155 = tpu.assume_multiple %squeeze3A_1154, 32 : i32
      %slice3A_1156 = vector.extract_strided_slice %get3A_154 {offsets = [13], sizes = [1], strides = [1]} : vector<16xi32> to vector<1xi32>
      %squeeze3A_1157 = vector.extract %slice3A_1156[0] : i32 from vector<1xi32>
      %multiple_of3A_1158 = tpu.assume_multiple %squeeze3A_1157, 32 : i32
      %get3A_1159 = arith.index_cast %add3A_1152 : i32 to index
      %get3A_1160 = arith.index_cast %multiple_of3A_1155 : i32 to index
      %get3A_1161 = tpu.vector_load %arg13[%get3A_1159, %get3A_1160] {strides = array<i32>} : memref<128x128xf32, #tpu.memory_space<vmem>>, vector<1x16xf32>,
      %get3A_1162 = vector.shape_cast %get3A_1161 : vector<1x16xf32> to vector<16xf32>
      %add3A_1163 = arith.constant 16 : i32
      %add3A_1164 = arith.addi %multiple_of3A_1155, %add3A_1163 : i32
      %get3A_1165 = arith.index_cast %add3A_1152 : i32 to index
      %get3A_1166 = arith.index_cast %add3A_1164 : i32 to index
      %get3A_1167 = tpu.vector_load %arg13[%get3A_1165, %get3A_1166] {strides = array<i32>} : memref<128x128xf32, #tpu.memory_space<vmem>>, vector<1x16xf32>,
      %get3A_1168 = vector.shape_cast %get3A_1167 : vector<1x16xf32> to vector<16xf32>
      %get3A_1169 = arith.index_cast %add3A_1152 : i32 to index
      %get3A_1170 = arith.index_cast %multiple_of3A_1158 : i32 to index
      %get3A_1171 = tpu.vector_load %arg14[%get3A_1169, %get3A_1170] {strides = array<i32>} : memref<128x128xf32, #tpu.memory_space<vmem>>, vector<1x16xf32>,
      %get3A_1172 = vector.shape_cast %get3A_1171 : vector<1x16xf32> to vector<16xf32>
      %add3A_1173 = arith.constant 16 : i32
      %add3A_1174 = arith.addi %multiple_of3A_1158, %add3A_1173 : i32
      %get3A_1175 = arith.index_cast %add3A_1152 : i32 to index
      %get3A_1176 = arith.index_cast %add3A_1174 : i32 to index
      %get3A_1177 = tpu.vector_load %arg14[%get3A_1175, %get3A_1176] {strides = array<i32>} : memref<128x128xf32, #tpu.memory_space<vmem>>, vector<1x16xf32>,
      %get3A_1178 = vector.shape_cast %get3A_1177 : vector<1x16xf32> to vector<16xf32>
      %mul3A_1179 = arith.mulf %get3A_1162, %get3A_1172 : vector<16xf32>
      %mul3A_1180 = arith.mulf %get3A_1168, %get3A_1178 : vector<16xf32>
      %add3A_1181 = arith.addf %mul3A_1179, %mul3A_1180 : vector<16xf32>
      %add3A_1182 = arith.constant 8 : i32
      %add3A_1183 = vector.broadcast %add3A_1182 : i32 to vector<16xi32>
      %add3A_1184 = arith.addi %iota3A, %add3A_1183 : vector<16xi32>
      %and3A_1185 = arith.constant 15 : i32
      %and3A_1186 = vector.broadcast %and3A_1185 : i32 to vector<16xi32>
      %and3A_1187 = arith.andi %add3A_1184, %and3A_1186 : vector<16xi32>
      %broadcast_in_dim3A_1188 = vector.shape_cast %and3A_1187 : vector<16xi32> to vector<16x1xi32>
      %gather3A_1189 = vector.shape_cast %broadcast_in_dim3A_1188 : vector<16x1xi32> to vector<16xi32>
      %gather3A_1190 = tpu.dynamic_gather %add3A_1181[%gather3A_1189] in [0] : vector<16xf32>, vector<16xi32> -> vector<16xf32>
      %add3A_1191 = arith.addf %add3A_1181, %gather3A_1190 : vector<16xf32>
      %add3A_1192 = arith.constant 4 : i32
      %add3A_1193 = vector.broadcast %add3A_1192 : i32 to vector<16xi32>
      %add3A_1194 = arith.addi %iota3A, %add3A_1193 : vector<16xi32>
      %and3A_1195 = arith.constant 15 : i32
      %and3A_1196 = vector.broadcast %and3A_1195 : i32 to vector<16xi32>
      %and3A_1197 = arith.andi %add3A_1194, %and3A_1196 : vector<16xi32>
      %broadcast_in_dim3A_1198 = vector.shape_cast %and3A_1197 : vector<16xi32> to vector<16x1xi32>
      %gather3A_1199 = vector.shape_cast %broadcast_in_dim3A_1198 : vector<16x1xi32> to vector<16xi32>
      %gather3A_1200 = tpu.dynamic_gather %add3A_1191[%gather3A_1199] in [0] : vector<16xf32>, vector<16xi32> -> vector<16xf32>
      %add3A_1201 = arith.addf %add3A_1191, %gather3A_1200 : vector<16xf32>
      %add3A_1202 = arith.constant 2 : i32
      %add3A_1203 = vector.broadcast %add3A_1202 : i32 to vector<16xi32>
      %add3A_1204 = arith.addi %iota3A, %add3A_1203 : vector<16xi32>
      %and3A_1205 = arith.constant 15 : i32
      %and3A_1206 = vector.broadcast %and3A_1205 : i32 to vector<16xi32>
      %and3A_1207 = arith.andi %add3A_1204, %and3A_1206 : vector<16xi32>
      %broadcast_in_dim3A_1208 = vector.shape_cast %and3A_1207 : vector<16xi32> to vector<16x1xi32>
      %gather3A_1209 = vector.shape_cast %broadcast_in_dim3A_1208 : vector<16x1xi32> to vector<16xi32>
      %gather3A_1210 = tpu.dynamic_gather %add3A_1201[%gather3A_1209] in [0] : vector<16xf32>, vector<16xi32> -> vector<16xf32>
      %add3A_1211 = arith.addf %add3A_1201, %gather3A_1210 : vector<16xf32>
      %add3A_1212 = arith.constant 1 : i32
      %add3A_1213 = vector.broadcast %add3A_1212 : i32 to vector<16xi32>
      %add3A_1214 = arith.addi %iota3A, %add3A_1213 : vector<16xi32>
      %and3A_1215 = arith.constant 15 : i32
      %and3A_1216 = vector.broadcast %and3A_1215 : i32 to vector<16xi32>
      %and3A_1217 = arith.andi %add3A_1214, %and3A_1216 : vector<16xi32>
      %broadcast_in_dim3A_1218 = vector.shape_cast %and3A_1217 : vector<16xi32> to vector<16x1xi32>
      %gather3A_1219 = vector.shape_cast %broadcast_in_dim3A_1218 : vector<16x1xi32> to vector<16xi32>
      %gather3A_1220 = tpu.dynamic_gather %add3A_1211[%gather3A_1219] in [0] : vector<16xf32>, vector<16xi32> -> vector<16xf32>
      %add3A_1221 = arith.addf %add3A_1211, %gather3A_1220 : vector<16xf32>
      %eq3A_1222 = arith.constant 13 : i32
      %eq3A_1223 = vector.broadcast %eq3A_1222 : i32 to vector<16xi32>
      %eq3A_1224 = arith.cmpi eq, %iota3A, %eq3A_1223 : vector<16xi32>
      %select_n3A_1225 = arith.select %eq3A_1224, %add3A_1221, %select_n3A_1148 : vector<16xi1>, vector<16xf32>
      %mul3A_1226 = arith.constant 16 : i32
      %mul3A_1227 = arith.muli %scan3A_140, %mul3A_1226 : i32
      %add3A_1228 = arith.constant 14 : i32
      %add3A_1229 = arith.addi %mul3A_1227, %add3A_1228 : i32
      %slice3A_1230 = vector.extract_strided_slice %get3A_147 {offsets = [14], sizes = [1], strides = [1]} : vector<16xi32> to vector<1xi32>
      %squeeze3A_1231 = vector.extract %slice3A_1230[0] : i32 from vector<1xi32>
      %multiple_of3A_1232 = tpu.assume_multiple %squeeze3A_1231, 32 : i32
      %slice3A_1233 = vector.extract_strided_slice %get3A_154 {offsets = [14], sizes = [1], strides = [1]} : vector<16xi32> to vector<1xi32>
      %squeeze3A_1234 = vector.extract %slice3A_1233[0] : i32 from vector<1xi32>
      %multiple_of3A_1235 = tpu.assume_multiple %squeeze3A_1234, 32 : i32
      %get3A_1236 = arith.index_cast %add3A_1229 : i32 to index
      %get3A_1237 = arith.index_cast %multiple_of3A_1232 : i32 to index
      %get3A_1238 = tpu.vector_load %arg13[%get3A_1236, %get3A_1237] {strides = array<i32>} : memref<128x128xf32, #tpu.memory_space<vmem>>, vector<1x16xf32>,
      %get3A_1239 = vector.shape_cast %get3A_1238 : vector<1x16xf32> to vector<16xf32>
      %add3A_1240 = arith.constant 16 : i32
      %add3A_1241 = arith.addi %multiple_of3A_1232, %add3A_1240 : i32
      %get3A_1242 = arith.index_cast %add3A_1229 : i32 to index
      %get3A_1243 = arith.index_cast %add3A_1241 : i32 to index
      %get3A_1244 = tpu.vector_load %arg13[%get3A_1242, %get3A_1243] {strides = array<i32>} : memref<128x128xf32, #tpu.memory_space<vmem>>, vector<1x16xf32>,
      %get3A_1245 = vector.shape_cast %get3A_1244 : vector<1x16xf32> to vector<16xf32>
      %get3A_1246 = arith.index_cast %add3A_1229 : i32 to index
      %get3A_1247 = arith.index_cast %multiple_of3A_1235 : i32 to index
      %get3A_1248 = tpu.vector_load %arg14[%get3A_1246, %get3A_1247] {strides = array<i32>} : memref<128x128xf32, #tpu.memory_space<vmem>>, vector<1x16xf32>,
      %get3A_1249 = vector.shape_cast %get3A_1248 : vector<1x16xf32> to vector<16xf32>
      %add3A_1250 = arith.constant 16 : i32
      %add3A_1251 = arith.addi %multiple_of3A_1235, %add3A_1250 : i32
      %get3A_1252 = arith.index_cast %add3A_1229 : i32 to index
      %get3A_1253 = arith.index_cast %add3A_1251 : i32 to index
      %get3A_1254 = tpu.vector_load %arg14[%get3A_1252, %get3A_1253] {strides = array<i32>} : memref<128x128xf32, #tpu.memory_space<vmem>>, vector<1x16xf32>,
      %get3A_1255 = vector.shape_cast %get3A_1254 : vector<1x16xf32> to vector<16xf32>
      %mul3A_1256 = arith.mulf %get3A_1239, %get3A_1249 : vector<16xf32>
      %mul3A_1257 = arith.mulf %get3A_1245, %get3A_1255 : vector<16xf32>
      %add3A_1258 = arith.addf %mul3A_1256, %mul3A_1257 : vector<16xf32>
      %add3A_1259 = arith.constant 8 : i32
      %add3A_1260 = vector.broadcast %add3A_1259 : i32 to vector<16xi32>
      %add3A_1261 = arith.addi %iota3A, %add3A_1260 : vector<16xi32>
      %and3A_1262 = arith.constant 15 : i32
      %and3A_1263 = vector.broadcast %and3A_1262 : i32 to vector<16xi32>
      %and3A_1264 = arith.andi %add3A_1261, %and3A_1263 : vector<16xi32>
      %broadcast_in_dim3A_1265 = vector.shape_cast %and3A_1264 : vector<16xi32> to vector<16x1xi32>
      %gather3A_1266 = vector.shape_cast %broadcast_in_dim3A_1265 : vector<16x1xi32> to vector<16xi32>
      %gather3A_1267 = tpu.dynamic_gather %add3A_1258[%gather3A_1266] in [0] : vector<16xf32>, vector<16xi32> -> vector<16xf32>
      %add3A_1268 = arith.addf %add3A_1258, %gather3A_1267 : vector<16xf32>
      %add3A_1269 = arith.constant 4 : i32
      %add3A_1270 = vector.broadcast %add3A_1269 : i32 to vector<16xi32>
      %add3A_1271 = arith.addi %iota3A, %add3A_1270 : vector<16xi32>
      %and3A_1272 = arith.constant 15 : i32
      %and3A_1273 = vector.broadcast %and3A_1272 : i32 to vector<16xi32>
      %and3A_1274 = arith.andi %add3A_1271, %and3A_1273 : vector<16xi32>
      %broadcast_in_dim3A_1275 = vector.shape_cast %and3A_1274 : vector<16xi32> to vector<16x1xi32>
      %gather3A_1276 = vector.shape_cast %broadcast_in_dim3A_1275 : vector<16x1xi32> to vector<16xi32>
      %gather3A_1277 = tpu.dynamic_gather %add3A_1268[%gather3A_1276] in [0] : vector<16xf32>, vector<16xi32> -> vector<16xf32>
      %add3A_1278 = arith.addf %add3A_1268, %gather3A_1277 : vector<16xf32>
      %add3A_1279 = arith.constant 2 : i32
      %add3A_1280 = vector.broadcast %add3A_1279 : i32 to vector<16xi32>
      %add3A_1281 = arith.addi %iota3A, %add3A_1280 : vector<16xi32>
      %and3A_1282 = arith.constant 15 : i32
      %and3A_1283 = vector.broadcast %and3A_1282 : i32 to vector<16xi32>
      %and3A_1284 = arith.andi %add3A_1281, %and3A_1283 : vector<16xi32>
      %broadcast_in_dim3A_1285 = vector.shape_cast %and3A_1284 : vector<16xi32> to vector<16x1xi32>
      %gather3A_1286 = vector.shape_cast %broadcast_in_dim3A_1285 : vector<16x1xi32> to vector<16xi32>
      %gather3A_1287 = tpu.dynamic_gather %add3A_1278[%gather3A_1286] in [0] : vector<16xf32>, vector<16xi32> -> vector<16xf32>
      %add3A_1288 = arith.addf %add3A_1278, %gather3A_1287 : vector<16xf32>
      %add3A_1289 = arith.constant 1 : i32
      %add3A_1290 = vector.broadcast %add3A_1289 : i32 to vector<16xi32>
      %add3A_1291 = arith.addi %iota3A, %add3A_1290 : vector<16xi32>
      %and3A_1292 = arith.constant 15 : i32
      %and3A_1293 = vector.broadcast %and3A_1292 : i32 to vector<16xi32>
      %and3A_1294 = arith.andi %add3A_1291, %and3A_1293 : vector<16xi32>
      %broadcast_in_dim3A_1295 = vector.shape_cast %and3A_1294 : vector<16xi32> to vector<16x1xi32>
      %gather3A_1296 = vector.shape_cast %broadcast_in_dim3A_1295 : vector<16x1xi32> to vector<16xi32>
      %gather3A_1297 = tpu.dynamic_gather %add3A_1288[%gather3A_1296] in [0] : vector<16xf32>, vector<16xi32> -> vector<16xf32>
      %add3A_1298 = arith.addf %add3A_1288, %gather3A_1297 : vector<16xf32>
      %eq3A_1299 = arith.constant 14 : i32
      %eq3A_1300 = vector.broadcast %eq3A_1299 : i32 to vector<16xi32>
      %eq3A_1301 = arith.cmpi eq, %iota3A, %eq3A_1300 : vector<16xi32>
      %select_n3A_1302 = arith.select %eq3A_1301, %add3A_1298, %select_n3A_1225 : vector<16xi1>, vector<16xf32>
      %mul3A_1303 = arith.constant 16 : i32
      %mul3A_1304 = arith.muli %scan3A_140, %mul3A_1303 : i32
      %add3A_1305 = arith.constant 15 : i32
      %add3A_1306 = arith.addi %mul3A_1304, %add3A_1305 : i32
      %slice3A_1307 = vector.extract_strided_slice %get3A_147 {offsets = [15], sizes = [1], strides = [1]} : vector<16xi32> to vector<1xi32>
      %squeeze3A_1308 = vector.extract %slice3A_1307[0] : i32 from vector<1xi32>
      %multiple_of3A_1309 = tpu.assume_multiple %squeeze3A_1308, 32 : i32
      %slice3A_1310 = vector.extract_strided_slice %get3A_154 {offsets = [15], sizes = [1], strides = [1]} : vector<16xi32> to vector<1xi32>
      %squeeze3A_1311 = vector.extract %slice3A_1310[0] : i32 from vector<1xi32>
      %multiple_of3A_1312 = tpu.assume_multiple %squeeze3A_1311, 32 : i32
      %get3A_1313 = arith.index_cast %add3A_1306 : i32 to index
      %get3A_1314 = arith.index_cast %multiple_of3A_1309 : i32 to index
      %get3A_1315 = tpu.vector_load %arg13[%get3A_1313, %get3A_1314] {strides = array<i32>} : memref<128x128xf32, #tpu.memory_space<vmem>>, vector<1x16xf32>,
      %get3A_1316 = vector.shape_cast %get3A_1315 : vector<1x16xf32> to vector<16xf32>
      %add3A_1317 = arith.constant 16 : i32
      %add3A_1318 = arith.addi %multiple_of3A_1309, %add3A_1317 : i32
      %get3A_1319 = arith.index_cast %add3A_1306 : i32 to index
      %get3A_1320 = arith.index_cast %add3A_1318 : i32 to index
      %get3A_1321 = tpu.vector_load %arg13[%get3A_1319, %get3A_1320] {strides = array<i32>} : memref<128x128xf32, #tpu.memory_space<vmem>>, vector<1x16xf32>,
      %get3A_1322 = vector.shape_cast %get3A_1321 : vector<1x16xf32> to vector<16xf32>
      %get3A_1323 = arith.index_cast %add3A_1306 : i32 to index
      %get3A_1324 = arith.index_cast %multiple_of3A_1312 : i32 to index
      %get3A_1325 = tpu.vector_load %arg14[%get3A_1323, %get3A_1324] {strides = array<i32>} : memref<128x128xf32, #tpu.memory_space<vmem>>, vector<1x16xf32>,
      %get3A_1326 = vector.shape_cast %get3A_1325 : vector<1x16xf32> to vector<16xf32>
      %add3A_1327 = arith.constant 16 : i32
      %add3A_1328 = arith.addi %multiple_of3A_1312, %add3A_1327 : i32
      %get3A_1329 = arith.index_cast %add3A_1306 : i32 to index
      %get3A_1330 = arith.index_cast %add3A_1328 : i32 to index
      %get3A_1331 = tpu.vector_load %arg14[%get3A_1329, %get3A_1330] {strides = array<i32>} : memref<128x128xf32, #tpu.memory_space<vmem>>, vector<1x16xf32>,
      %get3A_1332 = vector.shape_cast %get3A_1331 : vector<1x16xf32> to vector<16xf32>
      %mul3A_1333 = arith.mulf %get3A_1316, %get3A_1326 : vector<16xf32>
      %mul3A_1334 = arith.mulf %get3A_1322, %get3A_1332 : vector<16xf32>
      %add3A_1335 = arith.addf %mul3A_1333, %mul3A_1334 : vector<16xf32>
      %add3A_1336 = arith.constant 8 : i32
      %add3A_1337 = vector.broadcast %add3A_1336 : i32 to vector<16xi32>
      %add3A_1338 = arith.addi %iota3A, %add3A_1337 : vector<16xi32>
      %and3A_1339 = arith.constant 15 : i32
      %and3A_1340 = vector.broadcast %and3A_1339 : i32 to vector<16xi32>
      %and3A_1341 = arith.andi %add3A_1338, %and3A_1340 : vector<16xi32>
      %broadcast_in_dim3A_1342 = vector.shape_cast %and3A_1341 : vector<16xi32> to vector<16x1xi32>
      %gather3A_1343 = vector.shape_cast %broadcast_in_dim3A_1342 : vector<16x1xi32> to vector<16xi32>
      %gather3A_1344 = tpu.dynamic_gather %add3A_1335[%gather3A_1343] in [0] : vector<16xf32>, vector<16xi32> -> vector<16xf32>
      %add3A_1345 = arith.addf %add3A_1335, %gather3A_1344 : vector<16xf32>
      %add3A_1346 = arith.constant 4 : i32
      %add3A_1347 = vector.broadcast %add3A_1346 : i32 to vector<16xi32>
      %add3A_1348 = arith.addi %iota3A, %add3A_1347 : vector<16xi32>
      %and3A_1349 = arith.constant 15 : i32
      %and3A_1350 = vector.broadcast %and3A_1349 : i32 to vector<16xi32>
      %and3A_1351 = arith.andi %add3A_1348, %and3A_1350 : vector<16xi32>
      %broadcast_in_dim3A_1352 = vector.shape_cast %and3A_1351 : vector<16xi32> to vector<16x1xi32>
      %gather3A_1353 = vector.shape_cast %broadcast_in_dim3A_1352 : vector<16x1xi32> to vector<16xi32>
      %gather3A_1354 = tpu.dynamic_gather %add3A_1345[%gather3A_1353] in [0] : vector<16xf32>, vector<16xi32> -> vector<16xf32>
      %add3A_1355 = arith.addf %add3A_1345, %gather3A_1354 : vector<16xf32>
      %add3A_1356 = arith.constant 2 : i32
      %add3A_1357 = vector.broadcast %add3A_1356 : i32 to vector<16xi32>
      %add3A_1358 = arith.addi %iota3A, %add3A_1357 : vector<16xi32>
      %and3A_1359 = arith.constant 15 : i32
      %and3A_1360 = vector.broadcast %and3A_1359 : i32 to vector<16xi32>
      %and3A_1361 = arith.andi %add3A_1358, %and3A_1360 : vector<16xi32>
      %broadcast_in_dim3A_1362 = vector.shape_cast %and3A_1361 : vector<16xi32> to vector<16x1xi32>
      %gather3A_1363 = vector.shape_cast %broadcast_in_dim3A_1362 : vector<16x1xi32> to vector<16xi32>
      %gather3A_1364 = tpu.dynamic_gather %add3A_1355[%gather3A_1363] in [0] : vector<16xf32>, vector<16xi32> -> vector<16xf32>
      %add3A_1365 = arith.addf %add3A_1355, %gather3A_1364 : vector<16xf32>
      %add3A_1366 = arith.constant 1 : i32
      %add3A_1367 = vector.broadcast %add3A_1366 : i32 to vector<16xi32>
      %add3A_1368 = arith.addi %iota3A, %add3A_1367 : vector<16xi32>
      %and3A_1369 = arith.constant 15 : i32
      %and3A_1370 = vector.broadcast %and3A_1369 : i32 to vector<16xi32>
      %and3A_1371 = arith.andi %add3A_1368, %and3A_1370 : vector<16xi32>
      %broadcast_in_dim3A_1372 = vector.shape_cast %and3A_1371 : vector<16xi32> to vector<16x1xi32>
      %gather3A_1373 = vector.shape_cast %broadcast_in_dim3A_1372 : vector<16x1xi32> to vector<16xi32>
      %gather3A_1374 = tpu.dynamic_gather %add3A_1365[%gather3A_1373] in [0] : vector<16xf32>, vector<16xi32> -> vector<16xf32>
      %add3A_1375 = arith.addf %add3A_1365, %gather3A_1374 : vector<16xf32>
      %eq3A_1376 = arith.constant 15 : i32
      %eq3A_1377 = vector.broadcast %eq3A_1376 : i32 to vector<16xi32>
      %eq3A_1378 = arith.cmpi eq, %iota3A, %eq3A_1377 : vector<16xi32>
      %select_n3A_1379 = arith.select %eq3A_1378, %add3A_1375, %select_n3A_1302 : vector<16xi1>, vector<16xf32>
      %mul3A_1380 = arith.constant 16 : i32
      %mul3A_1381 = arith.muli %scan3A_140, %mul3A_1380 : i32
      %add3A_1382 = arith.constant 0 : i32
      %add3A_1383 = arith.addi %add3A_1382, %mul3A_1381 : i32
      %swap3A = arith.index_cast %add3A_1383 : i32 to index
      %swap3A_1384 = tpu.vector_load %arg15[%swap3A] {strides = array<i32>} : memref<512xf32, #tpu.memory_space<vmem>>, vector<16xf32>,
      %swap3A_1385 = vector.shape_cast %swap3A_1384 : vector<16xf32> to vector<16xf32>
      %swap3A_1386 = vector.shape_cast %select_n3A_1379 : vector<16xf32> to vector<16xf32>
      tpu.vector_store %arg15[%swap3A], %swap3A_1386 {strides = array<i32>} : memref<512xf32, #tpu.memory_space<vmem>>, vector<16xf32>,
    }
    %scan3A_37 = arith.constant 8 : i32
    %dma_start3A_38 = arith.constant 1 : i32
    %dma_start3A_39 = arith.constant 0 : i32
    %dma_start3A_40 = tpu.memref_slice %arg9[%dma_start3A_38, %dma_start3A_39] : memref<4x128xi32, #tpu.memory_space<vmem>> -> memref<1x128xi32, #tpu.memory_space<vmem>>
    %dma_start3A_41 = tpu.memref_squeeze %dma_start3A_40 : memref<1x128xi32, #tpu.memory_space<vmem>> -> memref<128xi32, #tpu.memory_space<vmem>>
    %dma_start3A_42 = arith.constant 0 : i32
    %dma_start3A_43 = arith.constant 0 : i32
    %dma_start3A_44 = tpu.memref_slice %arg6[%dma_start3A_42, %dma_start3A_43] : memref<250000x128xf32, #tpu.memory_space<hbm>> -> memref<250000x128xf32, #tpu.memory_space<hbm>>
    tpu.enqueue_indirect_dma source(%dma_start3A_44 : memref<250000x128xf32, #tpu.memory_space<hbm>>) target(%arg13 : memref<128x128xf32, #tpu.memory_space<vmem>>) offsets(%dma_start3A_41 : memref<128xi32, #tpu.memory_space<vmem>>) semaphore(%arg16 : memref<!tpu.dma_semaphore, #tpu.memory_space<semaphore_mem>>)
    %dma_start3A_45 = arith.constant 1 : i32
    %dma_start3A_46 = arith.constant 0 : i32
    %dma_start3A_47 = tpu.memref_slice %arg10[%dma_start3A_45, %dma_start3A_46] : memref<4x128xi32, #tpu.memory_space<vmem>> -> memref<1x128xi32, #tpu.memory_space<vmem>>
    %dma_start3A_48 = tpu.memref_squeeze %dma_start3A_47 : memref<1x128xi32, #tpu.memory_space<vmem>> -> memref<128xi32, #tpu.memory_space<vmem>>
    %dma_start3A_49 = arith.constant 0 : i32
    %dma_start3A_50 = arith.constant 0 : i32
    %dma_start3A_51 = tpu.memref_slice %arg7[%dma_start3A_49, %dma_start3A_50] : memref<250000x128xf32, #tpu.memory_space<hbm>> -> memref<250000x128xf32, #tpu.memory_space<hbm>>
    tpu.enqueue_indirect_dma source(%dma_start3A_51 : memref<250000x128xf32, #tpu.memory_space<hbm>>) target(%arg14 : memref<128x128xf32, #tpu.memory_space<vmem>>) offsets(%dma_start3A_48 : memref<128xi32, #tpu.memory_space<vmem>>) semaphore(%arg17 : memref<!tpu.dma_semaphore, #tpu.memory_space<semaphore_mem>>)
    %dma_wait3A_52 = arith.constant 1 : i32
    %dma_wait3A_53 = arith.constant 0 : i32
    %dma_wait3A_54 = tpu.memref_slice %arg9[%dma_wait3A_52, %dma_wait3A_53] : memref<4x128xi32, #tpu.memory_space<vmem>> -> memref<1x128xi32, #tpu.memory_space<vmem>>
    %dma_wait3A_55 = tpu.memref_squeeze %dma_wait3A_54 : memref<1x128xi32, #tpu.memory_space<vmem>> -> memref<128xi32, #tpu.memory_space<vmem>>
    %dma_wait3A_56 = arith.constant 0 : i32
    %dma_wait3A_57 = arith.constant 0 : i32
    %dma_wait3A_58 = tpu.memref_slice %arg6[%dma_wait3A_56, %dma_wait3A_57] : memref<250000x128xf32, #tpu.memory_space<hbm>> -> memref<250000x128xf32, #tpu.memory_space<hbm>>
    tpu.wait_indirect_dma semaphore(%arg16 : memref<!tpu.dma_semaphore, #tpu.memory_space<semaphore_mem>>) src(%dma_wait3A_58 : memref<250000x128xf32, #tpu.memory_space<hbm>>) dst(%arg13 : memref<128x128xf32, #tpu.memory_space<vmem>>)
    %dma_wait3A_59 = arith.constant 1 : i32
    %dma_wait3A_60 = arith.constant 0 : i32
    %dma_wait3A_61 = tpu.memref_slice %arg10[%dma_wait3A_59, %dma_wait3A_60] : memref<4x128xi32, #tpu.memory_space<vmem>> -> memref<1x128xi32, #tpu.memory_space<vmem>>
    %dma_wait3A_62 = tpu.memref_squeeze %dma_wait3A_61 : memref<1x128xi32, #tpu.memory_space<vmem>> -> memref<128xi32, #tpu.memory_space<vmem>>
    %dma_wait3A_63 = arith.constant 0 : i32
    %dma_wait3A_64 = arith.constant 0 : i32
    %dma_wait3A_65 = tpu.memref_slice %arg7[%dma_wait3A_63, %dma_wait3A_64] : memref<250000x128xf32, #tpu.memory_space<hbm>> -> memref<250000x128xf32, #tpu.memory_space<hbm>>
    tpu.wait_indirect_dma semaphore(%arg17 : memref<!tpu.dma_semaphore, #tpu.memory_space<semaphore_mem>>) src(%dma_wait3A_65 : memref<250000x128xf32, #tpu.memory_space<hbm>>) dst(%arg14 : memref<128x128xf32, #tpu.memory_space<vmem>>)
    %scan3A_66 = arith.constant 0 : i32
    %scan3A_67 = arith.constant 0 : i32
    %scan3A_68 = arith.constant 8 : i32
    %scan3A_69 = arith.addi %scan3A_67, %scan3A_68 : i32
    %scan3A_70 = arith.constant 1 : i32
    scf.for %scan3A_140 = %scan3A_67 to %scan3A_69 step %scan3A_70  : i32 {
      %broadcast_in_dim3A = arith.constant 0.000000e+00 : f32
      %broadcast_in_dim3A_141 = vector.broadcast %broadcast_in_dim3A : f32 to vector<16xf32>
      %mul3A_142 = arith.constant 16 : i32
      %mul3A_143 = arith.muli %scan3A_140, %mul3A_142 : i32
      %add3A_144 = arith.constant 128 : i32
      %add3A_145 = arith.addi %add3A_144, %mul3A_143 : i32
      %get3A = arith.index_cast %add3A_145 : i32 to index
      %get3A_146 = tpu.vector_load %arg11[%get3A] {strides = array<i32>} : memref<512xi32, #tpu.memory_space<vmem>>, vector<16xi32>,
      %get3A_147 = vector.shape_cast %get3A_146 : vector<16xi32> to vector<16xi32>
      %mul3A_148 = arith.constant 16 : i32
      %mul3A_149 = arith.muli %scan3A_140, %mul3A_148 : i32
      %add3A_150 = arith.constant 128 : i32
      %add3A_151 = arith.addi %add3A_150, %mul3A_149 : i32
      %get3A_152 = arith.index_cast %add3A_151 : i32 to index
      %get3A_153 = tpu.vector_load %arg12[%get3A_152] {strides = array<i32>} : memref<512xi32, #tpu.memory_space<vmem>>, vector<16xi32>,
      %get3A_154 = vector.shape_cast %get3A_153 : vector<16xi32> to vector<16xi32>
      %mul3A_155 = arith.constant 16 : i32
      %mul3A_156 = arith.muli %scan3A_140, %mul3A_155 : i32
      %add3A_157 = arith.constant 0 : i32
      %add3A_158 = arith.addi %mul3A_156, %add3A_157 : i32
      %slice3A = vector.extract_strided_slice %get3A_147 {offsets = [0], sizes = [1], strides = [1]} : vector<16xi32> to vector<1xi32>
      %squeeze3A = vector.extract %slice3A[0] : i32 from vector<1xi32>
      %multiple_of3A = tpu.assume_multiple %squeeze3A, 32 : i32
      %slice3A_159 = vector.extract_strided_slice %get3A_154 {offsets = [0], sizes = [1], strides = [1]} : vector<16xi32> to vector<1xi32>
      %squeeze3A_160 = vector.extract %slice3A_159[0] : i32 from vector<1xi32>
      %multiple_of3A_161 = tpu.assume_multiple %squeeze3A_160, 32 : i32
      %get3A_162 = arith.index_cast %add3A_158 : i32 to index
      %get3A_163 = arith.index_cast %multiple_of3A : i32 to index
      %get3A_164 = tpu.vector_load %arg13[%get3A_162, %get3A_163] {strides = array<i32>} : memref<128x128xf32, #tpu.memory_space<vmem>>, vector<1x16xf32>,
      %get3A_165 = vector.shape_cast %get3A_164 : vector<1x16xf32> to vector<16xf32>
      %add3A_166 = arith.constant 16 : i32
      %add3A_167 = arith.addi %multiple_of3A, %add3A_166 : i32
      %get3A_168 = arith.index_cast %add3A_158 : i32 to index
      %get3A_169 = arith.index_cast %add3A_167 : i32 to index
      %get3A_170 = tpu.vector_load %arg13[%get3A_168, %get3A_169] {strides = array<i32>} : memref<128x128xf32, #tpu.memory_space<vmem>>, vector<1x16xf32>,
      %get3A_171 = vector.shape_cast %get3A_170 : vector<1x16xf32> to vector<16xf32>
      %get3A_172 = arith.index_cast %add3A_158 : i32 to index
      %get3A_173 = arith.index_cast %multiple_of3A_161 : i32 to index
      %get3A_174 = tpu.vector_load %arg14[%get3A_172, %get3A_173] {strides = array<i32>} : memref<128x128xf32, #tpu.memory_space<vmem>>, vector<1x16xf32>,
      %get3A_175 = vector.shape_cast %get3A_174 : vector<1x16xf32> to vector<16xf32>
      %add3A_176 = arith.constant 16 : i32
      %add3A_177 = arith.addi %multiple_of3A_161, %add3A_176 : i32
      %get3A_178 = arith.index_cast %add3A_158 : i32 to index
      %get3A_179 = arith.index_cast %add3A_177 : i32 to index
      %get3A_180 = tpu.vector_load %arg14[%get3A_178, %get3A_179] {strides = array<i32>} : memref<128x128xf32, #tpu.memory_space<vmem>>, vector<1x16xf32>,
      %get3A_181 = vector.shape_cast %get3A_180 : vector<1x16xf32> to vector<16xf32>
      %mul3A_182 = arith.mulf %get3A_165, %get3A_175 : vector<16xf32>
      %mul3A_183 = arith.mulf %get3A_171, %get3A_181 : vector<16xf32>
      %add3A_184 = arith.addf %mul3A_182, %mul3A_183 : vector<16xf32>
      %add3A_185 = arith.constant 8 : i32
      %add3A_186 = vector.broadcast %add3A_185 : i32 to vector<16xi32>
      %add3A_187 = arith.addi %iota3A, %add3A_186 : vector<16xi32>
      %and3A = arith.constant 15 : i32
      %and3A_188 = vector.broadcast %and3A : i32 to vector<16xi32>
      %and3A_189 = arith.andi %add3A_187, %and3A_188 : vector<16xi32>
      %broadcast_in_dim3A_190 = vector.shape_cast %and3A_189 : vector<16xi32> to vector<16x1xi32>
      %gather3A = vector.shape_cast %broadcast_in_dim3A_190 : vector<16x1xi32> to vector<16xi32>
      %gather3A_191 = tpu.dynamic_gather %add3A_184[%gather3A] in [0] : vector<16xf32>, vector<16xi32> -> vector<16xf32>
      %add3A_192 = arith.addf %add3A_184, %gather3A_191 : vector<16xf32>
      %add3A_193 = arith.constant 4 : i32
      %add3A_194 = vector.broadcast %add3A_193 : i32 to vector<16xi32>
      %add3A_195 = arith.addi %iota3A, %add3A_194 : vector<16xi32>
      %and3A_196 = arith.constant 15 : i32
      %and3A_197 = vector.broadcast %and3A_196 : i32 to vector<16xi32>
      %and3A_198 = arith.andi %add3A_195, %and3A_197 : vector<16xi32>
      %broadcast_in_dim3A_199 = vector.shape_cast %and3A_198 : vector<16xi32> to vector<16x1xi32>
      %gather3A_200 = vector.shape_cast %broadcast_in_dim3A_199 : vector<16x1xi32> to vector<16xi32>
      %gather3A_201 = tpu.dynamic_gather %add3A_192[%gather3A_200] in [0] : vector<16xf32>, vector<16xi32> -> vector<16xf32>
      %add3A_202 = arith.addf %add3A_192, %gather3A_201 : vector<16xf32>
      %add3A_203 = arith.constant 2 : i32
      %add3A_204 = vector.broadcast %add3A_203 : i32 to vector<16xi32>
      %add3A_205 = arith.addi %iota3A, %add3A_204 : vector<16xi32>
      %and3A_206 = arith.constant 15 : i32
      %and3A_207 = vector.broadcast %and3A_206 : i32 to vector<16xi32>
      %and3A_208 = arith.andi %add3A_205, %and3A_207 : vector<16xi32>
      %broadcast_in_dim3A_209 = vector.shape_cast %and3A_208 : vector<16xi32> to vector<16x1xi32>
      %gather3A_210 = vector.shape_cast %broadcast_in_dim3A_209 : vector<16x1xi32> to vector<16xi32>
      %gather3A_211 = tpu.dynamic_gather %add3A_202[%gather3A_210] in [0] : vector<16xf32>, vector<16xi32> -> vector<16xf32>
      %add3A_212 = arith.addf %add3A_202, %gather3A_211 : vector<16xf32>
      %add3A_213 = arith.constant 1 : i32
      %add3A_214 = vector.broadcast %add3A_213 : i32 to vector<16xi32>
      %add3A_215 = arith.addi %iota3A, %add3A_214 : vector<16xi32>
      %and3A_216 = arith.constant 15 : i32
      %and3A_217 = vector.broadcast %and3A_216 : i32 to vector<16xi32>
      %and3A_218 = arith.andi %add3A_215, %and3A_217 : vector<16xi32>
      %broadcast_in_dim3A_219 = vector.shape_cast %and3A_218 : vector<16xi32> to vector<16x1xi32>
      %gather3A_220 = vector.shape_cast %broadcast_in_dim3A_219 : vector<16x1xi32> to vector<16xi32>
      %gather3A_221 = tpu.dynamic_gather %add3A_212[%gather3A_220] in [0] : vector<16xf32>, vector<16xi32> -> vector<16xf32>
      %add3A_222 = arith.addf %add3A_212, %gather3A_221 : vector<16xf32>
      %eq3A = arith.constant 0 : i32
      %eq3A_223 = vector.broadcast %eq3A : i32 to vector<16xi32>
      %eq3A_224 = arith.cmpi eq, %iota3A, %eq3A_223 : vector<16xi32>
      %select_n3A = arith.select %eq3A_224, %add3A_222, %broadcast_in_dim3A_141 : vector<16xi1>, vector<16xf32>
      %mul3A_225 = arith.constant 16 : i32
      %mul3A_226 = arith.muli %scan3A_140, %mul3A_225 : i32
      %add3A_227 = arith.constant 1 : i32
      %add3A_228 = arith.addi %mul3A_226, %add3A_227 : i32
      %slice3A_229 = vector.extract_strided_slice %get3A_147 {offsets = [1], sizes = [1], strides = [1]} : vector<16xi32> to vector<1xi32>
      %squeeze3A_230 = vector.extract %slice3A_229[0] : i32 from vector<1xi32>
      %multiple_of3A_231 = tpu.assume_multiple %squeeze3A_230, 32 : i32
      %slice3A_232 = vector.extract_strided_slice %get3A_154 {offsets = [1], sizes = [1], strides = [1]} : vector<16xi32> to vector<1xi32>
      %squeeze3A_233 = vector.extract %slice3A_232[0] : i32 from vector<1xi32>
      %multiple_of3A_234 = tpu.assume_multiple %squeeze3A_233, 32 : i32
      %get3A_235 = arith.index_cast %add3A_228 : i32 to index
      %get3A_236 = arith.index_cast %multiple_of3A_231 : i32 to index
      %get3A_237 = tpu.vector_load %arg13[%get3A_235, %get3A_236] {strides = array<i32>} : memref<128x128xf32, #tpu.memory_space<vmem>>, vector<1x16xf32>,
      %get3A_238 = vector.shape_cast %get3A_237 : vector<1x16xf32> to vector<16xf32>
      %add3A_239 = arith.constant 16 : i32
      %add3A_240 = arith.addi %multiple_of3A_231, %add3A_239 : i32
      %get3A_241 = arith.index_cast %add3A_228 : i32 to index
      %get3A_242 = arith.index_cast %add3A_240 : i32 to index
      %get3A_243 = tpu.vector_load %arg13[%get3A_241, %get3A_242] {strides = array<i32>} : memref<128x128xf32, #tpu.memory_space<vmem>>, vector<1x16xf32>,
      %get3A_244 = vector.shape_cast %get3A_243 : vector<1x16xf32> to vector<16xf32>
      %get3A_245 = arith.index_cast %add3A_228 : i32 to index
      %get3A_246 = arith.index_cast %multiple_of3A_234 : i32 to index
      %get3A_247 = tpu.vector_load %arg14[%get3A_245, %get3A_246] {strides = array<i32>} : memref<128x128xf32, #tpu.memory_space<vmem>>, vector<1x16xf32>,
      %get3A_248 = vector.shape_cast %get3A_247 : vector<1x16xf32> to vector<16xf32>
      %add3A_249 = arith.constant 16 : i32
      %add3A_250 = arith.addi %multiple_of3A_234, %add3A_249 : i32
      %get3A_251 = arith.index_cast %add3A_228 : i32 to index
      %get3A_252 = arith.index_cast %add3A_250 : i32 to index
      %get3A_253 = tpu.vector_load %arg14[%get3A_251, %get3A_252] {strides = array<i32>} : memref<128x128xf32, #tpu.memory_space<vmem>>, vector<1x16xf32>,
      %get3A_254 = vector.shape_cast %get3A_253 : vector<1x16xf32> to vector<16xf32>
      %mul3A_255 = arith.mulf %get3A_238, %get3A_248 : vector<16xf32>
      %mul3A_256 = arith.mulf %get3A_244, %get3A_254 : vector<16xf32>
      %add3A_257 = arith.addf %mul3A_255, %mul3A_256 : vector<16xf32>
      %add3A_258 = arith.constant 8 : i32
      %add3A_259 = vector.broadcast %add3A_258 : i32 to vector<16xi32>
      %add3A_260 = arith.addi %iota3A, %add3A_259 : vector<16xi32>
      %and3A_261 = arith.constant 15 : i32
      %and3A_262 = vector.broadcast %and3A_261 : i32 to vector<16xi32>
      %and3A_263 = arith.andi %add3A_260, %and3A_262 : vector<16xi32>
      %broadcast_in_dim3A_264 = vector.shape_cast %and3A_263 : vector<16xi32> to vector<16x1xi32>
      %gather3A_265 = vector.shape_cast %broadcast_in_dim3A_264 : vector<16x1xi32> to vector<16xi32>
      %gather3A_266 = tpu.dynamic_gather %add3A_257[%gather3A_265] in [0] : vector<16xf32>, vector<16xi32> -> vector<16xf32>
      %add3A_267 = arith.addf %add3A_257, %gather3A_266 : vector<16xf32>
      %add3A_268 = arith.constant 4 : i32
      %add3A_269 = vector.broadcast %add3A_268 : i32 to vector<16xi32>
      %add3A_270 = arith.addi %iota3A, %add3A_269 : vector<16xi32>
      %and3A_271 = arith.constant 15 : i32
      %and3A_272 = vector.broadcast %and3A_271 : i32 to vector<16xi32>
      %and3A_273 = arith.andi %add3A_270, %and3A_272 : vector<16xi32>
      %broadcast_in_dim3A_274 = vector.shape_cast %and3A_273 : vector<16xi32> to vector<16x1xi32>
      %gather3A_275 = vector.shape_cast %broadcast_in_dim3A_274 : vector<16x1xi32> to vector<16xi32>
      %gather3A_276 = tpu.dynamic_gather %add3A_267[%gather3A_275] in [0] : vector<16xf32>, vector<16xi32> -> vector<16xf32>
      %add3A_277 = arith.addf %add3A_267, %gather3A_276 : vector<16xf32>
      %add3A_278 = arith.constant 2 : i32
      %add3A_279 = vector.broadcast %add3A_278 : i32 to vector<16xi32>
      %add3A_280 = arith.addi %iota3A, %add3A_279 : vector<16xi32>
      %and3A_281 = arith.constant 15 : i32
      %and3A_282 = vector.broadcast %and3A_281 : i32 to vector<16xi32>
      %and3A_283 = arith.andi %add3A_280, %and3A_282 : vector<16xi32>
      %broadcast_in_dim3A_284 = vector.shape_cast %and3A_283 : vector<16xi32> to vector<16x1xi32>
      %gather3A_285 = vector.shape_cast %broadcast_in_dim3A_284 : vector<16x1xi32> to vector<16xi32>
      %gather3A_286 = tpu.dynamic_gather %add3A_277[%gather3A_285] in [0] : vector<16xf32>, vector<16xi32> -> vector<16xf32>
      %add3A_287 = arith.addf %add3A_277, %gather3A_286 : vector<16xf32>
      %add3A_288 = arith.constant 1 : i32
      %add3A_289 = vector.broadcast %add3A_288 : i32 to vector<16xi32>
      %add3A_290 = arith.addi %iota3A, %add3A_289 : vector<16xi32>
      %and3A_291 = arith.constant 15 : i32
      %and3A_292 = vector.broadcast %and3A_291 : i32 to vector<16xi32>
      %and3A_293 = arith.andi %add3A_290, %and3A_292 : vector<16xi32>
      %broadcast_in_dim3A_294 = vector.shape_cast %and3A_293 : vector<16xi32> to vector<16x1xi32>
      %gather3A_295 = vector.shape_cast %broadcast_in_dim3A_294 : vector<16x1xi32> to vector<16xi32>
      %gather3A_296 = tpu.dynamic_gather %add3A_287[%gather3A_295] in [0] : vector<16xf32>, vector<16xi32> -> vector<16xf32>
      %add3A_297 = arith.addf %add3A_287, %gather3A_296 : vector<16xf32>
      %eq3A_298 = arith.constant 1 : i32
      %eq3A_299 = vector.broadcast %eq3A_298 : i32 to vector<16xi32>
      %eq3A_300 = arith.cmpi eq, %iota3A, %eq3A_299 : vector<16xi32>
      %select_n3A_301 = arith.select %eq3A_300, %add3A_297, %select_n3A : vector<16xi1>, vector<16xf32>
      %mul3A_302 = arith.constant 16 : i32
      %mul3A_303 = arith.muli %scan3A_140, %mul3A_302 : i32
      %add3A_304 = arith.constant 2 : i32
      %add3A_305 = arith.addi %mul3A_303, %add3A_304 : i32
      %slice3A_306 = vector.extract_strided_slice %get3A_147 {offsets = [2], sizes = [1], strides = [1]} : vector<16xi32> to vector<1xi32>
      %squeeze3A_307 = vector.extract %slice3A_306[0] : i32 from vector<1xi32>
      %multiple_of3A_308 = tpu.assume_multiple %squeeze3A_307, 32 : i32
      %slice3A_309 = vector.extract_strided_slice %get3A_154 {offsets = [2], sizes = [1], strides = [1]} : vector<16xi32> to vector<1xi32>
      %squeeze3A_310 = vector.extract %slice3A_309[0] : i32 from vector<1xi32>
      %multiple_of3A_311 = tpu.assume_multiple %squeeze3A_310, 32 : i32
      %get3A_312 = arith.index_cast %add3A_305 : i32 to index
      %get3A_313 = arith.index_cast %multiple_of3A_308 : i32 to index
      %get3A_314 = tpu.vector_load %arg13[%get3A_312, %get3A_313] {strides = array<i32>} : memref<128x128xf32, #tpu.memory_space<vmem>>, vector<1x16xf32>,
      %get3A_315 = vector.shape_cast %get3A_314 : vector<1x16xf32> to vector<16xf32>
      %add3A_316 = arith.constant 16 : i32
      %add3A_317 = arith.addi %multiple_of3A_308, %add3A_316 : i32
      %get3A_318 = arith.index_cast %add3A_305 : i32 to index
      %get3A_319 = arith.index_cast %add3A_317 : i32 to index
      %get3A_320 = tpu.vector_load %arg13[%get3A_318, %get3A_319] {strides = array<i32>} : memref<128x128xf32, #tpu.memory_space<vmem>>, vector<1x16xf32>,
      %get3A_321 = vector.shape_cast %get3A_320 : vector<1x16xf32> to vector<16xf32>
      %get3A_322 = arith.index_cast %add3A_305 : i32 to index
      %get3A_323 = arith.index_cast %multiple_of3A_311 : i32 to index
      %get3A_324 = tpu.vector_load %arg14[%get3A_322, %get3A_323] {strides = array<i32>} : memref<128x128xf32, #tpu.memory_space<vmem>>, vector<1x16xf32>,
      %get3A_325 = vector.shape_cast %get3A_324 : vector<1x16xf32> to vector<16xf32>
      %add3A_326 = arith.constant 16 : i32
      %add3A_327 = arith.addi %multiple_of3A_311, %add3A_326 : i32
      %get3A_328 = arith.index_cast %add3A_305 : i32 to index
      %get3A_329 = arith.index_cast %add3A_327 : i32 to index
      %get3A_330 = tpu.vector_load %arg14[%get3A_328, %get3A_329] {strides = array<i32>} : memref<128x128xf32, #tpu.memory_space<vmem>>, vector<1x16xf32>,
      %get3A_331 = vector.shape_cast %get3A_330 : vector<1x16xf32> to vector<16xf32>
      %mul3A_332 = arith.mulf %get3A_315, %get3A_325 : vector<16xf32>
      %mul3A_333 = arith.mulf %get3A_321, %get3A_331 : vector<16xf32>
      %add3A_334 = arith.addf %mul3A_332, %mul3A_333 : vector<16xf32>
      %add3A_335 = arith.constant 8 : i32
      %add3A_336 = vector.broadcast %add3A_335 : i32 to vector<16xi32>
      %add3A_337 = arith.addi %iota3A, %add3A_336 : vector<16xi32>
      %and3A_338 = arith.constant 15 : i32
      %and3A_339 = vector.broadcast %and3A_338 : i32 to vector<16xi32>
      %and3A_340 = arith.andi %add3A_337, %and3A_339 : vector<16xi32>
      %broadcast_in_dim3A_341 = vector.shape_cast %and3A_340 : vector<16xi32> to vector<16x1xi32>
      %gather3A_342 = vector.shape_cast %broadcast_in_dim3A_341 : vector<16x1xi32> to vector<16xi32>
      %gather3A_343 = tpu.dynamic_gather %add3A_334[%gather3A_342] in [0] : vector<16xf32>, vector<16xi32> -> vector<16xf32>
      %add3A_344 = arith.addf %add3A_334, %gather3A_343 : vector<16xf32>
      %add3A_345 = arith.constant 4 : i32
      %add3A_346 = vector.broadcast %add3A_345 : i32 to vector<16xi32>
      %add3A_347 = arith.addi %iota3A, %add3A_346 : vector<16xi32>
      %and3A_348 = arith.constant 15 : i32
      %and3A_349 = vector.broadcast %and3A_348 : i32 to vector<16xi32>
      %and3A_350 = arith.andi %add3A_347, %and3A_349 : vector<16xi32>
      %broadcast_in_dim3A_351 = vector.shape_cast %and3A_350 : vector<16xi32> to vector<16x1xi32>
      %gather3A_352 = vector.shape_cast %broadcast_in_dim3A_351 : vector<16x1xi32> to vector<16xi32>
      %gather3A_353 = tpu.dynamic_gather %add3A_344[%gather3A_352] in [0] : vector<16xf32>, vector<16xi32> -> vector<16xf32>
      %add3A_354 = arith.addf %add3A_344, %gather3A_353 : vector<16xf32>
      %add3A_355 = arith.constant 2 : i32
      %add3A_356 = vector.broadcast %add3A_355 : i32 to vector<16xi32>
      %add3A_357 = arith.addi %iota3A, %add3A_356 : vector<16xi32>
      %and3A_358 = arith.constant 15 : i32
      %and3A_359 = vector.broadcast %and3A_358 : i32 to vector<16xi32>
      %and3A_360 = arith.andi %add3A_357, %and3A_359 : vector<16xi32>
      %broadcast_in_dim3A_361 = vector.shape_cast %and3A_360 : vector<16xi32> to vector<16x1xi32>
      %gather3A_362 = vector.shape_cast %broadcast_in_dim3A_361 : vector<16x1xi32> to vector<16xi32>
      %gather3A_363 = tpu.dynamic_gather %add3A_354[%gather3A_362] in [0] : vector<16xf32>, vector<16xi32> -> vector<16xf32>
      %add3A_364 = arith.addf %add3A_354, %gather3A_363 : vector<16xf32>
      %add3A_365 = arith.constant 1 : i32
      %add3A_366 = vector.broadcast %add3A_365 : i32 to vector<16xi32>
      %add3A_367 = arith.addi %iota3A, %add3A_366 : vector<16xi32>
      %and3A_368 = arith.constant 15 : i32
      %and3A_369 = vector.broadcast %and3A_368 : i32 to vector<16xi32>
      %and3A_370 = arith.andi %add3A_367, %and3A_369 : vector<16xi32>
      %broadcast_in_dim3A_371 = vector.shape_cast %and3A_370 : vector<16xi32> to vector<16x1xi32>
      %gather3A_372 = vector.shape_cast %broadcast_in_dim3A_371 : vector<16x1xi32> to vector<16xi32>
      %gather3A_373 = tpu.dynamic_gather %add3A_364[%gather3A_372] in [0] : vector<16xf32>, vector<16xi32> -> vector<16xf32>
      %add3A_374 = arith.addf %add3A_364, %gather3A_373 : vector<16xf32>
      %eq3A_375 = arith.constant 2 : i32
      %eq3A_376 = vector.broadcast %eq3A_375 : i32 to vector<16xi32>
      %eq3A_377 = arith.cmpi eq, %iota3A, %eq3A_376 : vector<16xi32>
      %select_n3A_378 = arith.select %eq3A_377, %add3A_374, %select_n3A_301 : vector<16xi1>, vector<16xf32>
      %mul3A_379 = arith.constant 16 : i32
      %mul3A_380 = arith.muli %scan3A_140, %mul3A_379 : i32
      %add3A_381 = arith.constant 3 : i32
      %add3A_382 = arith.addi %mul3A_380, %add3A_381 : i32
      %slice3A_383 = vector.extract_strided_slice %get3A_147 {offsets = [3], sizes = [1], strides = [1]} : vector<16xi32> to vector<1xi32>
      %squeeze3A_384 = vector.extract %slice3A_383[0] : i32 from vector<1xi32>
      %multiple_of3A_385 = tpu.assume_multiple %squeeze3A_384, 32 : i32
      %slice3A_386 = vector.extract_strided_slice %get3A_154 {offsets = [3], sizes = [1], strides = [1]} : vector<16xi32> to vector<1xi32>
      %squeeze3A_387 = vector.extract %slice3A_386[0] : i32 from vector<1xi32>
      %multiple_of3A_388 = tpu.assume_multiple %squeeze3A_387, 32 : i32
      %get3A_389 = arith.index_cast %add3A_382 : i32 to index
      %get3A_390 = arith.index_cast %multiple_of3A_385 : i32 to index
      %get3A_391 = tpu.vector_load %arg13[%get3A_389, %get3A_390] {strides = array<i32>} : memref<128x128xf32, #tpu.memory_space<vmem>>, vector<1x16xf32>,
      %get3A_392 = vector.shape_cast %get3A_391 : vector<1x16xf32> to vector<16xf32>
      %add3A_393 = arith.constant 16 : i32
      %add3A_394 = arith.addi %multiple_of3A_385, %add3A_393 : i32
      %get3A_395 = arith.index_cast %add3A_382 : i32 to index
      %get3A_396 = arith.index_cast %add3A_394 : i32 to index
      %get3A_397 = tpu.vector_load %arg13[%get3A_395, %get3A_396] {strides = array<i32>} : memref<128x128xf32, #tpu.memory_space<vmem>>, vector<1x16xf32>,
      %get3A_398 = vector.shape_cast %get3A_397 : vector<1x16xf32> to vector<16xf32>
      %get3A_399 = arith.index_cast %add3A_382 : i32 to index
      %get3A_400 = arith.index_cast %multiple_of3A_388 : i32 to index
      %get3A_401 = tpu.vector_load %arg14[%get3A_399, %get3A_400] {strides = array<i32>} : memref<128x128xf32, #tpu.memory_space<vmem>>, vector<1x16xf32>,
      %get3A_402 = vector.shape_cast %get3A_401 : vector<1x16xf32> to vector<16xf32>
      %add3A_403 = arith.constant 16 : i32
      %add3A_404 = arith.addi %multiple_of3A_388, %add3A_403 : i32
      %get3A_405 = arith.index_cast %add3A_382 : i32 to index
      %get3A_406 = arith.index_cast %add3A_404 : i32 to index
      %get3A_407 = tpu.vector_load %arg14[%get3A_405, %get3A_406] {strides = array<i32>} : memref<128x128xf32, #tpu.memory_space<vmem>>, vector<1x16xf32>,
      %get3A_408 = vector.shape_cast %get3A_407 : vector<1x16xf32> to vector<16xf32>
      %mul3A_409 = arith.mulf %get3A_392, %get3A_402 : vector<16xf32>
      %mul3A_410 = arith.mulf %get3A_398, %get3A_408 : vector<16xf32>
      %add3A_411 = arith.addf %mul3A_409, %mul3A_410 : vector<16xf32>
      %add3A_412 = arith.constant 8 : i32
      %add3A_413 = vector.broadcast %add3A_412 : i32 to vector<16xi32>
      %add3A_414 = arith.addi %iota3A, %add3A_413 : vector<16xi32>
      %and3A_415 = arith.constant 15 : i32
      %and3A_416 = vector.broadcast %and3A_415 : i32 to vector<16xi32>
      %and3A_417 = arith.andi %add3A_414, %and3A_416 : vector<16xi32>
      %broadcast_in_dim3A_418 = vector.shape_cast %and3A_417 : vector<16xi32> to vector<16x1xi32>
      %gather3A_419 = vector.shape_cast %broadcast_in_dim3A_418 : vector<16x1xi32> to vector<16xi32>
      %gather3A_420 = tpu.dynamic_gather %add3A_411[%gather3A_419] in [0] : vector<16xf32>, vector<16xi32> -> vector<16xf32>
      %add3A_421 = arith.addf %add3A_411, %gather3A_420 : vector<16xf32>
      %add3A_422 = arith.constant 4 : i32
      %add3A_423 = vector.broadcast %add3A_422 : i32 to vector<16xi32>
      %add3A_424 = arith.addi %iota3A, %add3A_423 : vector<16xi32>
      %and3A_425 = arith.constant 15 : i32
      %and3A_426 = vector.broadcast %and3A_425 : i32 to vector<16xi32>
      %and3A_427 = arith.andi %add3A_424, %and3A_426 : vector<16xi32>
      %broadcast_in_dim3A_428 = vector.shape_cast %and3A_427 : vector<16xi32> to vector<16x1xi32>
      %gather3A_429 = vector.shape_cast %broadcast_in_dim3A_428 : vector<16x1xi32> to vector<16xi32>
      %gather3A_430 = tpu.dynamic_gather %add3A_421[%gather3A_429] in [0] : vector<16xf32>, vector<16xi32> -> vector<16xf32>
      %add3A_431 = arith.addf %add3A_421, %gather3A_430 : vector<16xf32>
      %add3A_432 = arith.constant 2 : i32
      %add3A_433 = vector.broadcast %add3A_432 : i32 to vector<16xi32>
      %add3A_434 = arith.addi %iota3A, %add3A_433 : vector<16xi32>
      %and3A_435 = arith.constant 15 : i32
      %and3A_436 = vector.broadcast %and3A_435 : i32 to vector<16xi32>
      %and3A_437 = arith.andi %add3A_434, %and3A_436 : vector<16xi32>
      %broadcast_in_dim3A_438 = vector.shape_cast %and3A_437 : vector<16xi32> to vector<16x1xi32>
      %gather3A_439 = vector.shape_cast %broadcast_in_dim3A_438 : vector<16x1xi32> to vector<16xi32>
      %gather3A_440 = tpu.dynamic_gather %add3A_431[%gather3A_439] in [0] : vector<16xf32>, vector<16xi32> -> vector<16xf32>
      %add3A_441 = arith.addf %add3A_431, %gather3A_440 : vector<16xf32>
      %add3A_442 = arith.constant 1 : i32
      %add3A_443 = vector.broadcast %add3A_442 : i32 to vector<16xi32>
      %add3A_444 = arith.addi %iota3A, %add3A_443 : vector<16xi32>
      %and3A_445 = arith.constant 15 : i32
      %and3A_446 = vector.broadcast %and3A_445 : i32 to vector<16xi32>
      %and3A_447 = arith.andi %add3A_444, %and3A_446 : vector<16xi32>
      %broadcast_in_dim3A_448 = vector.shape_cast %and3A_447 : vector<16xi32> to vector<16x1xi32>
      %gather3A_449 = vector.shape_cast %broadcast_in_dim3A_448 : vector<16x1xi32> to vector<16xi32>
      %gather3A_450 = tpu.dynamic_gather %add3A_441[%gather3A_449] in [0] : vector<16xf32>, vector<16xi32> -> vector<16xf32>
      %add3A_451 = arith.addf %add3A_441, %gather3A_450 : vector<16xf32>
      %eq3A_452 = arith.constant 3 : i32
      %eq3A_453 = vector.broadcast %eq3A_452 : i32 to vector<16xi32>
      %eq3A_454 = arith.cmpi eq, %iota3A, %eq3A_453 : vector<16xi32>
      %select_n3A_455 = arith.select %eq3A_454, %add3A_451, %select_n3A_378 : vector<16xi1>, vector<16xf32>
      %mul3A_456 = arith.constant 16 : i32
      %mul3A_457 = arith.muli %scan3A_140, %mul3A_456 : i32
      %add3A_458 = arith.constant 4 : i32
      %add3A_459 = arith.addi %mul3A_457, %add3A_458 : i32
      %slice3A_460 = vector.extract_strided_slice %get3A_147 {offsets = [4], sizes = [1], strides = [1]} : vector<16xi32> to vector<1xi32>
      %squeeze3A_461 = vector.extract %slice3A_460[0] : i32 from vector<1xi32>
      %multiple_of3A_462 = tpu.assume_multiple %squeeze3A_461, 32 : i32
      %slice3A_463 = vector.extract_strided_slice %get3A_154 {offsets = [4], sizes = [1], strides = [1]} : vector<16xi32> to vector<1xi32>
      %squeeze3A_464 = vector.extract %slice3A_463[0] : i32 from vector<1xi32>
      %multiple_of3A_465 = tpu.assume_multiple %squeeze3A_464, 32 : i32
      %get3A_466 = arith.index_cast %add3A_459 : i32 to index
      %get3A_467 = arith.index_cast %multiple_of3A_462 : i32 to index
      %get3A_468 = tpu.vector_load %arg13[%get3A_466, %get3A_467] {strides = array<i32>} : memref<128x128xf32, #tpu.memory_space<vmem>>, vector<1x16xf32>,
      %get3A_469 = vector.shape_cast %get3A_468 : vector<1x16xf32> to vector<16xf32>
      %add3A_470 = arith.constant 16 : i32
      %add3A_471 = arith.addi %multiple_of3A_462, %add3A_470 : i32
      %get3A_472 = arith.index_cast %add3A_459 : i32 to index
      %get3A_473 = arith.index_cast %add3A_471 : i32 to index
      %get3A_474 = tpu.vector_load %arg13[%get3A_472, %get3A_473] {strides = array<i32>} : memref<128x128xf32, #tpu.memory_space<vmem>>, vector<1x16xf32>,
      %get3A_475 = vector.shape_cast %get3A_474 : vector<1x16xf32> to vector<16xf32>
      %get3A_476 = arith.index_cast %add3A_459 : i32 to index
      %get3A_477 = arith.index_cast %multiple_of3A_465 : i32 to index
      %get3A_478 = tpu.vector_load %arg14[%get3A_476, %get3A_477] {strides = array<i32>} : memref<128x128xf32, #tpu.memory_space<vmem>>, vector<1x16xf32>,
      %get3A_479 = vector.shape_cast %get3A_478 : vector<1x16xf32> to vector<16xf32>
      %add3A_480 = arith.constant 16 : i32
      %add3A_481 = arith.addi %multiple_of3A_465, %add3A_480 : i32
      %get3A_482 = arith.index_cast %add3A_459 : i32 to index
      %get3A_483 = arith.index_cast %add3A_481 : i32 to index
      %get3A_484 = tpu.vector_load %arg14[%get3A_482, %get3A_483] {strides = array<i32>} : memref<128x128xf32, #tpu.memory_space<vmem>>, vector<1x16xf32>,
      %get3A_485 = vector.shape_cast %get3A_484 : vector<1x16xf32> to vector<16xf32>
      %mul3A_486 = arith.mulf %get3A_469, %get3A_479 : vector<16xf32>
      %mul3A_487 = arith.mulf %get3A_475, %get3A_485 : vector<16xf32>
      %add3A_488 = arith.addf %mul3A_486, %mul3A_487 : vector<16xf32>
      %add3A_489 = arith.constant 8 : i32
      %add3A_490 = vector.broadcast %add3A_489 : i32 to vector<16xi32>
      %add3A_491 = arith.addi %iota3A, %add3A_490 : vector<16xi32>
      %and3A_492 = arith.constant 15 : i32
      %and3A_493 = vector.broadcast %and3A_492 : i32 to vector<16xi32>
      %and3A_494 = arith.andi %add3A_491, %and3A_493 : vector<16xi32>
      %broadcast_in_dim3A_495 = vector.shape_cast %and3A_494 : vector<16xi32> to vector<16x1xi32>
      %gather3A_496 = vector.shape_cast %broadcast_in_dim3A_495 : vector<16x1xi32> to vector<16xi32>
      %gather3A_497 = tpu.dynamic_gather %add3A_488[%gather3A_496] in [0] : vector<16xf32>, vector<16xi32> -> vector<16xf32>
      %add3A_498 = arith.addf %add3A_488, %gather3A_497 : vector<16xf32>
      %add3A_499 = arith.constant 4 : i32
      %add3A_500 = vector.broadcast %add3A_499 : i32 to vector<16xi32>
      %add3A_501 = arith.addi %iota3A, %add3A_500 : vector<16xi32>
      %and3A_502 = arith.constant 15 : i32
      %and3A_503 = vector.broadcast %and3A_502 : i32 to vector<16xi32>
      %and3A_504 = arith.andi %add3A_501, %and3A_503 : vector<16xi32>
      %broadcast_in_dim3A_505 = vector.shape_cast %and3A_504 : vector<16xi32> to vector<16x1xi32>
      %gather3A_506 = vector.shape_cast %broadcast_in_dim3A_505 : vector<16x1xi32> to vector<16xi32>
      %gather3A_507 = tpu.dynamic_gather %add3A_498[%gather3A_506] in [0] : vector<16xf32>, vector<16xi32> -> vector<16xf32>
      %add3A_508 = arith.addf %add3A_498, %gather3A_507 : vector<16xf32>
      %add3A_509 = arith.constant 2 : i32
      %add3A_510 = vector.broadcast %add3A_509 : i32 to vector<16xi32>
      %add3A_511 = arith.addi %iota3A, %add3A_510 : vector<16xi32>
      %and3A_512 = arith.constant 15 : i32
      %and3A_513 = vector.broadcast %and3A_512 : i32 to vector<16xi32>
      %and3A_514 = arith.andi %add3A_511, %and3A_513 : vector<16xi32>
      %broadcast_in_dim3A_515 = vector.shape_cast %and3A_514 : vector<16xi32> to vector<16x1xi32>
      %gather3A_516 = vector.shape_cast %broadcast_in_dim3A_515 : vector<16x1xi32> to vector<16xi32>
      %gather3A_517 = tpu.dynamic_gather %add3A_508[%gather3A_516] in [0] : vector<16xf32>, vector<16xi32> -> vector<16xf32>
      %add3A_518 = arith.addf %add3A_508, %gather3A_517 : vector<16xf32>
      %add3A_519 = arith.constant 1 : i32
      %add3A_520 = vector.broadcast %add3A_519 : i32 to vector<16xi32>
      %add3A_521 = arith.addi %iota3A, %add3A_520 : vector<16xi32>
      %and3A_522 = arith.constant 15 : i32
      %and3A_523 = vector.broadcast %and3A_522 : i32 to vector<16xi32>
      %and3A_524 = arith.andi %add3A_521, %and3A_523 : vector<16xi32>
      %broadcast_in_dim3A_525 = vector.shape_cast %and3A_524 : vector<16xi32> to vector<16x1xi32>
      %gather3A_526 = vector.shape_cast %broadcast_in_dim3A_525 : vector<16x1xi32> to vector<16xi32>
      %gather3A_527 = tpu.dynamic_gather %add3A_518[%gather3A_526] in [0] : vector<16xf32>, vector<16xi32> -> vector<16xf32>
      %add3A_528 = arith.addf %add3A_518, %gather3A_527 : vector<16xf32>
      %eq3A_529 = arith.constant 4 : i32
      %eq3A_530 = vector.broadcast %eq3A_529 : i32 to vector<16xi32>
      %eq3A_531 = arith.cmpi eq, %iota3A, %eq3A_530 : vector<16xi32>
      %select_n3A_532 = arith.select %eq3A_531, %add3A_528, %select_n3A_455 : vector<16xi1>, vector<16xf32>
      %mul3A_533 = arith.constant 16 : i32
      %mul3A_534 = arith.muli %scan3A_140, %mul3A_533 : i32
      %add3A_535 = arith.constant 5 : i32
      %add3A_536 = arith.addi %mul3A_534, %add3A_535 : i32
      %slice3A_537 = vector.extract_strided_slice %get3A_147 {offsets = [5], sizes = [1], strides = [1]} : vector<16xi32> to vector<1xi32>
      %squeeze3A_538 = vector.extract %slice3A_537[0] : i32 from vector<1xi32>
      %multiple_of3A_539 = tpu.assume_multiple %squeeze3A_538, 32 : i32
      %slice3A_540 = vector.extract_strided_slice %get3A_154 {offsets = [5], sizes = [1], strides = [1]} : vector<16xi32> to vector<1xi32>
      %squeeze3A_541 = vector.extract %slice3A_540[0] : i32 from vector<1xi32>
      %multiple_of3A_542 = tpu.assume_multiple %squeeze3A_541, 32 : i32
      %get3A_543 = arith.index_cast %add3A_536 : i32 to index
      %get3A_544 = arith.index_cast %multiple_of3A_539 : i32 to index
      %get3A_545 = tpu.vector_load %arg13[%get3A_543, %get3A_544] {strides = array<i32>} : memref<128x128xf32, #tpu.memory_space<vmem>>, vector<1x16xf32>,
      %get3A_546 = vector.shape_cast %get3A_545 : vector<1x16xf32> to vector<16xf32>
      %add3A_547 = arith.constant 16 : i32
      %add3A_548 = arith.addi %multiple_of3A_539, %add3A_547 : i32
      %get3A_549 = arith.index_cast %add3A_536 : i32 to index
      %get3A_550 = arith.index_cast %add3A_548 : i32 to index
      %get3A_551 = tpu.vector_load %arg13[%get3A_549, %get3A_550] {strides = array<i32>} : memref<128x128xf32, #tpu.memory_space<vmem>>, vector<1x16xf32>,
      %get3A_552 = vector.shape_cast %get3A_551 : vector<1x16xf32> to vector<16xf32>
      %get3A_553 = arith.index_cast %add3A_536 : i32 to index
      %get3A_554 = arith.index_cast %multiple_of3A_542 : i32 to index
      %get3A_555 = tpu.vector_load %arg14[%get3A_553, %get3A_554] {strides = array<i32>} : memref<128x128xf32, #tpu.memory_space<vmem>>, vector<1x16xf32>,
      %get3A_556 = vector.shape_cast %get3A_555 : vector<1x16xf32> to vector<16xf32>
      %add3A_557 = arith.constant 16 : i32
      %add3A_558 = arith.addi %multiple_of3A_542, %add3A_557 : i32
      %get3A_559 = arith.index_cast %add3A_536 : i32 to index
      %get3A_560 = arith.index_cast %add3A_558 : i32 to index
      %get3A_561 = tpu.vector_load %arg14[%get3A_559, %get3A_560] {strides = array<i32>} : memref<128x128xf32, #tpu.memory_space<vmem>>, vector<1x16xf32>,
      %get3A_562 = vector.shape_cast %get3A_561 : vector<1x16xf32> to vector<16xf32>
      %mul3A_563 = arith.mulf %get3A_546, %get3A_556 : vector<16xf32>
      %mul3A_564 = arith.mulf %get3A_552, %get3A_562 : vector<16xf32>
      %add3A_565 = arith.addf %mul3A_563, %mul3A_564 : vector<16xf32>
      %add3A_566 = arith.constant 8 : i32
      %add3A_567 = vector.broadcast %add3A_566 : i32 to vector<16xi32>
      %add3A_568 = arith.addi %iota3A, %add3A_567 : vector<16xi32>
      %and3A_569 = arith.constant 15 : i32
      %and3A_570 = vector.broadcast %and3A_569 : i32 to vector<16xi32>
      %and3A_571 = arith.andi %add3A_568, %and3A_570 : vector<16xi32>
      %broadcast_in_dim3A_572 = vector.shape_cast %and3A_571 : vector<16xi32> to vector<16x1xi32>
      %gather3A_573 = vector.shape_cast %broadcast_in_dim3A_572 : vector<16x1xi32> to vector<16xi32>
      %gather3A_574 = tpu.dynamic_gather %add3A_565[%gather3A_573] in [0] : vector<16xf32>, vector<16xi32> -> vector<16xf32>
      %add3A_575 = arith.addf %add3A_565, %gather3A_574 : vector<16xf32>
      %add3A_576 = arith.constant 4 : i32
      %add3A_577 = vector.broadcast %add3A_576 : i32 to vector<16xi32>
      %add3A_578 = arith.addi %iota3A, %add3A_577 : vector<16xi32>
      %and3A_579 = arith.constant 15 : i32
      %and3A_580 = vector.broadcast %and3A_579 : i32 to vector<16xi32>
      %and3A_581 = arith.andi %add3A_578, %and3A_580 : vector<16xi32>
      %broadcast_in_dim3A_582 = vector.shape_cast %and3A_581 : vector<16xi32> to vector<16x1xi32>
      %gather3A_583 = vector.shape_cast %broadcast_in_dim3A_582 : vector<16x1xi32> to vector<16xi32>
      %gather3A_584 = tpu.dynamic_gather %add3A_575[%gather3A_583] in [0] : vector<16xf32>, vector<16xi32> -> vector<16xf32>
      %add3A_585 = arith.addf %add3A_575, %gather3A_584 : vector<16xf32>
      %add3A_586 = arith.constant 2 : i32
      %add3A_587 = vector.broadcast %add3A_586 : i32 to vector<16xi32>
      %add3A_588 = arith.addi %iota3A, %add3A_587 : vector<16xi32>
      %and3A_589 = arith.constant 15 : i32
      %and3A_590 = vector.broadcast %and3A_589 : i32 to vector<16xi32>
      %and3A_591 = arith.andi %add3A_588, %and3A_590 : vector<16xi32>
      %broadcast_in_dim3A_592 = vector.shape_cast %and3A_591 : vector<16xi32> to vector<16x1xi32>
      %gather3A_593 = vector.shape_cast %broadcast_in_dim3A_592 : vector<16x1xi32> to vector<16xi32>
      %gather3A_594 = tpu.dynamic_gather %add3A_585[%gather3A_593] in [0] : vector<16xf32>, vector<16xi32> -> vector<16xf32>
      %add3A_595 = arith.addf %add3A_585, %gather3A_594 : vector<16xf32>
      %add3A_596 = arith.constant 1 : i32
      %add3A_597 = vector.broadcast %add3A_596 : i32 to vector<16xi32>
      %add3A_598 = arith.addi %iota3A, %add3A_597 : vector<16xi32>
      %and3A_599 = arith.constant 15 : i32
      %and3A_600 = vector.broadcast %and3A_599 : i32 to vector<16xi32>
      %and3A_601 = arith.andi %add3A_598, %and3A_600 : vector<16xi32>
      %broadcast_in_dim3A_602 = vector.shape_cast %and3A_601 : vector<16xi32> to vector<16x1xi32>
      %gather3A_603 = vector.shape_cast %broadcast_in_dim3A_602 : vector<16x1xi32> to vector<16xi32>
      %gather3A_604 = tpu.dynamic_gather %add3A_595[%gather3A_603] in [0] : vector<16xf32>, vector<16xi32> -> vector<16xf32>
      %add3A_605 = arith.addf %add3A_595, %gather3A_604 : vector<16xf32>
      %eq3A_606 = arith.constant 5 : i32
      %eq3A_607 = vector.broadcast %eq3A_606 : i32 to vector<16xi32>
      %eq3A_608 = arith.cmpi eq, %iota3A, %eq3A_607 : vector<16xi32>
      %select_n3A_609 = arith.select %eq3A_608, %add3A_605, %select_n3A_532 : vector<16xi1>, vector<16xf32>
      %mul3A_610 = arith.constant 16 : i32
      %mul3A_611 = arith.muli %scan3A_140, %mul3A_610 : i32
      %add3A_612 = arith.constant 6 : i32
      %add3A_613 = arith.addi %mul3A_611, %add3A_612 : i32
      %slice3A_614 = vector.extract_strided_slice %get3A_147 {offsets = [6], sizes = [1], strides = [1]} : vector<16xi32> to vector<1xi32>
      %squeeze3A_615 = vector.extract %slice3A_614[0] : i32 from vector<1xi32>
      %multiple_of3A_616 = tpu.assume_multiple %squeeze3A_615, 32 : i32
      %slice3A_617 = vector.extract_strided_slice %get3A_154 {offsets = [6], sizes = [1], strides = [1]} : vector<16xi32> to vector<1xi32>
      %squeeze3A_618 = vector.extract %slice3A_617[0] : i32 from vector<1xi32>
      %multiple_of3A_619 = tpu.assume_multiple %squeeze3A_618, 32 : i32
      %get3A_620 = arith.index_cast %add3A_613 : i32 to index
      %get3A_621 = arith.index_cast %multiple_of3A_616 : i32 to index
      %get3A_622 = tpu.vector_load %arg13[%get3A_620, %get3A_621] {strides = array<i32>} : memref<128x128xf32, #tpu.memory_space<vmem>>, vector<1x16xf32>,
      %get3A_623 = vector.shape_cast %get3A_622 : vector<1x16xf32> to vector<16xf32>
      %add3A_624 = arith.constant 16 : i32
      %add3A_625 = arith.addi %multiple_of3A_616, %add3A_624 : i32
      %get3A_626 = arith.index_cast %add3A_613 : i32 to index
      %get3A_627 = arith.index_cast %add3A_625 : i32 to index
      %get3A_628 = tpu.vector_load %arg13[%get3A_626, %get3A_627] {strides = array<i32>} : memref<128x128xf32, #tpu.memory_space<vmem>>, vector<1x16xf32>,
      %get3A_629 = vector.shape_cast %get3A_628 : vector<1x16xf32> to vector<16xf32>
      %get3A_630 = arith.index_cast %add3A_613 : i32 to index
      %get3A_631 = arith.index_cast %multiple_of3A_619 : i32 to index
      %get3A_632 = tpu.vector_load %arg14[%get3A_630, %get3A_631] {strides = array<i32>} : memref<128x128xf32, #tpu.memory_space<vmem>>, vector<1x16xf32>,
      %get3A_633 = vector.shape_cast %get3A_632 : vector<1x16xf32> to vector<16xf32>
      %add3A_634 = arith.constant 16 : i32
      %add3A_635 = arith.addi %multiple_of3A_619, %add3A_634 : i32
      %get3A_636 = arith.index_cast %add3A_613 : i32 to index
      %get3A_637 = arith.index_cast %add3A_635 : i32 to index
      %get3A_638 = tpu.vector_load %arg14[%get3A_636, %get3A_637] {strides = array<i32>} : memref<128x128xf32, #tpu.memory_space<vmem>>, vector<1x16xf32>,
      %get3A_639 = vector.shape_cast %get3A_638 : vector<1x16xf32> to vector<16xf32>
      %mul3A_640 = arith.mulf %get3A_623, %get3A_633 : vector<16xf32>
      %mul3A_641 = arith.mulf %get3A_629, %get3A_639 : vector<16xf32>
      %add3A_642 = arith.addf %mul3A_640, %mul3A_641 : vector<16xf32>
      %add3A_643 = arith.constant 8 : i32
      %add3A_644 = vector.broadcast %add3A_643 : i32 to vector<16xi32>
      %add3A_645 = arith.addi %iota3A, %add3A_644 : vector<16xi32>
      %and3A_646 = arith.constant 15 : i32
      %and3A_647 = vector.broadcast %and3A_646 : i32 to vector<16xi32>
      %and3A_648 = arith.andi %add3A_645, %and3A_647 : vector<16xi32>
      %broadcast_in_dim3A_649 = vector.shape_cast %and3A_648 : vector<16xi32> to vector<16x1xi32>
      %gather3A_650 = vector.shape_cast %broadcast_in_dim3A_649 : vector<16x1xi32> to vector<16xi32>
      %gather3A_651 = tpu.dynamic_gather %add3A_642[%gather3A_650] in [0] : vector<16xf32>, vector<16xi32> -> vector<16xf32>
      %add3A_652 = arith.addf %add3A_642, %gather3A_651 : vector<16xf32>
      %add3A_653 = arith.constant 4 : i32
      %add3A_654 = vector.broadcast %add3A_653 : i32 to vector<16xi32>
      %add3A_655 = arith.addi %iota3A, %add3A_654 : vector<16xi32>
      %and3A_656 = arith.constant 15 : i32
      %and3A_657 = vector.broadcast %and3A_656 : i32 to vector<16xi32>
      %and3A_658 = arith.andi %add3A_655, %and3A_657 : vector<16xi32>
      %broadcast_in_dim3A_659 = vector.shape_cast %and3A_658 : vector<16xi32> to vector<16x1xi32>
      %gather3A_660 = vector.shape_cast %broadcast_in_dim3A_659 : vector<16x1xi32> to vector<16xi32>
      %gather3A_661 = tpu.dynamic_gather %add3A_652[%gather3A_660] in [0] : vector<16xf32>, vector<16xi32> -> vector<16xf32>
      %add3A_662 = arith.addf %add3A_652, %gather3A_661 : vector<16xf32>
      %add3A_663 = arith.constant 2 : i32
      %add3A_664 = vector.broadcast %add3A_663 : i32 to vector<16xi32>
      %add3A_665 = arith.addi %iota3A, %add3A_664 : vector<16xi32>
      %and3A_666 = arith.constant 15 : i32
      %and3A_667 = vector.broadcast %and3A_666 : i32 to vector<16xi32>
      %and3A_668 = arith.andi %add3A_665, %and3A_667 : vector<16xi32>
      %broadcast_in_dim3A_669 = vector.shape_cast %and3A_668 : vector<16xi32> to vector<16x1xi32>
      %gather3A_670 = vector.shape_cast %broadcast_in_dim3A_669 : vector<16x1xi32> to vector<16xi32>
      %gather3A_671 = tpu.dynamic_gather %add3A_662[%gather3A_670] in [0] : vector<16xf32>, vector<16xi32> -> vector<16xf32>
      %add3A_672 = arith.addf %add3A_662, %gather3A_671 : vector<16xf32>
      %add3A_673 = arith.constant 1 : i32
      %add3A_674 = vector.broadcast %add3A_673 : i32 to vector<16xi32>
      %add3A_675 = arith.addi %iota3A, %add3A_674 : vector<16xi32>
      %and3A_676 = arith.constant 15 : i32
      %and3A_677 = vector.broadcast %and3A_676 : i32 to vector<16xi32>
      %and3A_678 = arith.andi %add3A_675, %and3A_677 : vector<16xi32>
      %broadcast_in_dim3A_679 = vector.shape_cast %and3A_678 : vector<16xi32> to vector<16x1xi32>
      %gather3A_680 = vector.shape_cast %broadcast_in_dim3A_679 : vector<16x1xi32> to vector<16xi32>
      %gather3A_681 = tpu.dynamic_gather %add3A_672[%gather3A_680] in [0] : vector<16xf32>, vector<16xi32> -> vector<16xf32>
      %add3A_682 = arith.addf %add3A_672, %gather3A_681 : vector<16xf32>
      %eq3A_683 = arith.constant 6 : i32
      %eq3A_684 = vector.broadcast %eq3A_683 : i32 to vector<16xi32>
      %eq3A_685 = arith.cmpi eq, %iota3A, %eq3A_684 : vector<16xi32>
      %select_n3A_686 = arith.select %eq3A_685, %add3A_682, %select_n3A_609 : vector<16xi1>, vector<16xf32>
      %mul3A_687 = arith.constant 16 : i32
      %mul3A_688 = arith.muli %scan3A_140, %mul3A_687 : i32
      %add3A_689 = arith.constant 7 : i32
      %add3A_690 = arith.addi %mul3A_688, %add3A_689 : i32
      %slice3A_691 = vector.extract_strided_slice %get3A_147 {offsets = [7], sizes = [1], strides = [1]} : vector<16xi32> to vector<1xi32>
      %squeeze3A_692 = vector.extract %slice3A_691[0] : i32 from vector<1xi32>
      %multiple_of3A_693 = tpu.assume_multiple %squeeze3A_692, 32 : i32
      %slice3A_694 = vector.extract_strided_slice %get3A_154 {offsets = [7], sizes = [1], strides = [1]} : vector<16xi32> to vector<1xi32>
      %squeeze3A_695 = vector.extract %slice3A_694[0] : i32 from vector<1xi32>
      %multiple_of3A_696 = tpu.assume_multiple %squeeze3A_695, 32 : i32
      %get3A_697 = arith.index_cast %add3A_690 : i32 to index
      %get3A_698 = arith.index_cast %multiple_of3A_693 : i32 to index
      %get3A_699 = tpu.vector_load %arg13[%get3A_697, %get3A_698] {strides = array<i32>} : memref<128x128xf32, #tpu.memory_space<vmem>>, vector<1x16xf32>,
      %get3A_700 = vector.shape_cast %get3A_699 : vector<1x16xf32> to vector<16xf32>
      %add3A_701 = arith.constant 16 : i32
      %add3A_702 = arith.addi %multiple_of3A_693, %add3A_701 : i32
      %get3A_703 = arith.index_cast %add3A_690 : i32 to index
      %get3A_704 = arith.index_cast %add3A_702 : i32 to index
      %get3A_705 = tpu.vector_load %arg13[%get3A_703, %get3A_704] {strides = array<i32>} : memref<128x128xf32, #tpu.memory_space<vmem>>, vector<1x16xf32>,
      %get3A_706 = vector.shape_cast %get3A_705 : vector<1x16xf32> to vector<16xf32>
      %get3A_707 = arith.index_cast %add3A_690 : i32 to index
      %get3A_708 = arith.index_cast %multiple_of3A_696 : i32 to index
      %get3A_709 = tpu.vector_load %arg14[%get3A_707, %get3A_708] {strides = array<i32>} : memref<128x128xf32, #tpu.memory_space<vmem>>, vector<1x16xf32>,
      %get3A_710 = vector.shape_cast %get3A_709 : vector<1x16xf32> to vector<16xf32>
      %add3A_711 = arith.constant 16 : i32
      %add3A_712 = arith.addi %multiple_of3A_696, %add3A_711 : i32
      %get3A_713 = arith.index_cast %add3A_690 : i32 to index
      %get3A_714 = arith.index_cast %add3A_712 : i32 to index
      %get3A_715 = tpu.vector_load %arg14[%get3A_713, %get3A_714] {strides = array<i32>} : memref<128x128xf32, #tpu.memory_space<vmem>>, vector<1x16xf32>,
      %get3A_716 = vector.shape_cast %get3A_715 : vector<1x16xf32> to vector<16xf32>
      %mul3A_717 = arith.mulf %get3A_700, %get3A_710 : vector<16xf32>
      %mul3A_718 = arith.mulf %get3A_706, %get3A_716 : vector<16xf32>
      %add3A_719 = arith.addf %mul3A_717, %mul3A_718 : vector<16xf32>
      %add3A_720 = arith.constant 8 : i32
      %add3A_721 = vector.broadcast %add3A_720 : i32 to vector<16xi32>
      %add3A_722 = arith.addi %iota3A, %add3A_721 : vector<16xi32>
      %and3A_723 = arith.constant 15 : i32
      %and3A_724 = vector.broadcast %and3A_723 : i32 to vector<16xi32>
      %and3A_725 = arith.andi %add3A_722, %and3A_724 : vector<16xi32>
      %broadcast_in_dim3A_726 = vector.shape_cast %and3A_725 : vector<16xi32> to vector<16x1xi32>
      %gather3A_727 = vector.shape_cast %broadcast_in_dim3A_726 : vector<16x1xi32> to vector<16xi32>
      %gather3A_728 = tpu.dynamic_gather %add3A_719[%gather3A_727] in [0] : vector<16xf32>, vector<16xi32> -> vector<16xf32>
      %add3A_729 = arith.addf %add3A_719, %gather3A_728 : vector<16xf32>
      %add3A_730 = arith.constant 4 : i32
      %add3A_731 = vector.broadcast %add3A_730 : i32 to vector<16xi32>
      %add3A_732 = arith.addi %iota3A, %add3A_731 : vector<16xi32>
      %and3A_733 = arith.constant 15 : i32
      %and3A_734 = vector.broadcast %and3A_733 : i32 to vector<16xi32>
      %and3A_735 = arith.andi %add3A_732, %and3A_734 : vector<16xi32>
      %broadcast_in_dim3A_736 = vector.shape_cast %and3A_735 : vector<16xi32> to vector<16x1xi32>
      %gather3A_737 = vector.shape_cast %broadcast_in_dim3A_736 : vector<16x1xi32> to vector<16xi32>
      %gather3A_738 = tpu.dynamic_gather %add3A_729[%gather3A_737] in [0] : vector<16xf32>, vector<16xi32> -> vector<16xf32>
      %add3A_739 = arith.addf %add3A_729, %gather3A_738 : vector<16xf32>
      %add3A_740 = arith.constant 2 : i32
      %add3A_741 = vector.broadcast %add3A_740 : i32 to vector<16xi32>
      %add3A_742 = arith.addi %iota3A, %add3A_741 : vector<16xi32>
      %and3A_743 = arith.constant 15 : i32
      %and3A_744 = vector.broadcast %and3A_743 : i32 to vector<16xi32>
      %and3A_745 = arith.andi %add3A_742, %and3A_744 : vector<16xi32>
      %broadcast_in_dim3A_746 = vector.shape_cast %and3A_745 : vector<16xi32> to vector<16x1xi32>
      %gather3A_747 = vector.shape_cast %broadcast_in_dim3A_746 : vector<16x1xi32> to vector<16xi32>
      %gather3A_748 = tpu.dynamic_gather %add3A_739[%gather3A_747] in [0] : vector<16xf32>, vector<16xi32> -> vector<16xf32>
      %add3A_749 = arith.addf %add3A_739, %gather3A_748 : vector<16xf32>
      %add3A_750 = arith.constant 1 : i32
      %add3A_751 = vector.broadcast %add3A_750 : i32 to vector<16xi32>
      %add3A_752 = arith.addi %iota3A, %add3A_751 : vector<16xi32>
      %and3A_753 = arith.constant 15 : i32
      %and3A_754 = vector.broadcast %and3A_753 : i32 to vector<16xi32>
      %and3A_755 = arith.andi %add3A_752, %and3A_754 : vector<16xi32>
      %broadcast_in_dim3A_756 = vector.shape_cast %and3A_755 : vector<16xi32> to vector<16x1xi32>
      %gather3A_757 = vector.shape_cast %broadcast_in_dim3A_756 : vector<16x1xi32> to vector<16xi32>
      %gather3A_758 = tpu.dynamic_gather %add3A_749[%gather3A_757] in [0] : vector<16xf32>, vector<16xi32> -> vector<16xf32>
      %add3A_759 = arith.addf %add3A_749, %gather3A_758 : vector<16xf32>
      %eq3A_760 = arith.constant 7 : i32
      %eq3A_761 = vector.broadcast %eq3A_760 : i32 to vector<16xi32>
      %eq3A_762 = arith.cmpi eq, %iota3A, %eq3A_761 : vector<16xi32>
      %select_n3A_763 = arith.select %eq3A_762, %add3A_759, %select_n3A_686 : vector<16xi1>, vector<16xf32>
      %mul3A_764 = arith.constant 16 : i32
      %mul3A_765 = arith.muli %scan3A_140, %mul3A_764 : i32
      %add3A_766 = arith.constant 8 : i32
      %add3A_767 = arith.addi %mul3A_765, %add3A_766 : i32
      %slice3A_768 = vector.extract_strided_slice %get3A_147 {offsets = [8], sizes = [1], strides = [1]} : vector<16xi32> to vector<1xi32>
      %squeeze3A_769 = vector.extract %slice3A_768[0] : i32 from vector<1xi32>
      %multiple_of3A_770 = tpu.assume_multiple %squeeze3A_769, 32 : i32
      %slice3A_771 = vector.extract_strided_slice %get3A_154 {offsets = [8], sizes = [1], strides = [1]} : vector<16xi32> to vector<1xi32>
      %squeeze3A_772 = vector.extract %slice3A_771[0] : i32 from vector<1xi32>
      %multiple_of3A_773 = tpu.assume_multiple %squeeze3A_772, 32 : i32
      %get3A_774 = arith.index_cast %add3A_767 : i32 to index
      %get3A_775 = arith.index_cast %multiple_of3A_770 : i32 to index
      %get3A_776 = tpu.vector_load %arg13[%get3A_774, %get3A_775] {strides = array<i32>} : memref<128x128xf32, #tpu.memory_space<vmem>>, vector<1x16xf32>,
      %get3A_777 = vector.shape_cast %get3A_776 : vector<1x16xf32> to vector<16xf32>
      %add3A_778 = arith.constant 16 : i32
      %add3A_779 = arith.addi %multiple_of3A_770, %add3A_778 : i32
      %get3A_780 = arith.index_cast %add3A_767 : i32 to index
      %get3A_781 = arith.index_cast %add3A_779 : i32 to index
      %get3A_782 = tpu.vector_load %arg13[%get3A_780, %get3A_781] {strides = array<i32>} : memref<128x128xf32, #tpu.memory_space<vmem>>, vector<1x16xf32>,
      %get3A_783 = vector.shape_cast %get3A_782 : vector<1x16xf32> to vector<16xf32>
      %get3A_784 = arith.index_cast %add3A_767 : i32 to index
      %get3A_785 = arith.index_cast %multiple_of3A_773 : i32 to index
      %get3A_786 = tpu.vector_load %arg14[%get3A_784, %get3A_785] {strides = array<i32>} : memref<128x128xf32, #tpu.memory_space<vmem>>, vector<1x16xf32>,
      %get3A_787 = vector.shape_cast %get3A_786 : vector<1x16xf32> to vector<16xf32>
      %add3A_788 = arith.constant 16 : i32
      %add3A_789 = arith.addi %multiple_of3A_773, %add3A_788 : i32
      %get3A_790 = arith.index_cast %add3A_767 : i32 to index
      %get3A_791 = arith.index_cast %add3A_789 : i32 to index
      %get3A_792 = tpu.vector_load %arg14[%get3A_790, %get3A_791] {strides = array<i32>} : memref<128x128xf32, #tpu.memory_space<vmem>>, vector<1x16xf32>,
      %get3A_793 = vector.shape_cast %get3A_792 : vector<1x16xf32> to vector<16xf32>
      %mul3A_794 = arith.mulf %get3A_777, %get3A_787 : vector<16xf32>
      %mul3A_795 = arith.mulf %get3A_783, %get3A_793 : vector<16xf32>
      %add3A_796 = arith.addf %mul3A_794, %mul3A_795 : vector<16xf32>
      %add3A_797 = arith.constant 8 : i32
      %add3A_798 = vector.broadcast %add3A_797 : i32 to vector<16xi32>
      %add3A_799 = arith.addi %iota3A, %add3A_798 : vector<16xi32>
      %and3A_800 = arith.constant 15 : i32
      %and3A_801 = vector.broadcast %and3A_800 : i32 to vector<16xi32>
      %and3A_802 = arith.andi %add3A_799, %and3A_801 : vector<16xi32>
      %broadcast_in_dim3A_803 = vector.shape_cast %and3A_802 : vector<16xi32> to vector<16x1xi32>
      %gather3A_804 = vector.shape_cast %broadcast_in_dim3A_803 : vector<16x1xi32> to vector<16xi32>
      %gather3A_805 = tpu.dynamic_gather %add3A_796[%gather3A_804] in [0] : vector<16xf32>, vector<16xi32> -> vector<16xf32>
      %add3A_806 = arith.addf %add3A_796, %gather3A_805 : vector<16xf32>
      %add3A_807 = arith.constant 4 : i32
      %add3A_808 = vector.broadcast %add3A_807 : i32 to vector<16xi32>
      %add3A_809 = arith.addi %iota3A, %add3A_808 : vector<16xi32>
      %and3A_810 = arith.constant 15 : i32
      %and3A_811 = vector.broadcast %and3A_810 : i32 to vector<16xi32>
      %and3A_812 = arith.andi %add3A_809, %and3A_811 : vector<16xi32>
      %broadcast_in_dim3A_813 = vector.shape_cast %and3A_812 : vector<16xi32> to vector<16x1xi32>
      %gather3A_814 = vector.shape_cast %broadcast_in_dim3A_813 : vector<16x1xi32> to vector<16xi32>
      %gather3A_815 = tpu.dynamic_gather %add3A_806[%gather3A_814] in [0] : vector<16xf32>, vector<16xi32> -> vector<16xf32>
      %add3A_816 = arith.addf %add3A_806, %gather3A_815 : vector<16xf32>
      %add3A_817 = arith.constant 2 : i32
      %add3A_818 = vector.broadcast %add3A_817 : i32 to vector<16xi32>
      %add3A_819 = arith.addi %iota3A, %add3A_818 : vector<16xi32>
      %and3A_820 = arith.constant 15 : i32
      %and3A_821 = vector.broadcast %and3A_820 : i32 to vector<16xi32>
      %and3A_822 = arith.andi %add3A_819, %and3A_821 : vector<16xi32>
      %broadcast_in_dim3A_823 = vector.shape_cast %and3A_822 : vector<16xi32> to vector<16x1xi32>
      %gather3A_824 = vector.shape_cast %broadcast_in_dim3A_823 : vector<16x1xi32> to vector<16xi32>
      %gather3A_825 = tpu.dynamic_gather %add3A_816[%gather3A_824] in [0] : vector<16xf32>, vector<16xi32> -> vector<16xf32>
      %add3A_826 = arith.addf %add3A_816, %gather3A_825 : vector<16xf32>
      %add3A_827 = arith.constant 1 : i32
      %add3A_828 = vector.broadcast %add3A_827 : i32 to vector<16xi32>
      %add3A_829 = arith.addi %iota3A, %add3A_828 : vector<16xi32>
      %and3A_830 = arith.constant 15 : i32
      %and3A_831 = vector.broadcast %and3A_830 : i32 to vector<16xi32>
      %and3A_832 = arith.andi %add3A_829, %and3A_831 : vector<16xi32>
      %broadcast_in_dim3A_833 = vector.shape_cast %and3A_832 : vector<16xi32> to vector<16x1xi32>
      %gather3A_834 = vector.shape_cast %broadcast_in_dim3A_833 : vector<16x1xi32> to vector<16xi32>
      %gather3A_835 = tpu.dynamic_gather %add3A_826[%gather3A_834] in [0] : vector<16xf32>, vector<16xi32> -> vector<16xf32>
      %add3A_836 = arith.addf %add3A_826, %gather3A_835 : vector<16xf32>
      %eq3A_837 = arith.constant 8 : i32
      %eq3A_838 = vector.broadcast %eq3A_837 : i32 to vector<16xi32>
      %eq3A_839 = arith.cmpi eq, %iota3A, %eq3A_838 : vector<16xi32>
      %select_n3A_840 = arith.select %eq3A_839, %add3A_836, %select_n3A_763 : vector<16xi1>, vector<16xf32>
      %mul3A_841 = arith.constant 16 : i32
      %mul3A_842 = arith.muli %scan3A_140, %mul3A_841 : i32
      %add3A_843 = arith.constant 9 : i32
      %add3A_844 = arith.addi %mul3A_842, %add3A_843 : i32
      %slice3A_845 = vector.extract_strided_slice %get3A_147 {offsets = [9], sizes = [1], strides = [1]} : vector<16xi32> to vector<1xi32>
      %squeeze3A_846 = vector.extract %slice3A_845[0] : i32 from vector<1xi32>
      %multiple_of3A_847 = tpu.assume_multiple %squeeze3A_846, 32 : i32
      %slice3A_848 = vector.extract_strided_slice %get3A_154 {offsets = [9], sizes = [1], strides = [1]} : vector<16xi32> to vector<1xi32>
      %squeeze3A_849 = vector.extract %slice3A_848[0] : i32 from vector<1xi32>
      %multiple_of3A_850 = tpu.assume_multiple %squeeze3A_849, 32 : i32
      %get3A_851 = arith.index_cast %add3A_844 : i32 to index
      %get3A_852 = arith.index_cast %multiple_of3A_847 : i32 to index
      %get3A_853 = tpu.vector_load %arg13[%get3A_851, %get3A_852] {strides = array<i32>} : memref<128x128xf32, #tpu.memory_space<vmem>>, vector<1x16xf32>,
      %get3A_854 = vector.shape_cast %get3A_853 : vector<1x16xf32> to vector<16xf32>
      %add3A_855 = arith.constant 16 : i32
      %add3A_856 = arith.addi %multiple_of3A_847, %add3A_855 : i32
      %get3A_857 = arith.index_cast %add3A_844 : i32 to index
      %get3A_858 = arith.index_cast %add3A_856 : i32 to index
      %get3A_859 = tpu.vector_load %arg13[%get3A_857, %get3A_858] {strides = array<i32>} : memref<128x128xf32, #tpu.memory_space<vmem>>, vector<1x16xf32>,
      %get3A_860 = vector.shape_cast %get3A_859 : vector<1x16xf32> to vector<16xf32>
      %get3A_861 = arith.index_cast %add3A_844 : i32 to index
      %get3A_862 = arith.index_cast %multiple_of3A_850 : i32 to index
      %get3A_863 = tpu.vector_load %arg14[%get3A_861, %get3A_862] {strides = array<i32>} : memref<128x128xf32, #tpu.memory_space<vmem>>, vector<1x16xf32>,
      %get3A_864 = vector.shape_cast %get3A_863 : vector<1x16xf32> to vector<16xf32>
      %add3A_865 = arith.constant 16 : i32
      %add3A_866 = arith.addi %multiple_of3A_850, %add3A_865 : i32
      %get3A_867 = arith.index_cast %add3A_844 : i32 to index
      %get3A_868 = arith.index_cast %add3A_866 : i32 to index
      %get3A_869 = tpu.vector_load %arg14[%get3A_867, %get3A_868] {strides = array<i32>} : memref<128x128xf32, #tpu.memory_space<vmem>>, vector<1x16xf32>,
      %get3A_870 = vector.shape_cast %get3A_869 : vector<1x16xf32> to vector<16xf32>
      %mul3A_871 = arith.mulf %get3A_854, %get3A_864 : vector<16xf32>
      %mul3A_872 = arith.mulf %get3A_860, %get3A_870 : vector<16xf32>
      %add3A_873 = arith.addf %mul3A_871, %mul3A_872 : vector<16xf32>
      %add3A_874 = arith.constant 8 : i32
      %add3A_875 = vector.broadcast %add3A_874 : i32 to vector<16xi32>
      %add3A_876 = arith.addi %iota3A, %add3A_875 : vector<16xi32>
      %and3A_877 = arith.constant 15 : i32
      %and3A_878 = vector.broadcast %and3A_877 : i32 to vector<16xi32>
      %and3A_879 = arith.andi %add3A_876, %and3A_878 : vector<16xi32>
      %broadcast_in_dim3A_880 = vector.shape_cast %and3A_879 : vector<16xi32> to vector<16x1xi32>
      %gather3A_881 = vector.shape_cast %broadcast_in_dim3A_880 : vector<16x1xi32> to vector<16xi32>
      %gather3A_882 = tpu.dynamic_gather %add3A_873[%gather3A_881] in [0] : vector<16xf32>, vector<16xi32> -> vector<16xf32>
      %add3A_883 = arith.addf %add3A_873, %gather3A_882 : vector<16xf32>
      %add3A_884 = arith.constant 4 : i32
      %add3A_885 = vector.broadcast %add3A_884 : i32 to vector<16xi32>
      %add3A_886 = arith.addi %iota3A, %add3A_885 : vector<16xi32>
      %and3A_887 = arith.constant 15 : i32
      %and3A_888 = vector.broadcast %and3A_887 : i32 to vector<16xi32>
      %and3A_889 = arith.andi %add3A_886, %and3A_888 : vector<16xi32>
      %broadcast_in_dim3A_890 = vector.shape_cast %and3A_889 : vector<16xi32> to vector<16x1xi32>
      %gather3A_891 = vector.shape_cast %broadcast_in_dim3A_890 : vector<16x1xi32> to vector<16xi32>
      %gather3A_892 = tpu.dynamic_gather %add3A_883[%gather3A_891] in [0] : vector<16xf32>, vector<16xi32> -> vector<16xf32>
      %add3A_893 = arith.addf %add3A_883, %gather3A_892 : vector<16xf32>
      %add3A_894 = arith.constant 2 : i32
      %add3A_895 = vector.broadcast %add3A_894 : i32 to vector<16xi32>
      %add3A_896 = arith.addi %iota3A, %add3A_895 : vector<16xi32>
      %and3A_897 = arith.constant 15 : i32
      %and3A_898 = vector.broadcast %and3A_897 : i32 to vector<16xi32>
      %and3A_899 = arith.andi %add3A_896, %and3A_898 : vector<16xi32>
      %broadcast_in_dim3A_900 = vector.shape_cast %and3A_899 : vector<16xi32> to vector<16x1xi32>
      %gather3A_901 = vector.shape_cast %broadcast_in_dim3A_900 : vector<16x1xi32> to vector<16xi32>
      %gather3A_902 = tpu.dynamic_gather %add3A_893[%gather3A_901] in [0] : vector<16xf32>, vector<16xi32> -> vector<16xf32>
      %add3A_903 = arith.addf %add3A_893, %gather3A_902 : vector<16xf32>
      %add3A_904 = arith.constant 1 : i32
      %add3A_905 = vector.broadcast %add3A_904 : i32 to vector<16xi32>
      %add3A_906 = arith.addi %iota3A, %add3A_905 : vector<16xi32>
      %and3A_907 = arith.constant 15 : i32
      %and3A_908 = vector.broadcast %and3A_907 : i32 to vector<16xi32>
      %and3A_909 = arith.andi %add3A_906, %and3A_908 : vector<16xi32>
      %broadcast_in_dim3A_910 = vector.shape_cast %and3A_909 : vector<16xi32> to vector<16x1xi32>
      %gather3A_911 = vector.shape_cast %broadcast_in_dim3A_910 : vector<16x1xi32> to vector<16xi32>
      %gather3A_912 = tpu.dynamic_gather %add3A_903[%gather3A_911] in [0] : vector<16xf32>, vector<16xi32> -> vector<16xf32>
      %add3A_913 = arith.addf %add3A_903, %gather3A_912 : vector<16xf32>
      %eq3A_914 = arith.constant 9 : i32
      %eq3A_915 = vector.broadcast %eq3A_914 : i32 to vector<16xi32>
      %eq3A_916 = arith.cmpi eq, %iota3A, %eq3A_915 : vector<16xi32>
      %select_n3A_917 = arith.select %eq3A_916, %add3A_913, %select_n3A_840 : vector<16xi1>, vector<16xf32>
      %mul3A_918 = arith.constant 16 : i32
      %mul3A_919 = arith.muli %scan3A_140, %mul3A_918 : i32
      %add3A_920 = arith.constant 10 : i32
      %add3A_921 = arith.addi %mul3A_919, %add3A_920 : i32
      %slice3A_922 = vector.extract_strided_slice %get3A_147 {offsets = [10], sizes = [1], strides = [1]} : vector<16xi32> to vector<1xi32>
      %squeeze3A_923 = vector.extract %slice3A_922[0] : i32 from vector<1xi32>
      %multiple_of3A_924 = tpu.assume_multiple %squeeze3A_923, 32 : i32
      %slice3A_925 = vector.extract_strided_slice %get3A_154 {offsets = [10], sizes = [1], strides = [1]} : vector<16xi32> to vector<1xi32>
      %squeeze3A_926 = vector.extract %slice3A_925[0] : i32 from vector<1xi32>
      %multiple_of3A_927 = tpu.assume_multiple %squeeze3A_926, 32 : i32
      %get3A_928 = arith.index_cast %add3A_921 : i32 to index
      %get3A_929 = arith.index_cast %multiple_of3A_924 : i32 to index
      %get3A_930 = tpu.vector_load %arg13[%get3A_928, %get3A_929] {strides = array<i32>} : memref<128x128xf32, #tpu.memory_space<vmem>>, vector<1x16xf32>,
      %get3A_931 = vector.shape_cast %get3A_930 : vector<1x16xf32> to vector<16xf32>
      %add3A_932 = arith.constant 16 : i32
      %add3A_933 = arith.addi %multiple_of3A_924, %add3A_932 : i32
      %get3A_934 = arith.index_cast %add3A_921 : i32 to index
      %get3A_935 = arith.index_cast %add3A_933 : i32 to index
      %get3A_936 = tpu.vector_load %arg13[%get3A_934, %get3A_935] {strides = array<i32>} : memref<128x128xf32, #tpu.memory_space<vmem>>, vector<1x16xf32>,
      %get3A_937 = vector.shape_cast %get3A_936 : vector<1x16xf32> to vector<16xf32>
      %get3A_938 = arith.index_cast %add3A_921 : i32 to index
      %get3A_939 = arith.index_cast %multiple_of3A_927 : i32 to index
      %get3A_940 = tpu.vector_load %arg14[%get3A_938, %get3A_939] {strides = array<i32>} : memref<128x128xf32, #tpu.memory_space<vmem>>, vector<1x16xf32>,
      %get3A_941 = vector.shape_cast %get3A_940 : vector<1x16xf32> to vector<16xf32>
      %add3A_942 = arith.constant 16 : i32
      %add3A_943 = arith.addi %multiple_of3A_927, %add3A_942 : i32
      %get3A_944 = arith.index_cast %add3A_921 : i32 to index
      %get3A_945 = arith.index_cast %add3A_943 : i32 to index
      %get3A_946 = tpu.vector_load %arg14[%get3A_944, %get3A_945] {strides = array<i32>} : memref<128x128xf32, #tpu.memory_space<vmem>>, vector<1x16xf32>,
      %get3A_947 = vector.shape_cast %get3A_946 : vector<1x16xf32> to vector<16xf32>
      %mul3A_948 = arith.mulf %get3A_931, %get3A_941 : vector<16xf32>
      %mul3A_949 = arith.mulf %get3A_937, %get3A_947 : vector<16xf32>
      %add3A_950 = arith.addf %mul3A_948, %mul3A_949 : vector<16xf32>
      %add3A_951 = arith.constant 8 : i32
      %add3A_952 = vector.broadcast %add3A_951 : i32 to vector<16xi32>
      %add3A_953 = arith.addi %iota3A, %add3A_952 : vector<16xi32>
      %and3A_954 = arith.constant 15 : i32
      %and3A_955 = vector.broadcast %and3A_954 : i32 to vector<16xi32>
      %and3A_956 = arith.andi %add3A_953, %and3A_955 : vector<16xi32>
      %broadcast_in_dim3A_957 = vector.shape_cast %and3A_956 : vector<16xi32> to vector<16x1xi32>
      %gather3A_958 = vector.shape_cast %broadcast_in_dim3A_957 : vector<16x1xi32> to vector<16xi32>
      %gather3A_959 = tpu.dynamic_gather %add3A_950[%gather3A_958] in [0] : vector<16xf32>, vector<16xi32> -> vector<16xf32>
      %add3A_960 = arith.addf %add3A_950, %gather3A_959 : vector<16xf32>
      %add3A_961 = arith.constant 4 : i32
      %add3A_962 = vector.broadcast %add3A_961 : i32 to vector<16xi32>
      %add3A_963 = arith.addi %iota3A, %add3A_962 : vector<16xi32>
      %and3A_964 = arith.constant 15 : i32
      %and3A_965 = vector.broadcast %and3A_964 : i32 to vector<16xi32>
      %and3A_966 = arith.andi %add3A_963, %and3A_965 : vector<16xi32>
      %broadcast_in_dim3A_967 = vector.shape_cast %and3A_966 : vector<16xi32> to vector<16x1xi32>
      %gather3A_968 = vector.shape_cast %broadcast_in_dim3A_967 : vector<16x1xi32> to vector<16xi32>
      %gather3A_969 = tpu.dynamic_gather %add3A_960[%gather3A_968] in [0] : vector<16xf32>, vector<16xi32> -> vector<16xf32>
      %add3A_970 = arith.addf %add3A_960, %gather3A_969 : vector<16xf32>
      %add3A_971 = arith.constant 2 : i32
      %add3A_972 = vector.broadcast %add3A_971 : i32 to vector<16xi32>
      %add3A_973 = arith.addi %iota3A, %add3A_972 : vector<16xi32>
      %and3A_974 = arith.constant 15 : i32
      %and3A_975 = vector.broadcast %and3A_974 : i32 to vector<16xi32>
      %and3A_976 = arith.andi %add3A_973, %and3A_975 : vector<16xi32>
      %broadcast_in_dim3A_977 = vector.shape_cast %and3A_976 : vector<16xi32> to vector<16x1xi32>
      %gather3A_978 = vector.shape_cast %broadcast_in_dim3A_977 : vector<16x1xi32> to vector<16xi32>
      %gather3A_979 = tpu.dynamic_gather %add3A_970[%gather3A_978] in [0] : vector<16xf32>, vector<16xi32> -> vector<16xf32>
      %add3A_980 = arith.addf %add3A_970, %gather3A_979 : vector<16xf32>
      %add3A_981 = arith.constant 1 : i32
      %add3A_982 = vector.broadcast %add3A_981 : i32 to vector<16xi32>
      %add3A_983 = arith.addi %iota3A, %add3A_982 : vector<16xi32>
      %and3A_984 = arith.constant 15 : i32
      %and3A_985 = vector.broadcast %and3A_984 : i32 to vector<16xi32>
      %and3A_986 = arith.andi %add3A_983, %and3A_985 : vector<16xi32>
      %broadcast_in_dim3A_987 = vector.shape_cast %and3A_986 : vector<16xi32> to vector<16x1xi32>
      %gather3A_988 = vector.shape_cast %broadcast_in_dim3A_987 : vector<16x1xi32> to vector<16xi32>
      %gather3A_989 = tpu.dynamic_gather %add3A_980[%gather3A_988] in [0] : vector<16xf32>, vector<16xi32> -> vector<16xf32>
      %add3A_990 = arith.addf %add3A_980, %gather3A_989 : vector<16xf32>
      %eq3A_991 = arith.constant 10 : i32
      %eq3A_992 = vector.broadcast %eq3A_991 : i32 to vector<16xi32>
      %eq3A_993 = arith.cmpi eq, %iota3A, %eq3A_992 : vector<16xi32>
      %select_n3A_994 = arith.select %eq3A_993, %add3A_990, %select_n3A_917 : vector<16xi1>, vector<16xf32>
      %mul3A_995 = arith.constant 16 : i32
      %mul3A_996 = arith.muli %scan3A_140, %mul3A_995 : i32
      %add3A_997 = arith.constant 11 : i32
      %add3A_998 = arith.addi %mul3A_996, %add3A_997 : i32
      %slice3A_999 = vector.extract_strided_slice %get3A_147 {offsets = [11], sizes = [1], strides = [1]} : vector<16xi32> to vector<1xi32>
      %squeeze3A_1000 = vector.extract %slice3A_999[0] : i32 from vector<1xi32>
      %multiple_of3A_1001 = tpu.assume_multiple %squeeze3A_1000, 32 : i32
      %slice3A_1002 = vector.extract_strided_slice %get3A_154 {offsets = [11], sizes = [1], strides = [1]} : vector<16xi32> to vector<1xi32>
      %squeeze3A_1003 = vector.extract %slice3A_1002[0] : i32 from vector<1xi32>
      %multiple_of3A_1004 = tpu.assume_multiple %squeeze3A_1003, 32 : i32
      %get3A_1005 = arith.index_cast %add3A_998 : i32 to index
      %get3A_1006 = arith.index_cast %multiple_of3A_1001 : i32 to index
      %get3A_1007 = tpu.vector_load %arg13[%get3A_1005, %get3A_1006] {strides = array<i32>} : memref<128x128xf32, #tpu.memory_space<vmem>>, vector<1x16xf32>,
      %get3A_1008 = vector.shape_cast %get3A_1007 : vector<1x16xf32> to vector<16xf32>
      %add3A_1009 = arith.constant 16 : i32
      %add3A_1010 = arith.addi %multiple_of3A_1001, %add3A_1009 : i32
      %get3A_1011 = arith.index_cast %add3A_998 : i32 to index
      %get3A_1012 = arith.index_cast %add3A_1010 : i32 to index
      %get3A_1013 = tpu.vector_load %arg13[%get3A_1011, %get3A_1012] {strides = array<i32>} : memref<128x128xf32, #tpu.memory_space<vmem>>, vector<1x16xf32>,
      %get3A_1014 = vector.shape_cast %get3A_1013 : vector<1x16xf32> to vector<16xf32>
      %get3A_1015 = arith.index_cast %add3A_998 : i32 to index
      %get3A_1016 = arith.index_cast %multiple_of3A_1004 : i32 to index
      %get3A_1017 = tpu.vector_load %arg14[%get3A_1015, %get3A_1016] {strides = array<i32>} : memref<128x128xf32, #tpu.memory_space<vmem>>, vector<1x16xf32>,
      %get3A_1018 = vector.shape_cast %get3A_1017 : vector<1x16xf32> to vector<16xf32>
      %add3A_1019 = arith.constant 16 : i32
      %add3A_1020 = arith.addi %multiple_of3A_1004, %add3A_1019 : i32
      %get3A_1021 = arith.index_cast %add3A_998 : i32 to index
      %get3A_1022 = arith.index_cast %add3A_1020 : i32 to index
      %get3A_1023 = tpu.vector_load %arg14[%get3A_1021, %get3A_1022] {strides = array<i32>} : memref<128x128xf32, #tpu.memory_space<vmem>>, vector<1x16xf32>,
      %get3A_1024 = vector.shape_cast %get3A_1023 : vector<1x16xf32> to vector<16xf32>
      %mul3A_1025 = arith.mulf %get3A_1008, %get3A_1018 : vector<16xf32>
      %mul3A_1026 = arith.mulf %get3A_1014, %get3A_1024 : vector<16xf32>
      %add3A_1027 = arith.addf %mul3A_1025, %mul3A_1026 : vector<16xf32>
      %add3A_1028 = arith.constant 8 : i32
      %add3A_1029 = vector.broadcast %add3A_1028 : i32 to vector<16xi32>
      %add3A_1030 = arith.addi %iota3A, %add3A_1029 : vector<16xi32>
      %and3A_1031 = arith.constant 15 : i32
      %and3A_1032 = vector.broadcast %and3A_1031 : i32 to vector<16xi32>
      %and3A_1033 = arith.andi %add3A_1030, %and3A_1032 : vector<16xi32>
      %broadcast_in_dim3A_1034 = vector.shape_cast %and3A_1033 : vector<16xi32> to vector<16x1xi32>
      %gather3A_1035 = vector.shape_cast %broadcast_in_dim3A_1034 : vector<16x1xi32> to vector<16xi32>
      %gather3A_1036 = tpu.dynamic_gather %add3A_1027[%gather3A_1035] in [0] : vector<16xf32>, vector<16xi32> -> vector<16xf32>
      %add3A_1037 = arith.addf %add3A_1027, %gather3A_1036 : vector<16xf32>
      %add3A_1038 = arith.constant 4 : i32
      %add3A_1039 = vector.broadcast %add3A_1038 : i32 to vector<16xi32>
      %add3A_1040 = arith.addi %iota3A, %add3A_1039 : vector<16xi32>
      %and3A_1041 = arith.constant 15 : i32
      %and3A_1042 = vector.broadcast %and3A_1041 : i32 to vector<16xi32>
      %and3A_1043 = arith.andi %add3A_1040, %and3A_1042 : vector<16xi32>
      %broadcast_in_dim3A_1044 = vector.shape_cast %and3A_1043 : vector<16xi32> to vector<16x1xi32>
      %gather3A_1045 = vector.shape_cast %broadcast_in_dim3A_1044 : vector<16x1xi32> to vector<16xi32>
      %gather3A_1046 = tpu.dynamic_gather %add3A_1037[%gather3A_1045] in [0] : vector<16xf32>, vector<16xi32> -> vector<16xf32>
      %add3A_1047 = arith.addf %add3A_1037, %gather3A_1046 : vector<16xf32>
      %add3A_1048 = arith.constant 2 : i32
      %add3A_1049 = vector.broadcast %add3A_1048 : i32 to vector<16xi32>
      %add3A_1050 = arith.addi %iota3A, %add3A_1049 : vector<16xi32>
      %and3A_1051 = arith.constant 15 : i32
      %and3A_1052 = vector.broadcast %and3A_1051 : i32 to vector<16xi32>
      %and3A_1053 = arith.andi %add3A_1050, %and3A_1052 : vector<16xi32>
      %broadcast_in_dim3A_1054 = vector.shape_cast %and3A_1053 : vector<16xi32> to vector<16x1xi32>
      %gather3A_1055 = vector.shape_cast %broadcast_in_dim3A_1054 : vector<16x1xi32> to vector<16xi32>
      %gather3A_1056 = tpu.dynamic_gather %add3A_1047[%gather3A_1055] in [0] : vector<16xf32>, vector<16xi32> -> vector<16xf32>
      %add3A_1057 = arith.addf %add3A_1047, %gather3A_1056 : vector<16xf32>
      %add3A_1058 = arith.constant 1 : i32
      %add3A_1059 = vector.broadcast %add3A_1058 : i32 to vector<16xi32>
      %add3A_1060 = arith.addi %iota3A, %add3A_1059 : vector<16xi32>
      %and3A_1061 = arith.constant 15 : i32
      %and3A_1062 = vector.broadcast %and3A_1061 : i32 to vector<16xi32>
      %and3A_1063 = arith.andi %add3A_1060, %and3A_1062 : vector<16xi32>
      %broadcast_in_dim3A_1064 = vector.shape_cast %and3A_1063 : vector<16xi32> to vector<16x1xi32>
      %gather3A_1065 = vector.shape_cast %broadcast_in_dim3A_1064 : vector<16x1xi32> to vector<16xi32>
      %gather3A_1066 = tpu.dynamic_gather %add3A_1057[%gather3A_1065] in [0] : vector<16xf32>, vector<16xi32> -> vector<16xf32>
      %add3A_1067 = arith.addf %add3A_1057, %gather3A_1066 : vector<16xf32>
      %eq3A_1068 = arith.constant 11 : i32
      %eq3A_1069 = vector.broadcast %eq3A_1068 : i32 to vector<16xi32>
      %eq3A_1070 = arith.cmpi eq, %iota3A, %eq3A_1069 : vector<16xi32>
      %select_n3A_1071 = arith.select %eq3A_1070, %add3A_1067, %select_n3A_994 : vector<16xi1>, vector<16xf32>
      %mul3A_1072 = arith.constant 16 : i32
      %mul3A_1073 = arith.muli %scan3A_140, %mul3A_1072 : i32
      %add3A_1074 = arith.constant 12 : i32
      %add3A_1075 = arith.addi %mul3A_1073, %add3A_1074 : i32
      %slice3A_1076 = vector.extract_strided_slice %get3A_147 {offsets = [12], sizes = [1], strides = [1]} : vector<16xi32> to vector<1xi32>
      %squeeze3A_1077 = vector.extract %slice3A_1076[0] : i32 from vector<1xi32>
      %multiple_of3A_1078 = tpu.assume_multiple %squeeze3A_1077, 32 : i32
      %slice3A_1079 = vector.extract_strided_slice %get3A_154 {offsets = [12], sizes = [1], strides = [1]} : vector<16xi32> to vector<1xi32>
      %squeeze3A_1080 = vector.extract %slice3A_1079[0] : i32 from vector<1xi32>
      %multiple_of3A_1081 = tpu.assume_multiple %squeeze3A_1080, 32 : i32
      %get3A_1082 = arith.index_cast %add3A_1075 : i32 to index
      %get3A_1083 = arith.index_cast %multiple_of3A_1078 : i32 to index
      %get3A_1084 = tpu.vector_load %arg13[%get3A_1082, %get3A_1083] {strides = array<i32>} : memref<128x128xf32, #tpu.memory_space<vmem>>, vector<1x16xf32>,
      %get3A_1085 = vector.shape_cast %get3A_1084 : vector<1x16xf32> to vector<16xf32>
      %add3A_1086 = arith.constant 16 : i32
      %add3A_1087 = arith.addi %multiple_of3A_1078, %add3A_1086 : i32
      %get3A_1088 = arith.index_cast %add3A_1075 : i32 to index
      %get3A_1089 = arith.index_cast %add3A_1087 : i32 to index
      %get3A_1090 = tpu.vector_load %arg13[%get3A_1088, %get3A_1089] {strides = array<i32>} : memref<128x128xf32, #tpu.memory_space<vmem>>, vector<1x16xf32>,
      %get3A_1091 = vector.shape_cast %get3A_1090 : vector<1x16xf32> to vector<16xf32>
      %get3A_1092 = arith.index_cast %add3A_1075 : i32 to index
      %get3A_1093 = arith.index_cast %multiple_of3A_1081 : i32 to index
      %get3A_1094 = tpu.vector_load %arg14[%get3A_1092, %get3A_1093] {strides = array<i32>} : memref<128x128xf32, #tpu.memory_space<vmem>>, vector<1x16xf32>,
      %get3A_1095 = vector.shape_cast %get3A_1094 : vector<1x16xf32> to vector<16xf32>
      %add3A_1096 = arith.constant 16 : i32
      %add3A_1097 = arith.addi %multiple_of3A_1081, %add3A_1096 : i32
      %get3A_1098 = arith.index_cast %add3A_1075 : i32 to index
      %get3A_1099 = arith.index_cast %add3A_1097 : i32 to index
      %get3A_1100 = tpu.vector_load %arg14[%get3A_1098, %get3A_1099] {strides = array<i32>} : memref<128x128xf32, #tpu.memory_space<vmem>>, vector<1x16xf32>,
      %get3A_1101 = vector.shape_cast %get3A_1100 : vector<1x16xf32> to vector<16xf32>
      %mul3A_1102 = arith.mulf %get3A_1085, %get3A_1095 : vector<16xf32>
      %mul3A_1103 = arith.mulf %get3A_1091, %get3A_1101 : vector<16xf32>
      %add3A_1104 = arith.addf %mul3A_1102, %mul3A_1103 : vector<16xf32>
      %add3A_1105 = arith.constant 8 : i32
      %add3A_1106 = vector.broadcast %add3A_1105 : i32 to vector<16xi32>
      %add3A_1107 = arith.addi %iota3A, %add3A_1106 : vector<16xi32>
      %and3A_1108 = arith.constant 15 : i32
      %and3A_1109 = vector.broadcast %and3A_1108 : i32 to vector<16xi32>
      %and3A_1110 = arith.andi %add3A_1107, %and3A_1109 : vector<16xi32>
      %broadcast_in_dim3A_1111 = vector.shape_cast %and3A_1110 : vector<16xi32> to vector<16x1xi32>
      %gather3A_1112 = vector.shape_cast %broadcast_in_dim3A_1111 : vector<16x1xi32> to vector<16xi32>
      %gather3A_1113 = tpu.dynamic_gather %add3A_1104[%gather3A_1112] in [0] : vector<16xf32>, vector<16xi32> -> vector<16xf32>
      %add3A_1114 = arith.addf %add3A_1104, %gather3A_1113 : vector<16xf32>
      %add3A_1115 = arith.constant 4 : i32
      %add3A_1116 = vector.broadcast %add3A_1115 : i32 to vector<16xi32>
      %add3A_1117 = arith.addi %iota3A, %add3A_1116 : vector<16xi32>
      %and3A_1118 = arith.constant 15 : i32
      %and3A_1119 = vector.broadcast %and3A_1118 : i32 to vector<16xi32>
      %and3A_1120 = arith.andi %add3A_1117, %and3A_1119 : vector<16xi32>
      %broadcast_in_dim3A_1121 = vector.shape_cast %and3A_1120 : vector<16xi32> to vector<16x1xi32>
      %gather3A_1122 = vector.shape_cast %broadcast_in_dim3A_1121 : vector<16x1xi32> to vector<16xi32>
      %gather3A_1123 = tpu.dynamic_gather %add3A_1114[%gather3A_1122] in [0] : vector<16xf32>, vector<16xi32> -> vector<16xf32>
      %add3A_1124 = arith.addf %add3A_1114, %gather3A_1123 : vector<16xf32>
      %add3A_1125 = arith.constant 2 : i32
      %add3A_1126 = vector.broadcast %add3A_1125 : i32 to vector<16xi32>
      %add3A_1127 = arith.addi %iota3A, %add3A_1126 : vector<16xi32>
      %and3A_1128 = arith.constant 15 : i32
      %and3A_1129 = vector.broadcast %and3A_1128 : i32 to vector<16xi32>
      %and3A_1130 = arith.andi %add3A_1127, %and3A_1129 : vector<16xi32>
      %broadcast_in_dim3A_1131 = vector.shape_cast %and3A_1130 : vector<16xi32> to vector<16x1xi32>
      %gather3A_1132 = vector.shape_cast %broadcast_in_dim3A_1131 : vector<16x1xi32> to vector<16xi32>
      %gather3A_1133 = tpu.dynamic_gather %add3A_1124[%gather3A_1132] in [0] : vector<16xf32>, vector<16xi32> -> vector<16xf32>
      %add3A_1134 = arith.addf %add3A_1124, %gather3A_1133 : vector<16xf32>
      %add3A_1135 = arith.constant 1 : i32
      %add3A_1136 = vector.broadcast %add3A_1135 : i32 to vector<16xi32>
      %add3A_1137 = arith.addi %iota3A, %add3A_1136 : vector<16xi32>
      %and3A_1138 = arith.constant 15 : i32
      %and3A_1139 = vector.broadcast %and3A_1138 : i32 to vector<16xi32>
      %and3A_1140 = arith.andi %add3A_1137, %and3A_1139 : vector<16xi32>
      %broadcast_in_dim3A_1141 = vector.shape_cast %and3A_1140 : vector<16xi32> to vector<16x1xi32>
      %gather3A_1142 = vector.shape_cast %broadcast_in_dim3A_1141 : vector<16x1xi32> to vector<16xi32>
      %gather3A_1143 = tpu.dynamic_gather %add3A_1134[%gather3A_1142] in [0] : vector<16xf32>, vector<16xi32> -> vector<16xf32>
      %add3A_1144 = arith.addf %add3A_1134, %gather3A_1143 : vector<16xf32>
      %eq3A_1145 = arith.constant 12 : i32
      %eq3A_1146 = vector.broadcast %eq3A_1145 : i32 to vector<16xi32>
      %eq3A_1147 = arith.cmpi eq, %iota3A, %eq3A_1146 : vector<16xi32>
      %select_n3A_1148 = arith.select %eq3A_1147, %add3A_1144, %select_n3A_1071 : vector<16xi1>, vector<16xf32>
      %mul3A_1149 = arith.constant 16 : i32
      %mul3A_1150 = arith.muli %scan3A_140, %mul3A_1149 : i32
      %add3A_1151 = arith.constant 13 : i32
      %add3A_1152 = arith.addi %mul3A_1150, %add3A_1151 : i32
      %slice3A_1153 = vector.extract_strided_slice %get3A_147 {offsets = [13], sizes = [1], strides = [1]} : vector<16xi32> to vector<1xi32>
      %squeeze3A_1154 = vector.extract %slice3A_1153[0] : i32 from vector<1xi32>
      %multiple_of3A_1155 = tpu.assume_multiple %squeeze3A_1154, 32 : i32
      %slice3A_1156 = vector.extract_strided_slice %get3A_154 {offsets = [13], sizes = [1], strides = [1]} : vector<16xi32> to vector<1xi32>
      %squeeze3A_1157 = vector.extract %slice3A_1156[0] : i32 from vector<1xi32>
      %multiple_of3A_1158 = tpu.assume_multiple %squeeze3A_1157, 32 : i32
      %get3A_1159 = arith.index_cast %add3A_1152 : i32 to index
      %get3A_1160 = arith.index_cast %multiple_of3A_1155 : i32 to index
      %get3A_1161 = tpu.vector_load %arg13[%get3A_1159, %get3A_1160] {strides = array<i32>} : memref<128x128xf32, #tpu.memory_space<vmem>>, vector<1x16xf32>,
      %get3A_1162 = vector.shape_cast %get3A_1161 : vector<1x16xf32> to vector<16xf32>
      %add3A_1163 = arith.constant 16 : i32
      %add3A_1164 = arith.addi %multiple_of3A_1155, %add3A_1163 : i32
      %get3A_1165 = arith.index_cast %add3A_1152 : i32 to index
      %get3A_1166 = arith.index_cast %add3A_1164 : i32 to index
      %get3A_1167 = tpu.vector_load %arg13[%get3A_1165, %get3A_1166] {strides = array<i32>} : memref<128x128xf32, #tpu.memory_space<vmem>>, vector<1x16xf32>,
      %get3A_1168 = vector.shape_cast %get3A_1167 : vector<1x16xf32> to vector<16xf32>
      %get3A_1169 = arith.index_cast %add3A_1152 : i32 to index
      %get3A_1170 = arith.index_cast %multiple_of3A_1158 : i32 to index
      %get3A_1171 = tpu.vector_load %arg14[%get3A_1169, %get3A_1170] {strides = array<i32>} : memref<128x128xf32, #tpu.memory_space<vmem>>, vector<1x16xf32>,
      %get3A_1172 = vector.shape_cast %get3A_1171 : vector<1x16xf32> to vector<16xf32>
      %add3A_1173 = arith.constant 16 : i32
      %add3A_1174 = arith.addi %multiple_of3A_1158, %add3A_1173 : i32
      %get3A_1175 = arith.index_cast %add3A_1152 : i32 to index
      %get3A_1176 = arith.index_cast %add3A_1174 : i32 to index
      %get3A_1177 = tpu.vector_load %arg14[%get3A_1175, %get3A_1176] {strides = array<i32>} : memref<128x128xf32, #tpu.memory_space<vmem>>, vector<1x16xf32>,
      %get3A_1178 = vector.shape_cast %get3A_1177 : vector<1x16xf32> to vector<16xf32>
      %mul3A_1179 = arith.mulf %get3A_1162, %get3A_1172 : vector<16xf32>
      %mul3A_1180 = arith.mulf %get3A_1168, %get3A_1178 : vector<16xf32>
      %add3A_1181 = arith.addf %mul3A_1179, %mul3A_1180 : vector<16xf32>
      %add3A_1182 = arith.constant 8 : i32
      %add3A_1183 = vector.broadcast %add3A_1182 : i32 to vector<16xi32>
      %add3A_1184 = arith.addi %iota3A, %add3A_1183 : vector<16xi32>
      %and3A_1185 = arith.constant 15 : i32
      %and3A_1186 = vector.broadcast %and3A_1185 : i32 to vector<16xi32>
      %and3A_1187 = arith.andi %add3A_1184, %and3A_1186 : vector<16xi32>
      %broadcast_in_dim3A_1188 = vector.shape_cast %and3A_1187 : vector<16xi32> to vector<16x1xi32>
      %gather3A_1189 = vector.shape_cast %broadcast_in_dim3A_1188 : vector<16x1xi32> to vector<16xi32>
      %gather3A_1190 = tpu.dynamic_gather %add3A_1181[%gather3A_1189] in [0] : vector<16xf32>, vector<16xi32> -> vector<16xf32>
      %add3A_1191 = arith.addf %add3A_1181, %gather3A_1190 : vector<16xf32>
      %add3A_1192 = arith.constant 4 : i32
      %add3A_1193 = vector.broadcast %add3A_1192 : i32 to vector<16xi32>
      %add3A_1194 = arith.addi %iota3A, %add3A_1193 : vector<16xi32>
      %and3A_1195 = arith.constant 15 : i32
      %and3A_1196 = vector.broadcast %and3A_1195 : i32 to vector<16xi32>
      %and3A_1197 = arith.andi %add3A_1194, %and3A_1196 : vector<16xi32>
      %broadcast_in_dim3A_1198 = vector.shape_cast %and3A_1197 : vector<16xi32> to vector<16x1xi32>
      %gather3A_1199 = vector.shape_cast %broadcast_in_dim3A_1198 : vector<16x1xi32> to vector<16xi32>
      %gather3A_1200 = tpu.dynamic_gather %add3A_1191[%gather3A_1199] in [0] : vector<16xf32>, vector<16xi32> -> vector<16xf32>
      %add3A_1201 = arith.addf %add3A_1191, %gather3A_1200 : vector<16xf32>
      %add3A_1202 = arith.constant 2 : i32
      %add3A_1203 = vector.broadcast %add3A_1202 : i32 to vector<16xi32>
      %add3A_1204 = arith.addi %iota3A, %add3A_1203 : vector<16xi32>
      %and3A_1205 = arith.constant 15 : i32
      %and3A_1206 = vector.broadcast %and3A_1205 : i32 to vector<16xi32>
      %and3A_1207 = arith.andi %add3A_1204, %and3A_1206 : vector<16xi32>
      %broadcast_in_dim3A_1208 = vector.shape_cast %and3A_1207 : vector<16xi32> to vector<16x1xi32>
      %gather3A_1209 = vector.shape_cast %broadcast_in_dim3A_1208 : vector<16x1xi32> to vector<16xi32>
      %gather3A_1210 = tpu.dynamic_gather %add3A_1201[%gather3A_1209] in [0] : vector<16xf32>, vector<16xi32> -> vector<16xf32>
      %add3A_1211 = arith.addf %add3A_1201, %gather3A_1210 : vector<16xf32>
      %add3A_1212 = arith.constant 1 : i32
      %add3A_1213 = vector.broadcast %add3A_1212 : i32 to vector<16xi32>
      %add3A_1214 = arith.addi %iota3A, %add3A_1213 : vector<16xi32>
      %and3A_1215 = arith.constant 15 : i32
      %and3A_1216 = vector.broadcast %and3A_1215 : i32 to vector<16xi32>
      %and3A_1217 = arith.andi %add3A_1214, %and3A_1216 : vector<16xi32>
      %broadcast_in_dim3A_1218 = vector.shape_cast %and3A_1217 : vector<16xi32> to vector<16x1xi32>
      %gather3A_1219 = vector.shape_cast %broadcast_in_dim3A_1218 : vector<16x1xi32> to vector<16xi32>
      %gather3A_1220 = tpu.dynamic_gather %add3A_1211[%gather3A_1219] in [0] : vector<16xf32>, vector<16xi32> -> vector<16xf32>
      %add3A_1221 = arith.addf %add3A_1211, %gather3A_1220 : vector<16xf32>
      %eq3A_1222 = arith.constant 13 : i32
      %eq3A_1223 = vector.broadcast %eq3A_1222 : i32 to vector<16xi32>
      %eq3A_1224 = arith.cmpi eq, %iota3A, %eq3A_1223 : vector<16xi32>
      %select_n3A_1225 = arith.select %eq3A_1224, %add3A_1221, %select_n3A_1148 : vector<16xi1>, vector<16xf32>
      %mul3A_1226 = arith.constant 16 : i32
      %mul3A_1227 = arith.muli %scan3A_140, %mul3A_1226 : i32
      %add3A_1228 = arith.constant 14 : i32
      %add3A_1229 = arith.addi %mul3A_1227, %add3A_1228 : i32
      %slice3A_1230 = vector.extract_strided_slice %get3A_147 {offsets = [14], sizes = [1], strides = [1]} : vector<16xi32> to vector<1xi32>
      %squeeze3A_1231 = vector.extract %slice3A_1230[0] : i32 from vector<1xi32>
      %multiple_of3A_1232 = tpu.assume_multiple %squeeze3A_1231, 32 : i32
      %slice3A_1233 = vector.extract_strided_slice %get3A_154 {offsets = [14], sizes = [1], strides = [1]} : vector<16xi32> to vector<1xi32>
      %squeeze3A_1234 = vector.extract %slice3A_1233[0] : i32 from vector<1xi32>
      %multiple_of3A_1235 = tpu.assume_multiple %squeeze3A_1234, 32 : i32
      %get3A_1236 = arith.index_cast %add3A_1229 : i32 to index
      %get3A_1237 = arith.index_cast %multiple_of3A_1232 : i32 to index
      %get3A_1238 = tpu.vector_load %arg13[%get3A_1236, %get3A_1237] {strides = array<i32>} : memref<128x128xf32, #tpu.memory_space<vmem>>, vector<1x16xf32>,
      %get3A_1239 = vector.shape_cast %get3A_1238 : vector<1x16xf32> to vector<16xf32>
      %add3A_1240 = arith.constant 16 : i32
      %add3A_1241 = arith.addi %multiple_of3A_1232, %add3A_1240 : i32
      %get3A_1242 = arith.index_cast %add3A_1229 : i32 to index
      %get3A_1243 = arith.index_cast %add3A_1241 : i32 to index
      %get3A_1244 = tpu.vector_load %arg13[%get3A_1242, %get3A_1243] {strides = array<i32>} : memref<128x128xf32, #tpu.memory_space<vmem>>, vector<1x16xf32>,
      %get3A_1245 = vector.shape_cast %get3A_1244 : vector<1x16xf32> to vector<16xf32>
      %get3A_1246 = arith.index_cast %add3A_1229 : i32 to index
      %get3A_1247 = arith.index_cast %multiple_of3A_1235 : i32 to index
      %get3A_1248 = tpu.vector_load %arg14[%get3A_1246, %get3A_1247] {strides = array<i32>} : memref<128x128xf32, #tpu.memory_space<vmem>>, vector<1x16xf32>,
      %get3A_1249 = vector.shape_cast %get3A_1248 : vector<1x16xf32> to vector<16xf32>
      %add3A_1250 = arith.constant 16 : i32
      %add3A_1251 = arith.addi %multiple_of3A_1235, %add3A_1250 : i32
      %get3A_1252 = arith.index_cast %add3A_1229 : i32 to index
      %get3A_1253 = arith.index_cast %add3A_1251 : i32 to index
      %get3A_1254 = tpu.vector_load %arg14[%get3A_1252, %get3A_1253] {strides = array<i32>} : memref<128x128xf32, #tpu.memory_space<vmem>>, vector<1x16xf32>,
      %get3A_1255 = vector.shape_cast %get3A_1254 : vector<1x16xf32> to vector<16xf32>
      %mul3A_1256 = arith.mulf %get3A_1239, %get3A_1249 : vector<16xf32>
      %mul3A_1257 = arith.mulf %get3A_1245, %get3A_1255 : vector<16xf32>
      %add3A_1258 = arith.addf %mul3A_1256, %mul3A_1257 : vector<16xf32>
      %add3A_1259 = arith.constant 8 : i32
      %add3A_1260 = vector.broadcast %add3A_1259 : i32 to vector<16xi32>
      %add3A_1261 = arith.addi %iota3A, %add3A_1260 : vector<16xi32>
      %and3A_1262 = arith.constant 15 : i32
      %and3A_1263 = vector.broadcast %and3A_1262 : i32 to vector<16xi32>
      %and3A_1264 = arith.andi %add3A_1261, %and3A_1263 : vector<16xi32>
      %broadcast_in_dim3A_1265 = vector.shape_cast %and3A_1264 : vector<16xi32> to vector<16x1xi32>
      %gather3A_1266 = vector.shape_cast %broadcast_in_dim3A_1265 : vector<16x1xi32> to vector<16xi32>
      %gather3A_1267 = tpu.dynamic_gather %add3A_1258[%gather3A_1266] in [0] : vector<16xf32>, vector<16xi32> -> vector<16xf32>
      %add3A_1268 = arith.addf %add3A_1258, %gather3A_1267 : vector<16xf32>
      %add3A_1269 = arith.constant 4 : i32
      %add3A_1270 = vector.broadcast %add3A_1269 : i32 to vector<16xi32>
      %add3A_1271 = arith.addi %iota3A, %add3A_1270 : vector<16xi32>
      %and3A_1272 = arith.constant 15 : i32
      %and3A_1273 = vector.broadcast %and3A_1272 : i32 to vector<16xi32>
      %and3A_1274 = arith.andi %add3A_1271, %and3A_1273 : vector<16xi32>
      %broadcast_in_dim3A_1275 = vector.shape_cast %and3A_1274 : vector<16xi32> to vector<16x1xi32>
      %gather3A_1276 = vector.shape_cast %broadcast_in_dim3A_1275 : vector<16x1xi32> to vector<16xi32>
      %gather3A_1277 = tpu.dynamic_gather %add3A_1268[%gather3A_1276] in [0] : vector<16xf32>, vector<16xi32> -> vector<16xf32>
      %add3A_1278 = arith.addf %add3A_1268, %gather3A_1277 : vector<16xf32>
      %add3A_1279 = arith.constant 2 : i32
      %add3A_1280 = vector.broadcast %add3A_1279 : i32 to vector<16xi32>
      %add3A_1281 = arith.addi %iota3A, %add3A_1280 : vector<16xi32>
      %and3A_1282 = arith.constant 15 : i32
      %and3A_1283 = vector.broadcast %and3A_1282 : i32 to vector<16xi32>
      %and3A_1284 = arith.andi %add3A_1281, %and3A_1283 : vector<16xi32>
      %broadcast_in_dim3A_1285 = vector.shape_cast %and3A_1284 : vector<16xi32> to vector<16x1xi32>
      %gather3A_1286 = vector.shape_cast %broadcast_in_dim3A_1285 : vector<16x1xi32> to vector<16xi32>
      %gather3A_1287 = tpu.dynamic_gather %add3A_1278[%gather3A_1286] in [0] : vector<16xf32>, vector<16xi32> -> vector<16xf32>
      %add3A_1288 = arith.addf %add3A_1278, %gather3A_1287 : vector<16xf32>
      %add3A_1289 = arith.constant 1 : i32
      %add3A_1290 = vector.broadcast %add3A_1289 : i32 to vector<16xi32>
      %add3A_1291 = arith.addi %iota3A, %add3A_1290 : vector<16xi32>
      %and3A_1292 = arith.constant 15 : i32
      %and3A_1293 = vector.broadcast %and3A_1292 : i32 to vector<16xi32>
      %and3A_1294 = arith.andi %add3A_1291, %and3A_1293 : vector<16xi32>
      %broadcast_in_dim3A_1295 = vector.shape_cast %and3A_1294 : vector<16xi32> to vector<16x1xi32>
      %gather3A_1296 = vector.shape_cast %broadcast_in_dim3A_1295 : vector<16x1xi32> to vector<16xi32>
      %gather3A_1297 = tpu.dynamic_gather %add3A_1288[%gather3A_1296] in [0] : vector<16xf32>, vector<16xi32> -> vector<16xf32>
      %add3A_1298 = arith.addf %add3A_1288, %gather3A_1297 : vector<16xf32>
      %eq3A_1299 = arith.constant 14 : i32
      %eq3A_1300 = vector.broadcast %eq3A_1299 : i32 to vector<16xi32>
      %eq3A_1301 = arith.cmpi eq, %iota3A, %eq3A_1300 : vector<16xi32>
      %select_n3A_1302 = arith.select %eq3A_1301, %add3A_1298, %select_n3A_1225 : vector<16xi1>, vector<16xf32>
      %mul3A_1303 = arith.constant 16 : i32
      %mul3A_1304 = arith.muli %scan3A_140, %mul3A_1303 : i32
      %add3A_1305 = arith.constant 15 : i32
      %add3A_1306 = arith.addi %mul3A_1304, %add3A_1305 : i32
      %slice3A_1307 = vector.extract_strided_slice %get3A_147 {offsets = [15], sizes = [1], strides = [1]} : vector<16xi32> to vector<1xi32>
      %squeeze3A_1308 = vector.extract %slice3A_1307[0] : i32 from vector<1xi32>
      %multiple_of3A_1309 = tpu.assume_multiple %squeeze3A_1308, 32 : i32
      %slice3A_1310 = vector.extract_strided_slice %get3A_154 {offsets = [15], sizes = [1], strides = [1]} : vector<16xi32> to vector<1xi32>
      %squeeze3A_1311 = vector.extract %slice3A_1310[0] : i32 from vector<1xi32>
      %multiple_of3A_1312 = tpu.assume_multiple %squeeze3A_1311, 32 : i32
      %get3A_1313 = arith.index_cast %add3A_1306 : i32 to index
      %get3A_1314 = arith.index_cast %multiple_of3A_1309 : i32 to index
      %get3A_1315 = tpu.vector_load %arg13[%get3A_1313, %get3A_1314] {strides = array<i32>} : memref<128x128xf32, #tpu.memory_space<vmem>>, vector<1x16xf32>,
      %get3A_1316 = vector.shape_cast %get3A_1315 : vector<1x16xf32> to vector<16xf32>
      %add3A_1317 = arith.constant 16 : i32
      %add3A_1318 = arith.addi %multiple_of3A_1309, %add3A_1317 : i32
      %get3A_1319 = arith.index_cast %add3A_1306 : i32 to index
      %get3A_1320 = arith.index_cast %add3A_1318 : i32 to index
      %get3A_1321 = tpu.vector_load %arg13[%get3A_1319, %get3A_1320] {strides = array<i32>} : memref<128x128xf32, #tpu.memory_space<vmem>>, vector<1x16xf32>,
      %get3A_1322 = vector.shape_cast %get3A_1321 : vector<1x16xf32> to vector<16xf32>
      %get3A_1323 = arith.index_cast %add3A_1306 : i32 to index
      %get3A_1324 = arith.index_cast %multiple_of3A_1312 : i32 to index
      %get3A_1325 = tpu.vector_load %arg14[%get3A_1323, %get3A_1324] {strides = array<i32>} : memref<128x128xf32, #tpu.memory_space<vmem>>, vector<1x16xf32>,
      %get3A_1326 = vector.shape_cast %get3A_1325 : vector<1x16xf32> to vector<16xf32>
      %add3A_1327 = arith.constant 16 : i32
      %add3A_1328 = arith.addi %multiple_of3A_1312, %add3A_1327 : i32
      %get3A_1329 = arith.index_cast %add3A_1306 : i32 to index
      %get3A_1330 = arith.index_cast %add3A_1328 : i32 to index
      %get3A_1331 = tpu.vector_load %arg14[%get3A_1329, %get3A_1330] {strides = array<i32>} : memref<128x128xf32, #tpu.memory_space<vmem>>, vector<1x16xf32>,
      %get3A_1332 = vector.shape_cast %get3A_1331 : vector<1x16xf32> to vector<16xf32>
      %mul3A_1333 = arith.mulf %get3A_1316, %get3A_1326 : vector<16xf32>
      %mul3A_1334 = arith.mulf %get3A_1322, %get3A_1332 : vector<16xf32>
      %add3A_1335 = arith.addf %mul3A_1333, %mul3A_1334 : vector<16xf32>
      %add3A_1336 = arith.constant 8 : i32
      %add3A_1337 = vector.broadcast %add3A_1336 : i32 to vector<16xi32>
      %add3A_1338 = arith.addi %iota3A, %add3A_1337 : vector<16xi32>
      %and3A_1339 = arith.constant 15 : i32
      %and3A_1340 = vector.broadcast %and3A_1339 : i32 to vector<16xi32>
      %and3A_1341 = arith.andi %add3A_1338, %and3A_1340 : vector<16xi32>
      %broadcast_in_dim3A_1342 = vector.shape_cast %and3A_1341 : vector<16xi32> to vector<16x1xi32>
      %gather3A_1343 = vector.shape_cast %broadcast_in_dim3A_1342 : vector<16x1xi32> to vector<16xi32>
      %gather3A_1344 = tpu.dynamic_gather %add3A_1335[%gather3A_1343] in [0] : vector<16xf32>, vector<16xi32> -> vector<16xf32>
      %add3A_1345 = arith.addf %add3A_1335, %gather3A_1344 : vector<16xf32>
      %add3A_1346 = arith.constant 4 : i32
      %add3A_1347 = vector.broadcast %add3A_1346 : i32 to vector<16xi32>
      %add3A_1348 = arith.addi %iota3A, %add3A_1347 : vector<16xi32>
      %and3A_1349 = arith.constant 15 : i32
      %and3A_1350 = vector.broadcast %and3A_1349 : i32 to vector<16xi32>
      %and3A_1351 = arith.andi %add3A_1348, %and3A_1350 : vector<16xi32>
      %broadcast_in_dim3A_1352 = vector.shape_cast %and3A_1351 : vector<16xi32> to vector<16x1xi32>
      %gather3A_1353 = vector.shape_cast %broadcast_in_dim3A_1352 : vector<16x1xi32> to vector<16xi32>
      %gather3A_1354 = tpu.dynamic_gather %add3A_1345[%gather3A_1353] in [0] : vector<16xf32>, vector<16xi32> -> vector<16xf32>
      %add3A_1355 = arith.addf %add3A_1345, %gather3A_1354 : vector<16xf32>
      %add3A_1356 = arith.constant 2 : i32
      %add3A_1357 = vector.broadcast %add3A_1356 : i32 to vector<16xi32>
      %add3A_1358 = arith.addi %iota3A, %add3A_1357 : vector<16xi32>
      %and3A_1359 = arith.constant 15 : i32
      %and3A_1360 = vector.broadcast %and3A_1359 : i32 to vector<16xi32>
      %and3A_1361 = arith.andi %add3A_1358, %and3A_1360 : vector<16xi32>
      %broadcast_in_dim3A_1362 = vector.shape_cast %and3A_1361 : vector<16xi32> to vector<16x1xi32>
      %gather3A_1363 = vector.shape_cast %broadcast_in_dim3A_1362 : vector<16x1xi32> to vector<16xi32>
      %gather3A_1364 = tpu.dynamic_gather %add3A_1355[%gather3A_1363] in [0] : vector<16xf32>, vector<16xi32> -> vector<16xf32>
      %add3A_1365 = arith.addf %add3A_1355, %gather3A_1364 : vector<16xf32>
      %add3A_1366 = arith.constant 1 : i32
      %add3A_1367 = vector.broadcast %add3A_1366 : i32 to vector<16xi32>
      %add3A_1368 = arith.addi %iota3A, %add3A_1367 : vector<16xi32>
      %and3A_1369 = arith.constant 15 : i32
      %and3A_1370 = vector.broadcast %and3A_1369 : i32 to vector<16xi32>
      %and3A_1371 = arith.andi %add3A_1368, %and3A_1370 : vector<16xi32>
      %broadcast_in_dim3A_1372 = vector.shape_cast %and3A_1371 : vector<16xi32> to vector<16x1xi32>
      %gather3A_1373 = vector.shape_cast %broadcast_in_dim3A_1372 : vector<16x1xi32> to vector<16xi32>
      %gather3A_1374 = tpu.dynamic_gather %add3A_1365[%gather3A_1373] in [0] : vector<16xf32>, vector<16xi32> -> vector<16xf32>
      %add3A_1375 = arith.addf %add3A_1365, %gather3A_1374 : vector<16xf32>
      %eq3A_1376 = arith.constant 15 : i32
      %eq3A_1377 = vector.broadcast %eq3A_1376 : i32 to vector<16xi32>
      %eq3A_1378 = arith.cmpi eq, %iota3A, %eq3A_1377 : vector<16xi32>
      %select_n3A_1379 = arith.select %eq3A_1378, %add3A_1375, %select_n3A_1302 : vector<16xi1>, vector<16xf32>
      %mul3A_1380 = arith.constant 16 : i32
      %mul3A_1381 = arith.muli %scan3A_140, %mul3A_1380 : i32
      %add3A_1382 = arith.constant 128 : i32
      %add3A_1383 = arith.addi %add3A_1382, %mul3A_1381 : i32
      %swap3A = arith.index_cast %add3A_1383 : i32 to index
      %swap3A_1384 = tpu.vector_load %arg15[%swap3A] {strides = array<i32>} : memref<512xf32, #tpu.memory_space<vmem>>, vector<16xf32>,
      %swap3A_1385 = vector.shape_cast %swap3A_1384 : vector<16xf32> to vector<16xf32>
      %swap3A_1386 = vector.shape_cast %select_n3A_1379 : vector<16xf32> to vector<16xf32>
      tpu.vector_store %arg15[%swap3A], %swap3A_1386 {strides = array<i32>} : memref<512xf32, #tpu.memory_space<vmem>>, vector<16xf32>,
    }
    %scan3A_71 = arith.constant 8 : i32
    %dma_start3A_72 = arith.constant 2 : i32
    %dma_start3A_73 = arith.constant 0 : i32
    %dma_start3A_74 = tpu.memref_slice %arg9[%dma_start3A_72, %dma_start3A_73] : memref<4x128xi32, #tpu.memory_space<vmem>> -> memref<1x128xi32, #tpu.memory_space<vmem>>
    %dma_start3A_75 = tpu.memref_squeeze %dma_start3A_74 : memref<1x128xi32, #tpu.memory_space<vmem>> -> memref<128xi32, #tpu.memory_space<vmem>>
    %dma_start3A_76 = arith.constant 0 : i32
    %dma_start3A_77 = arith.constant 0 : i32
    %dma_start3A_78 = tpu.memref_slice %arg6[%dma_start3A_76, %dma_start3A_77] : memref<250000x128xf32, #tpu.memory_space<hbm>> -> memref<250000x128xf32, #tpu.memory_space<hbm>>
    tpu.enqueue_indirect_dma source(%dma_start3A_78 : memref<250000x128xf32, #tpu.memory_space<hbm>>) target(%arg13 : memref<128x128xf32, #tpu.memory_space<vmem>>) offsets(%dma_start3A_75 : memref<128xi32, #tpu.memory_space<vmem>>) semaphore(%arg16 : memref<!tpu.dma_semaphore, #tpu.memory_space<semaphore_mem>>)
    %dma_start3A_79 = arith.constant 2 : i32
    %dma_start3A_80 = arith.constant 0 : i32
    %dma_start3A_81 = tpu.memref_slice %arg10[%dma_start3A_79, %dma_start3A_80] : memref<4x128xi32, #tpu.memory_space<vmem>> -> memref<1x128xi32, #tpu.memory_space<vmem>>
    %dma_start3A_82 = tpu.memref_squeeze %dma_start3A_81 : memref<1x128xi32, #tpu.memory_space<vmem>> -> memref<128xi32, #tpu.memory_space<vmem>>
    %dma_start3A_83 = arith.constant 0 : i32
    %dma_start3A_84 = arith.constant 0 : i32
    %dma_start3A_85 = tpu.memref_slice %arg7[%dma_start3A_83, %dma_start3A_84] : memref<250000x128xf32, #tpu.memory_space<hbm>> -> memref<250000x128xf32, #tpu.memory_space<hbm>>
    tpu.enqueue_indirect_dma source(%dma_start3A_85 : memref<250000x128xf32, #tpu.memory_space<hbm>>) target(%arg14 : memref<128x128xf32, #tpu.memory_space<vmem>>) offsets(%dma_start3A_82 : memref<128xi32, #tpu.memory_space<vmem>>) semaphore(%arg17 : memref<!tpu.dma_semaphore, #tpu.memory_space<semaphore_mem>>)
    %dma_wait3A_86 = arith.constant 2 : i32
    %dma_wait3A_87 = arith.constant 0 : i32
    %dma_wait3A_88 = tpu.memref_slice %arg9[%dma_wait3A_86, %dma_wait3A_87] : memref<4x128xi32, #tpu.memory_space<vmem>> -> memref<1x128xi32, #tpu.memory_space<vmem>>
    %dma_wait3A_89 = tpu.memref_squeeze %dma_wait3A_88 : memref<1x128xi32, #tpu.memory_space<vmem>> -> memref<128xi32, #tpu.memory_space<vmem>>
    %dma_wait3A_90 = arith.constant 0 : i32
    %dma_wait3A_91 = arith.constant 0 : i32
    %dma_wait3A_92 = tpu.memref_slice %arg6[%dma_wait3A_90, %dma_wait3A_91] : memref<250000x128xf32, #tpu.memory_space<hbm>> -> memref<250000x128xf32, #tpu.memory_space<hbm>>
    tpu.wait_indirect_dma semaphore(%arg16 : memref<!tpu.dma_semaphore, #tpu.memory_space<semaphore_mem>>) src(%dma_wait3A_92 : memref<250000x128xf32, #tpu.memory_space<hbm>>) dst(%arg13 : memref<128x128xf32, #tpu.memory_space<vmem>>)
    %dma_wait3A_93 = arith.constant 2 : i32
    %dma_wait3A_94 = arith.constant 0 : i32
    %dma_wait3A_95 = tpu.memref_slice %arg10[%dma_wait3A_93, %dma_wait3A_94] : memref<4x128xi32, #tpu.memory_space<vmem>> -> memref<1x128xi32, #tpu.memory_space<vmem>>
    %dma_wait3A_96 = tpu.memref_squeeze %dma_wait3A_95 : memref<1x128xi32, #tpu.memory_space<vmem>> -> memref<128xi32, #tpu.memory_space<vmem>>
    %dma_wait3A_97 = arith.constant 0 : i32
    %dma_wait3A_98 = arith.constant 0 : i32
    %dma_wait3A_99 = tpu.memref_slice %arg7[%dma_wait3A_97, %dma_wait3A_98] : memref<250000x128xf32, #tpu.memory_space<hbm>> -> memref<250000x128xf32, #tpu.memory_space<hbm>>
    tpu.wait_indirect_dma semaphore(%arg17 : memref<!tpu.dma_semaphore, #tpu.memory_space<semaphore_mem>>) src(%dma_wait3A_99 : memref<250000x128xf32, #tpu.memory_space<hbm>>) dst(%arg14 : memref<128x128xf32, #tpu.memory_space<vmem>>)
    %scan3A_100 = arith.constant 0 : i32
    %scan3A_101 = arith.constant 0 : i32
    %scan3A_102 = arith.constant 8 : i32
    %scan3A_103 = arith.addi %scan3A_101, %scan3A_102 : i32
    %scan3A_104 = arith.constant 1 : i32
    scf.for %scan3A_140 = %scan3A_101 to %scan3A_103 step %scan3A_104  : i32 {
      %broadcast_in_dim3A = arith.constant 0.000000e+00 : f32
      %broadcast_in_dim3A_141 = vector.broadcast %broadcast_in_dim3A : f32 to vector<16xf32>
      %mul3A_142 = arith.constant 16 : i32
      %mul3A_143 = arith.muli %scan3A_140, %mul3A_142 : i32
      %add3A_144 = arith.constant 256 : i32
      %add3A_145 = arith.addi %add3A_144, %mul3A_143 : i32
      %get3A = arith.index_cast %add3A_145 : i32 to index
      %get3A_146 = tpu.vector_load %arg11[%get3A] {strides = array<i32>} : memref<512xi32, #tpu.memory_space<vmem>>, vector<16xi32>,
      %get3A_147 = vector.shape_cast %get3A_146 : vector<16xi32> to vector<16xi32>
      %mul3A_148 = arith.constant 16 : i32
      %mul3A_149 = arith.muli %scan3A_140, %mul3A_148 : i32
      %add3A_150 = arith.constant 256 : i32
      %add3A_151 = arith.addi %add3A_150, %mul3A_149 : i32
      %get3A_152 = arith.index_cast %add3A_151 : i32 to index
      %get3A_153 = tpu.vector_load %arg12[%get3A_152] {strides = array<i32>} : memref<512xi32, #tpu.memory_space<vmem>>, vector<16xi32>,
      %get3A_154 = vector.shape_cast %get3A_153 : vector<16xi32> to vector<16xi32>
      %mul3A_155 = arith.constant 16 : i32
      %mul3A_156 = arith.muli %scan3A_140, %mul3A_155 : i32
      %add3A_157 = arith.constant 0 : i32
      %add3A_158 = arith.addi %mul3A_156, %add3A_157 : i32
      %slice3A = vector.extract_strided_slice %get3A_147 {offsets = [0], sizes = [1], strides = [1]} : vector<16xi32> to vector<1xi32>
      %squeeze3A = vector.extract %slice3A[0] : i32 from vector<1xi32>
      %multiple_of3A = tpu.assume_multiple %squeeze3A, 32 : i32
      %slice3A_159 = vector.extract_strided_slice %get3A_154 {offsets = [0], sizes = [1], strides = [1]} : vector<16xi32> to vector<1xi32>
      %squeeze3A_160 = vector.extract %slice3A_159[0] : i32 from vector<1xi32>
      %multiple_of3A_161 = tpu.assume_multiple %squeeze3A_160, 32 : i32
      %get3A_162 = arith.index_cast %add3A_158 : i32 to index
      %get3A_163 = arith.index_cast %multiple_of3A : i32 to index
      %get3A_164 = tpu.vector_load %arg13[%get3A_162, %get3A_163] {strides = array<i32>} : memref<128x128xf32, #tpu.memory_space<vmem>>, vector<1x16xf32>,
      %get3A_165 = vector.shape_cast %get3A_164 : vector<1x16xf32> to vector<16xf32>
      %add3A_166 = arith.constant 16 : i32
      %add3A_167 = arith.addi %multiple_of3A, %add3A_166 : i32
      %get3A_168 = arith.index_cast %add3A_158 : i32 to index
      %get3A_169 = arith.index_cast %add3A_167 : i32 to index
      %get3A_170 = tpu.vector_load %arg13[%get3A_168, %get3A_169] {strides = array<i32>} : memref<128x128xf32, #tpu.memory_space<vmem>>, vector<1x16xf32>,
      %get3A_171 = vector.shape_cast %get3A_170 : vector<1x16xf32> to vector<16xf32>
      %get3A_172 = arith.index_cast %add3A_158 : i32 to index
      %get3A_173 = arith.index_cast %multiple_of3A_161 : i32 to index
      %get3A_174 = tpu.vector_load %arg14[%get3A_172, %get3A_173] {strides = array<i32>} : memref<128x128xf32, #tpu.memory_space<vmem>>, vector<1x16xf32>,
      %get3A_175 = vector.shape_cast %get3A_174 : vector<1x16xf32> to vector<16xf32>
      %add3A_176 = arith.constant 16 : i32
      %add3A_177 = arith.addi %multiple_of3A_161, %add3A_176 : i32
      %get3A_178 = arith.index_cast %add3A_158 : i32 to index
      %get3A_179 = arith.index_cast %add3A_177 : i32 to index
      %get3A_180 = tpu.vector_load %arg14[%get3A_178, %get3A_179] {strides = array<i32>} : memref<128x128xf32, #tpu.memory_space<vmem>>, vector<1x16xf32>,
      %get3A_181 = vector.shape_cast %get3A_180 : vector<1x16xf32> to vector<16xf32>
      %mul3A_182 = arith.mulf %get3A_165, %get3A_175 : vector<16xf32>
      %mul3A_183 = arith.mulf %get3A_171, %get3A_181 : vector<16xf32>
      %add3A_184 = arith.addf %mul3A_182, %mul3A_183 : vector<16xf32>
      %add3A_185 = arith.constant 8 : i32
      %add3A_186 = vector.broadcast %add3A_185 : i32 to vector<16xi32>
      %add3A_187 = arith.addi %iota3A, %add3A_186 : vector<16xi32>
      %and3A = arith.constant 15 : i32
      %and3A_188 = vector.broadcast %and3A : i32 to vector<16xi32>
      %and3A_189 = arith.andi %add3A_187, %and3A_188 : vector<16xi32>
      %broadcast_in_dim3A_190 = vector.shape_cast %and3A_189 : vector<16xi32> to vector<16x1xi32>
      %gather3A = vector.shape_cast %broadcast_in_dim3A_190 : vector<16x1xi32> to vector<16xi32>
      %gather3A_191 = tpu.dynamic_gather %add3A_184[%gather3A] in [0] : vector<16xf32>, vector<16xi32> -> vector<16xf32>
      %add3A_192 = arith.addf %add3A_184, %gather3A_191 : vector<16xf32>
      %add3A_193 = arith.constant 4 : i32
      %add3A_194 = vector.broadcast %add3A_193 : i32 to vector<16xi32>
      %add3A_195 = arith.addi %iota3A, %add3A_194 : vector<16xi32>
      %and3A_196 = arith.constant 15 : i32
      %and3A_197 = vector.broadcast %and3A_196 : i32 to vector<16xi32>
      %and3A_198 = arith.andi %add3A_195, %and3A_197 : vector<16xi32>
      %broadcast_in_dim3A_199 = vector.shape_cast %and3A_198 : vector<16xi32> to vector<16x1xi32>
      %gather3A_200 = vector.shape_cast %broadcast_in_dim3A_199 : vector<16x1xi32> to vector<16xi32>
      %gather3A_201 = tpu.dynamic_gather %add3A_192[%gather3A_200] in [0] : vector<16xf32>, vector<16xi32> -> vector<16xf32>
      %add3A_202 = arith.addf %add3A_192, %gather3A_201 : vector<16xf32>
      %add3A_203 = arith.constant 2 : i32
      %add3A_204 = vector.broadcast %add3A_203 : i32 to vector<16xi32>
      %add3A_205 = arith.addi %iota3A, %add3A_204 : vector<16xi32>
      %and3A_206 = arith.constant 15 : i32
      %and3A_207 = vector.broadcast %and3A_206 : i32 to vector<16xi32>
      %and3A_208 = arith.andi %add3A_205, %and3A_207 : vector<16xi32>
      %broadcast_in_dim3A_209 = vector.shape_cast %and3A_208 : vector<16xi32> to vector<16x1xi32>
      %gather3A_210 = vector.shape_cast %broadcast_in_dim3A_209 : vector<16x1xi32> to vector<16xi32>
      %gather3A_211 = tpu.dynamic_gather %add3A_202[%gather3A_210] in [0] : vector<16xf32>, vector<16xi32> -> vector<16xf32>
      %add3A_212 = arith.addf %add3A_202, %gather3A_211 : vector<16xf32>
      %add3A_213 = arith.constant 1 : i32
      %add3A_214 = vector.broadcast %add3A_213 : i32 to vector<16xi32>
      %add3A_215 = arith.addi %iota3A, %add3A_214 : vector<16xi32>
      %and3A_216 = arith.constant 15 : i32
      %and3A_217 = vector.broadcast %and3A_216 : i32 to vector<16xi32>
      %and3A_218 = arith.andi %add3A_215, %and3A_217 : vector<16xi32>
      %broadcast_in_dim3A_219 = vector.shape_cast %and3A_218 : vector<16xi32> to vector<16x1xi32>
      %gather3A_220 = vector.shape_cast %broadcast_in_dim3A_219 : vector<16x1xi32> to vector<16xi32>
      %gather3A_221 = tpu.dynamic_gather %add3A_212[%gather3A_220] in [0] : vector<16xf32>, vector<16xi32> -> vector<16xf32>
      %add3A_222 = arith.addf %add3A_212, %gather3A_221 : vector<16xf32>
      %eq3A = arith.constant 0 : i32
      %eq3A_223 = vector.broadcast %eq3A : i32 to vector<16xi32>
      %eq3A_224 = arith.cmpi eq, %iota3A, %eq3A_223 : vector<16xi32>
      %select_n3A = arith.select %eq3A_224, %add3A_222, %broadcast_in_dim3A_141 : vector<16xi1>, vector<16xf32>
      %mul3A_225 = arith.constant 16 : i32
      %mul3A_226 = arith.muli %scan3A_140, %mul3A_225 : i32
      %add3A_227 = arith.constant 1 : i32
      %add3A_228 = arith.addi %mul3A_226, %add3A_227 : i32
      %slice3A_229 = vector.extract_strided_slice %get3A_147 {offsets = [1], sizes = [1], strides = [1]} : vector<16xi32> to vector<1xi32>
      %squeeze3A_230 = vector.extract %slice3A_229[0] : i32 from vector<1xi32>
      %multiple_of3A_231 = tpu.assume_multiple %squeeze3A_230, 32 : i32
      %slice3A_232 = vector.extract_strided_slice %get3A_154 {offsets = [1], sizes = [1], strides = [1]} : vector<16xi32> to vector<1xi32>
      %squeeze3A_233 = vector.extract %slice3A_232[0] : i32 from vector<1xi32>
      %multiple_of3A_234 = tpu.assume_multiple %squeeze3A_233, 32 : i32
      %get3A_235 = arith.index_cast %add3A_228 : i32 to index
      %get3A_236 = arith.index_cast %multiple_of3A_231 : i32 to index
      %get3A_237 = tpu.vector_load %arg13[%get3A_235, %get3A_236] {strides = array<i32>} : memref<128x128xf32, #tpu.memory_space<vmem>>, vector<1x16xf32>,
      %get3A_238 = vector.shape_cast %get3A_237 : vector<1x16xf32> to vector<16xf32>
      %add3A_239 = arith.constant 16 : i32
      %add3A_240 = arith.addi %multiple_of3A_231, %add3A_239 : i32
      %get3A_241 = arith.index_cast %add3A_228 : i32 to index
      %get3A_242 = arith.index_cast %add3A_240 : i32 to index
      %get3A_243 = tpu.vector_load %arg13[%get3A_241, %get3A_242] {strides = array<i32>} : memref<128x128xf32, #tpu.memory_space<vmem>>, vector<1x16xf32>,
      %get3A_244 = vector.shape_cast %get3A_243 : vector<1x16xf32> to vector<16xf32>
      %get3A_245 = arith.index_cast %add3A_228 : i32 to index
      %get3A_246 = arith.index_cast %multiple_of3A_234 : i32 to index
      %get3A_247 = tpu.vector_load %arg14[%get3A_245, %get3A_246] {strides = array<i32>} : memref<128x128xf32, #tpu.memory_space<vmem>>, vector<1x16xf32>,
      %get3A_248 = vector.shape_cast %get3A_247 : vector<1x16xf32> to vector<16xf32>
      %add3A_249 = arith.constant 16 : i32
      %add3A_250 = arith.addi %multiple_of3A_234, %add3A_249 : i32
      %get3A_251 = arith.index_cast %add3A_228 : i32 to index
      %get3A_252 = arith.index_cast %add3A_250 : i32 to index
      %get3A_253 = tpu.vector_load %arg14[%get3A_251, %get3A_252] {strides = array<i32>} : memref<128x128xf32, #tpu.memory_space<vmem>>, vector<1x16xf32>,
      %get3A_254 = vector.shape_cast %get3A_253 : vector<1x16xf32> to vector<16xf32>
      %mul3A_255 = arith.mulf %get3A_238, %get3A_248 : vector<16xf32>
      %mul3A_256 = arith.mulf %get3A_244, %get3A_254 : vector<16xf32>
      %add3A_257 = arith.addf %mul3A_255, %mul3A_256 : vector<16xf32>
      %add3A_258 = arith.constant 8 : i32
      %add3A_259 = vector.broadcast %add3A_258 : i32 to vector<16xi32>
      %add3A_260 = arith.addi %iota3A, %add3A_259 : vector<16xi32>
      %and3A_261 = arith.constant 15 : i32
      %and3A_262 = vector.broadcast %and3A_261 : i32 to vector<16xi32>
      %and3A_263 = arith.andi %add3A_260, %and3A_262 : vector<16xi32>
      %broadcast_in_dim3A_264 = vector.shape_cast %and3A_263 : vector<16xi32> to vector<16x1xi32>
      %gather3A_265 = vector.shape_cast %broadcast_in_dim3A_264 : vector<16x1xi32> to vector<16xi32>
      %gather3A_266 = tpu.dynamic_gather %add3A_257[%gather3A_265] in [0] : vector<16xf32>, vector<16xi32> -> vector<16xf32>
      %add3A_267 = arith.addf %add3A_257, %gather3A_266 : vector<16xf32>
      %add3A_268 = arith.constant 4 : i32
      %add3A_269 = vector.broadcast %add3A_268 : i32 to vector<16xi32>
      %add3A_270 = arith.addi %iota3A, %add3A_269 : vector<16xi32>
      %and3A_271 = arith.constant 15 : i32
      %and3A_272 = vector.broadcast %and3A_271 : i32 to vector<16xi32>
      %and3A_273 = arith.andi %add3A_270, %and3A_272 : vector<16xi32>
      %broadcast_in_dim3A_274 = vector.shape_cast %and3A_273 : vector<16xi32> to vector<16x1xi32>
      %gather3A_275 = vector.shape_cast %broadcast_in_dim3A_274 : vector<16x1xi32> to vector<16xi32>
      %gather3A_276 = tpu.dynamic_gather %add3A_267[%gather3A_275] in [0] : vector<16xf32>, vector<16xi32> -> vector<16xf32>
      %add3A_277 = arith.addf %add3A_267, %gather3A_276 : vector<16xf32>
      %add3A_278 = arith.constant 2 : i32
      %add3A_279 = vector.broadcast %add3A_278 : i32 to vector<16xi32>
      %add3A_280 = arith.addi %iota3A, %add3A_279 : vector<16xi32>
      %and3A_281 = arith.constant 15 : i32
      %and3A_282 = vector.broadcast %and3A_281 : i32 to vector<16xi32>
      %and3A_283 = arith.andi %add3A_280, %and3A_282 : vector<16xi32>
      %broadcast_in_dim3A_284 = vector.shape_cast %and3A_283 : vector<16xi32> to vector<16x1xi32>
      %gather3A_285 = vector.shape_cast %broadcast_in_dim3A_284 : vector<16x1xi32> to vector<16xi32>
      %gather3A_286 = tpu.dynamic_gather %add3A_277[%gather3A_285] in [0] : vector<16xf32>, vector<16xi32> -> vector<16xf32>
      %add3A_287 = arith.addf %add3A_277, %gather3A_286 : vector<16xf32>
      %add3A_288 = arith.constant 1 : i32
      %add3A_289 = vector.broadcast %add3A_288 : i32 to vector<16xi32>
      %add3A_290 = arith.addi %iota3A, %add3A_289 : vector<16xi32>
      %and3A_291 = arith.constant 15 : i32
      %and3A_292 = vector.broadcast %and3A_291 : i32 to vector<16xi32>
      %and3A_293 = arith.andi %add3A_290, %and3A_292 : vector<16xi32>
      %broadcast_in_dim3A_294 = vector.shape_cast %and3A_293 : vector<16xi32> to vector<16x1xi32>
      %gather3A_295 = vector.shape_cast %broadcast_in_dim3A_294 : vector<16x1xi32> to vector<16xi32>
      %gather3A_296 = tpu.dynamic_gather %add3A_287[%gather3A_295] in [0] : vector<16xf32>, vector<16xi32> -> vector<16xf32>
      %add3A_297 = arith.addf %add3A_287, %gather3A_296 : vector<16xf32>
      %eq3A_298 = arith.constant 1 : i32
      %eq3A_299 = vector.broadcast %eq3A_298 : i32 to vector<16xi32>
      %eq3A_300 = arith.cmpi eq, %iota3A, %eq3A_299 : vector<16xi32>
      %select_n3A_301 = arith.select %eq3A_300, %add3A_297, %select_n3A : vector<16xi1>, vector<16xf32>
      %mul3A_302 = arith.constant 16 : i32
      %mul3A_303 = arith.muli %scan3A_140, %mul3A_302 : i32
      %add3A_304 = arith.constant 2 : i32
      %add3A_305 = arith.addi %mul3A_303, %add3A_304 : i32
      %slice3A_306 = vector.extract_strided_slice %get3A_147 {offsets = [2], sizes = [1], strides = [1]} : vector<16xi32> to vector<1xi32>
      %squeeze3A_307 = vector.extract %slice3A_306[0] : i32 from vector<1xi32>
      %multiple_of3A_308 = tpu.assume_multiple %squeeze3A_307, 32 : i32
      %slice3A_309 = vector.extract_strided_slice %get3A_154 {offsets = [2], sizes = [1], strides = [1]} : vector<16xi32> to vector<1xi32>
      %squeeze3A_310 = vector.extract %slice3A_309[0] : i32 from vector<1xi32>
      %multiple_of3A_311 = tpu.assume_multiple %squeeze3A_310, 32 : i32
      %get3A_312 = arith.index_cast %add3A_305 : i32 to index
      %get3A_313 = arith.index_cast %multiple_of3A_308 : i32 to index
      %get3A_314 = tpu.vector_load %arg13[%get3A_312, %get3A_313] {strides = array<i32>} : memref<128x128xf32, #tpu.memory_space<vmem>>, vector<1x16xf32>,
      %get3A_315 = vector.shape_cast %get3A_314 : vector<1x16xf32> to vector<16xf32>
      %add3A_316 = arith.constant 16 : i32
      %add3A_317 = arith.addi %multiple_of3A_308, %add3A_316 : i32
      %get3A_318 = arith.index_cast %add3A_305 : i32 to index
      %get3A_319 = arith.index_cast %add3A_317 : i32 to index
      %get3A_320 = tpu.vector_load %arg13[%get3A_318, %get3A_319] {strides = array<i32>} : memref<128x128xf32, #tpu.memory_space<vmem>>, vector<1x16xf32>,
      %get3A_321 = vector.shape_cast %get3A_320 : vector<1x16xf32> to vector<16xf32>
      %get3A_322 = arith.index_cast %add3A_305 : i32 to index
      %get3A_323 = arith.index_cast %multiple_of3A_311 : i32 to index
      %get3A_324 = tpu.vector_load %arg14[%get3A_322, %get3A_323] {strides = array<i32>} : memref<128x128xf32, #tpu.memory_space<vmem>>, vector<1x16xf32>,
      %get3A_325 = vector.shape_cast %get3A_324 : vector<1x16xf32> to vector<16xf32>
      %add3A_326 = arith.constant 16 : i32
      %add3A_327 = arith.addi %multiple_of3A_311, %add3A_326 : i32
      %get3A_328 = arith.index_cast %add3A_305 : i32 to index
      %get3A_329 = arith.index_cast %add3A_327 : i32 to index
      %get3A_330 = tpu.vector_load %arg14[%get3A_328, %get3A_329] {strides = array<i32>} : memref<128x128xf32, #tpu.memory_space<vmem>>, vector<1x16xf32>,
      %get3A_331 = vector.shape_cast %get3A_330 : vector<1x16xf32> to vector<16xf32>
      %mul3A_332 = arith.mulf %get3A_315, %get3A_325 : vector<16xf32>
      %mul3A_333 = arith.mulf %get3A_321, %get3A_331 : vector<16xf32>
      %add3A_334 = arith.addf %mul3A_332, %mul3A_333 : vector<16xf32>
      %add3A_335 = arith.constant 8 : i32
      %add3A_336 = vector.broadcast %add3A_335 : i32 to vector<16xi32>
      %add3A_337 = arith.addi %iota3A, %add3A_336 : vector<16xi32>
      %and3A_338 = arith.constant 15 : i32
      %and3A_339 = vector.broadcast %and3A_338 : i32 to vector<16xi32>
      %and3A_340 = arith.andi %add3A_337, %and3A_339 : vector<16xi32>
      %broadcast_in_dim3A_341 = vector.shape_cast %and3A_340 : vector<16xi32> to vector<16x1xi32>
      %gather3A_342 = vector.shape_cast %broadcast_in_dim3A_341 : vector<16x1xi32> to vector<16xi32>
      %gather3A_343 = tpu.dynamic_gather %add3A_334[%gather3A_342] in [0] : vector<16xf32>, vector<16xi32> -> vector<16xf32>
      %add3A_344 = arith.addf %add3A_334, %gather3A_343 : vector<16xf32>
      %add3A_345 = arith.constant 4 : i32
      %add3A_346 = vector.broadcast %add3A_345 : i32 to vector<16xi32>
      %add3A_347 = arith.addi %iota3A, %add3A_346 : vector<16xi32>
      %and3A_348 = arith.constant 15 : i32
      %and3A_349 = vector.broadcast %and3A_348 : i32 to vector<16xi32>
      %and3A_350 = arith.andi %add3A_347, %and3A_349 : vector<16xi32>
      %broadcast_in_dim3A_351 = vector.shape_cast %and3A_350 : vector<16xi32> to vector<16x1xi32>
      %gather3A_352 = vector.shape_cast %broadcast_in_dim3A_351 : vector<16x1xi32> to vector<16xi32>
      %gather3A_353 = tpu.dynamic_gather %add3A_344[%gather3A_352] in [0] : vector<16xf32>, vector<16xi32> -> vector<16xf32>
      %add3A_354 = arith.addf %add3A_344, %gather3A_353 : vector<16xf32>
      %add3A_355 = arith.constant 2 : i32
      %add3A_356 = vector.broadcast %add3A_355 : i32 to vector<16xi32>
      %add3A_357 = arith.addi %iota3A, %add3A_356 : vector<16xi32>
      %and3A_358 = arith.constant 15 : i32
      %and3A_359 = vector.broadcast %and3A_358 : i32 to vector<16xi32>
      %and3A_360 = arith.andi %add3A_357, %and3A_359 : vector<16xi32>
      %broadcast_in_dim3A_361 = vector.shape_cast %and3A_360 : vector<16xi32> to vector<16x1xi32>
      %gather3A_362 = vector.shape_cast %broadcast_in_dim3A_361 : vector<16x1xi32> to vector<16xi32>
      %gather3A_363 = tpu.dynamic_gather %add3A_354[%gather3A_362] in [0] : vector<16xf32>, vector<16xi32> -> vector<16xf32>
      %add3A_364 = arith.addf %add3A_354, %gather3A_363 : vector<16xf32>
      %add3A_365 = arith.constant 1 : i32
      %add3A_366 = vector.broadcast %add3A_365 : i32 to vector<16xi32>
      %add3A_367 = arith.addi %iota3A, %add3A_366 : vector<16xi32>
      %and3A_368 = arith.constant 15 : i32
      %and3A_369 = vector.broadcast %and3A_368 : i32 to vector<16xi32>
      %and3A_370 = arith.andi %add3A_367, %and3A_369 : vector<16xi32>
      %broadcast_in_dim3A_371 = vector.shape_cast %and3A_370 : vector<16xi32> to vector<16x1xi32>
      %gather3A_372 = vector.shape_cast %broadcast_in_dim3A_371 : vector<16x1xi32> to vector<16xi32>
      %gather3A_373 = tpu.dynamic_gather %add3A_364[%gather3A_372] in [0] : vector<16xf32>, vector<16xi32> -> vector<16xf32>
      %add3A_374 = arith.addf %add3A_364, %gather3A_373 : vector<16xf32>
      %eq3A_375 = arith.constant 2 : i32
      %eq3A_376 = vector.broadcast %eq3A_375 : i32 to vector<16xi32>
      %eq3A_377 = arith.cmpi eq, %iota3A, %eq3A_376 : vector<16xi32>
      %select_n3A_378 = arith.select %eq3A_377, %add3A_374, %select_n3A_301 : vector<16xi1>, vector<16xf32>
      %mul3A_379 = arith.constant 16 : i32
      %mul3A_380 = arith.muli %scan3A_140, %mul3A_379 : i32
      %add3A_381 = arith.constant 3 : i32
      %add3A_382 = arith.addi %mul3A_380, %add3A_381 : i32
      %slice3A_383 = vector.extract_strided_slice %get3A_147 {offsets = [3], sizes = [1], strides = [1]} : vector<16xi32> to vector<1xi32>
      %squeeze3A_384 = vector.extract %slice3A_383[0] : i32 from vector<1xi32>
      %multiple_of3A_385 = tpu.assume_multiple %squeeze3A_384, 32 : i32
      %slice3A_386 = vector.extract_strided_slice %get3A_154 {offsets = [3], sizes = [1], strides = [1]} : vector<16xi32> to vector<1xi32>
      %squeeze3A_387 = vector.extract %slice3A_386[0] : i32 from vector<1xi32>
      %multiple_of3A_388 = tpu.assume_multiple %squeeze3A_387, 32 : i32
      %get3A_389 = arith.index_cast %add3A_382 : i32 to index
      %get3A_390 = arith.index_cast %multiple_of3A_385 : i32 to index
      %get3A_391 = tpu.vector_load %arg13[%get3A_389, %get3A_390] {strides = array<i32>} : memref<128x128xf32, #tpu.memory_space<vmem>>, vector<1x16xf32>,
      %get3A_392 = vector.shape_cast %get3A_391 : vector<1x16xf32> to vector<16xf32>
      %add3A_393 = arith.constant 16 : i32
      %add3A_394 = arith.addi %multiple_of3A_385, %add3A_393 : i32
      %get3A_395 = arith.index_cast %add3A_382 : i32 to index
      %get3A_396 = arith.index_cast %add3A_394 : i32 to index
      %get3A_397 = tpu.vector_load %arg13[%get3A_395, %get3A_396] {strides = array<i32>} : memref<128x128xf32, #tpu.memory_space<vmem>>, vector<1x16xf32>,
      %get3A_398 = vector.shape_cast %get3A_397 : vector<1x16xf32> to vector<16xf32>
      %get3A_399 = arith.index_cast %add3A_382 : i32 to index
      %get3A_400 = arith.index_cast %multiple_of3A_388 : i32 to index
      %get3A_401 = tpu.vector_load %arg14[%get3A_399, %get3A_400] {strides = array<i32>} : memref<128x128xf32, #tpu.memory_space<vmem>>, vector<1x16xf32>,
      %get3A_402 = vector.shape_cast %get3A_401 : vector<1x16xf32> to vector<16xf32>
      %add3A_403 = arith.constant 16 : i32
      %add3A_404 = arith.addi %multiple_of3A_388, %add3A_403 : i32
      %get3A_405 = arith.index_cast %add3A_382 : i32 to index
      %get3A_406 = arith.index_cast %add3A_404 : i32 to index
      %get3A_407 = tpu.vector_load %arg14[%get3A_405, %get3A_406] {strides = array<i32>} : memref<128x128xf32, #tpu.memory_space<vmem>>, vector<1x16xf32>,
      %get3A_408 = vector.shape_cast %get3A_407 : vector<1x16xf32> to vector<16xf32>
      %mul3A_409 = arith.mulf %get3A_392, %get3A_402 : vector<16xf32>
      %mul3A_410 = arith.mulf %get3A_398, %get3A_408 : vector<16xf32>
      %add3A_411 = arith.addf %mul3A_409, %mul3A_410 : vector<16xf32>
      %add3A_412 = arith.constant 8 : i32
      %add3A_413 = vector.broadcast %add3A_412 : i32 to vector<16xi32>
      %add3A_414 = arith.addi %iota3A, %add3A_413 : vector<16xi32>
      %and3A_415 = arith.constant 15 : i32
      %and3A_416 = vector.broadcast %and3A_415 : i32 to vector<16xi32>
      %and3A_417 = arith.andi %add3A_414, %and3A_416 : vector<16xi32>
      %broadcast_in_dim3A_418 = vector.shape_cast %and3A_417 : vector<16xi32> to vector<16x1xi32>
      %gather3A_419 = vector.shape_cast %broadcast_in_dim3A_418 : vector<16x1xi32> to vector<16xi32>
      %gather3A_420 = tpu.dynamic_gather %add3A_411[%gather3A_419] in [0] : vector<16xf32>, vector<16xi32> -> vector<16xf32>
      %add3A_421 = arith.addf %add3A_411, %gather3A_420 : vector<16xf32>
      %add3A_422 = arith.constant 4 : i32
      %add3A_423 = vector.broadcast %add3A_422 : i32 to vector<16xi32>
      %add3A_424 = arith.addi %iota3A, %add3A_423 : vector<16xi32>
      %and3A_425 = arith.constant 15 : i32
      %and3A_426 = vector.broadcast %and3A_425 : i32 to vector<16xi32>
      %and3A_427 = arith.andi %add3A_424, %and3A_426 : vector<16xi32>
      %broadcast_in_dim3A_428 = vector.shape_cast %and3A_427 : vector<16xi32> to vector<16x1xi32>
      %gather3A_429 = vector.shape_cast %broadcast_in_dim3A_428 : vector<16x1xi32> to vector<16xi32>
      %gather3A_430 = tpu.dynamic_gather %add3A_421[%gather3A_429] in [0] : vector<16xf32>, vector<16xi32> -> vector<16xf32>
      %add3A_431 = arith.addf %add3A_421, %gather3A_430 : vector<16xf32>
      %add3A_432 = arith.constant 2 : i32
      %add3A_433 = vector.broadcast %add3A_432 : i32 to vector<16xi32>
      %add3A_434 = arith.addi %iota3A, %add3A_433 : vector<16xi32>
      %and3A_435 = arith.constant 15 : i32
      %and3A_436 = vector.broadcast %and3A_435 : i32 to vector<16xi32>
      %and3A_437 = arith.andi %add3A_434, %and3A_436 : vector<16xi32>
      %broadcast_in_dim3A_438 = vector.shape_cast %and3A_437 : vector<16xi32> to vector<16x1xi32>
      %gather3A_439 = vector.shape_cast %broadcast_in_dim3A_438 : vector<16x1xi32> to vector<16xi32>
      %gather3A_440 = tpu.dynamic_gather %add3A_431[%gather3A_439] in [0] : vector<16xf32>, vector<16xi32> -> vector<16xf32>
      %add3A_441 = arith.addf %add3A_431, %gather3A_440 : vector<16xf32>
      %add3A_442 = arith.constant 1 : i32
      %add3A_443 = vector.broadcast %add3A_442 : i32 to vector<16xi32>
      %add3A_444 = arith.addi %iota3A, %add3A_443 : vector<16xi32>
      %and3A_445 = arith.constant 15 : i32
      %and3A_446 = vector.broadcast %and3A_445 : i32 to vector<16xi32>
      %and3A_447 = arith.andi %add3A_444, %and3A_446 : vector<16xi32>
      %broadcast_in_dim3A_448 = vector.shape_cast %and3A_447 : vector<16xi32> to vector<16x1xi32>
      %gather3A_449 = vector.shape_cast %broadcast_in_dim3A_448 : vector<16x1xi32> to vector<16xi32>
      %gather3A_450 = tpu.dynamic_gather %add3A_441[%gather3A_449] in [0] : vector<16xf32>, vector<16xi32> -> vector<16xf32>
      %add3A_451 = arith.addf %add3A_441, %gather3A_450 : vector<16xf32>
      %eq3A_452 = arith.constant 3 : i32
      %eq3A_453 = vector.broadcast %eq3A_452 : i32 to vector<16xi32>
      %eq3A_454 = arith.cmpi eq, %iota3A, %eq3A_453 : vector<16xi32>
      %select_n3A_455 = arith.select %eq3A_454, %add3A_451, %select_n3A_378 : vector<16xi1>, vector<16xf32>
      %mul3A_456 = arith.constant 16 : i32
      %mul3A_457 = arith.muli %scan3A_140, %mul3A_456 : i32
      %add3A_458 = arith.constant 4 : i32
      %add3A_459 = arith.addi %mul3A_457, %add3A_458 : i32
      %slice3A_460 = vector.extract_strided_slice %get3A_147 {offsets = [4], sizes = [1], strides = [1]} : vector<16xi32> to vector<1xi32>
      %squeeze3A_461 = vector.extract %slice3A_460[0] : i32 from vector<1xi32>
      %multiple_of3A_462 = tpu.assume_multiple %squeeze3A_461, 32 : i32
      %slice3A_463 = vector.extract_strided_slice %get3A_154 {offsets = [4], sizes = [1], strides = [1]} : vector<16xi32> to vector<1xi32>
      %squeeze3A_464 = vector.extract %slice3A_463[0] : i32 from vector<1xi32>
      %multiple_of3A_465 = tpu.assume_multiple %squeeze3A_464, 32 : i32
      %get3A_466 = arith.index_cast %add3A_459 : i32 to index
      %get3A_467 = arith.index_cast %multiple_of3A_462 : i32 to index
      %get3A_468 = tpu.vector_load %arg13[%get3A_466, %get3A_467] {strides = array<i32>} : memref<128x128xf32, #tpu.memory_space<vmem>>, vector<1x16xf32>,
      %get3A_469 = vector.shape_cast %get3A_468 : vector<1x16xf32> to vector<16xf32>
      %add3A_470 = arith.constant 16 : i32
      %add3A_471 = arith.addi %multiple_of3A_462, %add3A_470 : i32
      %get3A_472 = arith.index_cast %add3A_459 : i32 to index
      %get3A_473 = arith.index_cast %add3A_471 : i32 to index
      %get3A_474 = tpu.vector_load %arg13[%get3A_472, %get3A_473] {strides = array<i32>} : memref<128x128xf32, #tpu.memory_space<vmem>>, vector<1x16xf32>,
      %get3A_475 = vector.shape_cast %get3A_474 : vector<1x16xf32> to vector<16xf32>
      %get3A_476 = arith.index_cast %add3A_459 : i32 to index
      %get3A_477 = arith.index_cast %multiple_of3A_465 : i32 to index
      %get3A_478 = tpu.vector_load %arg14[%get3A_476, %get3A_477] {strides = array<i32>} : memref<128x128xf32, #tpu.memory_space<vmem>>, vector<1x16xf32>,
      %get3A_479 = vector.shape_cast %get3A_478 : vector<1x16xf32> to vector<16xf32>
      %add3A_480 = arith.constant 16 : i32
      %add3A_481 = arith.addi %multiple_of3A_465, %add3A_480 : i32
      %get3A_482 = arith.index_cast %add3A_459 : i32 to index
      %get3A_483 = arith.index_cast %add3A_481 : i32 to index
      %get3A_484 = tpu.vector_load %arg14[%get3A_482, %get3A_483] {strides = array<i32>} : memref<128x128xf32, #tpu.memory_space<vmem>>, vector<1x16xf32>,
      %get3A_485 = vector.shape_cast %get3A_484 : vector<1x16xf32> to vector<16xf32>
      %mul3A_486 = arith.mulf %get3A_469, %get3A_479 : vector<16xf32>
      %mul3A_487 = arith.mulf %get3A_475, %get3A_485 : vector<16xf32>
      %add3A_488 = arith.addf %mul3A_486, %mul3A_487 : vector<16xf32>
      %add3A_489 = arith.constant 8 : i32
      %add3A_490 = vector.broadcast %add3A_489 : i32 to vector<16xi32>
      %add3A_491 = arith.addi %iota3A, %add3A_490 : vector<16xi32>
      %and3A_492 = arith.constant 15 : i32
      %and3A_493 = vector.broadcast %and3A_492 : i32 to vector<16xi32>
      %and3A_494 = arith.andi %add3A_491, %and3A_493 : vector<16xi32>
      %broadcast_in_dim3A_495 = vector.shape_cast %and3A_494 : vector<16xi32> to vector<16x1xi32>
      %gather3A_496 = vector.shape_cast %broadcast_in_dim3A_495 : vector<16x1xi32> to vector<16xi32>
      %gather3A_497 = tpu.dynamic_gather %add3A_488[%gather3A_496] in [0] : vector<16xf32>, vector<16xi32> -> vector<16xf32>
      %add3A_498 = arith.addf %add3A_488, %gather3A_497 : vector<16xf32>
      %add3A_499 = arith.constant 4 : i32
      %add3A_500 = vector.broadcast %add3A_499 : i32 to vector<16xi32>
      %add3A_501 = arith.addi %iota3A, %add3A_500 : vector<16xi32>
      %and3A_502 = arith.constant 15 : i32
      %and3A_503 = vector.broadcast %and3A_502 : i32 to vector<16xi32>
      %and3A_504 = arith.andi %add3A_501, %and3A_503 : vector<16xi32>
      %broadcast_in_dim3A_505 = vector.shape_cast %and3A_504 : vector<16xi32> to vector<16x1xi32>
      %gather3A_506 = vector.shape_cast %broadcast_in_dim3A_505 : vector<16x1xi32> to vector<16xi32>
      %gather3A_507 = tpu.dynamic_gather %add3A_498[%gather3A_506] in [0] : vector<16xf32>, vector<16xi32> -> vector<16xf32>
      %add3A_508 = arith.addf %add3A_498, %gather3A_507 : vector<16xf32>
      %add3A_509 = arith.constant 2 : i32
      %add3A_510 = vector.broadcast %add3A_509 : i32 to vector<16xi32>
      %add3A_511 = arith.addi %iota3A, %add3A_510 : vector<16xi32>
      %and3A_512 = arith.constant 15 : i32
      %and3A_513 = vector.broadcast %and3A_512 : i32 to vector<16xi32>
      %and3A_514 = arith.andi %add3A_511, %and3A_513 : vector<16xi32>
      %broadcast_in_dim3A_515 = vector.shape_cast %and3A_514 : vector<16xi32> to vector<16x1xi32>
      %gather3A_516 = vector.shape_cast %broadcast_in_dim3A_515 : vector<16x1xi32> to vector<16xi32>
      %gather3A_517 = tpu.dynamic_gather %add3A_508[%gather3A_516] in [0] : vector<16xf32>, vector<16xi32> -> vector<16xf32>
      %add3A_518 = arith.addf %add3A_508, %gather3A_517 : vector<16xf32>
      %add3A_519 = arith.constant 1 : i32
      %add3A_520 = vector.broadcast %add3A_519 : i32 to vector<16xi32>
      %add3A_521 = arith.addi %iota3A, %add3A_520 : vector<16xi32>
      %and3A_522 = arith.constant 15 : i32
      %and3A_523 = vector.broadcast %and3A_522 : i32 to vector<16xi32>
      %and3A_524 = arith.andi %add3A_521, %and3A_523 : vector<16xi32>
      %broadcast_in_dim3A_525 = vector.shape_cast %and3A_524 : vector<16xi32> to vector<16x1xi32>
      %gather3A_526 = vector.shape_cast %broadcast_in_dim3A_525 : vector<16x1xi32> to vector<16xi32>
      %gather3A_527 = tpu.dynamic_gather %add3A_518[%gather3A_526] in [0] : vector<16xf32>, vector<16xi32> -> vector<16xf32>
      %add3A_528 = arith.addf %add3A_518, %gather3A_527 : vector<16xf32>
      %eq3A_529 = arith.constant 4 : i32
      %eq3A_530 = vector.broadcast %eq3A_529 : i32 to vector<16xi32>
      %eq3A_531 = arith.cmpi eq, %iota3A, %eq3A_530 : vector<16xi32>
      %select_n3A_532 = arith.select %eq3A_531, %add3A_528, %select_n3A_455 : vector<16xi1>, vector<16xf32>
      %mul3A_533 = arith.constant 16 : i32
      %mul3A_534 = arith.muli %scan3A_140, %mul3A_533 : i32
      %add3A_535 = arith.constant 5 : i32
      %add3A_536 = arith.addi %mul3A_534, %add3A_535 : i32
      %slice3A_537 = vector.extract_strided_slice %get3A_147 {offsets = [5], sizes = [1], strides = [1]} : vector<16xi32> to vector<1xi32>
      %squeeze3A_538 = vector.extract %slice3A_537[0] : i32 from vector<1xi32>
      %multiple_of3A_539 = tpu.assume_multiple %squeeze3A_538, 32 : i32
      %slice3A_540 = vector.extract_strided_slice %get3A_154 {offsets = [5], sizes = [1], strides = [1]} : vector<16xi32> to vector<1xi32>
      %squeeze3A_541 = vector.extract %slice3A_540[0] : i32 from vector<1xi32>
      %multiple_of3A_542 = tpu.assume_multiple %squeeze3A_541, 32 : i32
      %get3A_543 = arith.index_cast %add3A_536 : i32 to index
      %get3A_544 = arith.index_cast %multiple_of3A_539 : i32 to index
      %get3A_545 = tpu.vector_load %arg13[%get3A_543, %get3A_544] {strides = array<i32>} : memref<128x128xf32, #tpu.memory_space<vmem>>, vector<1x16xf32>,
      %get3A_546 = vector.shape_cast %get3A_545 : vector<1x16xf32> to vector<16xf32>
      %add3A_547 = arith.constant 16 : i32
      %add3A_548 = arith.addi %multiple_of3A_539, %add3A_547 : i32
      %get3A_549 = arith.index_cast %add3A_536 : i32 to index
      %get3A_550 = arith.index_cast %add3A_548 : i32 to index
      %get3A_551 = tpu.vector_load %arg13[%get3A_549, %get3A_550] {strides = array<i32>} : memref<128x128xf32, #tpu.memory_space<vmem>>, vector<1x16xf32>,
      %get3A_552 = vector.shape_cast %get3A_551 : vector<1x16xf32> to vector<16xf32>
      %get3A_553 = arith.index_cast %add3A_536 : i32 to index
      %get3A_554 = arith.index_cast %multiple_of3A_542 : i32 to index
      %get3A_555 = tpu.vector_load %arg14[%get3A_553, %get3A_554] {strides = array<i32>} : memref<128x128xf32, #tpu.memory_space<vmem>>, vector<1x16xf32>,
      %get3A_556 = vector.shape_cast %get3A_555 : vector<1x16xf32> to vector<16xf32>
      %add3A_557 = arith.constant 16 : i32
      %add3A_558 = arith.addi %multiple_of3A_542, %add3A_557 : i32
      %get3A_559 = arith.index_cast %add3A_536 : i32 to index
      %get3A_560 = arith.index_cast %add3A_558 : i32 to index
      %get3A_561 = tpu.vector_load %arg14[%get3A_559, %get3A_560] {strides = array<i32>} : memref<128x128xf32, #tpu.memory_space<vmem>>, vector<1x16xf32>,
      %get3A_562 = vector.shape_cast %get3A_561 : vector<1x16xf32> to vector<16xf32>
      %mul3A_563 = arith.mulf %get3A_546, %get3A_556 : vector<16xf32>
      %mul3A_564 = arith.mulf %get3A_552, %get3A_562 : vector<16xf32>
      %add3A_565 = arith.addf %mul3A_563, %mul3A_564 : vector<16xf32>
      %add3A_566 = arith.constant 8 : i32
      %add3A_567 = vector.broadcast %add3A_566 : i32 to vector<16xi32>
      %add3A_568 = arith.addi %iota3A, %add3A_567 : vector<16xi32>
      %and3A_569 = arith.constant 15 : i32
      %and3A_570 = vector.broadcast %and3A_569 : i32 to vector<16xi32>
      %and3A_571 = arith.andi %add3A_568, %and3A_570 : vector<16xi32>
      %broadcast_in_dim3A_572 = vector.shape_cast %and3A_571 : vector<16xi32> to vector<16x1xi32>
      %gather3A_573 = vector.shape_cast %broadcast_in_dim3A_572 : vector<16x1xi32> to vector<16xi32>
      %gather3A_574 = tpu.dynamic_gather %add3A_565[%gather3A_573] in [0] : vector<16xf32>, vector<16xi32> -> vector<16xf32>
      %add3A_575 = arith.addf %add3A_565, %gather3A_574 : vector<16xf32>
      %add3A_576 = arith.constant 4 : i32
      %add3A_577 = vector.broadcast %add3A_576 : i32 to vector<16xi32>
      %add3A_578 = arith.addi %iota3A, %add3A_577 : vector<16xi32>
      %and3A_579 = arith.constant 15 : i32
      %and3A_580 = vector.broadcast %and3A_579 : i32 to vector<16xi32>
      %and3A_581 = arith.andi %add3A_578, %and3A_580 : vector<16xi32>
      %broadcast_in_dim3A_582 = vector.shape_cast %and3A_581 : vector<16xi32> to vector<16x1xi32>
      %gather3A_583 = vector.shape_cast %broadcast_in_dim3A_582 : vector<16x1xi32> to vector<16xi32>
      %gather3A_584 = tpu.dynamic_gather %add3A_575[%gather3A_583] in [0] : vector<16xf32>, vector<16xi32> -> vector<16xf32>
      %add3A_585 = arith.addf %add3A_575, %gather3A_584 : vector<16xf32>
      %add3A_586 = arith.constant 2 : i32
      %add3A_587 = vector.broadcast %add3A_586 : i32 to vector<16xi32>
      %add3A_588 = arith.addi %iota3A, %add3A_587 : vector<16xi32>
      %and3A_589 = arith.constant 15 : i32
      %and3A_590 = vector.broadcast %and3A_589 : i32 to vector<16xi32>
      %and3A_591 = arith.andi %add3A_588, %and3A_590 : vector<16xi32>
      %broadcast_in_dim3A_592 = vector.shape_cast %and3A_591 : vector<16xi32> to vector<16x1xi32>
      %gather3A_593 = vector.shape_cast %broadcast_in_dim3A_592 : vector<16x1xi32> to vector<16xi32>
      %gather3A_594 = tpu.dynamic_gather %add3A_585[%gather3A_593] in [0] : vector<16xf32>, vector<16xi32> -> vector<16xf32>
      %add3A_595 = arith.addf %add3A_585, %gather3A_594 : vector<16xf32>
      %add3A_596 = arith.constant 1 : i32
      %add3A_597 = vector.broadcast %add3A_596 : i32 to vector<16xi32>
      %add3A_598 = arith.addi %iota3A, %add3A_597 : vector<16xi32>
      %and3A_599 = arith.constant 15 : i32
      %and3A_600 = vector.broadcast %and3A_599 : i32 to vector<16xi32>
      %and3A_601 = arith.andi %add3A_598, %and3A_600 : vector<16xi32>
      %broadcast_in_dim3A_602 = vector.shape_cast %and3A_601 : vector<16xi32> to vector<16x1xi32>
      %gather3A_603 = vector.shape_cast %broadcast_in_dim3A_602 : vector<16x1xi32> to vector<16xi32>
      %gather3A_604 = tpu.dynamic_gather %add3A_595[%gather3A_603] in [0] : vector<16xf32>, vector<16xi32> -> vector<16xf32>
      %add3A_605 = arith.addf %add3A_595, %gather3A_604 : vector<16xf32>
      %eq3A_606 = arith.constant 5 : i32
      %eq3A_607 = vector.broadcast %eq3A_606 : i32 to vector<16xi32>
      %eq3A_608 = arith.cmpi eq, %iota3A, %eq3A_607 : vector<16xi32>
      %select_n3A_609 = arith.select %eq3A_608, %add3A_605, %select_n3A_532 : vector<16xi1>, vector<16xf32>
      %mul3A_610 = arith.constant 16 : i32
      %mul3A_611 = arith.muli %scan3A_140, %mul3A_610 : i32
      %add3A_612 = arith.constant 6 : i32
      %add3A_613 = arith.addi %mul3A_611, %add3A_612 : i32
      %slice3A_614 = vector.extract_strided_slice %get3A_147 {offsets = [6], sizes = [1], strides = [1]} : vector<16xi32> to vector<1xi32>
      %squeeze3A_615 = vector.extract %slice3A_614[0] : i32 from vector<1xi32>
      %multiple_of3A_616 = tpu.assume_multiple %squeeze3A_615, 32 : i32
      %slice3A_617 = vector.extract_strided_slice %get3A_154 {offsets = [6], sizes = [1], strides = [1]} : vector<16xi32> to vector<1xi32>
      %squeeze3A_618 = vector.extract %slice3A_617[0] : i32 from vector<1xi32>
      %multiple_of3A_619 = tpu.assume_multiple %squeeze3A_618, 32 : i32
      %get3A_620 = arith.index_cast %add3A_613 : i32 to index
      %get3A_621 = arith.index_cast %multiple_of3A_616 : i32 to index
      %get3A_622 = tpu.vector_load %arg13[%get3A_620, %get3A_621] {strides = array<i32>} : memref<128x128xf32, #tpu.memory_space<vmem>>, vector<1x16xf32>,
      %get3A_623 = vector.shape_cast %get3A_622 : vector<1x16xf32> to vector<16xf32>
      %add3A_624 = arith.constant 16 : i32
      %add3A_625 = arith.addi %multiple_of3A_616, %add3A_624 : i32
      %get3A_626 = arith.index_cast %add3A_613 : i32 to index
      %get3A_627 = arith.index_cast %add3A_625 : i32 to index
      %get3A_628 = tpu.vector_load %arg13[%get3A_626, %get3A_627] {strides = array<i32>} : memref<128x128xf32, #tpu.memory_space<vmem>>, vector<1x16xf32>,
      %get3A_629 = vector.shape_cast %get3A_628 : vector<1x16xf32> to vector<16xf32>
      %get3A_630 = arith.index_cast %add3A_613 : i32 to index
      %get3A_631 = arith.index_cast %multiple_of3A_619 : i32 to index
      %get3A_632 = tpu.vector_load %arg14[%get3A_630, %get3A_631] {strides = array<i32>} : memref<128x128xf32, #tpu.memory_space<vmem>>, vector<1x16xf32>,
      %get3A_633 = vector.shape_cast %get3A_632 : vector<1x16xf32> to vector<16xf32>
      %add3A_634 = arith.constant 16 : i32
      %add3A_635 = arith.addi %multiple_of3A_619, %add3A_634 : i32
      %get3A_636 = arith.index_cast %add3A_613 : i32 to index
      %get3A_637 = arith.index_cast %add3A_635 : i32 to index
      %get3A_638 = tpu.vector_load %arg14[%get3A_636, %get3A_637] {strides = array<i32>} : memref<128x128xf32, #tpu.memory_space<vmem>>, vector<1x16xf32>,
      %get3A_639 = vector.shape_cast %get3A_638 : vector<1x16xf32> to vector<16xf32>
      %mul3A_640 = arith.mulf %get3A_623, %get3A_633 : vector<16xf32>
      %mul3A_641 = arith.mulf %get3A_629, %get3A_639 : vector<16xf32>
      %add3A_642 = arith.addf %mul3A_640, %mul3A_641 : vector<16xf32>
      %add3A_643 = arith.constant 8 : i32
      %add3A_644 = vector.broadcast %add3A_643 : i32 to vector<16xi32>
      %add3A_645 = arith.addi %iota3A, %add3A_644 : vector<16xi32>
      %and3A_646 = arith.constant 15 : i32
      %and3A_647 = vector.broadcast %and3A_646 : i32 to vector<16xi32>
      %and3A_648 = arith.andi %add3A_645, %and3A_647 : vector<16xi32>
      %broadcast_in_dim3A_649 = vector.shape_cast %and3A_648 : vector<16xi32> to vector<16x1xi32>
      %gather3A_650 = vector.shape_cast %broadcast_in_dim3A_649 : vector<16x1xi32> to vector<16xi32>
      %gather3A_651 = tpu.dynamic_gather %add3A_642[%gather3A_650] in [0] : vector<16xf32>, vector<16xi32> -> vector<16xf32>
      %add3A_652 = arith.addf %add3A_642, %gather3A_651 : vector<16xf32>
      %add3A_653 = arith.constant 4 : i32
      %add3A_654 = vector.broadcast %add3A_653 : i32 to vector<16xi32>
      %add3A_655 = arith.addi %iota3A, %add3A_654 : vector<16xi32>
      %and3A_656 = arith.constant 15 : i32
      %and3A_657 = vector.broadcast %and3A_656 : i32 to vector<16xi32>
      %and3A_658 = arith.andi %add3A_655, %and3A_657 : vector<16xi32>
      %broadcast_in_dim3A_659 = vector.shape_cast %and3A_658 : vector<16xi32> to vector<16x1xi32>
      %gather3A_660 = vector.shape_cast %broadcast_in_dim3A_659 : vector<16x1xi32> to vector<16xi32>
      %gather3A_661 = tpu.dynamic_gather %add3A_652[%gather3A_660] in [0] : vector<16xf32>, vector<16xi32> -> vector<16xf32>
      %add3A_662 = arith.addf %add3A_652, %gather3A_661 : vector<16xf32>
      %add3A_663 = arith.constant 2 : i32
      %add3A_664 = vector.broadcast %add3A_663 : i32 to vector<16xi32>
      %add3A_665 = arith.addi %iota3A, %add3A_664 : vector<16xi32>
      %and3A_666 = arith.constant 15 : i32
      %and3A_667 = vector.broadcast %and3A_666 : i32 to vector<16xi32>
      %and3A_668 = arith.andi %add3A_665, %and3A_667 : vector<16xi32>
      %broadcast_in_dim3A_669 = vector.shape_cast %and3A_668 : vector<16xi32> to vector<16x1xi32>
      %gather3A_670 = vector.shape_cast %broadcast_in_dim3A_669 : vector<16x1xi32> to vector<16xi32>
      %gather3A_671 = tpu.dynamic_gather %add3A_662[%gather3A_670] in [0] : vector<16xf32>, vector<16xi32> -> vector<16xf32>
      %add3A_672 = arith.addf %add3A_662, %gather3A_671 : vector<16xf32>
      %add3A_673 = arith.constant 1 : i32
      %add3A_674 = vector.broadcast %add3A_673 : i32 to vector<16xi32>
      %add3A_675 = arith.addi %iota3A, %add3A_674 : vector<16xi32>
      %and3A_676 = arith.constant 15 : i32
      %and3A_677 = vector.broadcast %and3A_676 : i32 to vector<16xi32>
      %and3A_678 = arith.andi %add3A_675, %and3A_677 : vector<16xi32>
      %broadcast_in_dim3A_679 = vector.shape_cast %and3A_678 : vector<16xi32> to vector<16x1xi32>
      %gather3A_680 = vector.shape_cast %broadcast_in_dim3A_679 : vector<16x1xi32> to vector<16xi32>
      %gather3A_681 = tpu.dynamic_gather %add3A_672[%gather3A_680] in [0] : vector<16xf32>, vector<16xi32> -> vector<16xf32>
      %add3A_682 = arith.addf %add3A_672, %gather3A_681 : vector<16xf32>
      %eq3A_683 = arith.constant 6 : i32
      %eq3A_684 = vector.broadcast %eq3A_683 : i32 to vector<16xi32>
      %eq3A_685 = arith.cmpi eq, %iota3A, %eq3A_684 : vector<16xi32>
      %select_n3A_686 = arith.select %eq3A_685, %add3A_682, %select_n3A_609 : vector<16xi1>, vector<16xf32>
      %mul3A_687 = arith.constant 16 : i32
      %mul3A_688 = arith.muli %scan3A_140, %mul3A_687 : i32
      %add3A_689 = arith.constant 7 : i32
      %add3A_690 = arith.addi %mul3A_688, %add3A_689 : i32
      %slice3A_691 = vector.extract_strided_slice %get3A_147 {offsets = [7], sizes = [1], strides = [1]} : vector<16xi32> to vector<1xi32>
      %squeeze3A_692 = vector.extract %slice3A_691[0] : i32 from vector<1xi32>
      %multiple_of3A_693 = tpu.assume_multiple %squeeze3A_692, 32 : i32
      %slice3A_694 = vector.extract_strided_slice %get3A_154 {offsets = [7], sizes = [1], strides = [1]} : vector<16xi32> to vector<1xi32>
      %squeeze3A_695 = vector.extract %slice3A_694[0] : i32 from vector<1xi32>
      %multiple_of3A_696 = tpu.assume_multiple %squeeze3A_695, 32 : i32
      %get3A_697 = arith.index_cast %add3A_690 : i32 to index
      %get3A_698 = arith.index_cast %multiple_of3A_693 : i32 to index
      %get3A_699 = tpu.vector_load %arg13[%get3A_697, %get3A_698] {strides = array<i32>} : memref<128x128xf32, #tpu.memory_space<vmem>>, vector<1x16xf32>,
      %get3A_700 = vector.shape_cast %get3A_699 : vector<1x16xf32> to vector<16xf32>
      %add3A_701 = arith.constant 16 : i32
      %add3A_702 = arith.addi %multiple_of3A_693, %add3A_701 : i32
      %get3A_703 = arith.index_cast %add3A_690 : i32 to index
      %get3A_704 = arith.index_cast %add3A_702 : i32 to index
      %get3A_705 = tpu.vector_load %arg13[%get3A_703, %get3A_704] {strides = array<i32>} : memref<128x128xf32, #tpu.memory_space<vmem>>, vector<1x16xf32>,
      %get3A_706 = vector.shape_cast %get3A_705 : vector<1x16xf32> to vector<16xf32>
      %get3A_707 = arith.index_cast %add3A_690 : i32 to index
      %get3A_708 = arith.index_cast %multiple_of3A_696 : i32 to index
      %get3A_709 = tpu.vector_load %arg14[%get3A_707, %get3A_708] {strides = array<i32>} : memref<128x128xf32, #tpu.memory_space<vmem>>, vector<1x16xf32>,
      %get3A_710 = vector.shape_cast %get3A_709 : vector<1x16xf32> to vector<16xf32>
      %add3A_711 = arith.constant 16 : i32
      %add3A_712 = arith.addi %multiple_of3A_696, %add3A_711 : i32
      %get3A_713 = arith.index_cast %add3A_690 : i32 to index
      %get3A_714 = arith.index_cast %add3A_712 : i32 to index
      %get3A_715 = tpu.vector_load %arg14[%get3A_713, %get3A_714] {strides = array<i32>} : memref<128x128xf32, #tpu.memory_space<vmem>>, vector<1x16xf32>,
      %get3A_716 = vector.shape_cast %get3A_715 : vector<1x16xf32> to vector<16xf32>
      %mul3A_717 = arith.mulf %get3A_700, %get3A_710 : vector<16xf32>
      %mul3A_718 = arith.mulf %get3A_706, %get3A_716 : vector<16xf32>
      %add3A_719 = arith.addf %mul3A_717, %mul3A_718 : vector<16xf32>
      %add3A_720 = arith.constant 8 : i32
      %add3A_721 = vector.broadcast %add3A_720 : i32 to vector<16xi32>
      %add3A_722 = arith.addi %iota3A, %add3A_721 : vector<16xi32>
      %and3A_723 = arith.constant 15 : i32
      %and3A_724 = vector.broadcast %and3A_723 : i32 to vector<16xi32>
      %and3A_725 = arith.andi %add3A_722, %and3A_724 : vector<16xi32>
      %broadcast_in_dim3A_726 = vector.shape_cast %and3A_725 : vector<16xi32> to vector<16x1xi32>
      %gather3A_727 = vector.shape_cast %broadcast_in_dim3A_726 : vector<16x1xi32> to vector<16xi32>
      %gather3A_728 = tpu.dynamic_gather %add3A_719[%gather3A_727] in [0] : vector<16xf32>, vector<16xi32> -> vector<16xf32>
      %add3A_729 = arith.addf %add3A_719, %gather3A_728 : vector<16xf32>
      %add3A_730 = arith.constant 4 : i32
      %add3A_731 = vector.broadcast %add3A_730 : i32 to vector<16xi32>
      %add3A_732 = arith.addi %iota3A, %add3A_731 : vector<16xi32>
      %and3A_733 = arith.constant 15 : i32
      %and3A_734 = vector.broadcast %and3A_733 : i32 to vector<16xi32>
      %and3A_735 = arith.andi %add3A_732, %and3A_734 : vector<16xi32>
      %broadcast_in_dim3A_736 = vector.shape_cast %and3A_735 : vector<16xi32> to vector<16x1xi32>
      %gather3A_737 = vector.shape_cast %broadcast_in_dim3A_736 : vector<16x1xi32> to vector<16xi32>
      %gather3A_738 = tpu.dynamic_gather %add3A_729[%gather3A_737] in [0] : vector<16xf32>, vector<16xi32> -> vector<16xf32>
      %add3A_739 = arith.addf %add3A_729, %gather3A_738 : vector<16xf32>
      %add3A_740 = arith.constant 2 : i32
      %add3A_741 = vector.broadcast %add3A_740 : i32 to vector<16xi32>
      %add3A_742 = arith.addi %iota3A, %add3A_741 : vector<16xi32>
      %and3A_743 = arith.constant 15 : i32
      %and3A_744 = vector.broadcast %and3A_743 : i32 to vector<16xi32>
      %and3A_745 = arith.andi %add3A_742, %and3A_744 : vector<16xi32>
      %broadcast_in_dim3A_746 = vector.shape_cast %and3A_745 : vector<16xi32> to vector<16x1xi32>
      %gather3A_747 = vector.shape_cast %broadcast_in_dim3A_746 : vector<16x1xi32> to vector<16xi32>
      %gather3A_748 = tpu.dynamic_gather %add3A_739[%gather3A_747] in [0] : vector<16xf32>, vector<16xi32> -> vector<16xf32>
      %add3A_749 = arith.addf %add3A_739, %gather3A_748 : vector<16xf32>
      %add3A_750 = arith.constant 1 : i32
      %add3A_751 = vector.broadcast %add3A_750 : i32 to vector<16xi32>
      %add3A_752 = arith.addi %iota3A, %add3A_751 : vector<16xi32>
      %and3A_753 = arith.constant 15 : i32
      %and3A_754 = vector.broadcast %and3A_753 : i32 to vector<16xi32>
      %and3A_755 = arith.andi %add3A_752, %and3A_754 : vector<16xi32>
      %broadcast_in_dim3A_756 = vector.shape_cast %and3A_755 : vector<16xi32> to vector<16x1xi32>
      %gather3A_757 = vector.shape_cast %broadcast_in_dim3A_756 : vector<16x1xi32> to vector<16xi32>
      %gather3A_758 = tpu.dynamic_gather %add3A_749[%gather3A_757] in [0] : vector<16xf32>, vector<16xi32> -> vector<16xf32>
      %add3A_759 = arith.addf %add3A_749, %gather3A_758 : vector<16xf32>
      %eq3A_760 = arith.constant 7 : i32
      %eq3A_761 = vector.broadcast %eq3A_760 : i32 to vector<16xi32>
      %eq3A_762 = arith.cmpi eq, %iota3A, %eq3A_761 : vector<16xi32>
      %select_n3A_763 = arith.select %eq3A_762, %add3A_759, %select_n3A_686 : vector<16xi1>, vector<16xf32>
      %mul3A_764 = arith.constant 16 : i32
      %mul3A_765 = arith.muli %scan3A_140, %mul3A_764 : i32
      %add3A_766 = arith.constant 8 : i32
      %add3A_767 = arith.addi %mul3A_765, %add3A_766 : i32
      %slice3A_768 = vector.extract_strided_slice %get3A_147 {offsets = [8], sizes = [1], strides = [1]} : vector<16xi32> to vector<1xi32>
      %squeeze3A_769 = vector.extract %slice3A_768[0] : i32 from vector<1xi32>
      %multiple_of3A_770 = tpu.assume_multiple %squeeze3A_769, 32 : i32
      %slice3A_771 = vector.extract_strided_slice %get3A_154 {offsets = [8], sizes = [1], strides = [1]} : vector<16xi32> to vector<1xi32>
      %squeeze3A_772 = vector.extract %slice3A_771[0] : i32 from vector<1xi32>
      %multiple_of3A_773 = tpu.assume_multiple %squeeze3A_772, 32 : i32
      %get3A_774 = arith.index_cast %add3A_767 : i32 to index
      %get3A_775 = arith.index_cast %multiple_of3A_770 : i32 to index
      %get3A_776 = tpu.vector_load %arg13[%get3A_774, %get3A_775] {strides = array<i32>} : memref<128x128xf32, #tpu.memory_space<vmem>>, vector<1x16xf32>,
      %get3A_777 = vector.shape_cast %get3A_776 : vector<1x16xf32> to vector<16xf32>
      %add3A_778 = arith.constant 16 : i32
      %add3A_779 = arith.addi %multiple_of3A_770, %add3A_778 : i32
      %get3A_780 = arith.index_cast %add3A_767 : i32 to index
      %get3A_781 = arith.index_cast %add3A_779 : i32 to index
      %get3A_782 = tpu.vector_load %arg13[%get3A_780, %get3A_781] {strides = array<i32>} : memref<128x128xf32, #tpu.memory_space<vmem>>, vector<1x16xf32>,
      %get3A_783 = vector.shape_cast %get3A_782 : vector<1x16xf32> to vector<16xf32>
      %get3A_784 = arith.index_cast %add3A_767 : i32 to index
      %get3A_785 = arith.index_cast %multiple_of3A_773 : i32 to index
      %get3A_786 = tpu.vector_load %arg14[%get3A_784, %get3A_785] {strides = array<i32>} : memref<128x128xf32, #tpu.memory_space<vmem>>, vector<1x16xf32>,
      %get3A_787 = vector.shape_cast %get3A_786 : vector<1x16xf32> to vector<16xf32>
      %add3A_788 = arith.constant 16 : i32
      %add3A_789 = arith.addi %multiple_of3A_773, %add3A_788 : i32
      %get3A_790 = arith.index_cast %add3A_767 : i32 to index
      %get3A_791 = arith.index_cast %add3A_789 : i32 to index
      %get3A_792 = tpu.vector_load %arg14[%get3A_790, %get3A_791] {strides = array<i32>} : memref<128x128xf32, #tpu.memory_space<vmem>>, vector<1x16xf32>,
      %get3A_793 = vector.shape_cast %get3A_792 : vector<1x16xf32> to vector<16xf32>
      %mul3A_794 = arith.mulf %get3A_777, %get3A_787 : vector<16xf32>
      %mul3A_795 = arith.mulf %get3A_783, %get3A_793 : vector<16xf32>
      %add3A_796 = arith.addf %mul3A_794, %mul3A_795 : vector<16xf32>
      %add3A_797 = arith.constant 8 : i32
      %add3A_798 = vector.broadcast %add3A_797 : i32 to vector<16xi32>
      %add3A_799 = arith.addi %iota3A, %add3A_798 : vector<16xi32>
      %and3A_800 = arith.constant 15 : i32
      %and3A_801 = vector.broadcast %and3A_800 : i32 to vector<16xi32>
      %and3A_802 = arith.andi %add3A_799, %and3A_801 : vector<16xi32>
      %broadcast_in_dim3A_803 = vector.shape_cast %and3A_802 : vector<16xi32> to vector<16x1xi32>
      %gather3A_804 = vector.shape_cast %broadcast_in_dim3A_803 : vector<16x1xi32> to vector<16xi32>
      %gather3A_805 = tpu.dynamic_gather %add3A_796[%gather3A_804] in [0] : vector<16xf32>, vector<16xi32> -> vector<16xf32>
      %add3A_806 = arith.addf %add3A_796, %gather3A_805 : vector<16xf32>
      %add3A_807 = arith.constant 4 : i32
      %add3A_808 = vector.broadcast %add3A_807 : i32 to vector<16xi32>
      %add3A_809 = arith.addi %iota3A, %add3A_808 : vector<16xi32>
      %and3A_810 = arith.constant 15 : i32
      %and3A_811 = vector.broadcast %and3A_810 : i32 to vector<16xi32>
      %and3A_812 = arith.andi %add3A_809, %and3A_811 : vector<16xi32>
      %broadcast_in_dim3A_813 = vector.shape_cast %and3A_812 : vector<16xi32> to vector<16x1xi32>
      %gather3A_814 = vector.shape_cast %broadcast_in_dim3A_813 : vector<16x1xi32> to vector<16xi32>
      %gather3A_815 = tpu.dynamic_gather %add3A_806[%gather3A_814] in [0] : vector<16xf32>, vector<16xi32> -> vector<16xf32>
      %add3A_816 = arith.addf %add3A_806, %gather3A_815 : vector<16xf32>
      %add3A_817 = arith.constant 2 : i32
      %add3A_818 = vector.broadcast %add3A_817 : i32 to vector<16xi32>
      %add3A_819 = arith.addi %iota3A, %add3A_818 : vector<16xi32>
      %and3A_820 = arith.constant 15 : i32
      %and3A_821 = vector.broadcast %and3A_820 : i32 to vector<16xi32>
      %and3A_822 = arith.andi %add3A_819, %and3A_821 : vector<16xi32>
      %broadcast_in_dim3A_823 = vector.shape_cast %and3A_822 : vector<16xi32> to vector<16x1xi32>
      %gather3A_824 = vector.shape_cast %broadcast_in_dim3A_823 : vector<16x1xi32> to vector<16xi32>
      %gather3A_825 = tpu.dynamic_gather %add3A_816[%gather3A_824] in [0] : vector<16xf32>, vector<16xi32> -> vector<16xf32>
      %add3A_826 = arith.addf %add3A_816, %gather3A_825 : vector<16xf32>
      %add3A_827 = arith.constant 1 : i32
      %add3A_828 = vector.broadcast %add3A_827 : i32 to vector<16xi32>
      %add3A_829 = arith.addi %iota3A, %add3A_828 : vector<16xi32>
      %and3A_830 = arith.constant 15 : i32
      %and3A_831 = vector.broadcast %and3A_830 : i32 to vector<16xi32>
      %and3A_832 = arith.andi %add3A_829, %and3A_831 : vector<16xi32>
      %broadcast_in_dim3A_833 = vector.shape_cast %and3A_832 : vector<16xi32> to vector<16x1xi32>
      %gather3A_834 = vector.shape_cast %broadcast_in_dim3A_833 : vector<16x1xi32> to vector<16xi32>
      %gather3A_835 = tpu.dynamic_gather %add3A_826[%gather3A_834] in [0] : vector<16xf32>, vector<16xi32> -> vector<16xf32>
      %add3A_836 = arith.addf %add3A_826, %gather3A_835 : vector<16xf32>
      %eq3A_837 = arith.constant 8 : i32
      %eq3A_838 = vector.broadcast %eq3A_837 : i32 to vector<16xi32>
      %eq3A_839 = arith.cmpi eq, %iota3A, %eq3A_838 : vector<16xi32>
      %select_n3A_840 = arith.select %eq3A_839, %add3A_836, %select_n3A_763 : vector<16xi1>, vector<16xf32>
      %mul3A_841 = arith.constant 16 : i32
      %mul3A_842 = arith.muli %scan3A_140, %mul3A_841 : i32
      %add3A_843 = arith.constant 9 : i32
      %add3A_844 = arith.addi %mul3A_842, %add3A_843 : i32
      %slice3A_845 = vector.extract_strided_slice %get3A_147 {offsets = [9], sizes = [1], strides = [1]} : vector<16xi32> to vector<1xi32>
      %squeeze3A_846 = vector.extract %slice3A_845[0] : i32 from vector<1xi32>
      %multiple_of3A_847 = tpu.assume_multiple %squeeze3A_846, 32 : i32
      %slice3A_848 = vector.extract_strided_slice %get3A_154 {offsets = [9], sizes = [1], strides = [1]} : vector<16xi32> to vector<1xi32>
      %squeeze3A_849 = vector.extract %slice3A_848[0] : i32 from vector<1xi32>
      %multiple_of3A_850 = tpu.assume_multiple %squeeze3A_849, 32 : i32
      %get3A_851 = arith.index_cast %add3A_844 : i32 to index
      %get3A_852 = arith.index_cast %multiple_of3A_847 : i32 to index
      %get3A_853 = tpu.vector_load %arg13[%get3A_851, %get3A_852] {strides = array<i32>} : memref<128x128xf32, #tpu.memory_space<vmem>>, vector<1x16xf32>,
      %get3A_854 = vector.shape_cast %get3A_853 : vector<1x16xf32> to vector<16xf32>
      %add3A_855 = arith.constant 16 : i32
      %add3A_856 = arith.addi %multiple_of3A_847, %add3A_855 : i32
      %get3A_857 = arith.index_cast %add3A_844 : i32 to index
      %get3A_858 = arith.index_cast %add3A_856 : i32 to index
      %get3A_859 = tpu.vector_load %arg13[%get3A_857, %get3A_858] {strides = array<i32>} : memref<128x128xf32, #tpu.memory_space<vmem>>, vector<1x16xf32>,
      %get3A_860 = vector.shape_cast %get3A_859 : vector<1x16xf32> to vector<16xf32>
      %get3A_861 = arith.index_cast %add3A_844 : i32 to index
      %get3A_862 = arith.index_cast %multiple_of3A_850 : i32 to index
      %get3A_863 = tpu.vector_load %arg14[%get3A_861, %get3A_862] {strides = array<i32>} : memref<128x128xf32, #tpu.memory_space<vmem>>, vector<1x16xf32>,
      %get3A_864 = vector.shape_cast %get3A_863 : vector<1x16xf32> to vector<16xf32>
      %add3A_865 = arith.constant 16 : i32
      %add3A_866 = arith.addi %multiple_of3A_850, %add3A_865 : i32
      %get3A_867 = arith.index_cast %add3A_844 : i32 to index
      %get3A_868 = arith.index_cast %add3A_866 : i32 to index
      %get3A_869 = tpu.vector_load %arg14[%get3A_867, %get3A_868] {strides = array<i32>} : memref<128x128xf32, #tpu.memory_space<vmem>>, vector<1x16xf32>,
      %get3A_870 = vector.shape_cast %get3A_869 : vector<1x16xf32> to vector<16xf32>
      %mul3A_871 = arith.mulf %get3A_854, %get3A_864 : vector<16xf32>
      %mul3A_872 = arith.mulf %get3A_860, %get3A_870 : vector<16xf32>
      %add3A_873 = arith.addf %mul3A_871, %mul3A_872 : vector<16xf32>
      %add3A_874 = arith.constant 8 : i32
      %add3A_875 = vector.broadcast %add3A_874 : i32 to vector<16xi32>
      %add3A_876 = arith.addi %iota3A, %add3A_875 : vector<16xi32>
      %and3A_877 = arith.constant 15 : i32
      %and3A_878 = vector.broadcast %and3A_877 : i32 to vector<16xi32>
      %and3A_879 = arith.andi %add3A_876, %and3A_878 : vector<16xi32>
      %broadcast_in_dim3A_880 = vector.shape_cast %and3A_879 : vector<16xi32> to vector<16x1xi32>
      %gather3A_881 = vector.shape_cast %broadcast_in_dim3A_880 : vector<16x1xi32> to vector<16xi32>
      %gather3A_882 = tpu.dynamic_gather %add3A_873[%gather3A_881] in [0] : vector<16xf32>, vector<16xi32> -> vector<16xf32>
      %add3A_883 = arith.addf %add3A_873, %gather3A_882 : vector<16xf32>
      %add3A_884 = arith.constant 4 : i32
      %add3A_885 = vector.broadcast %add3A_884 : i32 to vector<16xi32>
      %add3A_886 = arith.addi %iota3A, %add3A_885 : vector<16xi32>
      %and3A_887 = arith.constant 15 : i32
      %and3A_888 = vector.broadcast %and3A_887 : i32 to vector<16xi32>
      %and3A_889 = arith.andi %add3A_886, %and3A_888 : vector<16xi32>
      %broadcast_in_dim3A_890 = vector.shape_cast %and3A_889 : vector<16xi32> to vector<16x1xi32>
      %gather3A_891 = vector.shape_cast %broadcast_in_dim3A_890 : vector<16x1xi32> to vector<16xi32>
      %gather3A_892 = tpu.dynamic_gather %add3A_883[%gather3A_891] in [0] : vector<16xf32>, vector<16xi32> -> vector<16xf32>
      %add3A_893 = arith.addf %add3A_883, %gather3A_892 : vector<16xf32>
      %add3A_894 = arith.constant 2 : i32
      %add3A_895 = vector.broadcast %add3A_894 : i32 to vector<16xi32>
      %add3A_896 = arith.addi %iota3A, %add3A_895 : vector<16xi32>
      %and3A_897 = arith.constant 15 : i32
      %and3A_898 = vector.broadcast %and3A_897 : i32 to vector<16xi32>
      %and3A_899 = arith.andi %add3A_896, %and3A_898 : vector<16xi32>
      %broadcast_in_dim3A_900 = vector.shape_cast %and3A_899 : vector<16xi32> to vector<16x1xi32>
      %gather3A_901 = vector.shape_cast %broadcast_in_dim3A_900 : vector<16x1xi32> to vector<16xi32>
      %gather3A_902 = tpu.dynamic_gather %add3A_893[%gather3A_901] in [0] : vector<16xf32>, vector<16xi32> -> vector<16xf32>
      %add3A_903 = arith.addf %add3A_893, %gather3A_902 : vector<16xf32>
      %add3A_904 = arith.constant 1 : i32
      %add3A_905 = vector.broadcast %add3A_904 : i32 to vector<16xi32>
      %add3A_906 = arith.addi %iota3A, %add3A_905 : vector<16xi32>
      %and3A_907 = arith.constant 15 : i32
      %and3A_908 = vector.broadcast %and3A_907 : i32 to vector<16xi32>
      %and3A_909 = arith.andi %add3A_906, %and3A_908 : vector<16xi32>
      %broadcast_in_dim3A_910 = vector.shape_cast %and3A_909 : vector<16xi32> to vector<16x1xi32>
      %gather3A_911 = vector.shape_cast %broadcast_in_dim3A_910 : vector<16x1xi32> to vector<16xi32>
      %gather3A_912 = tpu.dynamic_gather %add3A_903[%gather3A_911] in [0] : vector<16xf32>, vector<16xi32> -> vector<16xf32>
      %add3A_913 = arith.addf %add3A_903, %gather3A_912 : vector<16xf32>
      %eq3A_914 = arith.constant 9 : i32
      %eq3A_915 = vector.broadcast %eq3A_914 : i32 to vector<16xi32>
      %eq3A_916 = arith.cmpi eq, %iota3A, %eq3A_915 : vector<16xi32>
      %select_n3A_917 = arith.select %eq3A_916, %add3A_913, %select_n3A_840 : vector<16xi1>, vector<16xf32>
      %mul3A_918 = arith.constant 16 : i32
      %mul3A_919 = arith.muli %scan3A_140, %mul3A_918 : i32
      %add3A_920 = arith.constant 10 : i32
      %add3A_921 = arith.addi %mul3A_919, %add3A_920 : i32
      %slice3A_922 = vector.extract_strided_slice %get3A_147 {offsets = [10], sizes = [1], strides = [1]} : vector<16xi32> to vector<1xi32>
      %squeeze3A_923 = vector.extract %slice3A_922[0] : i32 from vector<1xi32>
      %multiple_of3A_924 = tpu.assume_multiple %squeeze3A_923, 32 : i32
      %slice3A_925 = vector.extract_strided_slice %get3A_154 {offsets = [10], sizes = [1], strides = [1]} : vector<16xi32> to vector<1xi32>
      %squeeze3A_926 = vector.extract %slice3A_925[0] : i32 from vector<1xi32>
      %multiple_of3A_927 = tpu.assume_multiple %squeeze3A_926, 32 : i32
      %get3A_928 = arith.index_cast %add3A_921 : i32 to index
      %get3A_929 = arith.index_cast %multiple_of3A_924 : i32 to index
      %get3A_930 = tpu.vector_load %arg13[%get3A_928, %get3A_929] {strides = array<i32>} : memref<128x128xf32, #tpu.memory_space<vmem>>, vector<1x16xf32>,
      %get3A_931 = vector.shape_cast %get3A_930 : vector<1x16xf32> to vector<16xf32>
      %add3A_932 = arith.constant 16 : i32
      %add3A_933 = arith.addi %multiple_of3A_924, %add3A_932 : i32
      %get3A_934 = arith.index_cast %add3A_921 : i32 to index
      %get3A_935 = arith.index_cast %add3A_933 : i32 to index
      %get3A_936 = tpu.vector_load %arg13[%get3A_934, %get3A_935] {strides = array<i32>} : memref<128x128xf32, #tpu.memory_space<vmem>>, vector<1x16xf32>,
      %get3A_937 = vector.shape_cast %get3A_936 : vector<1x16xf32> to vector<16xf32>
      %get3A_938 = arith.index_cast %add3A_921 : i32 to index
      %get3A_939 = arith.index_cast %multiple_of3A_927 : i32 to index
      %get3A_940 = tpu.vector_load %arg14[%get3A_938, %get3A_939] {strides = array<i32>} : memref<128x128xf32, #tpu.memory_space<vmem>>, vector<1x16xf32>,
      %get3A_941 = vector.shape_cast %get3A_940 : vector<1x16xf32> to vector<16xf32>
      %add3A_942 = arith.constant 16 : i32
      %add3A_943 = arith.addi %multiple_of3A_927, %add3A_942 : i32
      %get3A_944 = arith.index_cast %add3A_921 : i32 to index
      %get3A_945 = arith.index_cast %add3A_943 : i32 to index
      %get3A_946 = tpu.vector_load %arg14[%get3A_944, %get3A_945] {strides = array<i32>} : memref<128x128xf32, #tpu.memory_space<vmem>>, vector<1x16xf32>,
      %get3A_947 = vector.shape_cast %get3A_946 : vector<1x16xf32> to vector<16xf32>
      %mul3A_948 = arith.mulf %get3A_931, %get3A_941 : vector<16xf32>
      %mul3A_949 = arith.mulf %get3A_937, %get3A_947 : vector<16xf32>
      %add3A_950 = arith.addf %mul3A_948, %mul3A_949 : vector<16xf32>
      %add3A_951 = arith.constant 8 : i32
      %add3A_952 = vector.broadcast %add3A_951 : i32 to vector<16xi32>
      %add3A_953 = arith.addi %iota3A, %add3A_952 : vector<16xi32>
      %and3A_954 = arith.constant 15 : i32
      %and3A_955 = vector.broadcast %and3A_954 : i32 to vector<16xi32>
      %and3A_956 = arith.andi %add3A_953, %and3A_955 : vector<16xi32>
      %broadcast_in_dim3A_957 = vector.shape_cast %and3A_956 : vector<16xi32> to vector<16x1xi32>
      %gather3A_958 = vector.shape_cast %broadcast_in_dim3A_957 : vector<16x1xi32> to vector<16xi32>
      %gather3A_959 = tpu.dynamic_gather %add3A_950[%gather3A_958] in [0] : vector<16xf32>, vector<16xi32> -> vector<16xf32>
      %add3A_960 = arith.addf %add3A_950, %gather3A_959 : vector<16xf32>
      %add3A_961 = arith.constant 4 : i32
      %add3A_962 = vector.broadcast %add3A_961 : i32 to vector<16xi32>
      %add3A_963 = arith.addi %iota3A, %add3A_962 : vector<16xi32>
      %and3A_964 = arith.constant 15 : i32
      %and3A_965 = vector.broadcast %and3A_964 : i32 to vector<16xi32>
      %and3A_966 = arith.andi %add3A_963, %and3A_965 : vector<16xi32>
      %broadcast_in_dim3A_967 = vector.shape_cast %and3A_966 : vector<16xi32> to vector<16x1xi32>
      %gather3A_968 = vector.shape_cast %broadcast_in_dim3A_967 : vector<16x1xi32> to vector<16xi32>
      %gather3A_969 = tpu.dynamic_gather %add3A_960[%gather3A_968] in [0] : vector<16xf32>, vector<16xi32> -> vector<16xf32>
      %add3A_970 = arith.addf %add3A_960, %gather3A_969 : vector<16xf32>
      %add3A_971 = arith.constant 2 : i32
      %add3A_972 = vector.broadcast %add3A_971 : i32 to vector<16xi32>
      %add3A_973 = arith.addi %iota3A, %add3A_972 : vector<16xi32>
      %and3A_974 = arith.constant 15 : i32
      %and3A_975 = vector.broadcast %and3A_974 : i32 to vector<16xi32>
      %and3A_976 = arith.andi %add3A_973, %and3A_975 : vector<16xi32>
      %broadcast_in_dim3A_977 = vector.shape_cast %and3A_976 : vector<16xi32> to vector<16x1xi32>
      %gather3A_978 = vector.shape_cast %broadcast_in_dim3A_977 : vector<16x1xi32> to vector<16xi32>
      %gather3A_979 = tpu.dynamic_gather %add3A_970[%gather3A_978] in [0] : vector<16xf32>, vector<16xi32> -> vector<16xf32>
      %add3A_980 = arith.addf %add3A_970, %gather3A_979 : vector<16xf32>
      %add3A_981 = arith.constant 1 : i32
      %add3A_982 = vector.broadcast %add3A_981 : i32 to vector<16xi32>
      %add3A_983 = arith.addi %iota3A, %add3A_982 : vector<16xi32>
      %and3A_984 = arith.constant 15 : i32
      %and3A_985 = vector.broadcast %and3A_984 : i32 to vector<16xi32>
      %and3A_986 = arith.andi %add3A_983, %and3A_985 : vector<16xi32>
      %broadcast_in_dim3A_987 = vector.shape_cast %and3A_986 : vector<16xi32> to vector<16x1xi32>
      %gather3A_988 = vector.shape_cast %broadcast_in_dim3A_987 : vector<16x1xi32> to vector<16xi32>
      %gather3A_989 = tpu.dynamic_gather %add3A_980[%gather3A_988] in [0] : vector<16xf32>, vector<16xi32> -> vector<16xf32>
      %add3A_990 = arith.addf %add3A_980, %gather3A_989 : vector<16xf32>
      %eq3A_991 = arith.constant 10 : i32
      %eq3A_992 = vector.broadcast %eq3A_991 : i32 to vector<16xi32>
      %eq3A_993 = arith.cmpi eq, %iota3A, %eq3A_992 : vector<16xi32>
      %select_n3A_994 = arith.select %eq3A_993, %add3A_990, %select_n3A_917 : vector<16xi1>, vector<16xf32>
      %mul3A_995 = arith.constant 16 : i32
      %mul3A_996 = arith.muli %scan3A_140, %mul3A_995 : i32
      %add3A_997 = arith.constant 11 : i32
      %add3A_998 = arith.addi %mul3A_996, %add3A_997 : i32
      %slice3A_999 = vector.extract_strided_slice %get3A_147 {offsets = [11], sizes = [1], strides = [1]} : vector<16xi32> to vector<1xi32>
      %squeeze3A_1000 = vector.extract %slice3A_999[0] : i32 from vector<1xi32>
      %multiple_of3A_1001 = tpu.assume_multiple %squeeze3A_1000, 32 : i32
      %slice3A_1002 = vector.extract_strided_slice %get3A_154 {offsets = [11], sizes = [1], strides = [1]} : vector<16xi32> to vector<1xi32>
      %squeeze3A_1003 = vector.extract %slice3A_1002[0] : i32 from vector<1xi32>
      %multiple_of3A_1004 = tpu.assume_multiple %squeeze3A_1003, 32 : i32
      %get3A_1005 = arith.index_cast %add3A_998 : i32 to index
      %get3A_1006 = arith.index_cast %multiple_of3A_1001 : i32 to index
      %get3A_1007 = tpu.vector_load %arg13[%get3A_1005, %get3A_1006] {strides = array<i32>} : memref<128x128xf32, #tpu.memory_space<vmem>>, vector<1x16xf32>,
      %get3A_1008 = vector.shape_cast %get3A_1007 : vector<1x16xf32> to vector<16xf32>
      %add3A_1009 = arith.constant 16 : i32
      %add3A_1010 = arith.addi %multiple_of3A_1001, %add3A_1009 : i32
      %get3A_1011 = arith.index_cast %add3A_998 : i32 to index
      %get3A_1012 = arith.index_cast %add3A_1010 : i32 to index
      %get3A_1013 = tpu.vector_load %arg13[%get3A_1011, %get3A_1012] {strides = array<i32>} : memref<128x128xf32, #tpu.memory_space<vmem>>, vector<1x16xf32>,
      %get3A_1014 = vector.shape_cast %get3A_1013 : vector<1x16xf32> to vector<16xf32>
      %get3A_1015 = arith.index_cast %add3A_998 : i32 to index
      %get3A_1016 = arith.index_cast %multiple_of3A_1004 : i32 to index
      %get3A_1017 = tpu.vector_load %arg14[%get3A_1015, %get3A_1016] {strides = array<i32>} : memref<128x128xf32, #tpu.memory_space<vmem>>, vector<1x16xf32>,
      %get3A_1018 = vector.shape_cast %get3A_1017 : vector<1x16xf32> to vector<16xf32>
      %add3A_1019 = arith.constant 16 : i32
      %add3A_1020 = arith.addi %multiple_of3A_1004, %add3A_1019 : i32
      %get3A_1021 = arith.index_cast %add3A_998 : i32 to index
      %get3A_1022 = arith.index_cast %add3A_1020 : i32 to index
      %get3A_1023 = tpu.vector_load %arg14[%get3A_1021, %get3A_1022] {strides = array<i32>} : memref<128x128xf32, #tpu.memory_space<vmem>>, vector<1x16xf32>,
      %get3A_1024 = vector.shape_cast %get3A_1023 : vector<1x16xf32> to vector<16xf32>
      %mul3A_1025 = arith.mulf %get3A_1008, %get3A_1018 : vector<16xf32>
      %mul3A_1026 = arith.mulf %get3A_1014, %get3A_1024 : vector<16xf32>
      %add3A_1027 = arith.addf %mul3A_1025, %mul3A_1026 : vector<16xf32>
      %add3A_1028 = arith.constant 8 : i32
      %add3A_1029 = vector.broadcast %add3A_1028 : i32 to vector<16xi32>
      %add3A_1030 = arith.addi %iota3A, %add3A_1029 : vector<16xi32>
      %and3A_1031 = arith.constant 15 : i32
      %and3A_1032 = vector.broadcast %and3A_1031 : i32 to vector<16xi32>
      %and3A_1033 = arith.andi %add3A_1030, %and3A_1032 : vector<16xi32>
      %broadcast_in_dim3A_1034 = vector.shape_cast %and3A_1033 : vector<16xi32> to vector<16x1xi32>
      %gather3A_1035 = vector.shape_cast %broadcast_in_dim3A_1034 : vector<16x1xi32> to vector<16xi32>
      %gather3A_1036 = tpu.dynamic_gather %add3A_1027[%gather3A_1035] in [0] : vector<16xf32>, vector<16xi32> -> vector<16xf32>
      %add3A_1037 = arith.addf %add3A_1027, %gather3A_1036 : vector<16xf32>
      %add3A_1038 = arith.constant 4 : i32
      %add3A_1039 = vector.broadcast %add3A_1038 : i32 to vector<16xi32>
      %add3A_1040 = arith.addi %iota3A, %add3A_1039 : vector<16xi32>
      %and3A_1041 = arith.constant 15 : i32
      %and3A_1042 = vector.broadcast %and3A_1041 : i32 to vector<16xi32>
      %and3A_1043 = arith.andi %add3A_1040, %and3A_1042 : vector<16xi32>
      %broadcast_in_dim3A_1044 = vector.shape_cast %and3A_1043 : vector<16xi32> to vector<16x1xi32>
      %gather3A_1045 = vector.shape_cast %broadcast_in_dim3A_1044 : vector<16x1xi32> to vector<16xi32>
      %gather3A_1046 = tpu.dynamic_gather %add3A_1037[%gather3A_1045] in [0] : vector<16xf32>, vector<16xi32> -> vector<16xf32>
      %add3A_1047 = arith.addf %add3A_1037, %gather3A_1046 : vector<16xf32>
      %add3A_1048 = arith.constant 2 : i32
      %add3A_1049 = vector.broadcast %add3A_1048 : i32 to vector<16xi32>
      %add3A_1050 = arith.addi %iota3A, %add3A_1049 : vector<16xi32>
      %and3A_1051 = arith.constant 15 : i32
      %and3A_1052 = vector.broadcast %and3A_1051 : i32 to vector<16xi32>
      %and3A_1053 = arith.andi %add3A_1050, %and3A_1052 : vector<16xi32>
      %broadcast_in_dim3A_1054 = vector.shape_cast %and3A_1053 : vector<16xi32> to vector<16x1xi32>
      %gather3A_1055 = vector.shape_cast %broadcast_in_dim3A_1054 : vector<16x1xi32> to vector<16xi32>
      %gather3A_1056 = tpu.dynamic_gather %add3A_1047[%gather3A_1055] in [0] : vector<16xf32>, vector<16xi32> -> vector<16xf32>
      %add3A_1057 = arith.addf %add3A_1047, %gather3A_1056 : vector<16xf32>
      %add3A_1058 = arith.constant 1 : i32
      %add3A_1059 = vector.broadcast %add3A_1058 : i32 to vector<16xi32>
      %add3A_1060 = arith.addi %iota3A, %add3A_1059 : vector<16xi32>
      %and3A_1061 = arith.constant 15 : i32
      %and3A_1062 = vector.broadcast %and3A_1061 : i32 to vector<16xi32>
      %and3A_1063 = arith.andi %add3A_1060, %and3A_1062 : vector<16xi32>
      %broadcast_in_dim3A_1064 = vector.shape_cast %and3A_1063 : vector<16xi32> to vector<16x1xi32>
      %gather3A_1065 = vector.shape_cast %broadcast_in_dim3A_1064 : vector<16x1xi32> to vector<16xi32>
      %gather3A_1066 = tpu.dynamic_gather %add3A_1057[%gather3A_1065] in [0] : vector<16xf32>, vector<16xi32> -> vector<16xf32>
      %add3A_1067 = arith.addf %add3A_1057, %gather3A_1066 : vector<16xf32>
      %eq3A_1068 = arith.constant 11 : i32
      %eq3A_1069 = vector.broadcast %eq3A_1068 : i32 to vector<16xi32>
      %eq3A_1070 = arith.cmpi eq, %iota3A, %eq3A_1069 : vector<16xi32>
      %select_n3A_1071 = arith.select %eq3A_1070, %add3A_1067, %select_n3A_994 : vector<16xi1>, vector<16xf32>
      %mul3A_1072 = arith.constant 16 : i32
      %mul3A_1073 = arith.muli %scan3A_140, %mul3A_1072 : i32
      %add3A_1074 = arith.constant 12 : i32
      %add3A_1075 = arith.addi %mul3A_1073, %add3A_1074 : i32
      %slice3A_1076 = vector.extract_strided_slice %get3A_147 {offsets = [12], sizes = [1], strides = [1]} : vector<16xi32> to vector<1xi32>
      %squeeze3A_1077 = vector.extract %slice3A_1076[0] : i32 from vector<1xi32>
      %multiple_of3A_1078 = tpu.assume_multiple %squeeze3A_1077, 32 : i32
      %slice3A_1079 = vector.extract_strided_slice %get3A_154 {offsets = [12], sizes = [1], strides = [1]} : vector<16xi32> to vector<1xi32>
      %squeeze3A_1080 = vector.extract %slice3A_1079[0] : i32 from vector<1xi32>
      %multiple_of3A_1081 = tpu.assume_multiple %squeeze3A_1080, 32 : i32
      %get3A_1082 = arith.index_cast %add3A_1075 : i32 to index
      %get3A_1083 = arith.index_cast %multiple_of3A_1078 : i32 to index
      %get3A_1084 = tpu.vector_load %arg13[%get3A_1082, %get3A_1083] {strides = array<i32>} : memref<128x128xf32, #tpu.memory_space<vmem>>, vector<1x16xf32>,
      %get3A_1085 = vector.shape_cast %get3A_1084 : vector<1x16xf32> to vector<16xf32>
      %add3A_1086 = arith.constant 16 : i32
      %add3A_1087 = arith.addi %multiple_of3A_1078, %add3A_1086 : i32
      %get3A_1088 = arith.index_cast %add3A_1075 : i32 to index
      %get3A_1089 = arith.index_cast %add3A_1087 : i32 to index
      %get3A_1090 = tpu.vector_load %arg13[%get3A_1088, %get3A_1089] {strides = array<i32>} : memref<128x128xf32, #tpu.memory_space<vmem>>, vector<1x16xf32>,
      %get3A_1091 = vector.shape_cast %get3A_1090 : vector<1x16xf32> to vector<16xf32>
      %get3A_1092 = arith.index_cast %add3A_1075 : i32 to index
      %get3A_1093 = arith.index_cast %multiple_of3A_1081 : i32 to index
      %get3A_1094 = tpu.vector_load %arg14[%get3A_1092, %get3A_1093] {strides = array<i32>} : memref<128x128xf32, #tpu.memory_space<vmem>>, vector<1x16xf32>,
      %get3A_1095 = vector.shape_cast %get3A_1094 : vector<1x16xf32> to vector<16xf32>
      %add3A_1096 = arith.constant 16 : i32
      %add3A_1097 = arith.addi %multiple_of3A_1081, %add3A_1096 : i32
      %get3A_1098 = arith.index_cast %add3A_1075 : i32 to index
      %get3A_1099 = arith.index_cast %add3A_1097 : i32 to index
      %get3A_1100 = tpu.vector_load %arg14[%get3A_1098, %get3A_1099] {strides = array<i32>} : memref<128x128xf32, #tpu.memory_space<vmem>>, vector<1x16xf32>,
      %get3A_1101 = vector.shape_cast %get3A_1100 : vector<1x16xf32> to vector<16xf32>
      %mul3A_1102 = arith.mulf %get3A_1085, %get3A_1095 : vector<16xf32>
      %mul3A_1103 = arith.mulf %get3A_1091, %get3A_1101 : vector<16xf32>
      %add3A_1104 = arith.addf %mul3A_1102, %mul3A_1103 : vector<16xf32>
      %add3A_1105 = arith.constant 8 : i32
      %add3A_1106 = vector.broadcast %add3A_1105 : i32 to vector<16xi32>
      %add3A_1107 = arith.addi %iota3A, %add3A_1106 : vector<16xi32>
      %and3A_1108 = arith.constant 15 : i32
      %and3A_1109 = vector.broadcast %and3A_1108 : i32 to vector<16xi32>
      %and3A_1110 = arith.andi %add3A_1107, %and3A_1109 : vector<16xi32>
      %broadcast_in_dim3A_1111 = vector.shape_cast %and3A_1110 : vector<16xi32> to vector<16x1xi32>
      %gather3A_1112 = vector.shape_cast %broadcast_in_dim3A_1111 : vector<16x1xi32> to vector<16xi32>
      %gather3A_1113 = tpu.dynamic_gather %add3A_1104[%gather3A_1112] in [0] : vector<16xf32>, vector<16xi32> -> vector<16xf32>
      %add3A_1114 = arith.addf %add3A_1104, %gather3A_1113 : vector<16xf32>
      %add3A_1115 = arith.constant 4 : i32
      %add3A_1116 = vector.broadcast %add3A_1115 : i32 to vector<16xi32>
      %add3A_1117 = arith.addi %iota3A, %add3A_1116 : vector<16xi32>
      %and3A_1118 = arith.constant 15 : i32
      %and3A_1119 = vector.broadcast %and3A_1118 : i32 to vector<16xi32>
      %and3A_1120 = arith.andi %add3A_1117, %and3A_1119 : vector<16xi32>
      %broadcast_in_dim3A_1121 = vector.shape_cast %and3A_1120 : vector<16xi32> to vector<16x1xi32>
      %gather3A_1122 = vector.shape_cast %broadcast_in_dim3A_1121 : vector<16x1xi32> to vector<16xi32>
      %gather3A_1123 = tpu.dynamic_gather %add3A_1114[%gather3A_1122] in [0] : vector<16xf32>, vector<16xi32> -> vector<16xf32>
      %add3A_1124 = arith.addf %add3A_1114, %gather3A_1123 : vector<16xf32>
      %add3A_1125 = arith.constant 2 : i32
      %add3A_1126 = vector.broadcast %add3A_1125 : i32 to vector<16xi32>
      %add3A_1127 = arith.addi %iota3A, %add3A_1126 : vector<16xi32>
      %and3A_1128 = arith.constant 15 : i32
      %and3A_1129 = vector.broadcast %and3A_1128 : i32 to vector<16xi32>
      %and3A_1130 = arith.andi %add3A_1127, %and3A_1129 : vector<16xi32>
      %broadcast_in_dim3A_1131 = vector.shape_cast %and3A_1130 : vector<16xi32> to vector<16x1xi32>
      %gather3A_1132 = vector.shape_cast %broadcast_in_dim3A_1131 : vector<16x1xi32> to vector<16xi32>
      %gather3A_1133 = tpu.dynamic_gather %add3A_1124[%gather3A_1132] in [0] : vector<16xf32>, vector<16xi32> -> vector<16xf32>
      %add3A_1134 = arith.addf %add3A_1124, %gather3A_1133 : vector<16xf32>
      %add3A_1135 = arith.constant 1 : i32
      %add3A_1136 = vector.broadcast %add3A_1135 : i32 to vector<16xi32>
      %add3A_1137 = arith.addi %iota3A, %add3A_1136 : vector<16xi32>
      %and3A_1138 = arith.constant 15 : i32
      %and3A_1139 = vector.broadcast %and3A_1138 : i32 to vector<16xi32>
      %and3A_1140 = arith.andi %add3A_1137, %and3A_1139 : vector<16xi32>
      %broadcast_in_dim3A_1141 = vector.shape_cast %and3A_1140 : vector<16xi32> to vector<16x1xi32>
      %gather3A_1142 = vector.shape_cast %broadcast_in_dim3A_1141 : vector<16x1xi32> to vector<16xi32>
      %gather3A_1143 = tpu.dynamic_gather %add3A_1134[%gather3A_1142] in [0] : vector<16xf32>, vector<16xi32> -> vector<16xf32>
      %add3A_1144 = arith.addf %add3A_1134, %gather3A_1143 : vector<16xf32>
      %eq3A_1145 = arith.constant 12 : i32
      %eq3A_1146 = vector.broadcast %eq3A_1145 : i32 to vector<16xi32>
      %eq3A_1147 = arith.cmpi eq, %iota3A, %eq3A_1146 : vector<16xi32>
      %select_n3A_1148 = arith.select %eq3A_1147, %add3A_1144, %select_n3A_1071 : vector<16xi1>, vector<16xf32>
      %mul3A_1149 = arith.constant 16 : i32
      %mul3A_1150 = arith.muli %scan3A_140, %mul3A_1149 : i32
      %add3A_1151 = arith.constant 13 : i32
      %add3A_1152 = arith.addi %mul3A_1150, %add3A_1151 : i32
      %slice3A_1153 = vector.extract_strided_slice %get3A_147 {offsets = [13], sizes = [1], strides = [1]} : vector<16xi32> to vector<1xi32>
      %squeeze3A_1154 = vector.extract %slice3A_1153[0] : i32 from vector<1xi32>
      %multiple_of3A_1155 = tpu.assume_multiple %squeeze3A_1154, 32 : i32
      %slice3A_1156 = vector.extract_strided_slice %get3A_154 {offsets = [13], sizes = [1], strides = [1]} : vector<16xi32> to vector<1xi32>
      %squeeze3A_1157 = vector.extract %slice3A_1156[0] : i32 from vector<1xi32>
      %multiple_of3A_1158 = tpu.assume_multiple %squeeze3A_1157, 32 : i32
      %get3A_1159 = arith.index_cast %add3A_1152 : i32 to index
      %get3A_1160 = arith.index_cast %multiple_of3A_1155 : i32 to index
      %get3A_1161 = tpu.vector_load %arg13[%get3A_1159, %get3A_1160] {strides = array<i32>} : memref<128x128xf32, #tpu.memory_space<vmem>>, vector<1x16xf32>,
      %get3A_1162 = vector.shape_cast %get3A_1161 : vector<1x16xf32> to vector<16xf32>
      %add3A_1163 = arith.constant 16 : i32
      %add3A_1164 = arith.addi %multiple_of3A_1155, %add3A_1163 : i32
      %get3A_1165 = arith.index_cast %add3A_1152 : i32 to index
      %get3A_1166 = arith.index_cast %add3A_1164 : i32 to index
      %get3A_1167 = tpu.vector_load %arg13[%get3A_1165, %get3A_1166] {strides = array<i32>} : memref<128x128xf32, #tpu.memory_space<vmem>>, vector<1x16xf32>,
      %get3A_1168 = vector.shape_cast %get3A_1167 : vector<1x16xf32> to vector<16xf32>
      %get3A_1169 = arith.index_cast %add3A_1152 : i32 to index
      %get3A_1170 = arith.index_cast %multiple_of3A_1158 : i32 to index
      %get3A_1171 = tpu.vector_load %arg14[%get3A_1169, %get3A_1170] {strides = array<i32>} : memref<128x128xf32, #tpu.memory_space<vmem>>, vector<1x16xf32>,
      %get3A_1172 = vector.shape_cast %get3A_1171 : vector<1x16xf32> to vector<16xf32>
      %add3A_1173 = arith.constant 16 : i32
      %add3A_1174 = arith.addi %multiple_of3A_1158, %add3A_1173 : i32
      %get3A_1175 = arith.index_cast %add3A_1152 : i32 to index
      %get3A_1176 = arith.index_cast %add3A_1174 : i32 to index
      %get3A_1177 = tpu.vector_load %arg14[%get3A_1175, %get3A_1176] {strides = array<i32>} : memref<128x128xf32, #tpu.memory_space<vmem>>, vector<1x16xf32>,
      %get3A_1178 = vector.shape_cast %get3A_1177 : vector<1x16xf32> to vector<16xf32>
      %mul3A_1179 = arith.mulf %get3A_1162, %get3A_1172 : vector<16xf32>
      %mul3A_1180 = arith.mulf %get3A_1168, %get3A_1178 : vector<16xf32>
      %add3A_1181 = arith.addf %mul3A_1179, %mul3A_1180 : vector<16xf32>
      %add3A_1182 = arith.constant 8 : i32
      %add3A_1183 = vector.broadcast %add3A_1182 : i32 to vector<16xi32>
      %add3A_1184 = arith.addi %iota3A, %add3A_1183 : vector<16xi32>
      %and3A_1185 = arith.constant 15 : i32
      %and3A_1186 = vector.broadcast %and3A_1185 : i32 to vector<16xi32>
      %and3A_1187 = arith.andi %add3A_1184, %and3A_1186 : vector<16xi32>
      %broadcast_in_dim3A_1188 = vector.shape_cast %and3A_1187 : vector<16xi32> to vector<16x1xi32>
      %gather3A_1189 = vector.shape_cast %broadcast_in_dim3A_1188 : vector<16x1xi32> to vector<16xi32>
      %gather3A_1190 = tpu.dynamic_gather %add3A_1181[%gather3A_1189] in [0] : vector<16xf32>, vector<16xi32> -> vector<16xf32>
      %add3A_1191 = arith.addf %add3A_1181, %gather3A_1190 : vector<16xf32>
      %add3A_1192 = arith.constant 4 : i32
      %add3A_1193 = vector.broadcast %add3A_1192 : i32 to vector<16xi32>
      %add3A_1194 = arith.addi %iota3A, %add3A_1193 : vector<16xi32>
      %and3A_1195 = arith.constant 15 : i32
      %and3A_1196 = vector.broadcast %and3A_1195 : i32 to vector<16xi32>
      %and3A_1197 = arith.andi %add3A_1194, %and3A_1196 : vector<16xi32>
      %broadcast_in_dim3A_1198 = vector.shape_cast %and3A_1197 : vector<16xi32> to vector<16x1xi32>
      %gather3A_1199 = vector.shape_cast %broadcast_in_dim3A_1198 : vector<16x1xi32> to vector<16xi32>
      %gather3A_1200 = tpu.dynamic_gather %add3A_1191[%gather3A_1199] in [0] : vector<16xf32>, vector<16xi32> -> vector<16xf32>
      %add3A_1201 = arith.addf %add3A_1191, %gather3A_1200 : vector<16xf32>
      %add3A_1202 = arith.constant 2 : i32
      %add3A_1203 = vector.broadcast %add3A_1202 : i32 to vector<16xi32>
      %add3A_1204 = arith.addi %iota3A, %add3A_1203 : vector<16xi32>
      %and3A_1205 = arith.constant 15 : i32
      %and3A_1206 = vector.broadcast %and3A_1205 : i32 to vector<16xi32>
      %and3A_1207 = arith.andi %add3A_1204, %and3A_1206 : vector<16xi32>
      %broadcast_in_dim3A_1208 = vector.shape_cast %and3A_1207 : vector<16xi32> to vector<16x1xi32>
      %gather3A_1209 = vector.shape_cast %broadcast_in_dim3A_1208 : vector<16x1xi32> to vector<16xi32>
      %gather3A_1210 = tpu.dynamic_gather %add3A_1201[%gather3A_1209] in [0] : vector<16xf32>, vector<16xi32> -> vector<16xf32>
      %add3A_1211 = arith.addf %add3A_1201, %gather3A_1210 : vector<16xf32>
      %add3A_1212 = arith.constant 1 : i32
      %add3A_1213 = vector.broadcast %add3A_1212 : i32 to vector<16xi32>
      %add3A_1214 = arith.addi %iota3A, %add3A_1213 : vector<16xi32>
      %and3A_1215 = arith.constant 15 : i32
      %and3A_1216 = vector.broadcast %and3A_1215 : i32 to vector<16xi32>
      %and3A_1217 = arith.andi %add3A_1214, %and3A_1216 : vector<16xi32>
      %broadcast_in_dim3A_1218 = vector.shape_cast %and3A_1217 : vector<16xi32> to vector<16x1xi32>
      %gather3A_1219 = vector.shape_cast %broadcast_in_dim3A_1218 : vector<16x1xi32> to vector<16xi32>
      %gather3A_1220 = tpu.dynamic_gather %add3A_1211[%gather3A_1219] in [0] : vector<16xf32>, vector<16xi32> -> vector<16xf32>
      %add3A_1221 = arith.addf %add3A_1211, %gather3A_1220 : vector<16xf32>
      %eq3A_1222 = arith.constant 13 : i32
      %eq3A_1223 = vector.broadcast %eq3A_1222 : i32 to vector<16xi32>
      %eq3A_1224 = arith.cmpi eq, %iota3A, %eq3A_1223 : vector<16xi32>
      %select_n3A_1225 = arith.select %eq3A_1224, %add3A_1221, %select_n3A_1148 : vector<16xi1>, vector<16xf32>
      %mul3A_1226 = arith.constant 16 : i32
      %mul3A_1227 = arith.muli %scan3A_140, %mul3A_1226 : i32
      %add3A_1228 = arith.constant 14 : i32
      %add3A_1229 = arith.addi %mul3A_1227, %add3A_1228 : i32
      %slice3A_1230 = vector.extract_strided_slice %get3A_147 {offsets = [14], sizes = [1], strides = [1]} : vector<16xi32> to vector<1xi32>
      %squeeze3A_1231 = vector.extract %slice3A_1230[0] : i32 from vector<1xi32>
      %multiple_of3A_1232 = tpu.assume_multiple %squeeze3A_1231, 32 : i32
      %slice3A_1233 = vector.extract_strided_slice %get3A_154 {offsets = [14], sizes = [1], strides = [1]} : vector<16xi32> to vector<1xi32>
      %squeeze3A_1234 = vector.extract %slice3A_1233[0] : i32 from vector<1xi32>
      %multiple_of3A_1235 = tpu.assume_multiple %squeeze3A_1234, 32 : i32
      %get3A_1236 = arith.index_cast %add3A_1229 : i32 to index
      %get3A_1237 = arith.index_cast %multiple_of3A_1232 : i32 to index
      %get3A_1238 = tpu.vector_load %arg13[%get3A_1236, %get3A_1237] {strides = array<i32>} : memref<128x128xf32, #tpu.memory_space<vmem>>, vector<1x16xf32>,
      %get3A_1239 = vector.shape_cast %get3A_1238 : vector<1x16xf32> to vector<16xf32>
      %add3A_1240 = arith.constant 16 : i32
      %add3A_1241 = arith.addi %multiple_of3A_1232, %add3A_1240 : i32
      %get3A_1242 = arith.index_cast %add3A_1229 : i32 to index
      %get3A_1243 = arith.index_cast %add3A_1241 : i32 to index
      %get3A_1244 = tpu.vector_load %arg13[%get3A_1242, %get3A_1243] {strides = array<i32>} : memref<128x128xf32, #tpu.memory_space<vmem>>, vector<1x16xf32>,
      %get3A_1245 = vector.shape_cast %get3A_1244 : vector<1x16xf32> to vector<16xf32>
      %get3A_1246 = arith.index_cast %add3A_1229 : i32 to index
      %get3A_1247 = arith.index_cast %multiple_of3A_1235 : i32 to index
      %get3A_1248 = tpu.vector_load %arg14[%get3A_1246, %get3A_1247] {strides = array<i32>} : memref<128x128xf32, #tpu.memory_space<vmem>>, vector<1x16xf32>,
      %get3A_1249 = vector.shape_cast %get3A_1248 : vector<1x16xf32> to vector<16xf32>
      %add3A_1250 = arith.constant 16 : i32
      %add3A_1251 = arith.addi %multiple_of3A_1235, %add3A_1250 : i32
      %get3A_1252 = arith.index_cast %add3A_1229 : i32 to index
      %get3A_1253 = arith.index_cast %add3A_1251 : i32 to index
      %get3A_1254 = tpu.vector_load %arg14[%get3A_1252, %get3A_1253] {strides = array<i32>} : memref<128x128xf32, #tpu.memory_space<vmem>>, vector<1x16xf32>,
      %get3A_1255 = vector.shape_cast %get3A_1254 : vector<1x16xf32> to vector<16xf32>
      %mul3A_1256 = arith.mulf %get3A_1239, %get3A_1249 : vector<16xf32>
      %mul3A_1257 = arith.mulf %get3A_1245, %get3A_1255 : vector<16xf32>
      %add3A_1258 = arith.addf %mul3A_1256, %mul3A_1257 : vector<16xf32>
      %add3A_1259 = arith.constant 8 : i32
      %add3A_1260 = vector.broadcast %add3A_1259 : i32 to vector<16xi32>
      %add3A_1261 = arith.addi %iota3A, %add3A_1260 : vector<16xi32>
      %and3A_1262 = arith.constant 15 : i32
      %and3A_1263 = vector.broadcast %and3A_1262 : i32 to vector<16xi32>
      %and3A_1264 = arith.andi %add3A_1261, %and3A_1263 : vector<16xi32>
      %broadcast_in_dim3A_1265 = vector.shape_cast %and3A_1264 : vector<16xi32> to vector<16x1xi32>
      %gather3A_1266 = vector.shape_cast %broadcast_in_dim3A_1265 : vector<16x1xi32> to vector<16xi32>
      %gather3A_1267 = tpu.dynamic_gather %add3A_1258[%gather3A_1266] in [0] : vector<16xf32>, vector<16xi32> -> vector<16xf32>
      %add3A_1268 = arith.addf %add3A_1258, %gather3A_1267 : vector<16xf32>
      %add3A_1269 = arith.constant 4 : i32
      %add3A_1270 = vector.broadcast %add3A_1269 : i32 to vector<16xi32>
      %add3A_1271 = arith.addi %iota3A, %add3A_1270 : vector<16xi32>
      %and3A_1272 = arith.constant 15 : i32
      %and3A_1273 = vector.broadcast %and3A_1272 : i32 to vector<16xi32>
      %and3A_1274 = arith.andi %add3A_1271, %and3A_1273 : vector<16xi32>
      %broadcast_in_dim3A_1275 = vector.shape_cast %and3A_1274 : vector<16xi32> to vector<16x1xi32>
      %gather3A_1276 = vector.shape_cast %broadcast_in_dim3A_1275 : vector<16x1xi32> to vector<16xi32>
      %gather3A_1277 = tpu.dynamic_gather %add3A_1268[%gather3A_1276] in [0] : vector<16xf32>, vector<16xi32> -> vector<16xf32>
      %add3A_1278 = arith.addf %add3A_1268, %gather3A_1277 : vector<16xf32>
      %add3A_1279 = arith.constant 2 : i32
      %add3A_1280 = vector.broadcast %add3A_1279 : i32 to vector<16xi32>
      %add3A_1281 = arith.addi %iota3A, %add3A_1280 : vector<16xi32>
      %and3A_1282 = arith.constant 15 : i32
      %and3A_1283 = vector.broadcast %and3A_1282 : i32 to vector<16xi32>
      %and3A_1284 = arith.andi %add3A_1281, %and3A_1283 : vector<16xi32>
      %broadcast_in_dim3A_1285 = vector.shape_cast %and3A_1284 : vector<16xi32> to vector<16x1xi32>
      %gather3A_1286 = vector.shape_cast %broadcast_in_dim3A_1285 : vector<16x1xi32> to vector<16xi32>
      %gather3A_1287 = tpu.dynamic_gather %add3A_1278[%gather3A_1286] in [0] : vector<16xf32>, vector<16xi32> -> vector<16xf32>
      %add3A_1288 = arith.addf %add3A_1278, %gather3A_1287 : vector<16xf32>
      %add3A_1289 = arith.constant 1 : i32
      %add3A_1290 = vector.broadcast %add3A_1289 : i32 to vector<16xi32>
      %add3A_1291 = arith.addi %iota3A, %add3A_1290 : vector<16xi32>
      %and3A_1292 = arith.constant 15 : i32
      %and3A_1293 = vector.broadcast %and3A_1292 : i32 to vector<16xi32>
      %and3A_1294 = arith.andi %add3A_1291, %and3A_1293 : vector<16xi32>
      %broadcast_in_dim3A_1295 = vector.shape_cast %and3A_1294 : vector<16xi32> to vector<16x1xi32>
      %gather3A_1296 = vector.shape_cast %broadcast_in_dim3A_1295 : vector<16x1xi32> to vector<16xi32>
      %gather3A_1297 = tpu.dynamic_gather %add3A_1288[%gather3A_1296] in [0] : vector<16xf32>, vector<16xi32> -> vector<16xf32>
      %add3A_1298 = arith.addf %add3A_1288, %gather3A_1297 : vector<16xf32>
      %eq3A_1299 = arith.constant 14 : i32
      %eq3A_1300 = vector.broadcast %eq3A_1299 : i32 to vector<16xi32>
      %eq3A_1301 = arith.cmpi eq, %iota3A, %eq3A_1300 : vector<16xi32>
      %select_n3A_1302 = arith.select %eq3A_1301, %add3A_1298, %select_n3A_1225 : vector<16xi1>, vector<16xf32>
      %mul3A_1303 = arith.constant 16 : i32
      %mul3A_1304 = arith.muli %scan3A_140, %mul3A_1303 : i32
      %add3A_1305 = arith.constant 15 : i32
      %add3A_1306 = arith.addi %mul3A_1304, %add3A_1305 : i32
      %slice3A_1307 = vector.extract_strided_slice %get3A_147 {offsets = [15], sizes = [1], strides = [1]} : vector<16xi32> to vector<1xi32>
      %squeeze3A_1308 = vector.extract %slice3A_1307[0] : i32 from vector<1xi32>
      %multiple_of3A_1309 = tpu.assume_multiple %squeeze3A_1308, 32 : i32
      %slice3A_1310 = vector.extract_strided_slice %get3A_154 {offsets = [15], sizes = [1], strides = [1]} : vector<16xi32> to vector<1xi32>
      %squeeze3A_1311 = vector.extract %slice3A_1310[0] : i32 from vector<1xi32>
      %multiple_of3A_1312 = tpu.assume_multiple %squeeze3A_1311, 32 : i32
      %get3A_1313 = arith.index_cast %add3A_1306 : i32 to index
      %get3A_1314 = arith.index_cast %multiple_of3A_1309 : i32 to index
      %get3A_1315 = tpu.vector_load %arg13[%get3A_1313, %get3A_1314] {strides = array<i32>} : memref<128x128xf32, #tpu.memory_space<vmem>>, vector<1x16xf32>,
      %get3A_1316 = vector.shape_cast %get3A_1315 : vector<1x16xf32> to vector<16xf32>
      %add3A_1317 = arith.constant 16 : i32
      %add3A_1318 = arith.addi %multiple_of3A_1309, %add3A_1317 : i32
      %get3A_1319 = arith.index_cast %add3A_1306 : i32 to index
      %get3A_1320 = arith.index_cast %add3A_1318 : i32 to index
      %get3A_1321 = tpu.vector_load %arg13[%get3A_1319, %get3A_1320] {strides = array<i32>} : memref<128x128xf32, #tpu.memory_space<vmem>>, vector<1x16xf32>,
      %get3A_1322 = vector.shape_cast %get3A_1321 : vector<1x16xf32> to vector<16xf32>
      %get3A_1323 = arith.index_cast %add3A_1306 : i32 to index
      %get3A_1324 = arith.index_cast %multiple_of3A_1312 : i32 to index
      %get3A_1325 = tpu.vector_load %arg14[%get3A_1323, %get3A_1324] {strides = array<i32>} : memref<128x128xf32, #tpu.memory_space<vmem>>, vector<1x16xf32>,
      %get3A_1326 = vector.shape_cast %get3A_1325 : vector<1x16xf32> to vector<16xf32>
      %add3A_1327 = arith.constant 16 : i32
      %add3A_1328 = arith.addi %multiple_of3A_1312, %add3A_1327 : i32
      %get3A_1329 = arith.index_cast %add3A_1306 : i32 to index
      %get3A_1330 = arith.index_cast %add3A_1328 : i32 to index
      %get3A_1331 = tpu.vector_load %arg14[%get3A_1329, %get3A_1330] {strides = array<i32>} : memref<128x128xf32, #tpu.memory_space<vmem>>, vector<1x16xf32>,
      %get3A_1332 = vector.shape_cast %get3A_1331 : vector<1x16xf32> to vector<16xf32>
      %mul3A_1333 = arith.mulf %get3A_1316, %get3A_1326 : vector<16xf32>
      %mul3A_1334 = arith.mulf %get3A_1322, %get3A_1332 : vector<16xf32>
      %add3A_1335 = arith.addf %mul3A_1333, %mul3A_1334 : vector<16xf32>
      %add3A_1336 = arith.constant 8 : i32
      %add3A_1337 = vector.broadcast %add3A_1336 : i32 to vector<16xi32>
      %add3A_1338 = arith.addi %iota3A, %add3A_1337 : vector<16xi32>
      %and3A_1339 = arith.constant 15 : i32
      %and3A_1340 = vector.broadcast %and3A_1339 : i32 to vector<16xi32>
      %and3A_1341 = arith.andi %add3A_1338, %and3A_1340 : vector<16xi32>
      %broadcast_in_dim3A_1342 = vector.shape_cast %and3A_1341 : vector<16xi32> to vector<16x1xi32>
      %gather3A_1343 = vector.shape_cast %broadcast_in_dim3A_1342 : vector<16x1xi32> to vector<16xi32>
      %gather3A_1344 = tpu.dynamic_gather %add3A_1335[%gather3A_1343] in [0] : vector<16xf32>, vector<16xi32> -> vector<16xf32>
      %add3A_1345 = arith.addf %add3A_1335, %gather3A_1344 : vector<16xf32>
      %add3A_1346 = arith.constant 4 : i32
      %add3A_1347 = vector.broadcast %add3A_1346 : i32 to vector<16xi32>
      %add3A_1348 = arith.addi %iota3A, %add3A_1347 : vector<16xi32>
      %and3A_1349 = arith.constant 15 : i32
      %and3A_1350 = vector.broadcast %and3A_1349 : i32 to vector<16xi32>
      %and3A_1351 = arith.andi %add3A_1348, %and3A_1350 : vector<16xi32>
      %broadcast_in_dim3A_1352 = vector.shape_cast %and3A_1351 : vector<16xi32> to vector<16x1xi32>
      %gather3A_1353 = vector.shape_cast %broadcast_in_dim3A_1352 : vector<16x1xi32> to vector<16xi32>
      %gather3A_1354 = tpu.dynamic_gather %add3A_1345[%gather3A_1353] in [0] : vector<16xf32>, vector<16xi32> -> vector<16xf32>
      %add3A_1355 = arith.addf %add3A_1345, %gather3A_1354 : vector<16xf32>
      %add3A_1356 = arith.constant 2 : i32
      %add3A_1357 = vector.broadcast %add3A_1356 : i32 to vector<16xi32>
      %add3A_1358 = arith.addi %iota3A, %add3A_1357 : vector<16xi32>
      %and3A_1359 = arith.constant 15 : i32
      %and3A_1360 = vector.broadcast %and3A_1359 : i32 to vector<16xi32>
      %and3A_1361 = arith.andi %add3A_1358, %and3A_1360 : vector<16xi32>
      %broadcast_in_dim3A_1362 = vector.shape_cast %and3A_1361 : vector<16xi32> to vector<16x1xi32>
      %gather3A_1363 = vector.shape_cast %broadcast_in_dim3A_1362 : vector<16x1xi32> to vector<16xi32>
      %gather3A_1364 = tpu.dynamic_gather %add3A_1355[%gather3A_1363] in [0] : vector<16xf32>, vector<16xi32> -> vector<16xf32>
      %add3A_1365 = arith.addf %add3A_1355, %gather3A_1364 : vector<16xf32>
      %add3A_1366 = arith.constant 1 : i32
      %add3A_1367 = vector.broadcast %add3A_1366 : i32 to vector<16xi32>
      %add3A_1368 = arith.addi %iota3A, %add3A_1367 : vector<16xi32>
      %and3A_1369 = arith.constant 15 : i32
      %and3A_1370 = vector.broadcast %and3A_1369 : i32 to vector<16xi32>
      %and3A_1371 = arith.andi %add3A_1368, %and3A_1370 : vector<16xi32>
      %broadcast_in_dim3A_1372 = vector.shape_cast %and3A_1371 : vector<16xi32> to vector<16x1xi32>
      %gather3A_1373 = vector.shape_cast %broadcast_in_dim3A_1372 : vector<16x1xi32> to vector<16xi32>
      %gather3A_1374 = tpu.dynamic_gather %add3A_1365[%gather3A_1373] in [0] : vector<16xf32>, vector<16xi32> -> vector<16xf32>
      %add3A_1375 = arith.addf %add3A_1365, %gather3A_1374 : vector<16xf32>
      %eq3A_1376 = arith.constant 15 : i32
      %eq3A_1377 = vector.broadcast %eq3A_1376 : i32 to vector<16xi32>
      %eq3A_1378 = arith.cmpi eq, %iota3A, %eq3A_1377 : vector<16xi32>
      %select_n3A_1379 = arith.select %eq3A_1378, %add3A_1375, %select_n3A_1302 : vector<16xi1>, vector<16xf32>
      %mul3A_1380 = arith.constant 16 : i32
      %mul3A_1381 = arith.muli %scan3A_140, %mul3A_1380 : i32
      %add3A_1382 = arith.constant 256 : i32
      %add3A_1383 = arith.addi %add3A_1382, %mul3A_1381 : i32
      %swap3A = arith.index_cast %add3A_1383 : i32 to index
      %swap3A_1384 = tpu.vector_load %arg15[%swap3A] {strides = array<i32>} : memref<512xf32, #tpu.memory_space<vmem>>, vector<16xf32>,
      %swap3A_1385 = vector.shape_cast %swap3A_1384 : vector<16xf32> to vector<16xf32>
      %swap3A_1386 = vector.shape_cast %select_n3A_1379 : vector<16xf32> to vector<16xf32>
      tpu.vector_store %arg15[%swap3A], %swap3A_1386 {strides = array<i32>} : memref<512xf32, #tpu.memory_space<vmem>>, vector<16xf32>,
    }
    %scan3A_105 = arith.constant 8 : i32
    %dma_start3A_106 = arith.constant 3 : i32
    %dma_start3A_107 = arith.constant 0 : i32
    %dma_start3A_108 = tpu.memref_slice %arg9[%dma_start3A_106, %dma_start3A_107] : memref<4x128xi32, #tpu.memory_space<vmem>> -> memref<1x128xi32, #tpu.memory_space<vmem>>
    %dma_start3A_109 = tpu.memref_squeeze %dma_start3A_108 : memref<1x128xi32, #tpu.memory_space<vmem>> -> memref<128xi32, #tpu.memory_space<vmem>>
    %dma_start3A_110 = arith.constant 0 : i32
    %dma_start3A_111 = arith.constant 0 : i32
    %dma_start3A_112 = tpu.memref_slice %arg6[%dma_start3A_110, %dma_start3A_111] : memref<250000x128xf32, #tpu.memory_space<hbm>> -> memref<250000x128xf32, #tpu.memory_space<hbm>>
    tpu.enqueue_indirect_dma source(%dma_start3A_112 : memref<250000x128xf32, #tpu.memory_space<hbm>>) target(%arg13 : memref<128x128xf32, #tpu.memory_space<vmem>>) offsets(%dma_start3A_109 : memref<128xi32, #tpu.memory_space<vmem>>) semaphore(%arg16 : memref<!tpu.dma_semaphore, #tpu.memory_space<semaphore_mem>>)
    %dma_start3A_113 = arith.constant 3 : i32
    %dma_start3A_114 = arith.constant 0 : i32
    %dma_start3A_115 = tpu.memref_slice %arg10[%dma_start3A_113, %dma_start3A_114] : memref<4x128xi32, #tpu.memory_space<vmem>> -> memref<1x128xi32, #tpu.memory_space<vmem>>
    %dma_start3A_116 = tpu.memref_squeeze %dma_start3A_115 : memref<1x128xi32, #tpu.memory_space<vmem>> -> memref<128xi32, #tpu.memory_space<vmem>>
    %dma_start3A_117 = arith.constant 0 : i32
    %dma_start3A_118 = arith.constant 0 : i32
    %dma_start3A_119 = tpu.memref_slice %arg7[%dma_start3A_117, %dma_start3A_118] : memref<250000x128xf32, #tpu.memory_space<hbm>> -> memref<250000x128xf32, #tpu.memory_space<hbm>>
    tpu.enqueue_indirect_dma source(%dma_start3A_119 : memref<250000x128xf32, #tpu.memory_space<hbm>>) target(%arg14 : memref<128x128xf32, #tpu.memory_space<vmem>>) offsets(%dma_start3A_116 : memref<128xi32, #tpu.memory_space<vmem>>) semaphore(%arg17 : memref<!tpu.dma_semaphore, #tpu.memory_space<semaphore_mem>>)
    %dma_wait3A_120 = arith.constant 3 : i32
    %dma_wait3A_121 = arith.constant 0 : i32
    %dma_wait3A_122 = tpu.memref_slice %arg9[%dma_wait3A_120, %dma_wait3A_121] : memref<4x128xi32, #tpu.memory_space<vmem>> -> memref<1x128xi32, #tpu.memory_space<vmem>>
    %dma_wait3A_123 = tpu.memref_squeeze %dma_wait3A_122 : memref<1x128xi32, #tpu.memory_space<vmem>> -> memref<128xi32, #tpu.memory_space<vmem>>
    %dma_wait3A_124 = arith.constant 0 : i32
    %dma_wait3A_125 = arith.constant 0 : i32
    %dma_wait3A_126 = tpu.memref_slice %arg6[%dma_wait3A_124, %dma_wait3A_125] : memref<250000x128xf32, #tpu.memory_space<hbm>> -> memref<250000x128xf32, #tpu.memory_space<hbm>>
    tpu.wait_indirect_dma semaphore(%arg16 : memref<!tpu.dma_semaphore, #tpu.memory_space<semaphore_mem>>) src(%dma_wait3A_126 : memref<250000x128xf32, #tpu.memory_space<hbm>>) dst(%arg13 : memref<128x128xf32, #tpu.memory_space<vmem>>)
    %dma_wait3A_127 = arith.constant 3 : i32
    %dma_wait3A_128 = arith.constant 0 : i32
    %dma_wait3A_129 = tpu.memref_slice %arg10[%dma_wait3A_127, %dma_wait3A_128] : memref<4x128xi32, #tpu.memory_space<vmem>> -> memref<1x128xi32, #tpu.memory_space<vmem>>
    %dma_wait3A_130 = tpu.memref_squeeze %dma_wait3A_129 : memref<1x128xi32, #tpu.memory_space<vmem>> -> memref<128xi32, #tpu.memory_space<vmem>>
    %dma_wait3A_131 = arith.constant 0 : i32
    %dma_wait3A_132 = arith.constant 0 : i32
    %dma_wait3A_133 = tpu.memref_slice %arg7[%dma_wait3A_131, %dma_wait3A_132] : memref<250000x128xf32, #tpu.memory_space<hbm>> -> memref<250000x128xf32, #tpu.memory_space<hbm>>
    tpu.wait_indirect_dma semaphore(%arg17 : memref<!tpu.dma_semaphore, #tpu.memory_space<semaphore_mem>>) src(%dma_wait3A_133 : memref<250000x128xf32, #tpu.memory_space<hbm>>) dst(%arg14 : memref<128x128xf32, #tpu.memory_space<vmem>>)
    %scan3A_134 = arith.constant 0 : i32
    %scan3A_135 = arith.constant 0 : i32
    %scan3A_136 = arith.constant 8 : i32
    %scan3A_137 = arith.addi %scan3A_135, %scan3A_136 : i32
    %scan3A_138 = arith.constant 1 : i32
    scf.for %scan3A_140 = %scan3A_135 to %scan3A_137 step %scan3A_138  : i32 {
      %broadcast_in_dim3A = arith.constant 0.000000e+00 : f32
      %broadcast_in_dim3A_141 = vector.broadcast %broadcast_in_dim3A : f32 to vector<16xf32>
      %mul3A_142 = arith.constant 16 : i32
      %mul3A_143 = arith.muli %scan3A_140, %mul3A_142 : i32
      %add3A_144 = arith.constant 384 : i32
      %add3A_145 = arith.addi %add3A_144, %mul3A_143 : i32
      %get3A = arith.index_cast %add3A_145 : i32 to index
      %get3A_146 = tpu.vector_load %arg11[%get3A] {strides = array<i32>} : memref<512xi32, #tpu.memory_space<vmem>>, vector<16xi32>,
      %get3A_147 = vector.shape_cast %get3A_146 : vector<16xi32> to vector<16xi32>
      %mul3A_148 = arith.constant 16 : i32
      %mul3A_149 = arith.muli %scan3A_140, %mul3A_148 : i32
      %add3A_150 = arith.constant 384 : i32
      %add3A_151 = arith.addi %add3A_150, %mul3A_149 : i32
      %get3A_152 = arith.index_cast %add3A_151 : i32 to index
      %get3A_153 = tpu.vector_load %arg12[%get3A_152] {strides = array<i32>} : memref<512xi32, #tpu.memory_space<vmem>>, vector<16xi32>,
      %get3A_154 = vector.shape_cast %get3A_153 : vector<16xi32> to vector<16xi32>
      %mul3A_155 = arith.constant 16 : i32
      %mul3A_156 = arith.muli %scan3A_140, %mul3A_155 : i32
      %add3A_157 = arith.constant 0 : i32
      %add3A_158 = arith.addi %mul3A_156, %add3A_157 : i32
      %slice3A = vector.extract_strided_slice %get3A_147 {offsets = [0], sizes = [1], strides = [1]} : vector<16xi32> to vector<1xi32>
      %squeeze3A = vector.extract %slice3A[0] : i32 from vector<1xi32>
      %multiple_of3A = tpu.assume_multiple %squeeze3A, 32 : i32
      %slice3A_159 = vector.extract_strided_slice %get3A_154 {offsets = [0], sizes = [1], strides = [1]} : vector<16xi32> to vector<1xi32>
      %squeeze3A_160 = vector.extract %slice3A_159[0] : i32 from vector<1xi32>
      %multiple_of3A_161 = tpu.assume_multiple %squeeze3A_160, 32 : i32
      %get3A_162 = arith.index_cast %add3A_158 : i32 to index
      %get3A_163 = arith.index_cast %multiple_of3A : i32 to index
      %get3A_164 = tpu.vector_load %arg13[%get3A_162, %get3A_163] {strides = array<i32>} : memref<128x128xf32, #tpu.memory_space<vmem>>, vector<1x16xf32>,
      %get3A_165 = vector.shape_cast %get3A_164 : vector<1x16xf32> to vector<16xf32>
      %add3A_166 = arith.constant 16 : i32
      %add3A_167 = arith.addi %multiple_of3A, %add3A_166 : i32
      %get3A_168 = arith.index_cast %add3A_158 : i32 to index
      %get3A_169 = arith.index_cast %add3A_167 : i32 to index
      %get3A_170 = tpu.vector_load %arg13[%get3A_168, %get3A_169] {strides = array<i32>} : memref<128x128xf32, #tpu.memory_space<vmem>>, vector<1x16xf32>,
      %get3A_171 = vector.shape_cast %get3A_170 : vector<1x16xf32> to vector<16xf32>
      %get3A_172 = arith.index_cast %add3A_158 : i32 to index
      %get3A_173 = arith.index_cast %multiple_of3A_161 : i32 to index
      %get3A_174 = tpu.vector_load %arg14[%get3A_172, %get3A_173] {strides = array<i32>} : memref<128x128xf32, #tpu.memory_space<vmem>>, vector<1x16xf32>,
      %get3A_175 = vector.shape_cast %get3A_174 : vector<1x16xf32> to vector<16xf32>
      %add3A_176 = arith.constant 16 : i32
      %add3A_177 = arith.addi %multiple_of3A_161, %add3A_176 : i32
      %get3A_178 = arith.index_cast %add3A_158 : i32 to index
      %get3A_179 = arith.index_cast %add3A_177 : i32 to index
      %get3A_180 = tpu.vector_load %arg14[%get3A_178, %get3A_179] {strides = array<i32>} : memref<128x128xf32, #tpu.memory_space<vmem>>, vector<1x16xf32>,
      %get3A_181 = vector.shape_cast %get3A_180 : vector<1x16xf32> to vector<16xf32>
      %mul3A_182 = arith.mulf %get3A_165, %get3A_175 : vector<16xf32>
      %mul3A_183 = arith.mulf %get3A_171, %get3A_181 : vector<16xf32>
      %add3A_184 = arith.addf %mul3A_182, %mul3A_183 : vector<16xf32>
      %add3A_185 = arith.constant 8 : i32
      %add3A_186 = vector.broadcast %add3A_185 : i32 to vector<16xi32>
      %add3A_187 = arith.addi %iota3A, %add3A_186 : vector<16xi32>
      %and3A = arith.constant 15 : i32
      %and3A_188 = vector.broadcast %and3A : i32 to vector<16xi32>
      %and3A_189 = arith.andi %add3A_187, %and3A_188 : vector<16xi32>
      %broadcast_in_dim3A_190 = vector.shape_cast %and3A_189 : vector<16xi32> to vector<16x1xi32>
      %gather3A = vector.shape_cast %broadcast_in_dim3A_190 : vector<16x1xi32> to vector<16xi32>
      %gather3A_191 = tpu.dynamic_gather %add3A_184[%gather3A] in [0] : vector<16xf32>, vector<16xi32> -> vector<16xf32>
      %add3A_192 = arith.addf %add3A_184, %gather3A_191 : vector<16xf32>
      %add3A_193 = arith.constant 4 : i32
      %add3A_194 = vector.broadcast %add3A_193 : i32 to vector<16xi32>
      %add3A_195 = arith.addi %iota3A, %add3A_194 : vector<16xi32>
      %and3A_196 = arith.constant 15 : i32
      %and3A_197 = vector.broadcast %and3A_196 : i32 to vector<16xi32>
      %and3A_198 = arith.andi %add3A_195, %and3A_197 : vector<16xi32>
      %broadcast_in_dim3A_199 = vector.shape_cast %and3A_198 : vector<16xi32> to vector<16x1xi32>
      %gather3A_200 = vector.shape_cast %broadcast_in_dim3A_199 : vector<16x1xi32> to vector<16xi32>
      %gather3A_201 = tpu.dynamic_gather %add3A_192[%gather3A_200] in [0] : vector<16xf32>, vector<16xi32> -> vector<16xf32>
      %add3A_202 = arith.addf %add3A_192, %gather3A_201 : vector<16xf32>
      %add3A_203 = arith.constant 2 : i32
      %add3A_204 = vector.broadcast %add3A_203 : i32 to vector<16xi32>
      %add3A_205 = arith.addi %iota3A, %add3A_204 : vector<16xi32>
      %and3A_206 = arith.constant 15 : i32
      %and3A_207 = vector.broadcast %and3A_206 : i32 to vector<16xi32>
      %and3A_208 = arith.andi %add3A_205, %and3A_207 : vector<16xi32>
      %broadcast_in_dim3A_209 = vector.shape_cast %and3A_208 : vector<16xi32> to vector<16x1xi32>
      %gather3A_210 = vector.shape_cast %broadcast_in_dim3A_209 : vector<16x1xi32> to vector<16xi32>
      %gather3A_211 = tpu.dynamic_gather %add3A_202[%gather3A_210] in [0] : vector<16xf32>, vector<16xi32> -> vector<16xf32>
      %add3A_212 = arith.addf %add3A_202, %gather3A_211 : vector<16xf32>
      %add3A_213 = arith.constant 1 : i32
      %add3A_214 = vector.broadcast %add3A_213 : i32 to vector<16xi32>
      %add3A_215 = arith.addi %iota3A, %add3A_214 : vector<16xi32>
      %and3A_216 = arith.constant 15 : i32
      %and3A_217 = vector.broadcast %and3A_216 : i32 to vector<16xi32>
      %and3A_218 = arith.andi %add3A_215, %and3A_217 : vector<16xi32>
      %broadcast_in_dim3A_219 = vector.shape_cast %and3A_218 : vector<16xi32> to vector<16x1xi32>
      %gather3A_220 = vector.shape_cast %broadcast_in_dim3A_219 : vector<16x1xi32> to vector<16xi32>
      %gather3A_221 = tpu.dynamic_gather %add3A_212[%gather3A_220] in [0] : vector<16xf32>, vector<16xi32> -> vector<16xf32>
      %add3A_222 = arith.addf %add3A_212, %gather3A_221 : vector<16xf32>
      %eq3A = arith.constant 0 : i32
      %eq3A_223 = vector.broadcast %eq3A : i32 to vector<16xi32>
      %eq3A_224 = arith.cmpi eq, %iota3A, %eq3A_223 : vector<16xi32>
      %select_n3A = arith.select %eq3A_224, %add3A_222, %broadcast_in_dim3A_141 : vector<16xi1>, vector<16xf32>
      %mul3A_225 = arith.constant 16 : i32
      %mul3A_226 = arith.muli %scan3A_140, %mul3A_225 : i32
      %add3A_227 = arith.constant 1 : i32
      %add3A_228 = arith.addi %mul3A_226, %add3A_227 : i32
      %slice3A_229 = vector.extract_strided_slice %get3A_147 {offsets = [1], sizes = [1], strides = [1]} : vector<16xi32> to vector<1xi32>
      %squeeze3A_230 = vector.extract %slice3A_229[0] : i32 from vector<1xi32>
      %multiple_of3A_231 = tpu.assume_multiple %squeeze3A_230, 32 : i32
      %slice3A_232 = vector.extract_strided_slice %get3A_154 {offsets = [1], sizes = [1], strides = [1]} : vector<16xi32> to vector<1xi32>
      %squeeze3A_233 = vector.extract %slice3A_232[0] : i32 from vector<1xi32>
      %multiple_of3A_234 = tpu.assume_multiple %squeeze3A_233, 32 : i32
      %get3A_235 = arith.index_cast %add3A_228 : i32 to index
      %get3A_236 = arith.index_cast %multiple_of3A_231 : i32 to index
      %get3A_237 = tpu.vector_load %arg13[%get3A_235, %get3A_236] {strides = array<i32>} : memref<128x128xf32, #tpu.memory_space<vmem>>, vector<1x16xf32>,
      %get3A_238 = vector.shape_cast %get3A_237 : vector<1x16xf32> to vector<16xf32>
      %add3A_239 = arith.constant 16 : i32
      %add3A_240 = arith.addi %multiple_of3A_231, %add3A_239 : i32
      %get3A_241 = arith.index_cast %add3A_228 : i32 to index
      %get3A_242 = arith.index_cast %add3A_240 : i32 to index
      %get3A_243 = tpu.vector_load %arg13[%get3A_241, %get3A_242] {strides = array<i32>} : memref<128x128xf32, #tpu.memory_space<vmem>>, vector<1x16xf32>,
      %get3A_244 = vector.shape_cast %get3A_243 : vector<1x16xf32> to vector<16xf32>
      %get3A_245 = arith.index_cast %add3A_228 : i32 to index
      %get3A_246 = arith.index_cast %multiple_of3A_234 : i32 to index
      %get3A_247 = tpu.vector_load %arg14[%get3A_245, %get3A_246] {strides = array<i32>} : memref<128x128xf32, #tpu.memory_space<vmem>>, vector<1x16xf32>,
      %get3A_248 = vector.shape_cast %get3A_247 : vector<1x16xf32> to vector<16xf32>
      %add3A_249 = arith.constant 16 : i32
      %add3A_250 = arith.addi %multiple_of3A_234, %add3A_249 : i32
      %get3A_251 = arith.index_cast %add3A_228 : i32 to index
      %get3A_252 = arith.index_cast %add3A_250 : i32 to index
      %get3A_253 = tpu.vector_load %arg14[%get3A_251, %get3A_252] {strides = array<i32>} : memref<128x128xf32, #tpu.memory_space<vmem>>, vector<1x16xf32>,
      %get3A_254 = vector.shape_cast %get3A_253 : vector<1x16xf32> to vector<16xf32>
      %mul3A_255 = arith.mulf %get3A_238, %get3A_248 : vector<16xf32>
      %mul3A_256 = arith.mulf %get3A_244, %get3A_254 : vector<16xf32>
      %add3A_257 = arith.addf %mul3A_255, %mul3A_256 : vector<16xf32>
      %add3A_258 = arith.constant 8 : i32
      %add3A_259 = vector.broadcast %add3A_258 : i32 to vector<16xi32>
      %add3A_260 = arith.addi %iota3A, %add3A_259 : vector<16xi32>
      %and3A_261 = arith.constant 15 : i32
      %and3A_262 = vector.broadcast %and3A_261 : i32 to vector<16xi32>
      %and3A_263 = arith.andi %add3A_260, %and3A_262 : vector<16xi32>
      %broadcast_in_dim3A_264 = vector.shape_cast %and3A_263 : vector<16xi32> to vector<16x1xi32>
      %gather3A_265 = vector.shape_cast %broadcast_in_dim3A_264 : vector<16x1xi32> to vector<16xi32>
      %gather3A_266 = tpu.dynamic_gather %add3A_257[%gather3A_265] in [0] : vector<16xf32>, vector<16xi32> -> vector<16xf32>
      %add3A_267 = arith.addf %add3A_257, %gather3A_266 : vector<16xf32>
      %add3A_268 = arith.constant 4 : i32
      %add3A_269 = vector.broadcast %add3A_268 : i32 to vector<16xi32>
      %add3A_270 = arith.addi %iota3A, %add3A_269 : vector<16xi32>
      %and3A_271 = arith.constant 15 : i32
      %and3A_272 = vector.broadcast %and3A_271 : i32 to vector<16xi32>
      %and3A_273 = arith.andi %add3A_270, %and3A_272 : vector<16xi32>
      %broadcast_in_dim3A_274 = vector.shape_cast %and3A_273 : vector<16xi32> to vector<16x1xi32>
      %gather3A_275 = vector.shape_cast %broadcast_in_dim3A_274 : vector<16x1xi32> to vector<16xi32>
      %gather3A_276 = tpu.dynamic_gather %add3A_267[%gather3A_275] in [0] : vector<16xf32>, vector<16xi32> -> vector<16xf32>
      %add3A_277 = arith.addf %add3A_267, %gather3A_276 : vector<16xf32>
      %add3A_278 = arith.constant 2 : i32
      %add3A_279 = vector.broadcast %add3A_278 : i32 to vector<16xi32>
      %add3A_280 = arith.addi %iota3A, %add3A_279 : vector<16xi32>
      %and3A_281 = arith.constant 15 : i32
      %and3A_282 = vector.broadcast %and3A_281 : i32 to vector<16xi32>
      %and3A_283 = arith.andi %add3A_280, %and3A_282 : vector<16xi32>
      %broadcast_in_dim3A_284 = vector.shape_cast %and3A_283 : vector<16xi32> to vector<16x1xi32>
      %gather3A_285 = vector.shape_cast %broadcast_in_dim3A_284 : vector<16x1xi32> to vector<16xi32>
      %gather3A_286 = tpu.dynamic_gather %add3A_277[%gather3A_285] in [0] : vector<16xf32>, vector<16xi32> -> vector<16xf32>
      %add3A_287 = arith.addf %add3A_277, %gather3A_286 : vector<16xf32>
      %add3A_288 = arith.constant 1 : i32
      %add3A_289 = vector.broadcast %add3A_288 : i32 to vector<16xi32>
      %add3A_290 = arith.addi %iota3A, %add3A_289 : vector<16xi32>
      %and3A_291 = arith.constant 15 : i32
      %and3A_292 = vector.broadcast %and3A_291 : i32 to vector<16xi32>
      %and3A_293 = arith.andi %add3A_290, %and3A_292 : vector<16xi32>
      %broadcast_in_dim3A_294 = vector.shape_cast %and3A_293 : vector<16xi32> to vector<16x1xi32>
      %gather3A_295 = vector.shape_cast %broadcast_in_dim3A_294 : vector<16x1xi32> to vector<16xi32>
      %gather3A_296 = tpu.dynamic_gather %add3A_287[%gather3A_295] in [0] : vector<16xf32>, vector<16xi32> -> vector<16xf32>
      %add3A_297 = arith.addf %add3A_287, %gather3A_296 : vector<16xf32>
      %eq3A_298 = arith.constant 1 : i32
      %eq3A_299 = vector.broadcast %eq3A_298 : i32 to vector<16xi32>
      %eq3A_300 = arith.cmpi eq, %iota3A, %eq3A_299 : vector<16xi32>
      %select_n3A_301 = arith.select %eq3A_300, %add3A_297, %select_n3A : vector<16xi1>, vector<16xf32>
      %mul3A_302 = arith.constant 16 : i32
      %mul3A_303 = arith.muli %scan3A_140, %mul3A_302 : i32
      %add3A_304 = arith.constant 2 : i32
      %add3A_305 = arith.addi %mul3A_303, %add3A_304 : i32
      %slice3A_306 = vector.extract_strided_slice %get3A_147 {offsets = [2], sizes = [1], strides = [1]} : vector<16xi32> to vector<1xi32>
      %squeeze3A_307 = vector.extract %slice3A_306[0] : i32 from vector<1xi32>
      %multiple_of3A_308 = tpu.assume_multiple %squeeze3A_307, 32 : i32
      %slice3A_309 = vector.extract_strided_slice %get3A_154 {offsets = [2], sizes = [1], strides = [1]} : vector<16xi32> to vector<1xi32>
      %squeeze3A_310 = vector.extract %slice3A_309[0] : i32 from vector<1xi32>
      %multiple_of3A_311 = tpu.assume_multiple %squeeze3A_310, 32 : i32
      %get3A_312 = arith.index_cast %add3A_305 : i32 to index
      %get3A_313 = arith.index_cast %multiple_of3A_308 : i32 to index
      %get3A_314 = tpu.vector_load %arg13[%get3A_312, %get3A_313] {strides = array<i32>} : memref<128x128xf32, #tpu.memory_space<vmem>>, vector<1x16xf32>,
      %get3A_315 = vector.shape_cast %get3A_314 : vector<1x16xf32> to vector<16xf32>
      %add3A_316 = arith.constant 16 : i32
      %add3A_317 = arith.addi %multiple_of3A_308, %add3A_316 : i32
      %get3A_318 = arith.index_cast %add3A_305 : i32 to index
      %get3A_319 = arith.index_cast %add3A_317 : i32 to index
      %get3A_320 = tpu.vector_load %arg13[%get3A_318, %get3A_319] {strides = array<i32>} : memref<128x128xf32, #tpu.memory_space<vmem>>, vector<1x16xf32>,
      %get3A_321 = vector.shape_cast %get3A_320 : vector<1x16xf32> to vector<16xf32>
      %get3A_322 = arith.index_cast %add3A_305 : i32 to index
      %get3A_323 = arith.index_cast %multiple_of3A_311 : i32 to index
      %get3A_324 = tpu.vector_load %arg14[%get3A_322, %get3A_323] {strides = array<i32>} : memref<128x128xf32, #tpu.memory_space<vmem>>, vector<1x16xf32>,
      %get3A_325 = vector.shape_cast %get3A_324 : vector<1x16xf32> to vector<16xf32>
      %add3A_326 = arith.constant 16 : i32
      %add3A_327 = arith.addi %multiple_of3A_311, %add3A_326 : i32
      %get3A_328 = arith.index_cast %add3A_305 : i32 to index
      %get3A_329 = arith.index_cast %add3A_327 : i32 to index
      %get3A_330 = tpu.vector_load %arg14[%get3A_328, %get3A_329] {strides = array<i32>} : memref<128x128xf32, #tpu.memory_space<vmem>>, vector<1x16xf32>,
      %get3A_331 = vector.shape_cast %get3A_330 : vector<1x16xf32> to vector<16xf32>
      %mul3A_332 = arith.mulf %get3A_315, %get3A_325 : vector<16xf32>
      %mul3A_333 = arith.mulf %get3A_321, %get3A_331 : vector<16xf32>
      %add3A_334 = arith.addf %mul3A_332, %mul3A_333 : vector<16xf32>
      %add3A_335 = arith.constant 8 : i32
      %add3A_336 = vector.broadcast %add3A_335 : i32 to vector<16xi32>
      %add3A_337 = arith.addi %iota3A, %add3A_336 : vector<16xi32>
      %and3A_338 = arith.constant 15 : i32
      %and3A_339 = vector.broadcast %and3A_338 : i32 to vector<16xi32>
      %and3A_340 = arith.andi %add3A_337, %and3A_339 : vector<16xi32>
      %broadcast_in_dim3A_341 = vector.shape_cast %and3A_340 : vector<16xi32> to vector<16x1xi32>
      %gather3A_342 = vector.shape_cast %broadcast_in_dim3A_341 : vector<16x1xi32> to vector<16xi32>
      %gather3A_343 = tpu.dynamic_gather %add3A_334[%gather3A_342] in [0] : vector<16xf32>, vector<16xi32> -> vector<16xf32>
      %add3A_344 = arith.addf %add3A_334, %gather3A_343 : vector<16xf32>
      %add3A_345 = arith.constant 4 : i32
      %add3A_346 = vector.broadcast %add3A_345 : i32 to vector<16xi32>
      %add3A_347 = arith.addi %iota3A, %add3A_346 : vector<16xi32>
      %and3A_348 = arith.constant 15 : i32
      %and3A_349 = vector.broadcast %and3A_348 : i32 to vector<16xi32>
      %and3A_350 = arith.andi %add3A_347, %and3A_349 : vector<16xi32>
      %broadcast_in_dim3A_351 = vector.shape_cast %and3A_350 : vector<16xi32> to vector<16x1xi32>
      %gather3A_352 = vector.shape_cast %broadcast_in_dim3A_351 : vector<16x1xi32> to vector<16xi32>
      %gather3A_353 = tpu.dynamic_gather %add3A_344[%gather3A_352] in [0] : vector<16xf32>, vector<16xi32> -> vector<16xf32>
      %add3A_354 = arith.addf %add3A_344, %gather3A_353 : vector<16xf32>
      %add3A_355 = arith.constant 2 : i32
      %add3A_356 = vector.broadcast %add3A_355 : i32 to vector<16xi32>
      %add3A_357 = arith.addi %iota3A, %add3A_356 : vector<16xi32>
      %and3A_358 = arith.constant 15 : i32
      %and3A_359 = vector.broadcast %and3A_358 : i32 to vector<16xi32>
      %and3A_360 = arith.andi %add3A_357, %and3A_359 : vector<16xi32>
      %broadcast_in_dim3A_361 = vector.shape_cast %and3A_360 : vector<16xi32> to vector<16x1xi32>
      %gather3A_362 = vector.shape_cast %broadcast_in_dim3A_361 : vector<16x1xi32> to vector<16xi32>
      %gather3A_363 = tpu.dynamic_gather %add3A_354[%gather3A_362] in [0] : vector<16xf32>, vector<16xi32> -> vector<16xf32>
      %add3A_364 = arith.addf %add3A_354, %gather3A_363 : vector<16xf32>
      %add3A_365 = arith.constant 1 : i32
      %add3A_366 = vector.broadcast %add3A_365 : i32 to vector<16xi32>
      %add3A_367 = arith.addi %iota3A, %add3A_366 : vector<16xi32>
      %and3A_368 = arith.constant 15 : i32
      %and3A_369 = vector.broadcast %and3A_368 : i32 to vector<16xi32>
      %and3A_370 = arith.andi %add3A_367, %and3A_369 : vector<16xi32>
      %broadcast_in_dim3A_371 = vector.shape_cast %and3A_370 : vector<16xi32> to vector<16x1xi32>
      %gather3A_372 = vector.shape_cast %broadcast_in_dim3A_371 : vector<16x1xi32> to vector<16xi32>
      %gather3A_373 = tpu.dynamic_gather %add3A_364[%gather3A_372] in [0] : vector<16xf32>, vector<16xi32> -> vector<16xf32>
      %add3A_374 = arith.addf %add3A_364, %gather3A_373 : vector<16xf32>
      %eq3A_375 = arith.constant 2 : i32
      %eq3A_376 = vector.broadcast %eq3A_375 : i32 to vector<16xi32>
      %eq3A_377 = arith.cmpi eq, %iota3A, %eq3A_376 : vector<16xi32>
      %select_n3A_378 = arith.select %eq3A_377, %add3A_374, %select_n3A_301 : vector<16xi1>, vector<16xf32>
      %mul3A_379 = arith.constant 16 : i32
      %mul3A_380 = arith.muli %scan3A_140, %mul3A_379 : i32
      %add3A_381 = arith.constant 3 : i32
      %add3A_382 = arith.addi %mul3A_380, %add3A_381 : i32
      %slice3A_383 = vector.extract_strided_slice %get3A_147 {offsets = [3], sizes = [1], strides = [1]} : vector<16xi32> to vector<1xi32>
      %squeeze3A_384 = vector.extract %slice3A_383[0] : i32 from vector<1xi32>
      %multiple_of3A_385 = tpu.assume_multiple %squeeze3A_384, 32 : i32
      %slice3A_386 = vector.extract_strided_slice %get3A_154 {offsets = [3], sizes = [1], strides = [1]} : vector<16xi32> to vector<1xi32>
      %squeeze3A_387 = vector.extract %slice3A_386[0] : i32 from vector<1xi32>
      %multiple_of3A_388 = tpu.assume_multiple %squeeze3A_387, 32 : i32
      %get3A_389 = arith.index_cast %add3A_382 : i32 to index
      %get3A_390 = arith.index_cast %multiple_of3A_385 : i32 to index
      %get3A_391 = tpu.vector_load %arg13[%get3A_389, %get3A_390] {strides = array<i32>} : memref<128x128xf32, #tpu.memory_space<vmem>>, vector<1x16xf32>,
      %get3A_392 = vector.shape_cast %get3A_391 : vector<1x16xf32> to vector<16xf32>
      %add3A_393 = arith.constant 16 : i32
      %add3A_394 = arith.addi %multiple_of3A_385, %add3A_393 : i32
      %get3A_395 = arith.index_cast %add3A_382 : i32 to index
      %get3A_396 = arith.index_cast %add3A_394 : i32 to index
      %get3A_397 = tpu.vector_load %arg13[%get3A_395, %get3A_396] {strides = array<i32>} : memref<128x128xf32, #tpu.memory_space<vmem>>, vector<1x16xf32>,
      %get3A_398 = vector.shape_cast %get3A_397 : vector<1x16xf32> to vector<16xf32>
      %get3A_399 = arith.index_cast %add3A_382 : i32 to index
      %get3A_400 = arith.index_cast %multiple_of3A_388 : i32 to index
      %get3A_401 = tpu.vector_load %arg14[%get3A_399, %get3A_400] {strides = array<i32>} : memref<128x128xf32, #tpu.memory_space<vmem>>, vector<1x16xf32>,
      %get3A_402 = vector.shape_cast %get3A_401 : vector<1x16xf32> to vector<16xf32>
      %add3A_403 = arith.constant 16 : i32
      %add3A_404 = arith.addi %multiple_of3A_388, %add3A_403 : i32
      %get3A_405 = arith.index_cast %add3A_382 : i32 to index
      %get3A_406 = arith.index_cast %add3A_404 : i32 to index
      %get3A_407 = tpu.vector_load %arg14[%get3A_405, %get3A_406] {strides = array<i32>} : memref<128x128xf32, #tpu.memory_space<vmem>>, vector<1x16xf32>,
      %get3A_408 = vector.shape_cast %get3A_407 : vector<1x16xf32> to vector<16xf32>
      %mul3A_409 = arith.mulf %get3A_392, %get3A_402 : vector<16xf32>
      %mul3A_410 = arith.mulf %get3A_398, %get3A_408 : vector<16xf32>
      %add3A_411 = arith.addf %mul3A_409, %mul3A_410 : vector<16xf32>
      %add3A_412 = arith.constant 8 : i32
      %add3A_413 = vector.broadcast %add3A_412 : i32 to vector<16xi32>
      %add3A_414 = arith.addi %iota3A, %add3A_413 : vector<16xi32>
      %and3A_415 = arith.constant 15 : i32
      %and3A_416 = vector.broadcast %and3A_415 : i32 to vector<16xi32>
      %and3A_417 = arith.andi %add3A_414, %and3A_416 : vector<16xi32>
      %broadcast_in_dim3A_418 = vector.shape_cast %and3A_417 : vector<16xi32> to vector<16x1xi32>
      %gather3A_419 = vector.shape_cast %broadcast_in_dim3A_418 : vector<16x1xi32> to vector<16xi32>
      %gather3A_420 = tpu.dynamic_gather %add3A_411[%gather3A_419] in [0] : vector<16xf32>, vector<16xi32> -> vector<16xf32>
      %add3A_421 = arith.addf %add3A_411, %gather3A_420 : vector<16xf32>
      %add3A_422 = arith.constant 4 : i32
      %add3A_423 = vector.broadcast %add3A_422 : i32 to vector<16xi32>
      %add3A_424 = arith.addi %iota3A, %add3A_423 : vector<16xi32>
      %and3A_425 = arith.constant 15 : i32
      %and3A_426 = vector.broadcast %and3A_425 : i32 to vector<16xi32>
      %and3A_427 = arith.andi %add3A_424, %and3A_426 : vector<16xi32>
      %broadcast_in_dim3A_428 = vector.shape_cast %and3A_427 : vector<16xi32> to vector<16x1xi32>
      %gather3A_429 = vector.shape_cast %broadcast_in_dim3A_428 : vector<16x1xi32> to vector<16xi32>
      %gather3A_430 = tpu.dynamic_gather %add3A_421[%gather3A_429] in [0] : vector<16xf32>, vector<16xi32> -> vector<16xf32>
      %add3A_431 = arith.addf %add3A_421, %gather3A_430 : vector<16xf32>
      %add3A_432 = arith.constant 2 : i32
      %add3A_433 = vector.broadcast %add3A_432 : i32 to vector<16xi32>
      %add3A_434 = arith.addi %iota3A, %add3A_433 : vector<16xi32>
      %and3A_435 = arith.constant 15 : i32
      %and3A_436 = vector.broadcast %and3A_435 : i32 to vector<16xi32>
      %and3A_437 = arith.andi %add3A_434, %and3A_436 : vector<16xi32>
      %broadcast_in_dim3A_438 = vector.shape_cast %and3A_437 : vector<16xi32> to vector<16x1xi32>
      %gather3A_439 = vector.shape_cast %broadcast_in_dim3A_438 : vector<16x1xi32> to vector<16xi32>
      %gather3A_440 = tpu.dynamic_gather %add3A_431[%gather3A_439] in [0] : vector<16xf32>, vector<16xi32> -> vector<16xf32>
      %add3A_441 = arith.addf %add3A_431, %gather3A_440 : vector<16xf32>
      %add3A_442 = arith.constant 1 : i32
      %add3A_443 = vector.broadcast %add3A_442 : i32 to vector<16xi32>
      %add3A_444 = arith.addi %iota3A, %add3A_443 : vector<16xi32>
      %and3A_445 = arith.constant 15 : i32
      %and3A_446 = vector.broadcast %and3A_445 : i32 to vector<16xi32>
      %and3A_447 = arith.andi %add3A_444, %and3A_446 : vector<16xi32>
      %broadcast_in_dim3A_448 = vector.shape_cast %and3A_447 : vector<16xi32> to vector<16x1xi32>
      %gather3A_449 = vector.shape_cast %broadcast_in_dim3A_448 : vector<16x1xi32> to vector<16xi32>
      %gather3A_450 = tpu.dynamic_gather %add3A_441[%gather3A_449] in [0] : vector<16xf32>, vector<16xi32> -> vector<16xf32>
      %add3A_451 = arith.addf %add3A_441, %gather3A_450 : vector<16xf32>
      %eq3A_452 = arith.constant 3 : i32
      %eq3A_453 = vector.broadcast %eq3A_452 : i32 to vector<16xi32>
      %eq3A_454 = arith.cmpi eq, %iota3A, %eq3A_453 : vector<16xi32>
      %select_n3A_455 = arith.select %eq3A_454, %add3A_451, %select_n3A_378 : vector<16xi1>, vector<16xf32>
      %mul3A_456 = arith.constant 16 : i32
      %mul3A_457 = arith.muli %scan3A_140, %mul3A_456 : i32
      %add3A_458 = arith.constant 4 : i32
      %add3A_459 = arith.addi %mul3A_457, %add3A_458 : i32
      %slice3A_460 = vector.extract_strided_slice %get3A_147 {offsets = [4], sizes = [1], strides = [1]} : vector<16xi32> to vector<1xi32>
      %squeeze3A_461 = vector.extract %slice3A_460[0] : i32 from vector<1xi32>
      %multiple_of3A_462 = tpu.assume_multiple %squeeze3A_461, 32 : i32
      %slice3A_463 = vector.extract_strided_slice %get3A_154 {offsets = [4], sizes = [1], strides = [1]} : vector<16xi32> to vector<1xi32>
      %squeeze3A_464 = vector.extract %slice3A_463[0] : i32 from vector<1xi32>
      %multiple_of3A_465 = tpu.assume_multiple %squeeze3A_464, 32 : i32
      %get3A_466 = arith.index_cast %add3A_459 : i32 to index
      %get3A_467 = arith.index_cast %multiple_of3A_462 : i32 to index
      %get3A_468 = tpu.vector_load %arg13[%get3A_466, %get3A_467] {strides = array<i32>} : memref<128x128xf32, #tpu.memory_space<vmem>>, vector<1x16xf32>,
      %get3A_469 = vector.shape_cast %get3A_468 : vector<1x16xf32> to vector<16xf32>
      %add3A_470 = arith.constant 16 : i32
      %add3A_471 = arith.addi %multiple_of3A_462, %add3A_470 : i32
      %get3A_472 = arith.index_cast %add3A_459 : i32 to index
      %get3A_473 = arith.index_cast %add3A_471 : i32 to index
      %get3A_474 = tpu.vector_load %arg13[%get3A_472, %get3A_473] {strides = array<i32>} : memref<128x128xf32, #tpu.memory_space<vmem>>, vector<1x16xf32>,
      %get3A_475 = vector.shape_cast %get3A_474 : vector<1x16xf32> to vector<16xf32>
      %get3A_476 = arith.index_cast %add3A_459 : i32 to index
      %get3A_477 = arith.index_cast %multiple_of3A_465 : i32 to index
      %get3A_478 = tpu.vector_load %arg14[%get3A_476, %get3A_477] {strides = array<i32>} : memref<128x128xf32, #tpu.memory_space<vmem>>, vector<1x16xf32>,
      %get3A_479 = vector.shape_cast %get3A_478 : vector<1x16xf32> to vector<16xf32>
      %add3A_480 = arith.constant 16 : i32
      %add3A_481 = arith.addi %multiple_of3A_465, %add3A_480 : i32
      %get3A_482 = arith.index_cast %add3A_459 : i32 to index
      %get3A_483 = arith.index_cast %add3A_481 : i32 to index
      %get3A_484 = tpu.vector_load %arg14[%get3A_482, %get3A_483] {strides = array<i32>} : memref<128x128xf32, #tpu.memory_space<vmem>>, vector<1x16xf32>,
      %get3A_485 = vector.shape_cast %get3A_484 : vector<1x16xf32> to vector<16xf32>
      %mul3A_486 = arith.mulf %get3A_469, %get3A_479 : vector<16xf32>
      %mul3A_487 = arith.mulf %get3A_475, %get3A_485 : vector<16xf32>
      %add3A_488 = arith.addf %mul3A_486, %mul3A_487 : vector<16xf32>
      %add3A_489 = arith.constant 8 : i32
      %add3A_490 = vector.broadcast %add3A_489 : i32 to vector<16xi32>
      %add3A_491 = arith.addi %iota3A, %add3A_490 : vector<16xi32>
      %and3A_492 = arith.constant 15 : i32
      %and3A_493 = vector.broadcast %and3A_492 : i32 to vector<16xi32>
      %and3A_494 = arith.andi %add3A_491, %and3A_493 : vector<16xi32>
      %broadcast_in_dim3A_495 = vector.shape_cast %and3A_494 : vector<16xi32> to vector<16x1xi32>
      %gather3A_496 = vector.shape_cast %broadcast_in_dim3A_495 : vector<16x1xi32> to vector<16xi32>
      %gather3A_497 = tpu.dynamic_gather %add3A_488[%gather3A_496] in [0] : vector<16xf32>, vector<16xi32> -> vector<16xf32>
      %add3A_498 = arith.addf %add3A_488, %gather3A_497 : vector<16xf32>
      %add3A_499 = arith.constant 4 : i32
      %add3A_500 = vector.broadcast %add3A_499 : i32 to vector<16xi32>
      %add3A_501 = arith.addi %iota3A, %add3A_500 : vector<16xi32>
      %and3A_502 = arith.constant 15 : i32
      %and3A_503 = vector.broadcast %and3A_502 : i32 to vector<16xi32>
      %and3A_504 = arith.andi %add3A_501, %and3A_503 : vector<16xi32>
      %broadcast_in_dim3A_505 = vector.shape_cast %and3A_504 : vector<16xi32> to vector<16x1xi32>
      %gather3A_506 = vector.shape_cast %broadcast_in_dim3A_505 : vector<16x1xi32> to vector<16xi32>
      %gather3A_507 = tpu.dynamic_gather %add3A_498[%gather3A_506] in [0] : vector<16xf32>, vector<16xi32> -> vector<16xf32>
      %add3A_508 = arith.addf %add3A_498, %gather3A_507 : vector<16xf32>
      %add3A_509 = arith.constant 2 : i32
      %add3A_510 = vector.broadcast %add3A_509 : i32 to vector<16xi32>
      %add3A_511 = arith.addi %iota3A, %add3A_510 : vector<16xi32>
      %and3A_512 = arith.constant 15 : i32
      %and3A_513 = vector.broadcast %and3A_512 : i32 to vector<16xi32>
      %and3A_514 = arith.andi %add3A_511, %and3A_513 : vector<16xi32>
      %broadcast_in_dim3A_515 = vector.shape_cast %and3A_514 : vector<16xi32> to vector<16x1xi32>
      %gather3A_516 = vector.shape_cast %broadcast_in_dim3A_515 : vector<16x1xi32> to vector<16xi32>
      %gather3A_517 = tpu.dynamic_gather %add3A_508[%gather3A_516] in [0] : vector<16xf32>, vector<16xi32> -> vector<16xf32>
      %add3A_518 = arith.addf %add3A_508, %gather3A_517 : vector<16xf32>
      %add3A_519 = arith.constant 1 : i32
      %add3A_520 = vector.broadcast %add3A_519 : i32 to vector<16xi32>
      %add3A_521 = arith.addi %iota3A, %add3A_520 : vector<16xi32>
      %and3A_522 = arith.constant 15 : i32
      %and3A_523 = vector.broadcast %and3A_522 : i32 to vector<16xi32>
      %and3A_524 = arith.andi %add3A_521, %and3A_523 : vector<16xi32>
      %broadcast_in_dim3A_525 = vector.shape_cast %and3A_524 : vector<16xi32> to vector<16x1xi32>
      %gather3A_526 = vector.shape_cast %broadcast_in_dim3A_525 : vector<16x1xi32> to vector<16xi32>
      %gather3A_527 = tpu.dynamic_gather %add3A_518[%gather3A_526] in [0] : vector<16xf32>, vector<16xi32> -> vector<16xf32>
      %add3A_528 = arith.addf %add3A_518, %gather3A_527 : vector<16xf32>
      %eq3A_529 = arith.constant 4 : i32
      %eq3A_530 = vector.broadcast %eq3A_529 : i32 to vector<16xi32>
      %eq3A_531 = arith.cmpi eq, %iota3A, %eq3A_530 : vector<16xi32>
      %select_n3A_532 = arith.select %eq3A_531, %add3A_528, %select_n3A_455 : vector<16xi1>, vector<16xf32>
      %mul3A_533 = arith.constant 16 : i32
      %mul3A_534 = arith.muli %scan3A_140, %mul3A_533 : i32
      %add3A_535 = arith.constant 5 : i32
      %add3A_536 = arith.addi %mul3A_534, %add3A_535 : i32
      %slice3A_537 = vector.extract_strided_slice %get3A_147 {offsets = [5], sizes = [1], strides = [1]} : vector<16xi32> to vector<1xi32>
      %squeeze3A_538 = vector.extract %slice3A_537[0] : i32 from vector<1xi32>
      %multiple_of3A_539 = tpu.assume_multiple %squeeze3A_538, 32 : i32
      %slice3A_540 = vector.extract_strided_slice %get3A_154 {offsets = [5], sizes = [1], strides = [1]} : vector<16xi32> to vector<1xi32>
      %squeeze3A_541 = vector.extract %slice3A_540[0] : i32 from vector<1xi32>
      %multiple_of3A_542 = tpu.assume_multiple %squeeze3A_541, 32 : i32
      %get3A_543 = arith.index_cast %add3A_536 : i32 to index
      %get3A_544 = arith.index_cast %multiple_of3A_539 : i32 to index
      %get3A_545 = tpu.vector_load %arg13[%get3A_543, %get3A_544] {strides = array<i32>} : memref<128x128xf32, #tpu.memory_space<vmem>>, vector<1x16xf32>,
      %get3A_546 = vector.shape_cast %get3A_545 : vector<1x16xf32> to vector<16xf32>
      %add3A_547 = arith.constant 16 : i32
      %add3A_548 = arith.addi %multiple_of3A_539, %add3A_547 : i32
      %get3A_549 = arith.index_cast %add3A_536 : i32 to index
      %get3A_550 = arith.index_cast %add3A_548 : i32 to index
      %get3A_551 = tpu.vector_load %arg13[%get3A_549, %get3A_550] {strides = array<i32>} : memref<128x128xf32, #tpu.memory_space<vmem>>, vector<1x16xf32>,
      %get3A_552 = vector.shape_cast %get3A_551 : vector<1x16xf32> to vector<16xf32>
      %get3A_553 = arith.index_cast %add3A_536 : i32 to index
      %get3A_554 = arith.index_cast %multiple_of3A_542 : i32 to index
      %get3A_555 = tpu.vector_load %arg14[%get3A_553, %get3A_554] {strides = array<i32>} : memref<128x128xf32, #tpu.memory_space<vmem>>, vector<1x16xf32>,
      %get3A_556 = vector.shape_cast %get3A_555 : vector<1x16xf32> to vector<16xf32>
      %add3A_557 = arith.constant 16 : i32
      %add3A_558 = arith.addi %multiple_of3A_542, %add3A_557 : i32
      %get3A_559 = arith.index_cast %add3A_536 : i32 to index
      %get3A_560 = arith.index_cast %add3A_558 : i32 to index
      %get3A_561 = tpu.vector_load %arg14[%get3A_559, %get3A_560] {strides = array<i32>} : memref<128x128xf32, #tpu.memory_space<vmem>>, vector<1x16xf32>,
      %get3A_562 = vector.shape_cast %get3A_561 : vector<1x16xf32> to vector<16xf32>
      %mul3A_563 = arith.mulf %get3A_546, %get3A_556 : vector<16xf32>
      %mul3A_564 = arith.mulf %get3A_552, %get3A_562 : vector<16xf32>
      %add3A_565 = arith.addf %mul3A_563, %mul3A_564 : vector<16xf32>
      %add3A_566 = arith.constant 8 : i32
      %add3A_567 = vector.broadcast %add3A_566 : i32 to vector<16xi32>
      %add3A_568 = arith.addi %iota3A, %add3A_567 : vector<16xi32>
      %and3A_569 = arith.constant 15 : i32
      %and3A_570 = vector.broadcast %and3A_569 : i32 to vector<16xi32>
      %and3A_571 = arith.andi %add3A_568, %and3A_570 : vector<16xi32>
      %broadcast_in_dim3A_572 = vector.shape_cast %and3A_571 : vector<16xi32> to vector<16x1xi32>
      %gather3A_573 = vector.shape_cast %broadcast_in_dim3A_572 : vector<16x1xi32> to vector<16xi32>
      %gather3A_574 = tpu.dynamic_gather %add3A_565[%gather3A_573] in [0] : vector<16xf32>, vector<16xi32> -> vector<16xf32>
      %add3A_575 = arith.addf %add3A_565, %gather3A_574 : vector<16xf32>
      %add3A_576 = arith.constant 4 : i32
      %add3A_577 = vector.broadcast %add3A_576 : i32 to vector<16xi32>
      %add3A_578 = arith.addi %iota3A, %add3A_577 : vector<16xi32>
      %and3A_579 = arith.constant 15 : i32
      %and3A_580 = vector.broadcast %and3A_579 : i32 to vector<16xi32>
      %and3A_581 = arith.andi %add3A_578, %and3A_580 : vector<16xi32>
      %broadcast_in_dim3A_582 = vector.shape_cast %and3A_581 : vector<16xi32> to vector<16x1xi32>
      %gather3A_583 = vector.shape_cast %broadcast_in_dim3A_582 : vector<16x1xi32> to vector<16xi32>
      %gather3A_584 = tpu.dynamic_gather %add3A_575[%gather3A_583] in [0] : vector<16xf32>, vector<16xi32> -> vector<16xf32>
      %add3A_585 = arith.addf %add3A_575, %gather3A_584 : vector<16xf32>
      %add3A_586 = arith.constant 2 : i32
      %add3A_587 = vector.broadcast %add3A_586 : i32 to vector<16xi32>
      %add3A_588 = arith.addi %iota3A, %add3A_587 : vector<16xi32>
      %and3A_589 = arith.constant 15 : i32
      %and3A_590 = vector.broadcast %and3A_589 : i32 to vector<16xi32>
      %and3A_591 = arith.andi %add3A_588, %and3A_590 : vector<16xi32>
      %broadcast_in_dim3A_592 = vector.shape_cast %and3A_591 : vector<16xi32> to vector<16x1xi32>
      %gather3A_593 = vector.shape_cast %broadcast_in_dim3A_592 : vector<16x1xi32> to vector<16xi32>
      %gather3A_594 = tpu.dynamic_gather %add3A_585[%gather3A_593] in [0] : vector<16xf32>, vector<16xi32> -> vector<16xf32>
      %add3A_595 = arith.addf %add3A_585, %gather3A_594 : vector<16xf32>
      %add3A_596 = arith.constant 1 : i32
      %add3A_597 = vector.broadcast %add3A_596 : i32 to vector<16xi32>
      %add3A_598 = arith.addi %iota3A, %add3A_597 : vector<16xi32>
      %and3A_599 = arith.constant 15 : i32
      %and3A_600 = vector.broadcast %and3A_599 : i32 to vector<16xi32>
      %and3A_601 = arith.andi %add3A_598, %and3A_600 : vector<16xi32>
      %broadcast_in_dim3A_602 = vector.shape_cast %and3A_601 : vector<16xi32> to vector<16x1xi32>
      %gather3A_603 = vector.shape_cast %broadcast_in_dim3A_602 : vector<16x1xi32> to vector<16xi32>
      %gather3A_604 = tpu.dynamic_gather %add3A_595[%gather3A_603] in [0] : vector<16xf32>, vector<16xi32> -> vector<16xf32>
      %add3A_605 = arith.addf %add3A_595, %gather3A_604 : vector<16xf32>
      %eq3A_606 = arith.constant 5 : i32
      %eq3A_607 = vector.broadcast %eq3A_606 : i32 to vector<16xi32>
      %eq3A_608 = arith.cmpi eq, %iota3A, %eq3A_607 : vector<16xi32>
      %select_n3A_609 = arith.select %eq3A_608, %add3A_605, %select_n3A_532 : vector<16xi1>, vector<16xf32>
      %mul3A_610 = arith.constant 16 : i32
      %mul3A_611 = arith.muli %scan3A_140, %mul3A_610 : i32
      %add3A_612 = arith.constant 6 : i32
      %add3A_613 = arith.addi %mul3A_611, %add3A_612 : i32
      %slice3A_614 = vector.extract_strided_slice %get3A_147 {offsets = [6], sizes = [1], strides = [1]} : vector<16xi32> to vector<1xi32>
      %squeeze3A_615 = vector.extract %slice3A_614[0] : i32 from vector<1xi32>
      %multiple_of3A_616 = tpu.assume_multiple %squeeze3A_615, 32 : i32
      %slice3A_617 = vector.extract_strided_slice %get3A_154 {offsets = [6], sizes = [1], strides = [1]} : vector<16xi32> to vector<1xi32>
      %squeeze3A_618 = vector.extract %slice3A_617[0] : i32 from vector<1xi32>
      %multiple_of3A_619 = tpu.assume_multiple %squeeze3A_618, 32 : i32
      %get3A_620 = arith.index_cast %add3A_613 : i32 to index
      %get3A_621 = arith.index_cast %multiple_of3A_616 : i32 to index
      %get3A_622 = tpu.vector_load %arg13[%get3A_620, %get3A_621] {strides = array<i32>} : memref<128x128xf32, #tpu.memory_space<vmem>>, vector<1x16xf32>,
      %get3A_623 = vector.shape_cast %get3A_622 : vector<1x16xf32> to vector<16xf32>
      %add3A_624 = arith.constant 16 : i32
      %add3A_625 = arith.addi %multiple_of3A_616, %add3A_624 : i32
      %get3A_626 = arith.index_cast %add3A_613 : i32 to index
      %get3A_627 = arith.index_cast %add3A_625 : i32 to index
      %get3A_628 = tpu.vector_load %arg13[%get3A_626, %get3A_627] {strides = array<i32>} : memref<128x128xf32, #tpu.memory_space<vmem>>, vector<1x16xf32>,
      %get3A_629 = vector.shape_cast %get3A_628 : vector<1x16xf32> to vector<16xf32>
      %get3A_630 = arith.index_cast %add3A_613 : i32 to index
      %get3A_631 = arith.index_cast %multiple_of3A_619 : i32 to index
      %get3A_632 = tpu.vector_load %arg14[%get3A_630, %get3A_631] {strides = array<i32>} : memref<128x128xf32, #tpu.memory_space<vmem>>, vector<1x16xf32>,
      %get3A_633 = vector.shape_cast %get3A_632 : vector<1x16xf32> to vector<16xf32>
      %add3A_634 = arith.constant 16 : i32
      %add3A_635 = arith.addi %multiple_of3A_619, %add3A_634 : i32
      %get3A_636 = arith.index_cast %add3A_613 : i32 to index
      %get3A_637 = arith.index_cast %add3A_635 : i32 to index
      %get3A_638 = tpu.vector_load %arg14[%get3A_636, %get3A_637] {strides = array<i32>} : memref<128x128xf32, #tpu.memory_space<vmem>>, vector<1x16xf32>,
      %get3A_639 = vector.shape_cast %get3A_638 : vector<1x16xf32> to vector<16xf32>
      %mul3A_640 = arith.mulf %get3A_623, %get3A_633 : vector<16xf32>
      %mul3A_641 = arith.mulf %get3A_629, %get3A_639 : vector<16xf32>
      %add3A_642 = arith.addf %mul3A_640, %mul3A_641 : vector<16xf32>
      %add3A_643 = arith.constant 8 : i32
      %add3A_644 = vector.broadcast %add3A_643 : i32 to vector<16xi32>
      %add3A_645 = arith.addi %iota3A, %add3A_644 : vector<16xi32>
      %and3A_646 = arith.constant 15 : i32
      %and3A_647 = vector.broadcast %and3A_646 : i32 to vector<16xi32>
      %and3A_648 = arith.andi %add3A_645, %and3A_647 : vector<16xi32>
      %broadcast_in_dim3A_649 = vector.shape_cast %and3A_648 : vector<16xi32> to vector<16x1xi32>
      %gather3A_650 = vector.shape_cast %broadcast_in_dim3A_649 : vector<16x1xi32> to vector<16xi32>
      %gather3A_651 = tpu.dynamic_gather %add3A_642[%gather3A_650] in [0] : vector<16xf32>, vector<16xi32> -> vector<16xf32>
      %add3A_652 = arith.addf %add3A_642, %gather3A_651 : vector<16xf32>
      %add3A_653 = arith.constant 4 : i32
      %add3A_654 = vector.broadcast %add3A_653 : i32 to vector<16xi32>
      %add3A_655 = arith.addi %iota3A, %add3A_654 : vector<16xi32>
      %and3A_656 = arith.constant 15 : i32
      %and3A_657 = vector.broadcast %and3A_656 : i32 to vector<16xi32>
      %and3A_658 = arith.andi %add3A_655, %and3A_657 : vector<16xi32>
      %broadcast_in_dim3A_659 = vector.shape_cast %and3A_658 : vector<16xi32> to vector<16x1xi32>
      %gather3A_660 = vector.shape_cast %broadcast_in_dim3A_659 : vector<16x1xi32> to vector<16xi32>
      %gather3A_661 = tpu.dynamic_gather %add3A_652[%gather3A_660] in [0] : vector<16xf32>, vector<16xi32> -> vector<16xf32>
      %add3A_662 = arith.addf %add3A_652, %gather3A_661 : vector<16xf32>
      %add3A_663 = arith.constant 2 : i32
      %add3A_664 = vector.broadcast %add3A_663 : i32 to vector<16xi32>
      %add3A_665 = arith.addi %iota3A, %add3A_664 : vector<16xi32>
      %and3A_666 = arith.constant 15 : i32
      %and3A_667 = vector.broadcast %and3A_666 : i32 to vector<16xi32>
      %and3A_668 = arith.andi %add3A_665, %and3A_667 : vector<16xi32>
      %broadcast_in_dim3A_669 = vector.shape_cast %and3A_668 : vector<16xi32> to vector<16x1xi32>
      %gather3A_670 = vector.shape_cast %broadcast_in_dim3A_669 : vector<16x1xi32> to vector<16xi32>
      %gather3A_671 = tpu.dynamic_gather %add3A_662[%gather3A_670] in [0] : vector<16xf32>, vector<16xi32> -> vector<16xf32>
      %add3A_672 = arith.addf %add3A_662, %gather3A_671 : vector<16xf32>
      %add3A_673 = arith.constant 1 : i32
      %add3A_674 = vector.broadcast %add3A_673 : i32 to vector<16xi32>
      %add3A_675 = arith.addi %iota3A, %add3A_674 : vector<16xi32>
      %and3A_676 = arith.constant 15 : i32
      %and3A_677 = vector.broadcast %and3A_676 : i32 to vector<16xi32>
      %and3A_678 = arith.andi %add3A_675, %and3A_677 : vector<16xi32>
      %broadcast_in_dim3A_679 = vector.shape_cast %and3A_678 : vector<16xi32> to vector<16x1xi32>
      %gather3A_680 = vector.shape_cast %broadcast_in_dim3A_679 : vector<16x1xi32> to vector<16xi32>
      %gather3A_681 = tpu.dynamic_gather %add3A_672[%gather3A_680] in [0] : vector<16xf32>, vector<16xi32> -> vector<16xf32>
      %add3A_682 = arith.addf %add3A_672, %gather3A_681 : vector<16xf32>
      %eq3A_683 = arith.constant 6 : i32
      %eq3A_684 = vector.broadcast %eq3A_683 : i32 to vector<16xi32>
      %eq3A_685 = arith.cmpi eq, %iota3A, %eq3A_684 : vector<16xi32>
      %select_n3A_686 = arith.select %eq3A_685, %add3A_682, %select_n3A_609 : vector<16xi1>, vector<16xf32>
      %mul3A_687 = arith.constant 16 : i32
      %mul3A_688 = arith.muli %scan3A_140, %mul3A_687 : i32
      %add3A_689 = arith.constant 7 : i32
      %add3A_690 = arith.addi %mul3A_688, %add3A_689 : i32
      %slice3A_691 = vector.extract_strided_slice %get3A_147 {offsets = [7], sizes = [1], strides = [1]} : vector<16xi32> to vector<1xi32>
      %squeeze3A_692 = vector.extract %slice3A_691[0] : i32 from vector<1xi32>
      %multiple_of3A_693 = tpu.assume_multiple %squeeze3A_692, 32 : i32
      %slice3A_694 = vector.extract_strided_slice %get3A_154 {offsets = [7], sizes = [1], strides = [1]} : vector<16xi32> to vector<1xi32>
      %squeeze3A_695 = vector.extract %slice3A_694[0] : i32 from vector<1xi32>
      %multiple_of3A_696 = tpu.assume_multiple %squeeze3A_695, 32 : i32
      %get3A_697 = arith.index_cast %add3A_690 : i32 to index
      %get3A_698 = arith.index_cast %multiple_of3A_693 : i32 to index
      %get3A_699 = tpu.vector_load %arg13[%get3A_697, %get3A_698] {strides = array<i32>} : memref<128x128xf32, #tpu.memory_space<vmem>>, vector<1x16xf32>,
      %get3A_700 = vector.shape_cast %get3A_699 : vector<1x16xf32> to vector<16xf32>
      %add3A_701 = arith.constant 16 : i32
      %add3A_702 = arith.addi %multiple_of3A_693, %add3A_701 : i32
      %get3A_703 = arith.index_cast %add3A_690 : i32 to index
      %get3A_704 = arith.index_cast %add3A_702 : i32 to index
      %get3A_705 = tpu.vector_load %arg13[%get3A_703, %get3A_704] {strides = array<i32>} : memref<128x128xf32, #tpu.memory_space<vmem>>, vector<1x16xf32>,
      %get3A_706 = vector.shape_cast %get3A_705 : vector<1x16xf32> to vector<16xf32>
      %get3A_707 = arith.index_cast %add3A_690 : i32 to index
      %get3A_708 = arith.index_cast %multiple_of3A_696 : i32 to index
      %get3A_709 = tpu.vector_load %arg14[%get3A_707, %get3A_708] {strides = array<i32>} : memref<128x128xf32, #tpu.memory_space<vmem>>, vector<1x16xf32>,
      %get3A_710 = vector.shape_cast %get3A_709 : vector<1x16xf32> to vector<16xf32>
      %add3A_711 = arith.constant 16 : i32
      %add3A_712 = arith.addi %multiple_of3A_696, %add3A_711 : i32
      %get3A_713 = arith.index_cast %add3A_690 : i32 to index
      %get3A_714 = arith.index_cast %add3A_712 : i32 to index
      %get3A_715 = tpu.vector_load %arg14[%get3A_713, %get3A_714] {strides = array<i32>} : memref<128x128xf32, #tpu.memory_space<vmem>>, vector<1x16xf32>,
      %get3A_716 = vector.shape_cast %get3A_715 : vector<1x16xf32> to vector<16xf32>
      %mul3A_717 = arith.mulf %get3A_700, %get3A_710 : vector<16xf32>
      %mul3A_718 = arith.mulf %get3A_706, %get3A_716 : vector<16xf32>
      %add3A_719 = arith.addf %mul3A_717, %mul3A_718 : vector<16xf32>
      %add3A_720 = arith.constant 8 : i32
      %add3A_721 = vector.broadcast %add3A_720 : i32 to vector<16xi32>
      %add3A_722 = arith.addi %iota3A, %add3A_721 : vector<16xi32>
      %and3A_723 = arith.constant 15 : i32
      %and3A_724 = vector.broadcast %and3A_723 : i32 to vector<16xi32>
      %and3A_725 = arith.andi %add3A_722, %and3A_724 : vector<16xi32>
      %broadcast_in_dim3A_726 = vector.shape_cast %and3A_725 : vector<16xi32> to vector<16x1xi32>
      %gather3A_727 = vector.shape_cast %broadcast_in_dim3A_726 : vector<16x1xi32> to vector<16xi32>
      %gather3A_728 = tpu.dynamic_gather %add3A_719[%gather3A_727] in [0] : vector<16xf32>, vector<16xi32> -> vector<16xf32>
      %add3A_729 = arith.addf %add3A_719, %gather3A_728 : vector<16xf32>
      %add3A_730 = arith.constant 4 : i32
      %add3A_731 = vector.broadcast %add3A_730 : i32 to vector<16xi32>
      %add3A_732 = arith.addi %iota3A, %add3A_731 : vector<16xi32>
      %and3A_733 = arith.constant 15 : i32
      %and3A_734 = vector.broadcast %and3A_733 : i32 to vector<16xi32>
      %and3A_735 = arith.andi %add3A_732, %and3A_734 : vector<16xi32>
      %broadcast_in_dim3A_736 = vector.shape_cast %and3A_735 : vector<16xi32> to vector<16x1xi32>
      %gather3A_737 = vector.shape_cast %broadcast_in_dim3A_736 : vector<16x1xi32> to vector<16xi32>
      %gather3A_738 = tpu.dynamic_gather %add3A_729[%gather3A_737] in [0] : vector<16xf32>, vector<16xi32> -> vector<16xf32>
      %add3A_739 = arith.addf %add3A_729, %gather3A_738 : vector<16xf32>
      %add3A_740 = arith.constant 2 : i32
      %add3A_741 = vector.broadcast %add3A_740 : i32 to vector<16xi32>
      %add3A_742 = arith.addi %iota3A, %add3A_741 : vector<16xi32>
      %and3A_743 = arith.constant 15 : i32
      %and3A_744 = vector.broadcast %and3A_743 : i32 to vector<16xi32>
      %and3A_745 = arith.andi %add3A_742, %and3A_744 : vector<16xi32>
      %broadcast_in_dim3A_746 = vector.shape_cast %and3A_745 : vector<16xi32> to vector<16x1xi32>
      %gather3A_747 = vector.shape_cast %broadcast_in_dim3A_746 : vector<16x1xi32> to vector<16xi32>
      %gather3A_748 = tpu.dynamic_gather %add3A_739[%gather3A_747] in [0] : vector<16xf32>, vector<16xi32> -> vector<16xf32>
      %add3A_749 = arith.addf %add3A_739, %gather3A_748 : vector<16xf32>
      %add3A_750 = arith.constant 1 : i32
      %add3A_751 = vector.broadcast %add3A_750 : i32 to vector<16xi32>
      %add3A_752 = arith.addi %iota3A, %add3A_751 : vector<16xi32>
      %and3A_753 = arith.constant 15 : i32
      %and3A_754 = vector.broadcast %and3A_753 : i32 to vector<16xi32>
      %and3A_755 = arith.andi %add3A_752, %and3A_754 : vector<16xi32>
      %broadcast_in_dim3A_756 = vector.shape_cast %and3A_755 : vector<16xi32> to vector<16x1xi32>
      %gather3A_757 = vector.shape_cast %broadcast_in_dim3A_756 : vector<16x1xi32> to vector<16xi32>
      %gather3A_758 = tpu.dynamic_gather %add3A_749[%gather3A_757] in [0] : vector<16xf32>, vector<16xi32> -> vector<16xf32>
      %add3A_759 = arith.addf %add3A_749, %gather3A_758 : vector<16xf32>
      %eq3A_760 = arith.constant 7 : i32
      %eq3A_761 = vector.broadcast %eq3A_760 : i32 to vector<16xi32>
      %eq3A_762 = arith.cmpi eq, %iota3A, %eq3A_761 : vector<16xi32>
      %select_n3A_763 = arith.select %eq3A_762, %add3A_759, %select_n3A_686 : vector<16xi1>, vector<16xf32>
      %mul3A_764 = arith.constant 16 : i32
      %mul3A_765 = arith.muli %scan3A_140, %mul3A_764 : i32
      %add3A_766 = arith.constant 8 : i32
      %add3A_767 = arith.addi %mul3A_765, %add3A_766 : i32
      %slice3A_768 = vector.extract_strided_slice %get3A_147 {offsets = [8], sizes = [1], strides = [1]} : vector<16xi32> to vector<1xi32>
      %squeeze3A_769 = vector.extract %slice3A_768[0] : i32 from vector<1xi32>
      %multiple_of3A_770 = tpu.assume_multiple %squeeze3A_769, 32 : i32
      %slice3A_771 = vector.extract_strided_slice %get3A_154 {offsets = [8], sizes = [1], strides = [1]} : vector<16xi32> to vector<1xi32>
      %squeeze3A_772 = vector.extract %slice3A_771[0] : i32 from vector<1xi32>
      %multiple_of3A_773 = tpu.assume_multiple %squeeze3A_772, 32 : i32
      %get3A_774 = arith.index_cast %add3A_767 : i32 to index
      %get3A_775 = arith.index_cast %multiple_of3A_770 : i32 to index
      %get3A_776 = tpu.vector_load %arg13[%get3A_774, %get3A_775] {strides = array<i32>} : memref<128x128xf32, #tpu.memory_space<vmem>>, vector<1x16xf32>,
      %get3A_777 = vector.shape_cast %get3A_776 : vector<1x16xf32> to vector<16xf32>
      %add3A_778 = arith.constant 16 : i32
      %add3A_779 = arith.addi %multiple_of3A_770, %add3A_778 : i32
      %get3A_780 = arith.index_cast %add3A_767 : i32 to index
      %get3A_781 = arith.index_cast %add3A_779 : i32 to index
      %get3A_782 = tpu.vector_load %arg13[%get3A_780, %get3A_781] {strides = array<i32>} : memref<128x128xf32, #tpu.memory_space<vmem>>, vector<1x16xf32>,
      %get3A_783 = vector.shape_cast %get3A_782 : vector<1x16xf32> to vector<16xf32>
      %get3A_784 = arith.index_cast %add3A_767 : i32 to index
      %get3A_785 = arith.index_cast %multiple_of3A_773 : i32 to index
      %get3A_786 = tpu.vector_load %arg14[%get3A_784, %get3A_785] {strides = array<i32>} : memref<128x128xf32, #tpu.memory_space<vmem>>, vector<1x16xf32>,
      %get3A_787 = vector.shape_cast %get3A_786 : vector<1x16xf32> to vector<16xf32>
      %add3A_788 = arith.constant 16 : i32
      %add3A_789 = arith.addi %multiple_of3A_773, %add3A_788 : i32
      %get3A_790 = arith.index_cast %add3A_767 : i32 to index
      %get3A_791 = arith.index_cast %add3A_789 : i32 to index
      %get3A_792 = tpu.vector_load %arg14[%get3A_790, %get3A_791] {strides = array<i32>} : memref<128x128xf32, #tpu.memory_space<vmem>>, vector<1x16xf32>,
      %get3A_793 = vector.shape_cast %get3A_792 : vector<1x16xf32> to vector<16xf32>
      %mul3A_794 = arith.mulf %get3A_777, %get3A_787 : vector<16xf32>
      %mul3A_795 = arith.mulf %get3A_783, %get3A_793 : vector<16xf32>
      %add3A_796 = arith.addf %mul3A_794, %mul3A_795 : vector<16xf32>
      %add3A_797 = arith.constant 8 : i32
      %add3A_798 = vector.broadcast %add3A_797 : i32 to vector<16xi32>
      %add3A_799 = arith.addi %iota3A, %add3A_798 : vector<16xi32>
      %and3A_800 = arith.constant 15 : i32
      %and3A_801 = vector.broadcast %and3A_800 : i32 to vector<16xi32>
      %and3A_802 = arith.andi %add3A_799, %and3A_801 : vector<16xi32>
      %broadcast_in_dim3A_803 = vector.shape_cast %and3A_802 : vector<16xi32> to vector<16x1xi32>
      %gather3A_804 = vector.shape_cast %broadcast_in_dim3A_803 : vector<16x1xi32> to vector<16xi32>
      %gather3A_805 = tpu.dynamic_gather %add3A_796[%gather3A_804] in [0] : vector<16xf32>, vector<16xi32> -> vector<16xf32>
      %add3A_806 = arith.addf %add3A_796, %gather3A_805 : vector<16xf32>
      %add3A_807 = arith.constant 4 : i32
      %add3A_808 = vector.broadcast %add3A_807 : i32 to vector<16xi32>
      %add3A_809 = arith.addi %iota3A, %add3A_808 : vector<16xi32>
      %and3A_810 = arith.constant 15 : i32
      %and3A_811 = vector.broadcast %and3A_810 : i32 to vector<16xi32>
      %and3A_812 = arith.andi %add3A_809, %and3A_811 : vector<16xi32>
      %broadcast_in_dim3A_813 = vector.shape_cast %and3A_812 : vector<16xi32> to vector<16x1xi32>
      %gather3A_814 = vector.shape_cast %broadcast_in_dim3A_813 : vector<16x1xi32> to vector<16xi32>
      %gather3A_815 = tpu.dynamic_gather %add3A_806[%gather3A_814] in [0] : vector<16xf32>, vector<16xi32> -> vector<16xf32>
      %add3A_816 = arith.addf %add3A_806, %gather3A_815 : vector<16xf32>
      %add3A_817 = arith.constant 2 : i32
      %add3A_818 = vector.broadcast %add3A_817 : i32 to vector<16xi32>
      %add3A_819 = arith.addi %iota3A, %add3A_818 : vector<16xi32>
      %and3A_820 = arith.constant 15 : i32
      %and3A_821 = vector.broadcast %and3A_820 : i32 to vector<16xi32>
      %and3A_822 = arith.andi %add3A_819, %and3A_821 : vector<16xi32>
      %broadcast_in_dim3A_823 = vector.shape_cast %and3A_822 : vector<16xi32> to vector<16x1xi32>
      %gather3A_824 = vector.shape_cast %broadcast_in_dim3A_823 : vector<16x1xi32> to vector<16xi32>
      %gather3A_825 = tpu.dynamic_gather %add3A_816[%gather3A_824] in [0] : vector<16xf32>, vector<16xi32> -> vector<16xf32>
      %add3A_826 = arith.addf %add3A_816, %gather3A_825 : vector<16xf32>
      %add3A_827 = arith.constant 1 : i32
      %add3A_828 = vector.broadcast %add3A_827 : i32 to vector<16xi32>
      %add3A_829 = arith.addi %iota3A, %add3A_828 : vector<16xi32>
      %and3A_830 = arith.constant 15 : i32
      %and3A_831 = vector.broadcast %and3A_830 : i32 to vector<16xi32>
      %and3A_832 = arith.andi %add3A_829, %and3A_831 : vector<16xi32>
      %broadcast_in_dim3A_833 = vector.shape_cast %and3A_832 : vector<16xi32> to vector<16x1xi32>
      %gather3A_834 = vector.shape_cast %broadcast_in_dim3A_833 : vector<16x1xi32> to vector<16xi32>
      %gather3A_835 = tpu.dynamic_gather %add3A_826[%gather3A_834] in [0] : vector<16xf32>, vector<16xi32> -> vector<16xf32>
      %add3A_836 = arith.addf %add3A_826, %gather3A_835 : vector<16xf32>
      %eq3A_837 = arith.constant 8 : i32
      %eq3A_838 = vector.broadcast %eq3A_837 : i32 to vector<16xi32>
      %eq3A_839 = arith.cmpi eq, %iota3A, %eq3A_838 : vector<16xi32>
      %select_n3A_840 = arith.select %eq3A_839, %add3A_836, %select_n3A_763 : vector<16xi1>, vector<16xf32>
      %mul3A_841 = arith.constant 16 : i32
      %mul3A_842 = arith.muli %scan3A_140, %mul3A_841 : i32
      %add3A_843 = arith.constant 9 : i32
      %add3A_844 = arith.addi %mul3A_842, %add3A_843 : i32
      %slice3A_845 = vector.extract_strided_slice %get3A_147 {offsets = [9], sizes = [1], strides = [1]} : vector<16xi32> to vector<1xi32>
      %squeeze3A_846 = vector.extract %slice3A_845[0] : i32 from vector<1xi32>
      %multiple_of3A_847 = tpu.assume_multiple %squeeze3A_846, 32 : i32
      %slice3A_848 = vector.extract_strided_slice %get3A_154 {offsets = [9], sizes = [1], strides = [1]} : vector<16xi32> to vector<1xi32>
      %squeeze3A_849 = vector.extract %slice3A_848[0] : i32 from vector<1xi32>
      %multiple_of3A_850 = tpu.assume_multiple %squeeze3A_849, 32 : i32
      %get3A_851 = arith.index_cast %add3A_844 : i32 to index
      %get3A_852 = arith.index_cast %multiple_of3A_847 : i32 to index
      %get3A_853 = tpu.vector_load %arg13[%get3A_851, %get3A_852] {strides = array<i32>} : memref<128x128xf32, #tpu.memory_space<vmem>>, vector<1x16xf32>,
      %get3A_854 = vector.shape_cast %get3A_853 : vector<1x16xf32> to vector<16xf32>
      %add3A_855 = arith.constant 16 : i32
      %add3A_856 = arith.addi %multiple_of3A_847, %add3A_855 : i32
      %get3A_857 = arith.index_cast %add3A_844 : i32 to index
      %get3A_858 = arith.index_cast %add3A_856 : i32 to index
      %get3A_859 = tpu.vector_load %arg13[%get3A_857, %get3A_858] {strides = array<i32>} : memref<128x128xf32, #tpu.memory_space<vmem>>, vector<1x16xf32>,
      %get3A_860 = vector.shape_cast %get3A_859 : vector<1x16xf32> to vector<16xf32>
      %get3A_861 = arith.index_cast %add3A_844 : i32 to index
      %get3A_862 = arith.index_cast %multiple_of3A_850 : i32 to index
      %get3A_863 = tpu.vector_load %arg14[%get3A_861, %get3A_862] {strides = array<i32>} : memref<128x128xf32, #tpu.memory_space<vmem>>, vector<1x16xf32>,
      %get3A_864 = vector.shape_cast %get3A_863 : vector<1x16xf32> to vector<16xf32>
      %add3A_865 = arith.constant 16 : i32
      %add3A_866 = arith.addi %multiple_of3A_850, %add3A_865 : i32
      %get3A_867 = arith.index_cast %add3A_844 : i32 to index
      %get3A_868 = arith.index_cast %add3A_866 : i32 to index
      %get3A_869 = tpu.vector_load %arg14[%get3A_867, %get3A_868] {strides = array<i32>} : memref<128x128xf32, #tpu.memory_space<vmem>>, vector<1x16xf32>,
      %get3A_870 = vector.shape_cast %get3A_869 : vector<1x16xf32> to vector<16xf32>
      %mul3A_871 = arith.mulf %get3A_854, %get3A_864 : vector<16xf32>
      %mul3A_872 = arith.mulf %get3A_860, %get3A_870 : vector<16xf32>
      %add3A_873 = arith.addf %mul3A_871, %mul3A_872 : vector<16xf32>
      %add3A_874 = arith.constant 8 : i32
      %add3A_875 = vector.broadcast %add3A_874 : i32 to vector<16xi32>
      %add3A_876 = arith.addi %iota3A, %add3A_875 : vector<16xi32>
      %and3A_877 = arith.constant 15 : i32
      %and3A_878 = vector.broadcast %and3A_877 : i32 to vector<16xi32>
      %and3A_879 = arith.andi %add3A_876, %and3A_878 : vector<16xi32>
      %broadcast_in_dim3A_880 = vector.shape_cast %and3A_879 : vector<16xi32> to vector<16x1xi32>
      %gather3A_881 = vector.shape_cast %broadcast_in_dim3A_880 : vector<16x1xi32> to vector<16xi32>
      %gather3A_882 = tpu.dynamic_gather %add3A_873[%gather3A_881] in [0] : vector<16xf32>, vector<16xi32> -> vector<16xf32>
      %add3A_883 = arith.addf %add3A_873, %gather3A_882 : vector<16xf32>
      %add3A_884 = arith.constant 4 : i32
      %add3A_885 = vector.broadcast %add3A_884 : i32 to vector<16xi32>
      %add3A_886 = arith.addi %iota3A, %add3A_885 : vector<16xi32>
      %and3A_887 = arith.constant 15 : i32
      %and3A_888 = vector.broadcast %and3A_887 : i32 to vector<16xi32>
      %and3A_889 = arith.andi %add3A_886, %and3A_888 : vector<16xi32>
      %broadcast_in_dim3A_890 = vector.shape_cast %and3A_889 : vector<16xi32> to vector<16x1xi32>
      %gather3A_891 = vector.shape_cast %broadcast_in_dim3A_890 : vector<16x1xi32> to vector<16xi32>
      %gather3A_892 = tpu.dynamic_gather %add3A_883[%gather3A_891] in [0] : vector<16xf32>, vector<16xi32> -> vector<16xf32>
      %add3A_893 = arith.addf %add3A_883, %gather3A_892 : vector<16xf32>
      %add3A_894 = arith.constant 2 : i32
      %add3A_895 = vector.broadcast %add3A_894 : i32 to vector<16xi32>
      %add3A_896 = arith.addi %iota3A, %add3A_895 : vector<16xi32>
      %and3A_897 = arith.constant 15 : i32
      %and3A_898 = vector.broadcast %and3A_897 : i32 to vector<16xi32>
      %and3A_899 = arith.andi %add3A_896, %and3A_898 : vector<16xi32>
      %broadcast_in_dim3A_900 = vector.shape_cast %and3A_899 : vector<16xi32> to vector<16x1xi32>
      %gather3A_901 = vector.shape_cast %broadcast_in_dim3A_900 : vector<16x1xi32> to vector<16xi32>
      %gather3A_902 = tpu.dynamic_gather %add3A_893[%gather3A_901] in [0] : vector<16xf32>, vector<16xi32> -> vector<16xf32>
      %add3A_903 = arith.addf %add3A_893, %gather3A_902 : vector<16xf32>
      %add3A_904 = arith.constant 1 : i32
      %add3A_905 = vector.broadcast %add3A_904 : i32 to vector<16xi32>
      %add3A_906 = arith.addi %iota3A, %add3A_905 : vector<16xi32>
      %and3A_907 = arith.constant 15 : i32
      %and3A_908 = vector.broadcast %and3A_907 : i32 to vector<16xi32>
      %and3A_909 = arith.andi %add3A_906, %and3A_908 : vector<16xi32>
      %broadcast_in_dim3A_910 = vector.shape_cast %and3A_909 : vector<16xi32> to vector<16x1xi32>
      %gather3A_911 = vector.shape_cast %broadcast_in_dim3A_910 : vector<16x1xi32> to vector<16xi32>
      %gather3A_912 = tpu.dynamic_gather %add3A_903[%gather3A_911] in [0] : vector<16xf32>, vector<16xi32> -> vector<16xf32>
      %add3A_913 = arith.addf %add3A_903, %gather3A_912 : vector<16xf32>
      %eq3A_914 = arith.constant 9 : i32
      %eq3A_915 = vector.broadcast %eq3A_914 : i32 to vector<16xi32>
      %eq3A_916 = arith.cmpi eq, %iota3A, %eq3A_915 : vector<16xi32>
      %select_n3A_917 = arith.select %eq3A_916, %add3A_913, %select_n3A_840 : vector<16xi1>, vector<16xf32>
      %mul3A_918 = arith.constant 16 : i32
      %mul3A_919 = arith.muli %scan3A_140, %mul3A_918 : i32
      %add3A_920 = arith.constant 10 : i32
      %add3A_921 = arith.addi %mul3A_919, %add3A_920 : i32
      %slice3A_922 = vector.extract_strided_slice %get3A_147 {offsets = [10], sizes = [1], strides = [1]} : vector<16xi32> to vector<1xi32>
      %squeeze3A_923 = vector.extract %slice3A_922[0] : i32 from vector<1xi32>
      %multiple_of3A_924 = tpu.assume_multiple %squeeze3A_923, 32 : i32
      %slice3A_925 = vector.extract_strided_slice %get3A_154 {offsets = [10], sizes = [1], strides = [1]} : vector<16xi32> to vector<1xi32>
      %squeeze3A_926 = vector.extract %slice3A_925[0] : i32 from vector<1xi32>
      %multiple_of3A_927 = tpu.assume_multiple %squeeze3A_926, 32 : i32
      %get3A_928 = arith.index_cast %add3A_921 : i32 to index
      %get3A_929 = arith.index_cast %multiple_of3A_924 : i32 to index
      %get3A_930 = tpu.vector_load %arg13[%get3A_928, %get3A_929] {strides = array<i32>} : memref<128x128xf32, #tpu.memory_space<vmem>>, vector<1x16xf32>,
      %get3A_931 = vector.shape_cast %get3A_930 : vector<1x16xf32> to vector<16xf32>
      %add3A_932 = arith.constant 16 : i32
      %add3A_933 = arith.addi %multiple_of3A_924, %add3A_932 : i32
      %get3A_934 = arith.index_cast %add3A_921 : i32 to index
      %get3A_935 = arith.index_cast %add3A_933 : i32 to index
      %get3A_936 = tpu.vector_load %arg13[%get3A_934, %get3A_935] {strides = array<i32>} : memref<128x128xf32, #tpu.memory_space<vmem>>, vector<1x16xf32>,
      %get3A_937 = vector.shape_cast %get3A_936 : vector<1x16xf32> to vector<16xf32>
      %get3A_938 = arith.index_cast %add3A_921 : i32 to index
      %get3A_939 = arith.index_cast %multiple_of3A_927 : i32 to index
      %get3A_940 = tpu.vector_load %arg14[%get3A_938, %get3A_939] {strides = array<i32>} : memref<128x128xf32, #tpu.memory_space<vmem>>, vector<1x16xf32>,
      %get3A_941 = vector.shape_cast %get3A_940 : vector<1x16xf32> to vector<16xf32>
      %add3A_942 = arith.constant 16 : i32
      %add3A_943 = arith.addi %multiple_of3A_927, %add3A_942 : i32
      %get3A_944 = arith.index_cast %add3A_921 : i32 to index
      %get3A_945 = arith.index_cast %add3A_943 : i32 to index
      %get3A_946 = tpu.vector_load %arg14[%get3A_944, %get3A_945] {strides = array<i32>} : memref<128x128xf32, #tpu.memory_space<vmem>>, vector<1x16xf32>,
      %get3A_947 = vector.shape_cast %get3A_946 : vector<1x16xf32> to vector<16xf32>
      %mul3A_948 = arith.mulf %get3A_931, %get3A_941 : vector<16xf32>
      %mul3A_949 = arith.mulf %get3A_937, %get3A_947 : vector<16xf32>
      %add3A_950 = arith.addf %mul3A_948, %mul3A_949 : vector<16xf32>
      %add3A_951 = arith.constant 8 : i32
      %add3A_952 = vector.broadcast %add3A_951 : i32 to vector<16xi32>
      %add3A_953 = arith.addi %iota3A, %add3A_952 : vector<16xi32>
      %and3A_954 = arith.constant 15 : i32
      %and3A_955 = vector.broadcast %and3A_954 : i32 to vector<16xi32>
      %and3A_956 = arith.andi %add3A_953, %and3A_955 : vector<16xi32>
      %broadcast_in_dim3A_957 = vector.shape_cast %and3A_956 : vector<16xi32> to vector<16x1xi32>
      %gather3A_958 = vector.shape_cast %broadcast_in_dim3A_957 : vector<16x1xi32> to vector<16xi32>
      %gather3A_959 = tpu.dynamic_gather %add3A_950[%gather3A_958] in [0] : vector<16xf32>, vector<16xi32> -> vector<16xf32>
      %add3A_960 = arith.addf %add3A_950, %gather3A_959 : vector<16xf32>
      %add3A_961 = arith.constant 4 : i32
      %add3A_962 = vector.broadcast %add3A_961 : i32 to vector<16xi32>
      %add3A_963 = arith.addi %iota3A, %add3A_962 : vector<16xi32>
      %and3A_964 = arith.constant 15 : i32
      %and3A_965 = vector.broadcast %and3A_964 : i32 to vector<16xi32>
      %and3A_966 = arith.andi %add3A_963, %and3A_965 : vector<16xi32>
      %broadcast_in_dim3A_967 = vector.shape_cast %and3A_966 : vector<16xi32> to vector<16x1xi32>
      %gather3A_968 = vector.shape_cast %broadcast_in_dim3A_967 : vector<16x1xi32> to vector<16xi32>
      %gather3A_969 = tpu.dynamic_gather %add3A_960[%gather3A_968] in [0] : vector<16xf32>, vector<16xi32> -> vector<16xf32>
      %add3A_970 = arith.addf %add3A_960, %gather3A_969 : vector<16xf32>
      %add3A_971 = arith.constant 2 : i32
      %add3A_972 = vector.broadcast %add3A_971 : i32 to vector<16xi32>
      %add3A_973 = arith.addi %iota3A, %add3A_972 : vector<16xi32>
      %and3A_974 = arith.constant 15 : i32
      %and3A_975 = vector.broadcast %and3A_974 : i32 to vector<16xi32>
      %and3A_976 = arith.andi %add3A_973, %and3A_975 : vector<16xi32>
      %broadcast_in_dim3A_977 = vector.shape_cast %and3A_976 : vector<16xi32> to vector<16x1xi32>
      %gather3A_978 = vector.shape_cast %broadcast_in_dim3A_977 : vector<16x1xi32> to vector<16xi32>
      %gather3A_979 = tpu.dynamic_gather %add3A_970[%gather3A_978] in [0] : vector<16xf32>, vector<16xi32> -> vector<16xf32>
      %add3A_980 = arith.addf %add3A_970, %gather3A_979 : vector<16xf32>
      %add3A_981 = arith.constant 1 : i32
      %add3A_982 = vector.broadcast %add3A_981 : i32 to vector<16xi32>
      %add3A_983 = arith.addi %iota3A, %add3A_982 : vector<16xi32>
      %and3A_984 = arith.constant 15 : i32
      %and3A_985 = vector.broadcast %and3A_984 : i32 to vector<16xi32>
      %and3A_986 = arith.andi %add3A_983, %and3A_985 : vector<16xi32>
      %broadcast_in_dim3A_987 = vector.shape_cast %and3A_986 : vector<16xi32> to vector<16x1xi32>
      %gather3A_988 = vector.shape_cast %broadcast_in_dim3A_987 : vector<16x1xi32> to vector<16xi32>
      %gather3A_989 = tpu.dynamic_gather %add3A_980[%gather3A_988] in [0] : vector<16xf32>, vector<16xi32> -> vector<16xf32>
      %add3A_990 = arith.addf %add3A_980, %gather3A_989 : vector<16xf32>
      %eq3A_991 = arith.constant 10 : i32
      %eq3A_992 = vector.broadcast %eq3A_991 : i32 to vector<16xi32>
      %eq3A_993 = arith.cmpi eq, %iota3A, %eq3A_992 : vector<16xi32>
      %select_n3A_994 = arith.select %eq3A_993, %add3A_990, %select_n3A_917 : vector<16xi1>, vector<16xf32>
      %mul3A_995 = arith.constant 16 : i32
      %mul3A_996 = arith.muli %scan3A_140, %mul3A_995 : i32
      %add3A_997 = arith.constant 11 : i32
      %add3A_998 = arith.addi %mul3A_996, %add3A_997 : i32
      %slice3A_999 = vector.extract_strided_slice %get3A_147 {offsets = [11], sizes = [1], strides = [1]} : vector<16xi32> to vector<1xi32>
      %squeeze3A_1000 = vector.extract %slice3A_999[0] : i32 from vector<1xi32>
      %multiple_of3A_1001 = tpu.assume_multiple %squeeze3A_1000, 32 : i32
      %slice3A_1002 = vector.extract_strided_slice %get3A_154 {offsets = [11], sizes = [1], strides = [1]} : vector<16xi32> to vector<1xi32>
      %squeeze3A_1003 = vector.extract %slice3A_1002[0] : i32 from vector<1xi32>
      %multiple_of3A_1004 = tpu.assume_multiple %squeeze3A_1003, 32 : i32
      %get3A_1005 = arith.index_cast %add3A_998 : i32 to index
      %get3A_1006 = arith.index_cast %multiple_of3A_1001 : i32 to index
      %get3A_1007 = tpu.vector_load %arg13[%get3A_1005, %get3A_1006] {strides = array<i32>} : memref<128x128xf32, #tpu.memory_space<vmem>>, vector<1x16xf32>,
      %get3A_1008 = vector.shape_cast %get3A_1007 : vector<1x16xf32> to vector<16xf32>
      %add3A_1009 = arith.constant 16 : i32
      %add3A_1010 = arith.addi %multiple_of3A_1001, %add3A_1009 : i32
      %get3A_1011 = arith.index_cast %add3A_998 : i32 to index
      %get3A_1012 = arith.index_cast %add3A_1010 : i32 to index
      %get3A_1013 = tpu.vector_load %arg13[%get3A_1011, %get3A_1012] {strides = array<i32>} : memref<128x128xf32, #tpu.memory_space<vmem>>, vector<1x16xf32>,
      %get3A_1014 = vector.shape_cast %get3A_1013 : vector<1x16xf32> to vector<16xf32>
      %get3A_1015 = arith.index_cast %add3A_998 : i32 to index
      %get3A_1016 = arith.index_cast %multiple_of3A_1004 : i32 to index
      %get3A_1017 = tpu.vector_load %arg14[%get3A_1015, %get3A_1016] {strides = array<i32>} : memref<128x128xf32, #tpu.memory_space<vmem>>, vector<1x16xf32>,
      %get3A_1018 = vector.shape_cast %get3A_1017 : vector<1x16xf32> to vector<16xf32>
      %add3A_1019 = arith.constant 16 : i32
      %add3A_1020 = arith.addi %multiple_of3A_1004, %add3A_1019 : i32
      %get3A_1021 = arith.index_cast %add3A_998 : i32 to index
      %get3A_1022 = arith.index_cast %add3A_1020 : i32 to index
      %get3A_1023 = tpu.vector_load %arg14[%get3A_1021, %get3A_1022] {strides = array<i32>} : memref<128x128xf32, #tpu.memory_space<vmem>>, vector<1x16xf32>,
      %get3A_1024 = vector.shape_cast %get3A_1023 : vector<1x16xf32> to vector<16xf32>
      %mul3A_1025 = arith.mulf %get3A_1008, %get3A_1018 : vector<16xf32>
      %mul3A_1026 = arith.mulf %get3A_1014, %get3A_1024 : vector<16xf32>
      %add3A_1027 = arith.addf %mul3A_1025, %mul3A_1026 : vector<16xf32>
      %add3A_1028 = arith.constant 8 : i32
      %add3A_1029 = vector.broadcast %add3A_1028 : i32 to vector<16xi32>
      %add3A_1030 = arith.addi %iota3A, %add3A_1029 : vector<16xi32>
      %and3A_1031 = arith.constant 15 : i32
      %and3A_1032 = vector.broadcast %and3A_1031 : i32 to vector<16xi32>
      %and3A_1033 = arith.andi %add3A_1030, %and3A_1032 : vector<16xi32>
      %broadcast_in_dim3A_1034 = vector.shape_cast %and3A_1033 : vector<16xi32> to vector<16x1xi32>
      %gather3A_1035 = vector.shape_cast %broadcast_in_dim3A_1034 : vector<16x1xi32> to vector<16xi32>
      %gather3A_1036 = tpu.dynamic_gather %add3A_1027[%gather3A_1035] in [0] : vector<16xf32>, vector<16xi32> -> vector<16xf32>
      %add3A_1037 = arith.addf %add3A_1027, %gather3A_1036 : vector<16xf32>
      %add3A_1038 = arith.constant 4 : i32
      %add3A_1039 = vector.broadcast %add3A_1038 : i32 to vector<16xi32>
      %add3A_1040 = arith.addi %iota3A, %add3A_1039 : vector<16xi32>
      %and3A_1041 = arith.constant 15 : i32
      %and3A_1042 = vector.broadcast %and3A_1041 : i32 to vector<16xi32>
      %and3A_1043 = arith.andi %add3A_1040, %and3A_1042 : vector<16xi32>
      %broadcast_in_dim3A_1044 = vector.shape_cast %and3A_1043 : vector<16xi32> to vector<16x1xi32>
      %gather3A_1045 = vector.shape_cast %broadcast_in_dim3A_1044 : vector<16x1xi32> to vector<16xi32>
      %gather3A_1046 = tpu.dynamic_gather %add3A_1037[%gather3A_1045] in [0] : vector<16xf32>, vector<16xi32> -> vector<16xf32>
      %add3A_1047 = arith.addf %add3A_1037, %gather3A_1046 : vector<16xf32>
      %add3A_1048 = arith.constant 2 : i32
      %add3A_1049 = vector.broadcast %add3A_1048 : i32 to vector<16xi32>
      %add3A_1050 = arith.addi %iota3A, %add3A_1049 : vector<16xi32>
      %and3A_1051 = arith.constant 15 : i32
      %and3A_1052 = vector.broadcast %and3A_1051 : i32 to vector<16xi32>
      %and3A_1053 = arith.andi %add3A_1050, %and3A_1052 : vector<16xi32>
      %broadcast_in_dim3A_1054 = vector.shape_cast %and3A_1053 : vector<16xi32> to vector<16x1xi32>
      %gather3A_1055 = vector.shape_cast %broadcast_in_dim3A_1054 : vector<16x1xi32> to vector<16xi32>
      %gather3A_1056 = tpu.dynamic_gather %add3A_1047[%gather3A_1055] in [0] : vector<16xf32>, vector<16xi32> -> vector<16xf32>
      %add3A_1057 = arith.addf %add3A_1047, %gather3A_1056 : vector<16xf32>
      %add3A_1058 = arith.constant 1 : i32
      %add3A_1059 = vector.broadcast %add3A_1058 : i32 to vector<16xi32>
      %add3A_1060 = arith.addi %iota3A, %add3A_1059 : vector<16xi32>
      %and3A_1061 = arith.constant 15 : i32
      %and3A_1062 = vector.broadcast %and3A_1061 : i32 to vector<16xi32>
      %and3A_1063 = arith.andi %add3A_1060, %and3A_1062 : vector<16xi32>
      %broadcast_in_dim3A_1064 = vector.shape_cast %and3A_1063 : vector<16xi32> to vector<16x1xi32>
      %gather3A_1065 = vector.shape_cast %broadcast_in_dim3A_1064 : vector<16x1xi32> to vector<16xi32>
      %gather3A_1066 = tpu.dynamic_gather %add3A_1057[%gather3A_1065] in [0] : vector<16xf32>, vector<16xi32> -> vector<16xf32>
      %add3A_1067 = arith.addf %add3A_1057, %gather3A_1066 : vector<16xf32>
      %eq3A_1068 = arith.constant 11 : i32
      %eq3A_1069 = vector.broadcast %eq3A_1068 : i32 to vector<16xi32>
      %eq3A_1070 = arith.cmpi eq, %iota3A, %eq3A_1069 : vector<16xi32>
      %select_n3A_1071 = arith.select %eq3A_1070, %add3A_1067, %select_n3A_994 : vector<16xi1>, vector<16xf32>
      %mul3A_1072 = arith.constant 16 : i32
      %mul3A_1073 = arith.muli %scan3A_140, %mul3A_1072 : i32
      %add3A_1074 = arith.constant 12 : i32
      %add3A_1075 = arith.addi %mul3A_1073, %add3A_1074 : i32
      %slice3A_1076 = vector.extract_strided_slice %get3A_147 {offsets = [12], sizes = [1], strides = [1]} : vector<16xi32> to vector<1xi32>
      %squeeze3A_1077 = vector.extract %slice3A_1076[0] : i32 from vector<1xi32>
      %multiple_of3A_1078 = tpu.assume_multiple %squeeze3A_1077, 32 : i32
      %slice3A_1079 = vector.extract_strided_slice %get3A_154 {offsets = [12], sizes = [1], strides = [1]} : vector<16xi32> to vector<1xi32>
      %squeeze3A_1080 = vector.extract %slice3A_1079[0] : i32 from vector<1xi32>
      %multiple_of3A_1081 = tpu.assume_multiple %squeeze3A_1080, 32 : i32
      %get3A_1082 = arith.index_cast %add3A_1075 : i32 to index
      %get3A_1083 = arith.index_cast %multiple_of3A_1078 : i32 to index
      %get3A_1084 = tpu.vector_load %arg13[%get3A_1082, %get3A_1083] {strides = array<i32>} : memref<128x128xf32, #tpu.memory_space<vmem>>, vector<1x16xf32>,
      %get3A_1085 = vector.shape_cast %get3A_1084 : vector<1x16xf32> to vector<16xf32>
      %add3A_1086 = arith.constant 16 : i32
      %add3A_1087 = arith.addi %multiple_of3A_1078, %add3A_1086 : i32
      %get3A_1088 = arith.index_cast %add3A_1075 : i32 to index
      %get3A_1089 = arith.index_cast %add3A_1087 : i32 to index
      %get3A_1090 = tpu.vector_load %arg13[%get3A_1088, %get3A_1089] {strides = array<i32>} : memref<128x128xf32, #tpu.memory_space<vmem>>, vector<1x16xf32>,
      %get3A_1091 = vector.shape_cast %get3A_1090 : vector<1x16xf32> to vector<16xf32>
      %get3A_1092 = arith.index_cast %add3A_1075 : i32 to index
      %get3A_1093 = arith.index_cast %multiple_of3A_1081 : i32 to index
      %get3A_1094 = tpu.vector_load %arg14[%get3A_1092, %get3A_1093] {strides = array<i32>} : memref<128x128xf32, #tpu.memory_space<vmem>>, vector<1x16xf32>,
      %get3A_1095 = vector.shape_cast %get3A_1094 : vector<1x16xf32> to vector<16xf32>
      %add3A_1096 = arith.constant 16 : i32
      %add3A_1097 = arith.addi %multiple_of3A_1081, %add3A_1096 : i32
      %get3A_1098 = arith.index_cast %add3A_1075 : i32 to index
      %get3A_1099 = arith.index_cast %add3A_1097 : i32 to index
      %get3A_1100 = tpu.vector_load %arg14[%get3A_1098, %get3A_1099] {strides = array<i32>} : memref<128x128xf32, #tpu.memory_space<vmem>>, vector<1x16xf32>,
      %get3A_1101 = vector.shape_cast %get3A_1100 : vector<1x16xf32> to vector<16xf32>
      %mul3A_1102 = arith.mulf %get3A_1085, %get3A_1095 : vector<16xf32>
      %mul3A_1103 = arith.mulf %get3A_1091, %get3A_1101 : vector<16xf32>
      %add3A_1104 = arith.addf %mul3A_1102, %mul3A_1103 : vector<16xf32>
      %add3A_1105 = arith.constant 8 : i32
      %add3A_1106 = vector.broadcast %add3A_1105 : i32 to vector<16xi32>
      %add3A_1107 = arith.addi %iota3A, %add3A_1106 : vector<16xi32>
      %and3A_1108 = arith.constant 15 : i32
      %and3A_1109 = vector.broadcast %and3A_1108 : i32 to vector<16xi32>
      %and3A_1110 = arith.andi %add3A_1107, %and3A_1109 : vector<16xi32>
      %broadcast_in_dim3A_1111 = vector.shape_cast %and3A_1110 : vector<16xi32> to vector<16x1xi32>
      %gather3A_1112 = vector.shape_cast %broadcast_in_dim3A_1111 : vector<16x1xi32> to vector<16xi32>
      %gather3A_1113 = tpu.dynamic_gather %add3A_1104[%gather3A_1112] in [0] : vector<16xf32>, vector<16xi32> -> vector<16xf32>
      %add3A_1114 = arith.addf %add3A_1104, %gather3A_1113 : vector<16xf32>
      %add3A_1115 = arith.constant 4 : i32
      %add3A_1116 = vector.broadcast %add3A_1115 : i32 to vector<16xi32>
      %add3A_1117 = arith.addi %iota3A, %add3A_1116 : vector<16xi32>
      %and3A_1118 = arith.constant 15 : i32
      %and3A_1119 = vector.broadcast %and3A_1118 : i32 to vector<16xi32>
      %and3A_1120 = arith.andi %add3A_1117, %and3A_1119 : vector<16xi32>
      %broadcast_in_dim3A_1121 = vector.shape_cast %and3A_1120 : vector<16xi32> to vector<16x1xi32>
      %gather3A_1122 = vector.shape_cast %broadcast_in_dim3A_1121 : vector<16x1xi32> to vector<16xi32>
      %gather3A_1123 = tpu.dynamic_gather %add3A_1114[%gather3A_1122] in [0] : vector<16xf32>, vector<16xi32> -> vector<16xf32>
      %add3A_1124 = arith.addf %add3A_1114, %gather3A_1123 : vector<16xf32>
      %add3A_1125 = arith.constant 2 : i32
      %add3A_1126 = vector.broadcast %add3A_1125 : i32 to vector<16xi32>
      %add3A_1127 = arith.addi %iota3A, %add3A_1126 : vector<16xi32>
      %and3A_1128 = arith.constant 15 : i32
      %and3A_1129 = vector.broadcast %and3A_1128 : i32 to vector<16xi32>
      %and3A_1130 = arith.andi %add3A_1127, %and3A_1129 : vector<16xi32>
      %broadcast_in_dim3A_1131 = vector.shape_cast %and3A_1130 : vector<16xi32> to vector<16x1xi32>
      %gather3A_1132 = vector.shape_cast %broadcast_in_dim3A_1131 : vector<16x1xi32> to vector<16xi32>
      %gather3A_1133 = tpu.dynamic_gather %add3A_1124[%gather3A_1132] in [0] : vector<16xf32>, vector<16xi32> -> vector<16xf32>
      %add3A_1134 = arith.addf %add3A_1124, %gather3A_1133 : vector<16xf32>
      %add3A_1135 = arith.constant 1 : i32
      %add3A_1136 = vector.broadcast %add3A_1135 : i32 to vector<16xi32>
      %add3A_1137 = arith.addi %iota3A, %add3A_1136 : vector<16xi32>
      %and3A_1138 = arith.constant 15 : i32
      %and3A_1139 = vector.broadcast %and3A_1138 : i32 to vector<16xi32>
      %and3A_1140 = arith.andi %add3A_1137, %and3A_1139 : vector<16xi32>
      %broadcast_in_dim3A_1141 = vector.shape_cast %and3A_1140 : vector<16xi32> to vector<16x1xi32>
      %gather3A_1142 = vector.shape_cast %broadcast_in_dim3A_1141 : vector<16x1xi32> to vector<16xi32>
      %gather3A_1143 = tpu.dynamic_gather %add3A_1134[%gather3A_1142] in [0] : vector<16xf32>, vector<16xi32> -> vector<16xf32>
      %add3A_1144 = arith.addf %add3A_1134, %gather3A_1143 : vector<16xf32>
      %eq3A_1145 = arith.constant 12 : i32
      %eq3A_1146 = vector.broadcast %eq3A_1145 : i32 to vector<16xi32>
      %eq3A_1147 = arith.cmpi eq, %iota3A, %eq3A_1146 : vector<16xi32>
      %select_n3A_1148 = arith.select %eq3A_1147, %add3A_1144, %select_n3A_1071 : vector<16xi1>, vector<16xf32>
      %mul3A_1149 = arith.constant 16 : i32
      %mul3A_1150 = arith.muli %scan3A_140, %mul3A_1149 : i32
      %add3A_1151 = arith.constant 13 : i32
      %add3A_1152 = arith.addi %mul3A_1150, %add3A_1151 : i32
      %slice3A_1153 = vector.extract_strided_slice %get3A_147 {offsets = [13], sizes = [1], strides = [1]} : vector<16xi32> to vector<1xi32>
      %squeeze3A_1154 = vector.extract %slice3A_1153[0] : i32 from vector<1xi32>
      %multiple_of3A_1155 = tpu.assume_multiple %squeeze3A_1154, 32 : i32
      %slice3A_1156 = vector.extract_strided_slice %get3A_154 {offsets = [13], sizes = [1], strides = [1]} : vector<16xi32> to vector<1xi32>
      %squeeze3A_1157 = vector.extract %slice3A_1156[0] : i32 from vector<1xi32>
      %multiple_of3A_1158 = tpu.assume_multiple %squeeze3A_1157, 32 : i32
      %get3A_1159 = arith.index_cast %add3A_1152 : i32 to index
      %get3A_1160 = arith.index_cast %multiple_of3A_1155 : i32 to index
      %get3A_1161 = tpu.vector_load %arg13[%get3A_1159, %get3A_1160] {strides = array<i32>} : memref<128x128xf32, #tpu.memory_space<vmem>>, vector<1x16xf32>,
      %get3A_1162 = vector.shape_cast %get3A_1161 : vector<1x16xf32> to vector<16xf32>
      %add3A_1163 = arith.constant 16 : i32
      %add3A_1164 = arith.addi %multiple_of3A_1155, %add3A_1163 : i32
      %get3A_1165 = arith.index_cast %add3A_1152 : i32 to index
      %get3A_1166 = arith.index_cast %add3A_1164 : i32 to index
      %get3A_1167 = tpu.vector_load %arg13[%get3A_1165, %get3A_1166] {strides = array<i32>} : memref<128x128xf32, #tpu.memory_space<vmem>>, vector<1x16xf32>,
      %get3A_1168 = vector.shape_cast %get3A_1167 : vector<1x16xf32> to vector<16xf32>
      %get3A_1169 = arith.index_cast %add3A_1152 : i32 to index
      %get3A_1170 = arith.index_cast %multiple_of3A_1158 : i32 to index
      %get3A_1171 = tpu.vector_load %arg14[%get3A_1169, %get3A_1170] {strides = array<i32>} : memref<128x128xf32, #tpu.memory_space<vmem>>, vector<1x16xf32>,
      %get3A_1172 = vector.shape_cast %get3A_1171 : vector<1x16xf32> to vector<16xf32>
      %add3A_1173 = arith.constant 16 : i32
      %add3A_1174 = arith.addi %multiple_of3A_1158, %add3A_1173 : i32
      %get3A_1175 = arith.index_cast %add3A_1152 : i32 to index
      %get3A_1176 = arith.index_cast %add3A_1174 : i32 to index
      %get3A_1177 = tpu.vector_load %arg14[%get3A_1175, %get3A_1176] {strides = array<i32>} : memref<128x128xf32, #tpu.memory_space<vmem>>, vector<1x16xf32>,
      %get3A_1178 = vector.shape_cast %get3A_1177 : vector<1x16xf32> to vector<16xf32>
      %mul3A_1179 = arith.mulf %get3A_1162, %get3A_1172 : vector<16xf32>
      %mul3A_1180 = arith.mulf %get3A_1168, %get3A_1178 : vector<16xf32>
      %add3A_1181 = arith.addf %mul3A_1179, %mul3A_1180 : vector<16xf32>
      %add3A_1182 = arith.constant 8 : i32
      %add3A_1183 = vector.broadcast %add3A_1182 : i32 to vector<16xi32>
      %add3A_1184 = arith.addi %iota3A, %add3A_1183 : vector<16xi32>
      %and3A_1185 = arith.constant 15 : i32
      %and3A_1186 = vector.broadcast %and3A_1185 : i32 to vector<16xi32>
      %and3A_1187 = arith.andi %add3A_1184, %and3A_1186 : vector<16xi32>
      %broadcast_in_dim3A_1188 = vector.shape_cast %and3A_1187 : vector<16xi32> to vector<16x1xi32>
      %gather3A_1189 = vector.shape_cast %broadcast_in_dim3A_1188 : vector<16x1xi32> to vector<16xi32>
      %gather3A_1190 = tpu.dynamic_gather %add3A_1181[%gather3A_1189] in [0] : vector<16xf32>, vector<16xi32> -> vector<16xf32>
      %add3A_1191 = arith.addf %add3A_1181, %gather3A_1190 : vector<16xf32>
      %add3A_1192 = arith.constant 4 : i32
      %add3A_1193 = vector.broadcast %add3A_1192 : i32 to vector<16xi32>
      %add3A_1194 = arith.addi %iota3A, %add3A_1193 : vector<16xi32>
      %and3A_1195 = arith.constant 15 : i32
      %and3A_1196 = vector.broadcast %and3A_1195 : i32 to vector<16xi32>
      %and3A_1197 = arith.andi %add3A_1194, %and3A_1196 : vector<16xi32>
      %broadcast_in_dim3A_1198 = vector.shape_cast %and3A_1197 : vector<16xi32> to vector<16x1xi32>
      %gather3A_1199 = vector.shape_cast %broadcast_in_dim3A_1198 : vector<16x1xi32> to vector<16xi32>
      %gather3A_1200 = tpu.dynamic_gather %add3A_1191[%gather3A_1199] in [0] : vector<16xf32>, vector<16xi32> -> vector<16xf32>
      %add3A_1201 = arith.addf %add3A_1191, %gather3A_1200 : vector<16xf32>
      %add3A_1202 = arith.constant 2 : i32
      %add3A_1203 = vector.broadcast %add3A_1202 : i32 to vector<16xi32>
      %add3A_1204 = arith.addi %iota3A, %add3A_1203 : vector<16xi32>
      %and3A_1205 = arith.constant 15 : i32
      %and3A_1206 = vector.broadcast %and3A_1205 : i32 to vector<16xi32>
      %and3A_1207 = arith.andi %add3A_1204, %and3A_1206 : vector<16xi32>
      %broadcast_in_dim3A_1208 = vector.shape_cast %and3A_1207 : vector<16xi32> to vector<16x1xi32>
      %gather3A_1209 = vector.shape_cast %broadcast_in_dim3A_1208 : vector<16x1xi32> to vector<16xi32>
      %gather3A_1210 = tpu.dynamic_gather %add3A_1201[%gather3A_1209] in [0] : vector<16xf32>, vector<16xi32> -> vector<16xf32>
      %add3A_1211 = arith.addf %add3A_1201, %gather3A_1210 : vector<16xf32>
      %add3A_1212 = arith.constant 1 : i32
      %add3A_1213 = vector.broadcast %add3A_1212 : i32 to vector<16xi32>
      %add3A_1214 = arith.addi %iota3A, %add3A_1213 : vector<16xi32>
      %and3A_1215 = arith.constant 15 : i32
      %and3A_1216 = vector.broadcast %and3A_1215 : i32 to vector<16xi32>
      %and3A_1217 = arith.andi %add3A_1214, %and3A_1216 : vector<16xi32>
      %broadcast_in_dim3A_1218 = vector.shape_cast %and3A_1217 : vector<16xi32> to vector<16x1xi32>
      %gather3A_1219 = vector.shape_cast %broadcast_in_dim3A_1218 : vector<16x1xi32> to vector<16xi32>
      %gather3A_1220 = tpu.dynamic_gather %add3A_1211[%gather3A_1219] in [0] : vector<16xf32>, vector<16xi32> -> vector<16xf32>
      %add3A_1221 = arith.addf %add3A_1211, %gather3A_1220 : vector<16xf32>
      %eq3A_1222 = arith.constant 13 : i32
      %eq3A_1223 = vector.broadcast %eq3A_1222 : i32 to vector<16xi32>
      %eq3A_1224 = arith.cmpi eq, %iota3A, %eq3A_1223 : vector<16xi32>
      %select_n3A_1225 = arith.select %eq3A_1224, %add3A_1221, %select_n3A_1148 : vector<16xi1>, vector<16xf32>
      %mul3A_1226 = arith.constant 16 : i32
      %mul3A_1227 = arith.muli %scan3A_140, %mul3A_1226 : i32
      %add3A_1228 = arith.constant 14 : i32
      %add3A_1229 = arith.addi %mul3A_1227, %add3A_1228 : i32
      %slice3A_1230 = vector.extract_strided_slice %get3A_147 {offsets = [14], sizes = [1], strides = [1]} : vector<16xi32> to vector<1xi32>
      %squeeze3A_1231 = vector.extract %slice3A_1230[0] : i32 from vector<1xi32>
      %multiple_of3A_1232 = tpu.assume_multiple %squeeze3A_1231, 32 : i32
      %slice3A_1233 = vector.extract_strided_slice %get3A_154 {offsets = [14], sizes = [1], strides = [1]} : vector<16xi32> to vector<1xi32>
      %squeeze3A_1234 = vector.extract %slice3A_1233[0] : i32 from vector<1xi32>
      %multiple_of3A_1235 = tpu.assume_multiple %squeeze3A_1234, 32 : i32
      %get3A_1236 = arith.index_cast %add3A_1229 : i32 to index
      %get3A_1237 = arith.index_cast %multiple_of3A_1232 : i32 to index
      %get3A_1238 = tpu.vector_load %arg13[%get3A_1236, %get3A_1237] {strides = array<i32>} : memref<128x128xf32, #tpu.memory_space<vmem>>, vector<1x16xf32>,
      %get3A_1239 = vector.shape_cast %get3A_1238 : vector<1x16xf32> to vector<16xf32>
      %add3A_1240 = arith.constant 16 : i32
      %add3A_1241 = arith.addi %multiple_of3A_1232, %add3A_1240 : i32
      %get3A_1242 = arith.index_cast %add3A_1229 : i32 to index
      %get3A_1243 = arith.index_cast %add3A_1241 : i32 to index
      %get3A_1244 = tpu.vector_load %arg13[%get3A_1242, %get3A_1243] {strides = array<i32>} : memref<128x128xf32, #tpu.memory_space<vmem>>, vector<1x16xf32>,
      %get3A_1245 = vector.shape_cast %get3A_1244 : vector<1x16xf32> to vector<16xf32>
      %get3A_1246 = arith.index_cast %add3A_1229 : i32 to index
      %get3A_1247 = arith.index_cast %multiple_of3A_1235 : i32 to index
      %get3A_1248 = tpu.vector_load %arg14[%get3A_1246, %get3A_1247] {strides = array<i32>} : memref<128x128xf32, #tpu.memory_space<vmem>>, vector<1x16xf32>,
      %get3A_1249 = vector.shape_cast %get3A_1248 : vector<1x16xf32> to vector<16xf32>
      %add3A_1250 = arith.constant 16 : i32
      %add3A_1251 = arith.addi %multiple_of3A_1235, %add3A_1250 : i32
      %get3A_1252 = arith.index_cast %add3A_1229 : i32 to index
      %get3A_1253 = arith.index_cast %add3A_1251 : i32 to index
      %get3A_1254 = tpu.vector_load %arg14[%get3A_1252, %get3A_1253] {strides = array<i32>} : memref<128x128xf32, #tpu.memory_space<vmem>>, vector<1x16xf32>,
      %get3A_1255 = vector.shape_cast %get3A_1254 : vector<1x16xf32> to vector<16xf32>
      %mul3A_1256 = arith.mulf %get3A_1239, %get3A_1249 : vector<16xf32>
      %mul3A_1257 = arith.mulf %get3A_1245, %get3A_1255 : vector<16xf32>
      %add3A_1258 = arith.addf %mul3A_1256, %mul3A_1257 : vector<16xf32>
      %add3A_1259 = arith.constant 8 : i32
      %add3A_1260 = vector.broadcast %add3A_1259 : i32 to vector<16xi32>
      %add3A_1261 = arith.addi %iota3A, %add3A_1260 : vector<16xi32>
      %and3A_1262 = arith.constant 15 : i32
      %and3A_1263 = vector.broadcast %and3A_1262 : i32 to vector<16xi32>
      %and3A_1264 = arith.andi %add3A_1261, %and3A_1263 : vector<16xi32>
      %broadcast_in_dim3A_1265 = vector.shape_cast %and3A_1264 : vector<16xi32> to vector<16x1xi32>
      %gather3A_1266 = vector.shape_cast %broadcast_in_dim3A_1265 : vector<16x1xi32> to vector<16xi32>
      %gather3A_1267 = tpu.dynamic_gather %add3A_1258[%gather3A_1266] in [0] : vector<16xf32>, vector<16xi32> -> vector<16xf32>
      %add3A_1268 = arith.addf %add3A_1258, %gather3A_1267 : vector<16xf32>
      %add3A_1269 = arith.constant 4 : i32
      %add3A_1270 = vector.broadcast %add3A_1269 : i32 to vector<16xi32>
      %add3A_1271 = arith.addi %iota3A, %add3A_1270 : vector<16xi32>
      %and3A_1272 = arith.constant 15 : i32
      %and3A_1273 = vector.broadcast %and3A_1272 : i32 to vector<16xi32>
      %and3A_1274 = arith.andi %add3A_1271, %and3A_1273 : vector<16xi32>
      %broadcast_in_dim3A_1275 = vector.shape_cast %and3A_1274 : vector<16xi32> to vector<16x1xi32>
      %gather3A_1276 = vector.shape_cast %broadcast_in_dim3A_1275 : vector<16x1xi32> to vector<16xi32>
      %gather3A_1277 = tpu.dynamic_gather %add3A_1268[%gather3A_1276] in [0] : vector<16xf32>, vector<16xi32> -> vector<16xf32>
      %add3A_1278 = arith.addf %add3A_1268, %gather3A_1277 : vector<16xf32>
      %add3A_1279 = arith.constant 2 : i32
      %add3A_1280 = vector.broadcast %add3A_1279 : i32 to vector<16xi32>
      %add3A_1281 = arith.addi %iota3A, %add3A_1280 : vector<16xi32>
      %and3A_1282 = arith.constant 15 : i32
      %and3A_1283 = vector.broadcast %and3A_1282 : i32 to vector<16xi32>
      %and3A_1284 = arith.andi %add3A_1281, %and3A_1283 : vector<16xi32>
      %broadcast_in_dim3A_1285 = vector.shape_cast %and3A_1284 : vector<16xi32> to vector<16x1xi32>
      %gather3A_1286 = vector.shape_cast %broadcast_in_dim3A_1285 : vector<16x1xi32> to vector<16xi32>
      %gather3A_1287 = tpu.dynamic_gather %add3A_1278[%gather3A_1286] in [0] : vector<16xf32>, vector<16xi32> -> vector<16xf32>
      %add3A_1288 = arith.addf %add3A_1278, %gather3A_1287 : vector<16xf32>
      %add3A_1289 = arith.constant 1 : i32
      %add3A_1290 = vector.broadcast %add3A_1289 : i32 to vector<16xi32>
      %add3A_1291 = arith.addi %iota3A, %add3A_1290 : vector<16xi32>
      %and3A_1292 = arith.constant 15 : i32
      %and3A_1293 = vector.broadcast %and3A_1292 : i32 to vector<16xi32>
      %and3A_1294 = arith.andi %add3A_1291, %and3A_1293 : vector<16xi32>
      %broadcast_in_dim3A_1295 = vector.shape_cast %and3A_1294 : vector<16xi32> to vector<16x1xi32>
      %gather3A_1296 = vector.shape_cast %broadcast_in_dim3A_1295 : vector<16x1xi32> to vector<16xi32>
      %gather3A_1297 = tpu.dynamic_gather %add3A_1288[%gather3A_1296] in [0] : vector<16xf32>, vector<16xi32> -> vector<16xf32>
      %add3A_1298 = arith.addf %add3A_1288, %gather3A_1297 : vector<16xf32>
      %eq3A_1299 = arith.constant 14 : i32
      %eq3A_1300 = vector.broadcast %eq3A_1299 : i32 to vector<16xi32>
      %eq3A_1301 = arith.cmpi eq, %iota3A, %eq3A_1300 : vector<16xi32>
      %select_n3A_1302 = arith.select %eq3A_1301, %add3A_1298, %select_n3A_1225 : vector<16xi1>, vector<16xf32>
      %mul3A_1303 = arith.constant 16 : i32
      %mul3A_1304 = arith.muli %scan3A_140, %mul3A_1303 : i32
      %add3A_1305 = arith.constant 15 : i32
      %add3A_1306 = arith.addi %mul3A_1304, %add3A_1305 : i32
      %slice3A_1307 = vector.extract_strided_slice %get3A_147 {offsets = [15], sizes = [1], strides = [1]} : vector<16xi32> to vector<1xi32>
      %squeeze3A_1308 = vector.extract %slice3A_1307[0] : i32 from vector<1xi32>
      %multiple_of3A_1309 = tpu.assume_multiple %squeeze3A_1308, 32 : i32
      %slice3A_1310 = vector.extract_strided_slice %get3A_154 {offsets = [15], sizes = [1], strides = [1]} : vector<16xi32> to vector<1xi32>
      %squeeze3A_1311 = vector.extract %slice3A_1310[0] : i32 from vector<1xi32>
      %multiple_of3A_1312 = tpu.assume_multiple %squeeze3A_1311, 32 : i32
      %get3A_1313 = arith.index_cast %add3A_1306 : i32 to index
      %get3A_1314 = arith.index_cast %multiple_of3A_1309 : i32 to index
      %get3A_1315 = tpu.vector_load %arg13[%get3A_1313, %get3A_1314] {strides = array<i32>} : memref<128x128xf32, #tpu.memory_space<vmem>>, vector<1x16xf32>,
      %get3A_1316 = vector.shape_cast %get3A_1315 : vector<1x16xf32> to vector<16xf32>
      %add3A_1317 = arith.constant 16 : i32
      %add3A_1318 = arith.addi %multiple_of3A_1309, %add3A_1317 : i32
      %get3A_1319 = arith.index_cast %add3A_1306 : i32 to index
      %get3A_1320 = arith.index_cast %add3A_1318 : i32 to index
      %get3A_1321 = tpu.vector_load %arg13[%get3A_1319, %get3A_1320] {strides = array<i32>} : memref<128x128xf32, #tpu.memory_space<vmem>>, vector<1x16xf32>,
      %get3A_1322 = vector.shape_cast %get3A_1321 : vector<1x16xf32> to vector<16xf32>
      %get3A_1323 = arith.index_cast %add3A_1306 : i32 to index
      %get3A_1324 = arith.index_cast %multiple_of3A_1312 : i32 to index
      %get3A_1325 = tpu.vector_load %arg14[%get3A_1323, %get3A_1324] {strides = array<i32>} : memref<128x128xf32, #tpu.memory_space<vmem>>, vector<1x16xf32>,
      %get3A_1326 = vector.shape_cast %get3A_1325 : vector<1x16xf32> to vector<16xf32>
      %add3A_1327 = arith.constant 16 : i32
      %add3A_1328 = arith.addi %multiple_of3A_1312, %add3A_1327 : i32
      %get3A_1329 = arith.index_cast %add3A_1306 : i32 to index
      %get3A_1330 = arith.index_cast %add3A_1328 : i32 to index
      %get3A_1331 = tpu.vector_load %arg14[%get3A_1329, %get3A_1330] {strides = array<i32>} : memref<128x128xf32, #tpu.memory_space<vmem>>, vector<1x16xf32>,
      %get3A_1332 = vector.shape_cast %get3A_1331 : vector<1x16xf32> to vector<16xf32>
      %mul3A_1333 = arith.mulf %get3A_1316, %get3A_1326 : vector<16xf32>
      %mul3A_1334 = arith.mulf %get3A_1322, %get3A_1332 : vector<16xf32>
      %add3A_1335 = arith.addf %mul3A_1333, %mul3A_1334 : vector<16xf32>
      %add3A_1336 = arith.constant 8 : i32
      %add3A_1337 = vector.broadcast %add3A_1336 : i32 to vector<16xi32>
      %add3A_1338 = arith.addi %iota3A, %add3A_1337 : vector<16xi32>
      %and3A_1339 = arith.constant 15 : i32
      %and3A_1340 = vector.broadcast %and3A_1339 : i32 to vector<16xi32>
      %and3A_1341 = arith.andi %add3A_1338, %and3A_1340 : vector<16xi32>
      %broadcast_in_dim3A_1342 = vector.shape_cast %and3A_1341 : vector<16xi32> to vector<16x1xi32>
      %gather3A_1343 = vector.shape_cast %broadcast_in_dim3A_1342 : vector<16x1xi32> to vector<16xi32>
      %gather3A_1344 = tpu.dynamic_gather %add3A_1335[%gather3A_1343] in [0] : vector<16xf32>, vector<16xi32> -> vector<16xf32>
      %add3A_1345 = arith.addf %add3A_1335, %gather3A_1344 : vector<16xf32>
      %add3A_1346 = arith.constant 4 : i32
      %add3A_1347 = vector.broadcast %add3A_1346 : i32 to vector<16xi32>
      %add3A_1348 = arith.addi %iota3A, %add3A_1347 : vector<16xi32>
      %and3A_1349 = arith.constant 15 : i32
      %and3A_1350 = vector.broadcast %and3A_1349 : i32 to vector<16xi32>
      %and3A_1351 = arith.andi %add3A_1348, %and3A_1350 : vector<16xi32>
      %broadcast_in_dim3A_1352 = vector.shape_cast %and3A_1351 : vector<16xi32> to vector<16x1xi32>
      %gather3A_1353 = vector.shape_cast %broadcast_in_dim3A_1352 : vector<16x1xi32> to vector<16xi32>
      %gather3A_1354 = tpu.dynamic_gather %add3A_1345[%gather3A_1353] in [0] : vector<16xf32>, vector<16xi32> -> vector<16xf32>
      %add3A_1355 = arith.addf %add3A_1345, %gather3A_1354 : vector<16xf32>
      %add3A_1356 = arith.constant 2 : i32
      %add3A_1357 = vector.broadcast %add3A_1356 : i32 to vector<16xi32>
      %add3A_1358 = arith.addi %iota3A, %add3A_1357 : vector<16xi32>
      %and3A_1359 = arith.constant 15 : i32
      %and3A_1360 = vector.broadcast %and3A_1359 : i32 to vector<16xi32>
      %and3A_1361 = arith.andi %add3A_1358, %and3A_1360 : vector<16xi32>
      %broadcast_in_dim3A_1362 = vector.shape_cast %and3A_1361 : vector<16xi32> to vector<16x1xi32>
      %gather3A_1363 = vector.shape_cast %broadcast_in_dim3A_1362 : vector<16x1xi32> to vector<16xi32>
      %gather3A_1364 = tpu.dynamic_gather %add3A_1355[%gather3A_1363] in [0] : vector<16xf32>, vector<16xi32> -> vector<16xf32>
      %add3A_1365 = arith.addf %add3A_1355, %gather3A_1364 : vector<16xf32>
      %add3A_1366 = arith.constant 1 : i32
      %add3A_1367 = vector.broadcast %add3A_1366 : i32 to vector<16xi32>
      %add3A_1368 = arith.addi %iota3A, %add3A_1367 : vector<16xi32>
      %and3A_1369 = arith.constant 15 : i32
      %and3A_1370 = vector.broadcast %and3A_1369 : i32 to vector<16xi32>
      %and3A_1371 = arith.andi %add3A_1368, %and3A_1370 : vector<16xi32>
      %broadcast_in_dim3A_1372 = vector.shape_cast %and3A_1371 : vector<16xi32> to vector<16x1xi32>
      %gather3A_1373 = vector.shape_cast %broadcast_in_dim3A_1372 : vector<16x1xi32> to vector<16xi32>
      %gather3A_1374 = tpu.dynamic_gather %add3A_1365[%gather3A_1373] in [0] : vector<16xf32>, vector<16xi32> -> vector<16xf32>
      %add3A_1375 = arith.addf %add3A_1365, %gather3A_1374 : vector<16xf32>
      %eq3A_1376 = arith.constant 15 : i32
      %eq3A_1377 = vector.broadcast %eq3A_1376 : i32 to vector<16xi32>
      %eq3A_1378 = arith.cmpi eq, %iota3A, %eq3A_1377 : vector<16xi32>
      %select_n3A_1379 = arith.select %eq3A_1378, %add3A_1375, %select_n3A_1302 : vector<16xi1>, vector<16xf32>
      %mul3A_1380 = arith.constant 16 : i32
      %mul3A_1381 = arith.muli %scan3A_140, %mul3A_1380 : i32
      %add3A_1382 = arith.constant 384 : i32
      %add3A_1383 = arith.addi %add3A_1382, %mul3A_1381 : i32
      %swap3A = arith.index_cast %add3A_1383 : i32 to index
      %swap3A_1384 = tpu.vector_load %arg15[%swap3A] {strides = array<i32>} : memref<512xf32, #tpu.memory_space<vmem>>, vector<16xf32>,
      %swap3A_1385 = vector.shape_cast %swap3A_1384 : vector<16xf32> to vector<16xf32>
      %swap3A_1386 = vector.shape_cast %select_n3A_1379 : vector<16xf32> to vector<16xf32>
      tpu.vector_store %arg15[%swap3A], %swap3A_1386 {strides = array<i32>} : memref<512xf32, #tpu.memory_space<vmem>>, vector<16xf32>,
    }
    %scan3A_139 = arith.constant 8 : i32
    "tpu.region"() ({
      %run_scoped3A = tpu.sem_alloc : memref<!tpu.dma_semaphore, #tpu.memory_space<semaphore_mem>>
      %dma_start3A_140 = tpu.memref_slice %arg8[%mul3A_2] : memref<16384xf32, #tpu.memory_space<hbm>> -> memref<512xf32, #tpu.memory_space<hbm>>
      %dma_start3A_141 = tpu.memref_slice %arg8[%mul3A_2] : memref<16384xf32, #tpu.memory_space<hbm>> -> memref<512xf32, #tpu.memory_space<hbm>>
      tpu.enqueue_dma source(%arg15 : memref<512xf32, #tpu.memory_space<vmem>>) target(%dma_start3A_141 : memref<512xf32, #tpu.memory_space<hbm>>) target_semaphore(%run_scoped3A : memref<!tpu.dma_semaphore, #tpu.memory_space<semaphore_mem>>)
      %dma_wait3A_142 = tpu.memref_slice %arg8[%mul3A_2] : memref<16384xf32, #tpu.memory_space<hbm>> -> memref<512xf32, #tpu.memory_space<hbm>>
      %dma_wait3A_143 = tpu.memref_slice %arg8[%mul3A_2] : memref<16384xf32, #tpu.memory_space<hbm>> -> memref<512xf32, #tpu.memory_space<hbm>>
      tpu.wait_dma2 semaphore(%run_scoped3A : memref<!tpu.dma_semaphore, #tpu.memory_space<semaphore_mem>>) src(%arg15 : memref<512xf32, #tpu.memory_space<vmem>>) dst(%dma_wait3A_143 : memref<512xf32, #tpu.memory_space<hbm>>)
      tpu.yield
    }) : () -> ()
    return
  }
}

</mosaic_0001>

<sc_bundles>
// kernel: kernel.3.cloned.1.call-start
scs
__scs_entry_jumppad:
0x0: {  	(pc) =	sbr.rel $0x88, $3  }
0x1: {  	(tag) =	ssettag $0x0;
	lr =	simm.s32 $0x1  }
0x2: {  	[smem:$0x3F9D] =	sst lr;
	_ =	strace $0xD0000000  }
0x3: {  	_ = 	snop  }
0x4: {  	_ = 	snop  }
0x5: {  	_ = 	snop  }
0x6: {  	_ = 	snop  }
0x7: {  	_ = 	snop  }
__scs_overlays_trampoline_lowered:
0x8: {  	[smem:$0x3FAC] =	sst s0  }
0x9: {  	[smem:$0x3FAD] =	sst s1  }
0xa: {  	[smem:$0x3FAE] =	sst s2  }
0xb: {  	[smem:$0x3FAF] =	sst s3  }
0xc: {  	[smem:$0x3FB0] =	sst s4  }
0xd: {  	[smem:$0x3FB1] =	sst s5  }
0xe: {  	[smem:$0x3FB2] =	sst s6  }
0xf: {  	[smem:$0x3FB3] =	sst s7  }
0x10: {  	[smem:$0x3FB4] =	sst s8  }
0x11: {  	[smem:$0x3FB5] =	sst s9;
	s0 =	simm.s32 @!p0 $0x0  }
0x12: {  	s1 =	sld [smem:$0x3F9B];
	s0 =	simm.s32 @p0 $0x1  }
0x13: {  	[smem:$0x3FB6] =	sst s0;
	s0 =	simm.s32 @!p1 $0x0  }
0x14: {  	s2 =	sld [smem:$0x3F9A];
	s0 =	simm.s32 @p1 $0x1  }
0x15: {  	[smem:$0x3FB7] =	sst s0;
	s0 =	simm.s32 @!p2 $0x0  }
0x16: {  	s3 =	sld [smem:$0x3FDB];
	s0 =	simm.s32 @p2 $0x1  }
0x17: {  	s4 =	simm.s32 $0x1BF5;
	[smem:$0x3FB9] =	sst s0  }
0x18: {  	s0 =	sld [smem:$0x3F9C];
	_ =	swait.ge [sflag:s4], $0x0  }
0x19: {  	s7 =	sld [smem:$0x3F9D]  }
0x1a: {  	s8 =	sadd.s32 $0xFFFFE003, lr  }
0x1b: {  	s9 =	sadd.s32 $0xFFFFFEF7, lr;
	s5 =	simm.s32 $0xFFFFFFFF;
	p2 =	slt.u32 s8, $0xFFFFF086  }
0x1c: {  	p1 =	slt.u32 s9, $0xF7A;
	s5 =	simm.s32 @!p2 $0x0  }
0x1d: {  	s5 =	simm.s32 @p1 $0x1;
	p0 =	seq.s32 s7, s2  }
0x1e: {  	s7 =	smul.u32 @!p0 $0xF7A, s2;
	p2 =	seq.s32 @!p0 s5, $0x0  }
0x1f: {  	s9 =	smul.u32 $0xF7A, s1;
	s8 =	simm.s32 @!p0 $0x1BF5;
	p2 =	por !p2, p0  }
0x20: {  	[sflag:s8] =	ssyncset.s32 @!p0 $0xFFFFF086;
	s6 =	sadd.s32 @!p0 s3, s7;
	s7 =	simm.s32 @!p0 $0x108  }
0x21: {  	s3 =	sadd.s32 s3, s9;
	s6 =	sadd.s32 @!p0 $0x88, s6;
	s7 =	simm.s32 @p2 $0x1082  }
0x22: {  	[simem:s7], [sflag:s8] =	dma.local @!p0 [hbm:s6], $0xF7A  }
0x23: {  	s9 =	sor.u32 $0xD0000000, s2;
	s6 =	simm.s32 $0x108;
	_ =	swait.ge @!p0 [sflag:s8], $0x0  }
0x24: {  	s3 =	sadd.s32 $0x88, s3;
	s6 =	simm.s32 @!p1 $0x1082;
	[sflag:s4] =	ssyncset.s32 $0xFFFFF086  }
0x25: {  	[simem:s6], [sflag:s4] =	dma.local [hbm:s3], $0xF7A  }
0x26: {  	[smem:$0x3F9D] =	sst s1;
	(tag) =	ssettag s2;
	_ =	strace s9  }
0x27: {  	s1 =	sld [smem:$0x3FAD]  }
0x28: {  	s2 =	sld [smem:$0x3FAE]  }
0x29: {  	s4 =	sld [smem:$0x3FB0]  }
0x2a: {  	p0 =	seq.s32 s5, $0x0;
	s5 =	sld [smem:$0x3FB1]  }
0x2b: {  	s6 =	sld [smem:$0x3FB2]  }
0x2c: {  	s7 =	sld [smem:$0x3FB3]  }
0x2d: {  	s3 =	simm.s32 $0x108;
	s8 =	sld [smem:$0x3FB4]  }
0x2e: {  	s3 =	simm.s32 @!p0 $0x1082;
	s9 =	sld [smem:$0x3FB5]  }
0x2f: {  	lr =	sadd.s32 s0, s3;
	s0 =	sld [smem:$0x3FAC]  }
0x30: {  	s3 =	sld [smem:$0x3FAF]  }
0x31: {  	[smem:$0x3FB8] =	sst s10  }
0x32: {  	s10 =	sld [smem:$0x3FB6];
	_ =	sdelay $0x3  }
0x33: {  	p0 =	seq.s32 s10, $0x1;
	s10 =	sld [smem:$0x3FB8];
	_ =	sdelay $0x3  }
0x34: {  	[smem:$0x3FB8] =	sst s10  }
0x35: {  	s10 =	sld [smem:$0x3FB7];
	_ =	sdelay $0x3  }
0x36: {  	p1 =	seq.s32 s10, $0x1;
	s10 =	sld [smem:$0x3FB8];
	_ =	sdelay $0x3  }
0x37: {  	[smem:$0x3FB8] =	sst s10  }
0x38: {  	s10 =	sld [smem:$0x3FB9]  }
0x39: {  	_ = 	snop;
	(pc) =	sbr.ind lr, $3  }
0x3a: {  	_ = 	snop  }
0x3b: {  	_ = 	snop  }
0x3c: {  	p2 =	seq.s32 s10, $0x1;
	s10 =	sld [smem:$0x3FB8]  }
0x3d: {  	_ =	shalt  }
0x3e: {  	_ =	shalt  }
0x3f: {  	_ =	shalt  }
0x40: {  	_ =	shalt  }
0x41: {  	_ =	shalt  }
0x42: {  	_ =	shalt  }
0x43: {  	_ =	shalt  }
0x44: {  	_ =	shalt  }
0x45: {  	_ =	shalt  }
0x46: {  	_ =	shalt  }
0x47: {  	_ =	shalt  }
0x48: {  	_ =	shalt  }
0x49: {  	_ =	shalt  }
0x4a: {  	_ =	shalt  }
0x4b: {  	_ =	shalt  }
0x4c: {  	_ =	shalt  }
0x4d: {  	_ =	shalt  }
0x4e: {  	_ =	shalt  }
0x4f: {  	_ =	shalt  }
0x50: {  	_ =	shalt  }
0x51: {  	_ =	shalt  }
0x52: {  	_ =	shalt  }
0x53: {  	_ =	shalt  }
0x54: {  	_ =	shalt  }
0x55: {  	_ =	shalt  }
0x56: {  	_ =	shalt  }
0x57: {  	_ =	shalt  }
0x58: {  	_ =	shalt  }
0x59: {  	_ =	shalt  }
0x5a: {  	_ =	shalt  }
0x5b: {  	_ =	shalt  }
0x5c: {  	_ =	shalt  }
0x5d: {  	_ =	shalt  }
0x5e: {  	_ =	shalt  }
0x5f: {  	_ =	shalt  }
0x60: {  	_ =	shalt  }
0x61: {  	_ =	shalt  }
0x62: {  	_ =	shalt  }
0x63: {  	_ =	shalt  }
0x64: {  	_ =	shalt  }
0x65: {  	_ =	shalt  }
0x66: {  	_ =	shalt  }
0x67: {  	_ =	shalt  }
0x68: {  	_ =	shalt  }
0x69: {  	_ =	shalt  }
0x6a: {  	_ =	shalt  }
0x6b: {  	_ =	shalt  }
0x6c: {  	_ =	shalt  }
0x6d: {  	_ =	shalt  }
0x6e: {  	_ =	shalt  }
0x6f: {  	_ =	shalt  }
0x70: {  	_ =	shalt  }
0x71: {  	_ =	shalt  }
0x72: {  	_ =	shalt  }
0x73: {  	_ =	shalt  }
0x74: {  	_ =	shalt  }
0x75: {  	_ =	shalt  }
0x76: {  	_ =	shalt  }
0x77: {  	_ =	shalt  }
0x78: {  	_ =	shalt  }
0x79: {  	_ =	shalt  }
0x7a: {  	_ =	shalt  }
0x7b: {  	_ =	shalt  }
0x7c: {  	_ =	shalt  }
0x7d: {  	_ =	shalt  }
0x7e: {  	_ =	shalt  }
0x7f: {  	_ =	shalt  }
0x80: {  	_ =	shalt  }
0x81: {  	_ =	shalt  }
0x82: {  	_ =	shalt  }
0x83: {  	_ =	shalt  }
0x84: {  	_ =	shalt  }
0x85: {  	_ =	shalt  }
0x86: {  	_ =	shalt  }
0x87: {  	_ =	shalt  }
.Lfunc_end0:
.L_simem_size_0:
called_computation_lowered:
.L_overlay_start_0:
0x88: {  	s2 =	sld [smem:$0x3FD9]  }
0x89: {  	s3 =	sld [smem:$0x3FFE];
	_ =	sdelay $0x1  }
0x8a: {  	s1 =	srdreg.scid  }
0x8b: {  	s0 =	sand.u32 $0x1, s1  }
0x8c: {  	s17 =	sshll.u32 s0, $0xA;
	s2 =	sadd.s32 s3, s2  }
0x8d: {  	s2 =	sadd.s32 s2, s17  }
0x8e: {  	[smem:$0x3FC4] =	sst s2  }
0x8f: {  	_ = 	snop  }
0x90: {  	s2 =	sld [smem:$0x3FD0];
	(tm) =	ssettm $0x1  }
0x91: {  	s18 =	sld [smem:$0x3FFB];
	_ =	sdelay $0x3  }
0x92: {  	_ =	strace s18  }
0x93: {  	s3 =	sld [smem:$0x3FFC];
	_ =	sdelay $0x3  }
0x94: {  	_ =	strace s3  }
0x95: {  	s3 =	sld [smem:$0x3FFD];
	_ =	sdelay $0x3  }
0x96: {  	_ =	strace s3  }
0x97: {  	_ =	strace $0x8FFFFFFF  }
0x98: {  	s19 =	sld [smem:$0x3FDB];
	_ =	sdelay $0x1  }
0x99: {  	s4 =	simm.s32 $_scs_section_size  }
0x9a: {  	s5 =	simm.s32 $_size__tile_overlayer_lowered;
	s6 =	simm.s32 $_tile_overlayer_lowered  }
0x9b: {  	s22 =	simm.s32 $0x1BFF;
	s21 =	sshll.u32 s6, $0x1;
	s3 =	sadd.s32 s4, s19  }
0x9c: {  	s7 =	simm.s32 $0x0;
	s20 =	sshll.u32 s5, $0x1;
	s5 =	sadd.s32 s21, s3  }
0x9d: {  	[timem:s7], [sflag:s22] =	dma.local [hbm:s5], s20  }
0x9e: {  	_ =	swait.ge [sflag:s22], s20  }
0x9f: {  	s4 =	ssub.s32 $0x0, s20;
	[sflag:s22] =	ssyncset.done $0x0  }
0xa0: {  	[sflag:s22] =	ssyncadd.s32 s4;
	_ =	sdelay $0x1  }
0xa1: {  	s23 =	simm.s32 $0x1B8B  }
0xa2: {  	_ =	swait.ge [sflag:s23], $0x1  }
0xa3: {  	[sflag:s23] =	ssyncset.done $0x0  }
0xa4: {  	s25 =	simm.s32 $0x1B8E;
	s24 =	sld [smem:$0x3FFE];
	[sflag:s23] =	ssyncadd.s32 $0xFFFFFFFF  }
0xa5: {  	s26 =	simm.s32 $execute0_lowered;
	[smem:$0x3FD2] =	sst s25  }
0xa6: {  	s5 =	sshll.u32 s26, $0x1;
	_ =	strace $0x80000046;
	[dreg:$0x1] =	wrdreg $0xFFFFFFFF  }
0xa7: {  	s28 =	simm.s32 $_size_execute0_lowered;
	s3 =	sadd.s32 s3, s5;
	[dreg:$0x0] =	wrdreg $0x0  }
0xa8: {  	s5 =	sshll.u32 s28, $0x1;
	[dreg:$0x2] =	wrdreg s3  }
0xa9: {  	[dreg:$0x3] =	wrdreg s5  }
0xaa: {  	[dreg:$0x4] =	wrdreg $0xC0  }
0xab: {  	_ =	task [dreg:s7], $0x5FFFF  }
0xac: {  	[dreg:$0x1] =	wrdreg $0xFFFFFFFF  }
0xad: {  	[dreg:$0x0] =	wrdreg $0x60  }
0xae: {  	[dreg:$0x2] =	wrdreg s24  }
0xaf: {  	[dreg:$0x3] =	wrdreg s2  }
0xb0: {  	[dreg:$0x4] =	wrdreg $0x9  }
0xb1: {  	_ =	task.clear_ibuf [dreg:s7], $0x5FFFF;
	_ =	strace $0x90000046  }
0xb2: {  	s29 =	simm.s32 $0x9;
	_ =	strace $0x80000048  }
0xb3: {  	_ =	swait.ge [sflag:s29], $0x1  }
0xb4: {  	[sflag:s29] =	ssyncadd.s32 $0xFFFFFFFF  }
0xb5: {  	_ =	strace $0x90000048  }
0xb6: {  	_ =	sfence  }
0xb7: {  	s30 =	sld [smem:$0x0];
	_ =	sdelay $0x2  }
0xb8: {  	s31 =	sshll.u32 s1, $0xD;
	s1 =	sshrl.u32 s1, $0x2  }
0xb9: {  	s3 =	sand.u32 $0x4000, s31;
	s1 =	sadd.s32 s1, s30  }
0xba: {  	s0 =	sor.u32 s3, s0;
	s1 =	sshll.u32 s1, $0x11  }
0xbb: {  	s0 =	sor.u32 s1, s0  }
0xbc: {  	s0 =	sadd.s32 $0x8F2B, s0  }
0xbd: {  	[sflag:s0] =	ssyncadd.remote.s32 $0x1  }
0xbe: {  	_ =	sfence.sel $0xFFFF  }
0xbf: {  	[dreg:$0x0] =	wrdreg $0xFFFFFFFF;
	(pc) =	sbr.abs _section_cstart, $3  }
0xc0: {  	[dreg:$0x1] =	wrdreg $0xFFFFFFFF  }
0xc1: {  	_ =	task.clear_ibuf [dreg:s7], $0x2FFFF;
	_ =	strace $0x9FFFFFFF  }
0xc2: {  	(tm) =	ssettm $0x7FFFFFFF  }
0xc3: {  	_ =	shalt  }
tec
execute0_lowered:
.L_overlay_start_1:
0x0: {  	(tag) =	ssettag $0x1  }
0x1: {  	v0 =	vimm.s32 $0xFEDCBA98;
	v1 =	vimm.s32 $0x76543210  }
0x2: {  	v2 =	vimm.s32 $0x3210FEDC;
	v3 =	vimm.s32 $0xBA987654;
	v4 =	vimm.s32 $0x10FEDCBA  }
0x3: {  	v5 =	vimm.s32 $0x98765432;
	v6 =	vimm.s32 $0xFEDCBA9;
	v7 =	vimm.s32 $0x87654321  }
0x4: {  	s0 =	rddreg [dreg:$0x0];
	vm0 =	vmmov $0x1;
	vm1 =	vmmov $0x3;
	vm2 =	vmmov $0x7  }
0x5: {  	s1 =	rddreg [dreg:$0x1];
	s2 =	srdreg.scid;
	vm3 =	vmmov $0xf;
	vm4 =	vmmov $0x1f;
	vm5 =	vmmov $0x3f  }
0x6: {  	s4 =	stileid.u32;
	vm6 =	vmmov $0x7f;
	vm7 =	vmmov $0xff;
	vm8 =	vmmov $0x1ff;
	s3 =	sand.u32 $0x1, s2;
	s2 =	simm.s32 $0x0  }
0x7: {  	vm9 =	vmmov $0x3ff;
	vm10 =	vmmov $0x7ff;
	vm11 =	vmmov $0xfff;
	s4 =	sshll.u32 s4, $0x7;
	s5 =	sshll.u32 s3, $0x6;
	[smem:$0x7FF] =	sst s2  }
0x8: {  	v0 =	vunpack.c.l.s4.s8 v0;
	v1 =	vunpack.c.l.s4.s8 v1;
	v2 =	vunpack.c.l.s4.s8 v2;
	s25 =	sadd.s32 $0xF44C00, s0;
	s5 =	sor.u32 s5, s4;
	_ =	strace $0x80000047  }
0x9: {  	v3 =	vunpack.c.l.s4.s8 v3;
	v4 =	vunpack.c.l.s4.s8 v4;
	v5 =	vunpack.c.l.s4.s8 v5;
	[dreg:$0x3] =	wrdreg s25;
	s6 =	sadd.s32 s5, s0;
	s0 =	sadd.s32 $0x1315600, s0  }
0xa: {  	v6 =	vunpack.c.l.s4.s8 v6;
	v7 =	vunpack.c.l.s4.s8 v7;
	v0 =	vunpack.c.0.s8.s32 v0;
	s1 =	sadd.s32 s1, s5;
	[dreg:$0x4] =	wrdreg s0  }
0xb: {  	v2 =	vunpack.c.0.s8.s32 v2;
	v3 =	vunpack.c.0.s8.s32 v3;
	v4 =	vunpack.c.0.s8.s32 v4;
	s28 =	sadd.s32 $0x1000, s6;
	[dreg:$0x9] =	wrdreg s1  }
0xc: {  	s7 =	ssub.s32 $0x2, s3;
	v5 =	vunpack.c.0.s8.s32 v5;
	v6 =	vunpack.c.0.s8.s32 v6;
	v7 =	vunpack.c.0.s8.s32 v7;
	s29 =	sadd.s32 $0x2000, s6;
	[dreg:$0x5] =	wrdreg s28  }
0xd: {  	vm12 =	vmmov $0x1fff;
	v1 =	vunpack.c.0.s8.s32 v1;
	s26 =	sshrl.u32 s7, $0x1;
	v2 =	vcombine.low v3, v2;
	s30 =	sadd.s32 $0x800, s6;
	[dreg:$0x6] =	wrdreg s29  }
0xe: {  	v3 =	vcombine.low v5, v4;
	v4 =	vcombine.low v7, v6;
	v0 =	vand.u32 $0xF, v0;
	s0 =	ssub.s32 s7, s26;
	s31 =	sadd.s32 $0x1800, s6;
	[dreg:$0x7] =	wrdreg s30  }
0xf: {  	vm13 =	vmmov $0x3fff;
	vm14 =	vmmov $0x7fff;
	v0 =	vcombine.low v0, v1;
	[dreg:$0x8] =	wrdreg s31;
	s0 =	smax.u32 s0, $0x1  }
0x10: {  	s3 =	simm.s32 $0x3;
	s1 =	simm.s32 $0x0;
	v1 =	vand.u32 $0xF, v2;
	v2 =	vand.u32 $0xF, v3;
	v3 =	vand.u32 $0xF, v4;
	[dreg:$0xa] =	wrdreg s0  }
.LBB2_1:
0x11: {  	[dreg:$0xb] =	wrdreg s1  }
0x12: {  	s0 =	rddreg [dreg:$0x5]  }
0x13: {  	[tilespmem:s2], [sflag:$0x3] =	stream.linear.gather [hbm4b:s0+s2], $0x200, $0x38;
	[tilespmem:$0x8A00] =	vst v63  }
0x14: {  	_ =	swait.ge [sflag:s3], $0x200  }
0x15: {  	[sflag:s3] =	ssyncset.done $0x0  }
0x16: {  	s4 =	simm.s32 $0x200;
	s19 =	rddreg [dreg:$0x6];
	[sflag:s3] =	ssyncadd.s32 $0xFFFFFE00  }
0x17: {  	[tilespmem:s4], [sflag:$0x3] =	stream.linear.gather [hbm4b:s19+s2], $0x200, $0x38;
	[tilespmem:$0x8A00] =	vst v63  }
0x18: {  	_ =	swait.ge [sflag:s3], $0x200  }
0x19: {  	[sflag:s3] =	ssyncset.done $0x0  }
0x1a: {  	s1 =	simm.s32 $0x400;
	s20 =	rddreg [dreg:$0x7];
	[sflag:s3] =	ssyncadd.s32 $0xFFFFFE00  }
0x1b: {  	[tilespmem:s1], [sflag:$0x3] =	stream.linear.gather [hbm4b:s20+s2], $0x200, $0x38;
	[tilespmem:$0x8A00] =	vst v63  }
0x1c: {  	_ =	swait.ge [sflag:s3], $0x200  }
0x1d: {  	[sflag:s3] =	ssyncset.done $0x0  }
0x1e: {  	s26 =	simm.s32 $0x600;
	s21 =	rddreg [dreg:$0x8];
	[sflag:s3] =	ssyncadd.s32 $0xFFFFFE00  }
0x1f: {  	[tilespmem:s26], [sflag:$0x3] =	stream.linear.gather [hbm4b:s21+s2], $0x200, $0x38;
	[tilespmem:$0x8A00] =	vst v63  }
0x20: {  	_ =	swait.ge [sflag:s3], $0x200  }
0x21: {  	s23 =	simm.s32 $0x80;
	[sflag:s3] =	ssyncset.done $0x0  }
0x22: {  	s5 =	simm.s32 $0x800;
	s22 =	rddreg [dreg:$0x3];
	[sflag:s3] =	ssyncadd.s32 $0xFFFFFE00  }
0x23: {  	[tilespmem:s5], [sflag:$0x1] =	stream.indirect.gather [hbm4b:s22+s23], $0x80, s2, s23, $0xb8;
	[tilespmem:$0x8A00] =	vst v63  }
0x24: {  	s25 =	simm.s32 $0x4800;
	s30 =	simm.s32 $0x1;
	s24 =	rddreg [dreg:$0x4]  }
0x25: {  	[tilespmem:s25], [sflag:$0x2] =	stream.indirect.gather [hbm4b:s24+s23], $0x80, s4, s23, $0xb8;
	[tilespmem:$0x8A00] =	vst v63  }
0x26: {  	_ =	swait.ge [sflag:s30], $0x4000  }
0x27: {  	[sflag:s30] =	ssyncset.done $0x0  }
0x28: {  	s31 =	simm.s32 $0x2;
	[sflag:s30] =	ssyncadd.s32 $0xFFFFC000  }
0x29: {  	_ =	swait.ge [sflag:s31], $0x4000  }
0x2a: {  	[sflag:s31] =	ssyncset.done $0x0  }
0x2b: {  	s28 =	simm.s32 $0x8800;
	s29 =	simm.s32 $0x0;
	[sflag:s31] =	ssyncadd.s32 $0xFFFFC000  }
.LBB2_2:
0x2c: {  	v4 =	vld [tilespmem:s1+$0x0];
	_ =	sdelay $0x4  }
0x2d: {  	v4 =	vshll.u32 v4, $0x2  }
0x2e: {  	s0 =	sshra.s32 s29, $0x2;
	v4 =	vshra.s32 v4, $0x2  }
0x2f: {  	v4 =	vadd.s32 s0, v4  }
0x30: {  	(v2sf) =	vpush v4, $0xF  }
0x31: {  	(v2sf) =	vpush v4, $0xE  }
0x32: {  	(v2sf) =	vpush v4, $0xD  }
0x33: {  	(v2sf) =	vpush v4, $0xC  }
0x34: {  	(v2sf) =	vpush v4, $0xB  }
0x35: {  	(v2sf) =	vpush v4, $0xA  }
0x36: {  	(v2sf) =	vpush v4, $0x9  }
0x37: {  	(v2sf) =	vpush v4, $0x8  }
0x38: {  	v5 =	vld [tilespmem:s26+$0x0];
	(v2sf) =	vpush v4, $0x7  }
0x39: {  	(v2sf) =	vpush v4, $0x6  }
0x3a: {  	(v2sf) =	vpush v4, $0x5  }
0x3b: {  	(v2sf) =	vpush v4, $0x4  }
0x3c: {  	(v2sf) =	vpush v4, $0x3  }
0x3d: {  	v5 =	vshll.u32 v5, $0x2;
	(v2sf) =	vpush v4, $0x2  }
0x3e: {  	v5 =	vshra.s32 v5, $0x2;
	(v2sf) =	vpush v4, $0x1  }
0x3f: {  	s2 =	spop (v2sf);
	(v2sf) =	vpush v4, $0x0;
	v4 =	vadd.s32 s0, v5  }
0x40: {  	s20 =	spop (v2sf);
	(v2sf) =	vpush v4, $0xF  }
0x41: {  	s21 =	spop (v2sf);
	(v2sf) =	vpush v4, $0xE  }
0x42: {  	s19 =	spop (v2sf);
	(v2sf) =	vpush v4, $0xD  }
0x43: {  	[dreg:$0x18] =	wrdreg s21;
	s21 =	spop (v2sf);
	(v2sf) =	vpush v4, $0xC  }
0x44: {  	s23 =	spop (v2sf);
	(v2sf) =	vpush v4, $0xB  }
0x45: {  	s5 =	spop (v2sf);
	(v2sf) =	vpush v4, $0xA  }
0x46: {  	s7 =	spop (v2sf);
	(v2sf) =	vpush v4, $0x9  }
0x47: {  	s9 =	spop (v2sf);
	(v2sf) =	vpush v4, $0x8  }
0x48: {  	s14 =	spop (v2sf);
	(v2sf) =	vpush v4, $0x7  }
0x49: {  	[dreg:$0xc] =	wrdreg s2;
	s2 =	spop (v2sf);
	(v2sf) =	vpush v4, $0x6  }
0x4a: {  	s3 =	spop (v2sf);
	(v2sf) =	vpush v4, $0x5  }
0x4b: {  	s4 =	spop (v2sf);
	(v2sf) =	vpush v4, $0x4  }
0x4c: {  	s13 =	spop (v2sf);
	(v2sf) =	vpush v4, $0x3  }
0x4d: {  	s16 =	spop (v2sf);
	(v2sf) =	vpush v4, $0x2  }
0x4e: {  	s17 =	spop (v2sf);
	(v2sf) =	vpush v4, $0x1  }
0x4f: {  	s22 =	spop (v2sf)  }
0x50: {  	(v2sf) =	vpush v4, $0x0;
	s18 =	spop (v2sf)  }
0x51: {  	[dreg:$0x10] =	wrdreg s20;
	s20 =	spop (v2sf)  }
0x52: {  	v54 =	vld [tilespmem:s5+$0xC80];
	[dreg:$0x14] =	wrdreg s22;
	s22 =	spop (v2sf)  }
0x53: {  	v55 =	vld [tilespmem:s5+$0xC90];
	s12 =	spop (v2sf)  }
0x54: {  	v50 =	vld [tilespmem:s7+$0xC00];
	s6 =	spop (v2sf)  }
0x55: {  	v42 =	vld [tilespmem:s14+$0xB00];
	s8 =	spop (v2sf)  }
0x56: {  	v43 =	vld [tilespmem:s14+$0xB10];
	s10 =	spop (v2sf)  }
0x57: {  	v33 =	vld [tilespmem:s2+$0xA80];
	s15 =	spop (v2sf)  }
0x58: {  	v12 =	vld [tilespmem:s13+$0x900];
	s24 =	spop (v2sf)  }
0x59: {  	v13 =	vld [tilespmem:s13+$0x910];
	s11 =	spop (v2sf)  }
0x5a: {  	v8 =	vld [tilespmem:s16+$0x880];
	s0 =	spop (v2sf)  }
0x5b: {  	v9 =	vld [tilespmem:s16+$0x890];
	s25 =	spop (v2sf)  }
0x5c: {  	v4 =	vld [tilespmem:s17+$0x800];
	s31 =	spop (v2sf)  }
0x5d: {  	v5 =	vld [tilespmem:s17+$0x810];
	s30 =	spop (v2sf)  }
0x5e: {  	v10 =	vld [tilespmem:s30+$0x4880]  }
0x5f: {  	s17 =	spop (v2sf);
	v11 =	vld [tilespmem:s30+$0x4890]  }
0x60: {  	v6 =	vld [tilespmem:s17+$0x4800]  }
0x61: {  	v7 =	vld [tilespmem:s17+$0x4810]  }
0x62: {  	v14 =	vld [tilespmem:s31+$0x4900]  }
0x63: {  	v15 =	vld [tilespmem:s31+$0x4910]  }
0x64: {  	v34 =	vld [tilespmem:s2+$0xA90]  }
0x65: {  	v16 =	vld [tilespmem:s4+$0x980];
	v8 =	vmul.f32 v10, v8;
	v9 =	vmul.f32 v11, v9  }
0x66: {  	v17 =	vld [tilespmem:s4+$0x990];
	v4 =	vmul.f32 v6, v4;
	v5 =	vmul.f32 v7, v5  }
0x67: {  	v18 =	vld [tilespmem:s25+$0x4980];
	v60 =	vmul.f32 v14, v12  }
0x68: {  	v19 =	vld [tilespmem:s25+$0x4990];
	v61 =	vmul.f32 v15, v13;
	v4 =	vadd.f32 v5, v4;
	v5 =	vadd.f32 v9, v8  }
0x69: {  	v20 =	vld [tilespmem:s24+$0x4B00]  }
0x6a: {  	v21 =	vld [tilespmem:s24+$0x4B10];
	v10 =	vadd.f32 v61, v60;
	v36 =	vperm.xlane v4, v0;
	v37 =	vperm.xlane v5, v0  }
0x6b: {  	v58 =	vld [tilespmem:s3+$0xA00]  }
0x6c: {  	v62 =	vld [tilespmem:s0+$0x4A00];
	v40 =	vperm.xlane v10, v0;
	v4 =	vadd.f32 v4, v36;
	v5 =	vadd.f32 v5, v37  }
0x6d: {  	v38 =	vld [tilespmem:s11+$0x4A80];
	v31 =	vmul.f32 v18, v16;
	v32 =	vmul.f32 v19, v17  }
0x6e: {  	v39 =	vld [tilespmem:s11+$0x4A90];
	v10 =	vadd.f32 v10, v40;
	v44 =	vperm.xlane v4, v1;
	v45 =	vperm.xlane v5, v1  }
0x6f: {  	v59 =	vld [tilespmem:s3+$0xA10];
	v56 =	vmul.f32 v20, v42;
	v57 =	vmul.f32 v21, v43;
	v35 =	vadd.f32 v32, v31  }
0x70: {  	v63 =	vld [tilespmem:s0+$0x4A10];
	v22 =	vperm.xlane v10, v1;
	v4 =	vadd.f32 v4, v44;
	v5 =	vadd.f32 v5, v45  }
0x71: {  	v47 =	vld [tilespmem:s9+$0xB90];
	v6 =	vmul.f32 v62, v58;
	v41 =	vperm.xlane v35, v0  }
0x72: {  	v25 =	vld [tilespmem:s15+$0x4B90];
	v10 =	vadd.f32 v10, v22;
	v48 =	vperm.xlane v4, v2;
	v49 =	vperm.xlane v5, v2  }
0x73: {  	v51 =	vld [tilespmem:s7+$0xC10];
	v8 =	vmul.f32 v38, v33;
	v9 =	vmul.f32 v39, v34;
	v11 =	vadd.f32 v35, v41  }
0x74: {  	v28 =	vld [tilespmem:s10+$0x4C00];
	v26 =	vperm.xlane v10, v2;
	v4 =	vadd.f32 v4, v48;
	v5 =	vadd.f32 v5, v49  }
0x75: {  	v46 =	vld [tilespmem:s9+$0xB80];
	v7 =	vmul.f32 v63, v59;
	v8 =	vadd.f32 v9, v8;
	v23 =	vperm.xlane v11, v1  }
0x76: {  	v24 =	vld [tilespmem:s15+$0x4B80];
	v10 =	vadd.f32 v10, v26;
	v52 =	vperm.xlane v4, v3;
	v53 =	vperm.xlane v5, v3  }
0x77: {  	v58 =	vld [tilespmem:s8+$0x4C80];
	v62 =	vmul.f32 v25, v47;
	v63 =	vperm.xlane v8, v0;
	v11 =	vadd.f32 v11, v23  }
0x78: {  	v59 =	vld [tilespmem:s8+$0x4C90];
	v30 =	vperm.xlane v10, v3;
	v4 =	vadd.f32 v4, v52;
	v5 =	vadd.f32 v5, v53  }
0x79: {  	v29 =	vld [tilespmem:s10+$0x4C10];
	v25 =	vmul.f32 v28, v50;
	v6 =	vadd.f32 v7, v6;
	v8 =	vadd.f32 v8, v63  }
0x7a: {  	v20 =	vld [tilespmem:s6+$0x4D10];
	v27 =	vperm.xlane v11, v2;
	v4 =	vsel vm0, v4, v5;
	v5 =	vadd.f32 v10, v30  }
0x7b: {  	v19 =	vld [tilespmem:s6+$0x4D00];
	v7 =	vadd.f32 v57, v56;
	v61 =	vperm.xlane v6, v0;
	v32 =	vperm.xlane v8, v1  }
0x7c: {  	v18 =	vld [tilespmem:s12+$0x4D90];
	v11 =	vadd.f32 v11, v27;
	v4 =	vsel vm1, v4, v5;
	v5 =	vmul.f32 v24, v46  }
0x7d: {  	v14 =	vld [tilespmem:s23+$0xD10];
	v28 =	vmul.f32 v59, v55;
	v27 =	vmul.f32 v58, v54;
	v8 =	vadd.f32 v8, v32  }
0x7e: {  	v13 =	vld [tilespmem:s21+$0xD80];
	v26 =	vmul.f32 v29, v51;
	v31 =	vperm.xlane v11, v3;
	v5 =	vadd.f32 v62, v5  }
0x7f: {  	s24 =	rddreg [dreg:$0x18];
	v15 =	vld [tilespmem:s21+$0xD90];
	v6 =	vadd.f32 v6, v61;
	v40 =	vperm.xlane v8, v2;
	v24 =	vperm.xlane v7, v0  }
0x80: {  	v45 =	vld [tilespmem:s24+$0xE90];
	v60 =	vadd.f32 v11, v31;
	v30 =	vadd.f32 v26, v25;
	v29 =	vperm.xlane v5, v0  }
0x81: {  	v49 =	vld [tilespmem:s20+$0x4E90];
	v31 =	vperm.xlane v6, v1;
	v11 =	vadd.f32 v28, v27;
	v7 =	vadd.f32 v7, v24  }
0x82: {  	v12 =	vld [tilespmem:s12+$0x4D80];
	v8 =	vadd.f32 v8, v40;
	v33 =	vperm.xlane v30, v0;
	v5 =	vadd.f32 v5, v29  }
0x83: {  	v38 =	vld [tilespmem:s22+$0x4E00];
	v6 =	vadd.f32 v6, v31;
	v35 =	vperm.xlane v11, v0;
	v34 =	vperm.xlane v7, v1  }
0x84: {  	v23 =	vld [tilespmem:s19+$0xE00];
	v50 =	vperm.xlane v8, v3;
	v10 =	vadd.f32 v30, v33;
	v36 =	vperm.xlane v5, v1  }
0x85: {  	v39 =	vld [tilespmem:s22+$0x4E10];
	v37 =	vperm.xlane v6, v2;
	v11 =	vadd.f32 v11, v35;
	v7 =	vadd.f32 v7, v34  }
0x86: {  	v9 =	vld [tilespmem:s23+$0xD00];
	v40 =	vmul.f32 v49, v45;
	v41 =	vperm.xlane v10, v1;
	v5 =	vadd.f32 v5, v36  }
0x87: {  	v59 =	vld [tilespmem:s18+$0x4F10];
	v8 =	vadd.f32 v8, v50;
	v6 =	vadd.f32 v6, v37;
	v42 =	vperm.xlane v7, v2  }
0x88: {  	s25 =	rddreg [dreg:$0x10];
	v44 =	vld [tilespmem:s24+$0xE80];
	v43 =	vperm.xlane v11, v1;
	v10 =	vadd.f32 v10, v41;
	v46 =	vperm.xlane v5, v2  }
0x89: {  	v54 =	vld [tilespmem:s25+$0xF00];
	v37 =	vmul.f32 v38, v23;
	v47 =	vperm.xlane v6, v3;
	v7 =	vadd.f32 v7, v42  }
0x8a: {  	v58 =	vld [tilespmem:s18+$0x4F00];
	v4 =	vsel vm2, v4, v60;
	v51 =	vperm.xlane v10, v2;
	v5 =	vadd.f32 v5, v46  }
0x8b: {  	v32 =	vld [tilespmem:s25+$0xF10];
	v11 =	vadd.f32 v11, v43;
	v6 =	vadd.f32 v6, v47;
	v52 =	vperm.xlane v7, v3  }
0x8c: {  	v48 =	vld [tilespmem:s20+$0x4E80];
	v30 =	vmul.f32 v19, v9;
	v10 =	vadd.f32 v10, v51;
	v55 =	vperm.xlane v5, v3  }
0x8d: {  	s30 =	rddreg [dreg:$0xc];
	v24 =	vld [tilespmem:s19+$0xE10];
	v53 =	vperm.xlane v11, v2;
	v4 =	vsel vm3, v4, v6;
	v56 =	vadd.f32 v7, v52  }
0x8e: {  	s31 =	rddreg [dreg:$0x14];
	v62 =	vld [tilespmem:s30+$0xF80];
	v4 =	vsel vm4, v4, v8;
	v60 =	vperm.xlane v10, v3;
	v5 =	vadd.f32 v5, v55  }
0x8f: {  	v33 =	vmul.f32 v20, v14;
	v57 =	vadd.f32 v11, v53;
	v34 =	vld [tilespmem:s31+$0x4F80];
	v4 =	vsel vm5, v4, v56  }
0x90: {  	v63 =	vld [tilespmem:s30+$0xF90];
	v11 =	vmul.f32 v58, v54;
	v4 =	vsel vm6, v4, v5;
	v5 =	vadd.f32 v10, v60  }
0x91: {  	v35 =	vld [tilespmem:s31+$0x4F90];
	v41 =	vmul.f32 v59, v32;
	v61 =	vperm.xlane v57, v3  }
0x92: {  	v36 =	vmul.f32 v18, v15;
	v4 =	vsel vm7, v4, v5;
	v5 =	vmul.f32 v12, v13  }
0x93: {  	v38 =	vmul.f32 v39, v24;
	v6 =	vadd.f32 v57, v61;
	v7 =	vadd.f32 v33, v30  }
0x94: {  	v39 =	vmul.f32 v48, v44;
	v9 =	vmul.f32 v34, v62;
	v5 =	vadd.f32 v36, v5  }
0x95: {  	v42 =	vperm.xlane v7, v0;
	v4 =	vsel vm8, v4, v6;
	v6 =	vadd.f32 v38, v37  }
0x96: {  	v8 =	vadd.f32 v40, v39;
	v10 =	vmul.f32 v35, v63;
	v43 =	vperm.xlane v5, v0  }
0x97: {  	v11 =	vadd.f32 v41, v11;
	v7 =	vadd.f32 v7, v42;
	v44 =	vperm.xlane v6, v0  }
0x98: {  	v45 =	vperm.xlane v8, v0;
	v9 =	vadd.f32 v10, v9;
	v5 =	vadd.f32 v5, v43  }
0x99: {  	v47 =	vperm.xlane v11, v0;
	v46 =	vperm.xlane v7, v1;
	v6 =	vadd.f32 v6, v44  }
0x9a: {  	v8 =	vadd.f32 v8, v45;
	v48 =	vperm.xlane v9, v0;
	v14 =	vperm.xlane v5, v1  }
0x9b: {  	v11 =	vadd.f32 v11, v47;
	v7 =	vadd.f32 v7, v46;
	v49 =	vperm.xlane v6, v1  }
0x9c: {  	v50 =	vperm.xlane v8, v1;
	v9 =	vadd.f32 v9, v48;
	v5 =	vadd.f32 v5, v14  }
0x9d: {  	v52 =	vperm.xlane v11, v1;
	v51 =	vperm.xlane v7, v2;
	v6 =	vadd.f32 v6, v49  }
0x9e: {  	v8 =	vadd.f32 v8, v50;
	v53 =	vperm.xlane v9, v1;
	v14 =	vperm.xlane v5, v2  }
0x9f: {  	v10 =	vadd.f32 v11, v52;
	v7 =	vadd.f32 v7, v51;
	v54 =	vperm.xlane v6, v2  }
0xa0: {  	v55 =	vperm.xlane v8, v2;
	v9 =	vadd.f32 v9, v53;
	v5 =	vadd.f32 v5, v14  }
0xa1: {  	v57 =	vperm.xlane v10, v2;
	v56 =	vperm.xlane v7, v3;
	v6 =	vadd.f32 v6, v54  }
0xa2: {  	v8 =	vadd.f32 v8, v55;
	v58 =	vperm.xlane v9, v2;
	v14 =	vperm.xlane v5, v3  }
0xa3: {  	v10 =	vadd.f32 v10, v57;
	v7 =	vadd.f32 v7, v56;
	v59 =	vperm.xlane v6, v3  }
0xa4: {  	v60 =	vperm.xlane v8, v3;
	v9 =	vadd.f32 v9, v58;
	v5 =	vadd.f32 v5, v14  }
0xa5: {  	v61 =	vperm.xlane v10, v3;
	v4 =	vsel vm9, v4, v7;
	v6 =	vadd.f32 v6, v59  }
0xa6: {  	p0 =	sne.s32 s29, $0xE000;
	v62 =	vperm.xlane v9, v3;
	v4 =	vsel vm10, v4, v5;
	v5 =	vadd.f32 v8, v60  }
.Ltmp0:
0xa7: {  	v63 =	vadd.f32 v10, v61;
	v4 =	vsel vm11, v4, v6;
	(pc) =	sbr.rel @p0 .LBB2_2-.Ltmp0, $4  }
0xa8: {  	v4 =	vsel vm12, v4, v5;
	v5 =	vadd.f32 v9, v62  }
0xa9: {  	v4 =	vsel vm13, v4, v63  }
0xaa: {  	s1 =	sadd.s32 $0x10, s1;
	v4 =	vsel vm14, v4, v5  }
0xab: {  	s26 =	sadd.s32 $0x10, s26;
	s29 =	sadd.s32 $0x2000, s29;
	[tilespmem:s28+$0x0] =	vst v4;
	s28 =	sadd.s32 $0x10, s28  }
0xac: {  	s0 =	rddreg [dreg:$0x3]  }
0xad: {  	s1 =	simm.s32 $0x80;
	s2 =	simm.s32 $0x800;
	s25 =	rddreg [dreg:$0x4]  }
0xae: {  	[tilespmem:s2], [sflag:$0x1] =	stream.indirect.gather [hbm4b:s0+s1], $0x80, s1, s1, $0xb8;
	[tilespmem:$0x8A00] =	vst v63  }
0xaf: {  	s26 =	simm.s32 $0x4800;
	s3 =	simm.s32 $0x280;
	s30 =	simm.s32 $0x1  }
0xb0: {  	[tilespmem:s26], [sflag:$0x2] =	stream.indirect.gather [hbm4b:s25+s1], $0x80, s3, s1, $0xb8;
	[tilespmem:$0x8A00] =	vst v63  }
0xb1: {  	_ =	swait.ge [sflag:s30], $0x4000  }
0xb2: {  	[sflag:s30] =	ssyncset.done $0x0  }
0xb3: {  	s31 =	simm.s32 $0x2;
	[sflag:s30] =	ssyncadd.s32 $0xFFFFC000  }
0xb4: {  	_ =	swait.ge [sflag:s31], $0x4000  }
0xb5: {  	s28 =	simm.s32 $0x680;
	s29 =	simm.s32 $0x8880;
	[sflag:s31] =	ssyncset.done $0x0  }
0xb6: {  	s25 =	simm.s32 $0x0;
	s1 =	simm.s32 $0x480;
	[sflag:s31] =	ssyncadd.s32 $0xFFFFC000  }
.LBB2_4:
0xb7: {  	v4 =	vld [tilespmem:s1+$0x0];
	_ =	sdelay $0x4  }
0xb8: {  	v4 =	vshll.u32 v4, $0x2  }
0xb9: {  	s0 =	sshra.s32 s25, $0x2;
	v4 =	vshra.s32 v4, $0x2  }
0xba: {  	v4 =	vadd.s32 s0, v4  }
0xbb: {  	(v2sf) =	vpush v4, $0xF  }
0xbc: {  	(v2sf) =	vpush v4, $0xE  }
0xbd: {  	(v2sf) =	vpush v4, $0xD  }
0xbe: {  	(v2sf) =	vpush v4, $0xC  }
0xbf: {  	(v2sf) =	vpush v4, $0xB  }
0xc0: {  	(v2sf) =	vpush v4, $0xA  }
0xc1: {  	(v2sf) =	vpush v4, $0x9  }
0xc2: {  	(v2sf) =	vpush v4, $0x8  }
0xc3: {  	v5 =	vld [tilespmem:s28+$0x0];
	(v2sf) =	vpush v4, $0x7  }
0xc4: {  	(v2sf) =	vpush v4, $0x6  }
0xc5: {  	(v2sf) =	vpush v4, $0x5  }
0xc6: {  	(v2sf) =	vpush v4, $0x4  }
0xc7: {  	(v2sf) =	vpush v4, $0x3  }
0xc8: {  	v5 =	vshll.u32 v5, $0x2;
	(v2sf) =	vpush v4, $0x2  }
0xc9: {  	v5 =	vshra.s32 v5, $0x2;
	(v2sf) =	vpush v4, $0x1  }
0xca: {  	s2 =	spop (v2sf);
	(v2sf) =	vpush v4, $0x0;
	v4 =	vadd.s32 s0, v5  }
0xcb: {  	s20 =	spop (v2sf);
	(v2sf) =	vpush v4, $0xF  }
0xcc: {  	s21 =	spop (v2sf);
	(v2sf) =	vpush v4, $0xE  }
0xcd: {  	s19 =	spop (v2sf);
	(v2sf) =	vpush v4, $0xD  }
0xce: {  	[dreg:$0x19] =	wrdreg s21;
	s21 =	spop (v2sf);
	(v2sf) =	vpush v4, $0xC  }
0xcf: {  	s23 =	spop (v2sf);
	(v2sf) =	vpush v4, $0xB  }
0xd0: {  	s5 =	spop (v2sf);
	(v2sf) =	vpush v4, $0xA  }
0xd1: {  	s7 =	spop (v2sf);
	(v2sf) =	vpush v4, $0x9  }
0xd2: {  	s9 =	spop (v2sf);
	(v2sf) =	vpush v4, $0x8  }
0xd3: {  	s14 =	spop (v2sf);
	(v2sf) =	vpush v4, $0x7  }
0xd4: {  	[dreg:$0xd] =	wrdreg s2;
	s2 =	spop (v2sf);
	(v2sf) =	vpush v4, $0x6  }
0xd5: {  	s3 =	spop (v2sf);
	(v2sf) =	vpush v4, $0x5  }
0xd6: {  	s4 =	spop (v2sf);
	(v2sf) =	vpush v4, $0x4  }
0xd7: {  	s11 =	spop (v2sf);
	(v2sf) =	vpush v4, $0x3  }
0xd8: {  	s13 =	spop (v2sf);
	(v2sf) =	vpush v4, $0x2  }
0xd9: {  	s16 =	spop (v2sf);
	(v2sf) =	vpush v4, $0x1  }
0xda: {  	s22 =	spop (v2sf)  }
0xdb: {  	(v2sf) =	vpush v4, $0x0;
	s18 =	spop (v2sf)  }
0xdc: {  	[dreg:$0x11] =	wrdreg s20;
	s20 =	spop (v2sf)  }
0xdd: {  	v54 =	vld [tilespmem:s5+$0xC80];
	[dreg:$0x15] =	wrdreg s22;
	s22 =	spop (v2sf)  }
0xde: {  	v55 =	vld [tilespmem:s5+$0xC90];
	s12 =	spop (v2sf)  }
0xdf: {  	v50 =	vld [tilespmem:s7+$0xC00];
	s6 =	spop (v2sf)  }
0xe0: {  	v42 =	vld [tilespmem:s14+$0xB00];
	s8 =	spop (v2sf)  }
0xe1: {  	v43 =	vld [tilespmem:s14+$0xB10];
	s10 =	spop (v2sf)  }
0xe2: {  	v33 =	vld [tilespmem:s2+$0xA80];
	s15 =	spop (v2sf)  }
0xe3: {  	v12 =	vld [tilespmem:s11+$0x900];
	s17 =	spop (v2sf)  }
0xe4: {  	v13 =	vld [tilespmem:s11+$0x910];
	s24 =	spop (v2sf)  }
0xe5: {  	v8 =	vld [tilespmem:s13+$0x880];
	s0 =	spop (v2sf)  }
0xe6: {  	v9 =	vld [tilespmem:s13+$0x890];
	s26 =	spop (v2sf)  }
0xe7: {  	v4 =	vld [tilespmem:s16+$0x800];
	s31 =	spop (v2sf)  }
0xe8: {  	v5 =	vld [tilespmem:s16+$0x810];
	s30 =	spop (v2sf)  }
0xe9: {  	v10 =	vld [tilespmem:s30+$0x4880]  }
0xea: {  	s16 =	spop (v2sf);
	v11 =	vld [tilespmem:s30+$0x4890]  }
0xeb: {  	v6 =	vld [tilespmem:s16+$0x4800]  }
0xec: {  	v7 =	vld [tilespmem:s16+$0x4810]  }
0xed: {  	v14 =	vld [tilespmem:s31+$0x4900]  }
0xee: {  	v15 =	vld [tilespmem:s31+$0x4910]  }
0xef: {  	v34 =	vld [tilespmem:s2+$0xA90]  }
0xf0: {  	v16 =	vld [tilespmem:s4+$0x980];
	v8 =	vmul.f32 v10, v8;
	v9 =	vmul.f32 v11, v9  }
0xf1: {  	v17 =	vld [tilespmem:s4+$0x990];
	v4 =	vmul.f32 v6, v4;
	v5 =	vmul.f32 v7, v5  }
0xf2: {  	v18 =	vld [tilespmem:s26+$0x4980];
	v60 =	vmul.f32 v14, v12  }
0xf3: {  	v19 =	vld [tilespmem:s26+$0x4990];
	v61 =	vmul.f32 v15, v13;
	v4 =	vadd.f32 v5, v4;
	v5 =	vadd.f32 v9, v8  }
0xf4: {  	v20 =	vld [tilespmem:s17+$0x4B00]  }
0xf5: {  	v21 =	vld [tilespmem:s17+$0x4B10];
	v10 =	vadd.f32 v61, v60;
	v36 =	vperm.xlane v4, v0;
	v37 =	vperm.xlane v5, v0  }
0xf6: {  	v58 =	vld [tilespmem:s3+$0xA00]  }
0xf7: {  	v62 =	vld [tilespmem:s0+$0x4A00];
	v40 =	vperm.xlane v10, v0;
	v4 =	vadd.f32 v4, v36;
	v5 =	vadd.f32 v5, v37  }
0xf8: {  	v38 =	vld [tilespmem:s24+$0x4A80];
	v31 =	vmul.f32 v18, v16;
	v32 =	vmul.f32 v19, v17  }
0xf9: {  	v39 =	vld [tilespmem:s24+$0x4A90];
	v10 =	vadd.f32 v10, v40;
	v44 =	vperm.xlane v4, v1;
	v45 =	vperm.xlane v5, v1  }
0xfa: {  	v59 =	vld [tilespmem:s3+$0xA10];
	v56 =	vmul.f32 v20, v42;
	v57 =	vmul.f32 v21, v43;
	v35 =	vadd.f32 v32, v31  }
0xfb: {  	v63 =	vld [tilespmem:s0+$0x4A10];
	v22 =	vperm.xlane v10, v1;
	v4 =	vadd.f32 v4, v44;
	v5 =	vadd.f32 v5, v45  }
0xfc: {  	v47 =	vld [tilespmem:s9+$0xB90];
	v6 =	vmul.f32 v62, v58;
	v41 =	vperm.xlane v35, v0  }
0xfd: {  	v25 =	vld [tilespmem:s15+$0x4B90];
	v10 =	vadd.f32 v10, v22;
	v48 =	vperm.xlane v4, v2;
	v49 =	vperm.xlane v5, v2  }
0xfe: {  	v51 =	vld [tilespmem:s7+$0xC10];
	v8 =	vmul.f32 v38, v33;
	v9 =	vmul.f32 v39, v34;
	v11 =	vadd.f32 v35, v41  }
0xff: {  	v28 =	vld [tilespmem:s10+$0x4C00];
	v26 =	vperm.xlane v10, v2;
	v4 =	vadd.f32 v4, v48;
	v5 =	vadd.f32 v5, v49  }
0x100: {  	v46 =	vld [tilespmem:s9+$0xB80];
	v7 =	vmul.f32 v63, v59;
	v8 =	vadd.f32 v9, v8;
	v23 =	vperm.xlane v11, v1  }
0x101: {  	v24 =	vld [tilespmem:s15+$0x4B80];
	v10 =	vadd.f32 v10, v26;
	v52 =	vperm.xlane v4, v3;
	v53 =	vperm.xlane v5, v3  }
0x102: {  	v58 =	vld [tilespmem:s8+$0x4C80];
	v62 =	vmul.f32 v25, v47;
	v63 =	vperm.xlane v8, v0;
	v11 =	vadd.f32 v11, v23  }
0x103: {  	v59 =	vld [tilespmem:s8+$0x4C90];
	v30 =	vperm.xlane v10, v3;
	v4 =	vadd.f32 v4, v52;
	v5 =	vadd.f32 v5, v53  }
0x104: {  	v29 =	vld [tilespmem:s10+$0x4C10];
	v25 =	vmul.f32 v28, v50;
	v6 =	vadd.f32 v7, v6;
	v8 =	vadd.f32 v8, v63  }
0x105: {  	v20 =	vld [tilespmem:s6+$0x4D10];
	v27 =	vperm.xlane v11, v2;
	v4 =	vsel vm0, v4, v5;
	v5 =	vadd.f32 v10, v30  }
0x106: {  	v19 =	vld [tilespmem:s6+$0x4D00];
	v7 =	vadd.f32 v57, v56;
	v61 =	vperm.xlane v6, v0;
	v32 =	vperm.xlane v8, v1  }
0x107: {  	v18 =	vld [tilespmem:s12+$0x4D90];
	v11 =	vadd.f32 v11, v27;
	v4 =	vsel vm1, v4, v5;
	v5 =	vmul.f32 v24, v46  }
0x108: {  	v14 =	vld [tilespmem:s23+$0xD10];
	v28 =	vmul.f32 v59, v55;
	v27 =	vmul.f32 v58, v54;
	v8 =	vadd.f32 v8, v32  }
0x109: {  	v13 =	vld [tilespmem:s21+$0xD80];
	v26 =	vmul.f32 v29, v51;
	v31 =	vperm.xlane v11, v3;
	v5 =	vadd.f32 v62, v5  }
0x10a: {  	s24 =	rddreg [dreg:$0x19];
	v15 =	vld [tilespmem:s21+$0xD90];
	v6 =	vadd.f32 v6, v61;
	v40 =	vperm.xlane v8, v2;
	v24 =	vperm.xlane v7, v0  }
0x10b: {  	v45 =	vld [tilespmem:s24+$0xE90];
	v60 =	vadd.f32 v11, v31;
	v30 =	vadd.f32 v26, v25;
	v29 =	vperm.xlane v5, v0  }
0x10c: {  	v49 =	vld [tilespmem:s20+$0x4E90];
	v31 =	vperm.xlane v6, v1;
	v11 =	vadd.f32 v28, v27;
	v7 =	vadd.f32 v7, v24  }
0x10d: {  	v12 =	vld [tilespmem:s12+$0x4D80];
	v8 =	vadd.f32 v8, v40;
	v33 =	vperm.xlane v30, v0;
	v5 =	vadd.f32 v5, v29  }
0x10e: {  	v38 =	vld [tilespmem:s22+$0x4E00];
	v6 =	vadd.f32 v6, v31;
	v35 =	vperm.xlane v11, v0;
	v34 =	vperm.xlane v7, v1  }
0x10f: {  	v23 =	vld [tilespmem:s19+$0xE00];
	v50 =	vperm.xlane v8, v3;
	v10 =	vadd.f32 v30, v33;
	v36 =	vperm.xlane v5, v1  }
0x110: {  	v39 =	vld [tilespmem:s22+$0x4E10];
	v37 =	vperm.xlane v6, v2;
	v11 =	vadd.f32 v11, v35;
	v7 =	vadd.f32 v7, v34  }
0x111: {  	v9 =	vld [tilespmem:s23+$0xD00];
	v40 =	vmul.f32 v49, v45;
	v41 =	vperm.xlane v10, v1;
	v5 =	vadd.f32 v5, v36  }
0x112: {  	v59 =	vld [tilespmem:s18+$0x4F10];
	v8 =	vadd.f32 v8, v50;
	v6 =	vadd.f32 v6, v37;
	v42 =	vperm.xlane v7, v2  }
0x113: {  	s26 =	rddreg [dreg:$0x11];
	v44 =	vld [tilespmem:s24+$0xE80];
	v43 =	vperm.xlane v11, v1;
	v10 =	vadd.f32 v10, v41;
	v46 =	vperm.xlane v5, v2  }
0x114: {  	v54 =	vld [tilespmem:s26+$0xF00];
	v37 =	vmul.f32 v38, v23;
	v47 =	vperm.xlane v6, v3;
	v7 =	vadd.f32 v7, v42  }
0x115: {  	v58 =	vld [tilespmem:s18+$0x4F00];
	v4 =	vsel vm2, v4, v60;
	v51 =	vperm.xlane v10, v2;
	v5 =	vadd.f32 v5, v46  }
0x116: {  	v32 =	vld [tilespmem:s26+$0xF10];
	v11 =	vadd.f32 v11, v43;
	v6 =	vadd.f32 v6, v47;
	v52 =	vperm.xlane v7, v3  }
0x117: {  	v48 =	vld [tilespmem:s20+$0x4E80];
	v30 =	vmul.f32 v19, v9;
	v10 =	vadd.f32 v10, v51;
	v55 =	vperm.xlane v5, v3  }
0x118: {  	s30 =	rddreg [dreg:$0xd];
	v24 =	vld [tilespmem:s19+$0xE10];
	v53 =	vperm.xlane v11, v2;
	v4 =	vsel vm3, v4, v6;
	v56 =	vadd.f32 v7, v52  }
0x119: {  	s31 =	rddreg [dreg:$0x15];
	v62 =	vld [tilespmem:s30+$0xF80];
	v4 =	vsel vm4, v4, v8;
	v60 =	vperm.xlane v10, v3;
	v5 =	vadd.f32 v5, v55  }
0x11a: {  	v33 =	vmul.f32 v20, v14;
	v57 =	vadd.f32 v11, v53;
	v34 =	vld [tilespmem:s31+$0x4F80];
	v4 =	vsel vm5, v4, v56  }
0x11b: {  	v63 =	vld [tilespmem:s30+$0xF90];
	v11 =	vmul.f32 v58, v54;
	v4 =	vsel vm6, v4, v5;
	v5 =	vadd.f32 v10, v60  }
0x11c: {  	v35 =	vld [tilespmem:s31+$0x4F90];
	v41 =	vmul.f32 v59, v32;
	v61 =	vperm.xlane v57, v3  }
0x11d: {  	v36 =	vmul.f32 v18, v15;
	v4 =	vsel vm7, v4, v5;
	v5 =	vmul.f32 v12, v13  }
0x11e: {  	v38 =	vmul.f32 v39, v24;
	v6 =	vadd.f32 v57, v61;
	v7 =	vadd.f32 v33, v30  }
0x11f: {  	v39 =	vmul.f32 v48, v44;
	v9 =	vmul.f32 v34, v62;
	v5 =	vadd.f32 v36, v5  }
0x120: {  	v42 =	vperm.xlane v7, v0;
	v4 =	vsel vm8, v4, v6;
	v6 =	vadd.f32 v38, v37  }
0x121: {  	v8 =	vadd.f32 v40, v39;
	v10 =	vmul.f32 v35, v63;
	v43 =	vperm.xlane v5, v0  }
0x122: {  	v11 =	vadd.f32 v41, v11;
	v7 =	vadd.f32 v7, v42;
	v44 =	vperm.xlane v6, v0  }
0x123: {  	v45 =	vperm.xlane v8, v0;
	v9 =	vadd.f32 v10, v9;
	v5 =	vadd.f32 v5, v43  }
0x124: {  	v47 =	vperm.xlane v11, v0;
	v46 =	vperm.xlane v7, v1;
	v6 =	vadd.f32 v6, v44  }
0x125: {  	v8 =	vadd.f32 v8, v45;
	v48 =	vperm.xlane v9, v0;
	v14 =	vperm.xlane v5, v1  }
0x126: {  	v11 =	vadd.f32 v11, v47;
	v7 =	vadd.f32 v7, v46;
	v49 =	vperm.xlane v6, v1  }
0x127: {  	v50 =	vperm.xlane v8, v1;
	v9 =	vadd.f32 v9, v48;
	v5 =	vadd.f32 v5, v14  }
0x128: {  	v52 =	vperm.xlane v11, v1;
	v51 =	vperm.xlane v7, v2;
	v6 =	vadd.f32 v6, v49  }
0x129: {  	v8 =	vadd.f32 v8, v50;
	v53 =	vperm.xlane v9, v1;
	v14 =	vperm.xlane v5, v2  }
0x12a: {  	v10 =	vadd.f32 v11, v52;
	v7 =	vadd.f32 v7, v51;
	v54 =	vperm.xlane v6, v2  }
0x12b: {  	v55 =	vperm.xlane v8, v2;
	v9 =	vadd.f32 v9, v53;
	v5 =	vadd.f32 v5, v14  }
0x12c: {  	v57 =	vperm.xlane v10, v2;
	v56 =	vperm.xlane v7, v3;
	v6 =	vadd.f32 v6, v54  }
0x12d: {  	v8 =	vadd.f32 v8, v55;
	v58 =	vperm.xlane v9, v2;
	v14 =	vperm.xlane v5, v3  }
0x12e: {  	v10 =	vadd.f32 v10, v57;
	v7 =	vadd.f32 v7, v56;
	v59 =	vperm.xlane v6, v3  }
0x12f: {  	v60 =	vperm.xlane v8, v3;
	v9 =	vadd.f32 v9, v58;
	v5 =	vadd.f32 v5, v14  }
0x130: {  	v61 =	vperm.xlane v10, v3;
	v4 =	vsel vm9, v4, v7;
	v6 =	vadd.f32 v6, v59  }
0x131: {  	p0 =	sne.s32 s25, $0xE000;
	v62 =	vperm.xlane v9, v3;
	v4 =	vsel vm10, v4, v5;
	v5 =	vadd.f32 v8, v60  }
.Ltmp1:
0x132: {  	v63 =	vadd.f32 v10, v61;
	v4 =	vsel vm11, v4, v6;
	(pc) =	sbr.rel @p0 .LBB2_4-.Ltmp1, $4  }
0x133: {  	v4 =	vsel vm12, v4, v5;
	v5 =	vadd.f32 v9, v62  }
0x134: {  	v4 =	vsel vm13, v4, v63  }
0x135: {  	s1 =	sadd.s32 $0x10, s1;
	v4 =	vsel vm14, v4, v5  }
0x136: {  	s28 =	sadd.s32 $0x10, s28;
	s25 =	sadd.s32 $0x2000, s25;
	[tilespmem:s29+$0x0] =	vst v4;
	s29 =	sadd.s32 $0x10, s29  }
0x137: {  	s0 =	rddreg [dreg:$0x3];
	s1 =	simm.s32 $0x80  }
0x138: {  	s2 =	simm.s32 $0x800;
	s3 =	simm.s32 $0x100;
	s24 =	rddreg [dreg:$0x4]  }
0x139: {  	[tilespmem:s2], [sflag:$0x1] =	stream.indirect.gather [hbm4b:s0+s1], $0x80, s3, s1, $0xb8;
	[tilespmem:$0x8A00] =	vst v63  }
0x13a: {  	s25 =	simm.s32 $0x4800;
	s26 =	simm.s32 $0x300;
	s30 =	simm.s32 $0x1  }
0x13b: {  	[tilespmem:s25], [sflag:$0x2] =	stream.indirect.gather [hbm4b:s24+s1], $0x80, s26, s1, $0xb8;
	[tilespmem:$0x8A00] =	vst v63  }
0x13c: {  	_ =	swait.ge [sflag:s30], $0x4000  }
0x13d: {  	[sflag:s30] =	ssyncset.done $0x0  }
0x13e: {  	s31 =	simm.s32 $0x2;
	[sflag:s30] =	ssyncadd.s32 $0xFFFFC000  }
0x13f: {  	_ =	swait.ge [sflag:s31], $0x4000  }
0x140: {  	s28 =	simm.s32 $0x700;
	s29 =	simm.s32 $0x8900;
	[sflag:s31] =	ssyncset.done $0x0  }
0x141: {  	s25 =	simm.s32 $0x0;
	s1 =	simm.s32 $0x500;
	[sflag:s31] =	ssyncadd.s32 $0xFFFFC000  }
.LBB2_6:
0x142: {  	v4 =	vld [tilespmem:s1+$0x0];
	_ =	sdelay $0x4  }
0x143: {  	v4 =	vshll.u32 v4, $0x2  }
0x144: {  	s0 =	sshra.s32 s25, $0x2;
	v4 =	vshra.s32 v4, $0x2  }
0x145: {  	v4 =	vadd.s32 s0, v4  }
0x146: {  	(v2sf) =	vpush v4, $0xF  }
0x147: {  	(v2sf) =	vpush v4, $0xE  }
0x148: {  	(v2sf) =	vpush v4, $0xD  }
0x149: {  	(v2sf) =	vpush v4, $0xC  }
0x14a: {  	(v2sf) =	vpush v4, $0xB  }
0x14b: {  	(v2sf) =	vpush v4, $0xA  }
0x14c: {  	(v2sf) =	vpush v4, $0x9  }
0x14d: {  	(v2sf) =	vpush v4, $0x8  }
0x14e: {  	v5 =	vld [tilespmem:s28+$0x0];
	(v2sf) =	vpush v4, $0x7  }
0x14f: {  	(v2sf) =	vpush v4, $0x6  }
0x150: {  	(v2sf) =	vpush v4, $0x5  }
0x151: {  	(v2sf) =	vpush v4, $0x4  }
0x152: {  	(v2sf) =	vpush v4, $0x3  }
0x153: {  	v5 =	vshll.u32 v5, $0x2;
	(v2sf) =	vpush v4, $0x2  }
0x154: {  	v5 =	vshra.s32 v5, $0x2;
	(v2sf) =	vpush v4, $0x1  }
0x155: {  	s2 =	spop (v2sf);
	(v2sf) =	vpush v4, $0x0;
	v4 =	vadd.s32 s0, v5  }
0x156: {  	s20 =	spop (v2sf);
	(v2sf) =	vpush v4, $0xF  }
0x157: {  	s21 =	spop (v2sf);
	(v2sf) =	vpush v4, $0xE  }
0x158: {  	s19 =	spop (v2sf);
	(v2sf) =	vpush v4, $0xD  }
0x159: {  	[dreg:$0x1a] =	wrdreg s21;
	s21 =	spop (v2sf);
	(v2sf) =	vpush v4, $0xC  }
0x15a: {  	s23 =	spop (v2sf);
	(v2sf) =	vpush v4, $0xB  }
0x15b: {  	s5 =	spop (v2sf);
	(v2sf) =	vpush v4, $0xA  }
0x15c: {  	s7 =	spop (v2sf);
	(v2sf) =	vpush v4, $0x9  }
0x15d: {  	s9 =	spop (v2sf);
	(v2sf) =	vpush v4, $0x8  }
0x15e: {  	s14 =	spop (v2sf);
	(v2sf) =	vpush v4, $0x7  }
0x15f: {  	[dreg:$0xe] =	wrdreg s2;
	s2 =	spop (v2sf);
	(v2sf) =	vpush v4, $0x6  }
0x160: {  	s3 =	spop (v2sf);
	(v2sf) =	vpush v4, $0x5  }
0x161: {  	s4 =	spop (v2sf);
	(v2sf) =	vpush v4, $0x4  }
0x162: {  	s11 =	spop (v2sf);
	(v2sf) =	vpush v4, $0x3  }
0x163: {  	s13 =	spop (v2sf);
	(v2sf) =	vpush v4, $0x2  }
0x164: {  	s16 =	spop (v2sf);
	(v2sf) =	vpush v4, $0x1  }
0x165: {  	s22 =	spop (v2sf)  }
0x166: {  	(v2sf) =	vpush v4, $0x0;
	s18 =	spop (v2sf)  }
0x167: {  	[dreg:$0x12] =	wrdreg s20;
	s20 =	spop (v2sf)  }
0x168: {  	v54 =	vld [tilespmem:s5+$0xC80];
	[dreg:$0x16] =	wrdreg s22;
	s22 =	spop (v2sf)  }
0x169: {  	v55 =	vld [tilespmem:s5+$0xC90];
	s12 =	spop (v2sf)  }
0x16a: {  	v50 =	vld [tilespmem:s7+$0xC00];
	s6 =	spop (v2sf)  }
0x16b: {  	v42 =	vld [tilespmem:s14+$0xB00];
	s8 =	spop (v2sf)  }
0x16c: {  	v43 =	vld [tilespmem:s14+$0xB10];
	s10 =	spop (v2sf)  }
0x16d: {  	v33 =	vld [tilespmem:s2+$0xA80];
	s15 =	spop (v2sf)  }
0x16e: {  	v12 =	vld [tilespmem:s11+$0x900];
	s17 =	spop (v2sf)  }
0x16f: {  	v13 =	vld [tilespmem:s11+$0x910];
	s24 =	spop (v2sf)  }
0x170: {  	v8 =	vld [tilespmem:s13+$0x880];
	s0 =	spop (v2sf)  }
0x171: {  	v9 =	vld [tilespmem:s13+$0x890];
	s26 =	spop (v2sf)  }
0x172: {  	v4 =	vld [tilespmem:s16+$0x800];
	s31 =	spop (v2sf)  }
0x173: {  	v5 =	vld [tilespmem:s16+$0x810];
	s30 =	spop (v2sf)  }
0x174: {  	v10 =	vld [tilespmem:s30+$0x4880]  }
0x175: {  	s16 =	spop (v2sf);
	v11 =	vld [tilespmem:s30+$0x4890]  }
0x176: {  	v6 =	vld [tilespmem:s16+$0x4800]  }
0x177: {  	v7 =	vld [tilespmem:s16+$0x4810]  }
0x178: {  	v14 =	vld [tilespmem:s31+$0x4900]  }
0x179: {  	v15 =	vld [tilespmem:s31+$0x4910]  }
0x17a: {  	v34 =	vld [tilespmem:s2+$0xA90]  }
0x17b: {  	v16 =	vld [tilespmem:s4+$0x980];
	v8 =	vmul.f32 v10, v8;
	v9 =	vmul.f32 v11, v9  }
0x17c: {  	v17 =	vld [tilespmem:s4+$0x990];
	v4 =	vmul.f32 v6, v4;
	v5 =	vmul.f32 v7, v5  }
0x17d: {  	v18 =	vld [tilespmem:s26+$0x4980];
	v60 =	vmul.f32 v14, v12  }
0x17e: {  	v19 =	vld [tilespmem:s26+$0x4990];
	v61 =	vmul.f32 v15, v13;
	v4 =	vadd.f32 v5, v4;
	v5 =	vadd.f32 v9, v8  }
0x17f: {  	v20 =	vld [tilespmem:s17+$0x4B00]  }
0x180: {  	v21 =	vld [tilespmem:s17+$0x4B10];
	v10 =	vadd.f32 v61, v60;
	v36 =	vperm.xlane v4, v0;
	v37 =	vperm.xlane v5, v0  }
0x181: {  	v58 =	vld [tilespmem:s3+$0xA00]  }
0x182: {  	v62 =	vld [tilespmem:s0+$0x4A00];
	v40 =	vperm.xlane v10, v0;
	v4 =	vadd.f32 v4, v36;
	v5 =	vadd.f32 v5, v37  }
0x183: {  	v38 =	vld [tilespmem:s24+$0x4A80];
	v31 =	vmul.f32 v18, v16;
	v32 =	vmul.f32 v19, v17  }
0x184: {  	v39 =	vld [tilespmem:s24+$0x4A90];
	v10 =	vadd.f32 v10, v40;
	v44 =	vperm.xlane v4, v1;
	v45 =	vperm.xlane v5, v1  }
0x185: {  	v59 =	vld [tilespmem:s3+$0xA10];
	v56 =	vmul.f32 v20, v42;
	v57 =	vmul.f32 v21, v43;
	v35 =	vadd.f32 v32, v31  }
0x186: {  	v63 =	vld [tilespmem:s0+$0x4A10];
	v22 =	vperm.xlane v10, v1;
	v4 =	vadd.f32 v4, v44;
	v5 =	vadd.f32 v5, v45  }
0x187: {  	v47 =	vld [tilespmem:s9+$0xB90];
	v6 =	vmul.f32 v62, v58;
	v41 =	vperm.xlane v35, v0  }
0x188: {  	v25 =	vld [tilespmem:s15+$0x4B90];
	v10 =	vadd.f32 v10, v22;
	v48 =	vperm.xlane v4, v2;
	v49 =	vperm.xlane v5, v2  }
0x189: {  	v51 =	vld [tilespmem:s7+$0xC10];
	v8 =	vmul.f32 v38, v33;
	v9 =	vmul.f32 v39, v34;
	v11 =	vadd.f32 v35, v41  }
0x18a: {  	v28 =	vld [tilespmem:s10+$0x4C00];
	v26 =	vperm.xlane v10, v2;
	v4 =	vadd.f32 v4, v48;
	v5 =	vadd.f32 v5, v49  }
0x18b: {  	v46 =	vld [tilespmem:s9+$0xB80];
	v7 =	vmul.f32 v63, v59;
	v8 =	vadd.f32 v9, v8;
	v23 =	vperm.xlane v11, v1  }
0x18c: {  	v24 =	vld [tilespmem:s15+$0x4B80];
	v10 =	vadd.f32 v10, v26;
	v52 =	vperm.xlane v4, v3;
	v53 =	vperm.xlane v5, v3  }
0x18d: {  	v58 =	vld [tilespmem:s8+$0x4C80];
	v62 =	vmul.f32 v25, v47;
	v63 =	vperm.xlane v8, v0;
	v11 =	vadd.f32 v11, v23  }
0x18e: {  	v59 =	vld [tilespmem:s8+$0x4C90];
	v30 =	vperm.xlane v10, v3;
	v4 =	vadd.f32 v4, v52;
	v5 =	vadd.f32 v5, v53  }
0x18f: {  	v29 =	vld [tilespmem:s10+$0x4C10];
	v25 =	vmul.f32 v28, v50;
	v6 =	vadd.f32 v7, v6;
	v8 =	vadd.f32 v8, v63  }
0x190: {  	v20 =	vld [tilespmem:s6+$0x4D10];
	v27 =	vperm.xlane v11, v2;
	v4 =	vsel vm0, v4, v5;
	v5 =	vadd.f32 v10, v30  }
0x191: {  	v19 =	vld [tilespmem:s6+$0x4D00];
	v7 =	vadd.f32 v57, v56;
	v61 =	vperm.xlane v6, v0;
	v32 =	vperm.xlane v8, v1  }
0x192: {  	v18 =	vld [tilespmem:s12+$0x4D90];
	v11 =	vadd.f32 v11, v27;
	v4 =	vsel vm1, v4, v5;
	v5 =	vmul.f32 v24, v46  }
0x193: {  	v14 =	vld [tilespmem:s23+$0xD10];
	v28 =	vmul.f32 v59, v55;
	v27 =	vmul.f32 v58, v54;
	v8 =	vadd.f32 v8, v32  }
0x194: {  	v13 =	vld [tilespmem:s21+$0xD80];
	v26 =	vmul.f32 v29, v51;
	v31 =	vperm.xlane v11, v3;
	v5 =	vadd.f32 v62, v5  }
0x195: {  	s24 =	rddreg [dreg:$0x1a];
	v15 =	vld [tilespmem:s21+$0xD90];
	v6 =	vadd.f32 v6, v61;
	v40 =	vperm.xlane v8, v2;
	v24 =	vperm.xlane v7, v0  }
0x196: {  	v45 =	vld [tilespmem:s24+$0xE90];
	v60 =	vadd.f32 v11, v31;
	v30 =	vadd.f32 v26, v25;
	v29 =	vperm.xlane v5, v0  }
0x197: {  	v49 =	vld [tilespmem:s20+$0x4E90];
	v31 =	vperm.xlane v6, v1;
	v11 =	vadd.f32 v28, v27;
	v7 =	vadd.f32 v7, v24  }
0x198: {  	v12 =	vld [tilespmem:s12+$0x4D80];
	v8 =	vadd.f32 v8, v40;
	v33 =	vperm.xlane v30, v0;
	v5 =	vadd.f32 v5, v29  }
0x199: {  	v38 =	vld [tilespmem:s22+$0x4E00];
	v6 =	vadd.f32 v6, v31;
	v35 =	vperm.xlane v11, v0;
	v34 =	vperm.xlane v7, v1  }
0x19a: {  	v23 =	vld [tilespmem:s19+$0xE00];
	v50 =	vperm.xlane v8, v3;
	v10 =	vadd.f32 v30, v33;
	v36 =	vperm.xlane v5, v1  }
0x19b: {  	v39 =	vld [tilespmem:s22+$0x4E10];
	v37 =	vperm.xlane v6, v2;
	v11 =	vadd.f32 v11, v35;
	v7 =	vadd.f32 v7, v34  }
0x19c: {  	v9 =	vld [tilespmem:s23+$0xD00];
	v40 =	vmul.f32 v49, v45;
	v41 =	vperm.xlane v10, v1;
	v5 =	vadd.f32 v5, v36  }
0x19d: {  	v59 =	vld [tilespmem:s18+$0x4F10];
	v8 =	vadd.f32 v8, v50;
	v6 =	vadd.f32 v6, v37;
	v42 =	vperm.xlane v7, v2  }
0x19e: {  	s26 =	rddreg [dreg:$0x12];
	v44 =	vld [tilespmem:s24+$0xE80];
	v43 =	vperm.xlane v11, v1;
	v10 =	vadd.f32 v10, v41;
	v46 =	vperm.xlane v5, v2  }
0x19f: {  	v54 =	vld [tilespmem:s26+$0xF00];
	v37 =	vmul.f32 v38, v23;
	v47 =	vperm.xlane v6, v3;
	v7 =	vadd.f32 v7, v42  }
0x1a0: {  	v58 =	vld [tilespmem:s18+$0x4F00];
	v4 =	vsel vm2, v4, v60;
	v51 =	vperm.xlane v10, v2;
	v5 =	vadd.f32 v5, v46  }
0x1a1: {  	v32 =	vld [tilespmem:s26+$0xF10];
	v11 =	vadd.f32 v11, v43;
	v6 =	vadd.f32 v6, v47;
	v52 =	vperm.xlane v7, v3  }
0x1a2: {  	v48 =	vld [tilespmem:s20+$0x4E80];
	v30 =	vmul.f32 v19, v9;
	v10 =	vadd.f32 v10, v51;
	v55 =	vperm.xlane v5, v3  }
0x1a3: {  	s30 =	rddreg [dreg:$0xe];
	v24 =	vld [tilespmem:s19+$0xE10];
	v53 =	vperm.xlane v11, v2;
	v4 =	vsel vm3, v4, v6;
	v56 =	vadd.f32 v7, v52  }
0x1a4: {  	s31 =	rddreg [dreg:$0x16];
	v62 =	vld [tilespmem:s30+$0xF80];
	v4 =	vsel vm4, v4, v8;
	v60 =	vperm.xlane v10, v3;
	v5 =	vadd.f32 v5, v55  }
0x1a5: {  	v33 =	vmul.f32 v20, v14;
	v57 =	vadd.f32 v11, v53;
	v34 =	vld [tilespmem:s31+$0x4F80];
	v4 =	vsel vm5, v4, v56  }
0x1a6: {  	v63 =	vld [tilespmem:s30+$0xF90];
	v11 =	vmul.f32 v58, v54;
	v4 =	vsel vm6, v4, v5;
	v5 =	vadd.f32 v10, v60  }
0x1a7: {  	v35 =	vld [tilespmem:s31+$0x4F90];
	v41 =	vmul.f32 v59, v32;
	v61 =	vperm.xlane v57, v3  }
0x1a8: {  	v36 =	vmul.f32 v18, v15;
	v4 =	vsel vm7, v4, v5;
	v5 =	vmul.f32 v12, v13  }
0x1a9: {  	v38 =	vmul.f32 v39, v24;
	v6 =	vadd.f32 v57, v61;
	v7 =	vadd.f32 v33, v30  }
0x1aa: {  	v39 =	vmul.f32 v48, v44;
	v9 =	vmul.f32 v34, v62;
	v5 =	vadd.f32 v36, v5  }
0x1ab: {  	v42 =	vperm.xlane v7, v0;
	v4 =	vsel vm8, v4, v6;
	v6 =	vadd.f32 v38, v37  }
0x1ac: {  	v8 =	vadd.f32 v40, v39;
	v10 =	vmul.f32 v35, v63;
	v43 =	vperm.xlane v5, v0  }
0x1ad: {  	v11 =	vadd.f32 v41, v11;
	v7 =	vadd.f32 v7, v42;
	v44 =	vperm.xlane v6, v0  }
0x1ae: {  	v45 =	vperm.xlane v8, v0;
	v9 =	vadd.f32 v10, v9;
	v5 =	vadd.f32 v5, v43  }
0x1af: {  	v47 =	vperm.xlane v11, v0;
	v46 =	vperm.xlane v7, v1;
	v6 =	vadd.f32 v6, v44  }
0x1b0: {  	v8 =	vadd.f32 v8, v45;
	v48 =	vperm.xlane v9, v0;
	v14 =	vperm.xlane v5, v1  }
0x1b1: {  	v11 =	vadd.f32 v11, v47;
	v7 =	vadd.f32 v7, v46;
	v49 =	vperm.xlane v6, v1  }
0x1b2: {  	v50 =	vperm.xlane v8, v1;
	v9 =	vadd.f32 v9, v48;
	v5 =	vadd.f32 v5, v14  }
0x1b3: {  	v52 =	vperm.xlane v11, v1;
	v51 =	vperm.xlane v7, v2;
	v6 =	vadd.f32 v6, v49  }
0x1b4: {  	v8 =	vadd.f32 v8, v50;
	v53 =	vperm.xlane v9, v1;
	v14 =	vperm.xlane v5, v2  }
0x1b5: {  	v10 =	vadd.f32 v11, v52;
	v7 =	vadd.f32 v7, v51;
	v54 =	vperm.xlane v6, v2  }
0x1b6: {  	v55 =	vperm.xlane v8, v2;
	v9 =	vadd.f32 v9, v53;
	v5 =	vadd.f32 v5, v14  }
0x1b7: {  	v57 =	vperm.xlane v10, v2;
	v56 =	vperm.xlane v7, v3;
	v6 =	vadd.f32 v6, v54  }
0x1b8: {  	v8 =	vadd.f32 v8, v55;
	v58 =	vperm.xlane v9, v2;
	v14 =	vperm.xlane v5, v3  }
0x1b9: {  	v10 =	vadd.f32 v10, v57;
	v7 =	vadd.f32 v7, v56;
	v59 =	vperm.xlane v6, v3  }
0x1ba: {  	v60 =	vperm.xlane v8, v3;
	v9 =	vadd.f32 v9, v58;
	v5 =	vadd.f32 v5, v14  }
0x1bb: {  	v61 =	vperm.xlane v10, v3;
	v4 =	vsel vm9, v4, v7;
	v6 =	vadd.f32 v6, v59  }
0x1bc: {  	p0 =	sne.s32 s25, $0xE000;
	v62 =	vperm.xlane v9, v3;
	v4 =	vsel vm10, v4, v5;
	v5 =	vadd.f32 v8, v60  }
.Ltmp2:
0x1bd: {  	v63 =	vadd.f32 v10, v61;
	v4 =	vsel vm11, v4, v6;
	(pc) =	sbr.rel @p0 .LBB2_6-.Ltmp2, $4  }
0x1be: {  	v4 =	vsel vm12, v4, v5;
	v5 =	vadd.f32 v9, v62  }
0x1bf: {  	v4 =	vsel vm13, v4, v63  }
0x1c0: {  	s1 =	sadd.s32 $0x10, s1;
	v4 =	vsel vm14, v4, v5  }
0x1c1: {  	s28 =	sadd.s32 $0x10, s28;
	s25 =	sadd.s32 $0x2000, s25;
	[tilespmem:s29+$0x0] =	vst v4;
	s29 =	sadd.s32 $0x10, s29  }
0x1c2: {  	s0 =	rddreg [dreg:$0x3];
	s1 =	simm.s32 $0x80  }
0x1c3: {  	s2 =	simm.s32 $0x800;
	s3 =	simm.s32 $0x180;
	s24 =	rddreg [dreg:$0x4]  }
0x1c4: {  	[tilespmem:s2], [sflag:$0x1] =	stream.indirect.gather [hbm4b:s0+s1], $0x80, s3, s1, $0xb8;
	[tilespmem:$0x8A00] =	vst v63  }
0x1c5: {  	s25 =	simm.s32 $0x4800;
	s26 =	simm.s32 $0x380;
	s30 =	simm.s32 $0x1  }
0x1c6: {  	[tilespmem:s25], [sflag:$0x2] =	stream.indirect.gather [hbm4b:s24+s1], $0x80, s26, s1, $0xb8;
	[tilespmem:$0x8A00] =	vst v63  }
0x1c7: {  	_ =	swait.ge [sflag:s30], $0x4000  }
0x1c8: {  	[sflag:s30] =	ssyncset.done $0x0  }
0x1c9: {  	s31 =	simm.s32 $0x2;
	[sflag:s30] =	ssyncadd.s32 $0xFFFFC000  }
0x1ca: {  	_ =	swait.ge [sflag:s31], $0x4000  }
0x1cb: {  	s28 =	simm.s32 $0x780;
	s29 =	simm.s32 $0x8980;
	[sflag:s31] =	ssyncset.done $0x0  }
0x1cc: {  	s25 =	simm.s32 $0x0;
	s1 =	simm.s32 $0x580;
	[sflag:s31] =	ssyncadd.s32 $0xFFFFC000  }
.LBB2_8:
0x1cd: {  	v4 =	vld [tilespmem:s1+$0x0];
	_ =	sdelay $0x4  }
0x1ce: {  	v4 =	vshll.u32 v4, $0x2  }
0x1cf: {  	s0 =	sshra.s32 s25, $0x2;
	v4 =	vshra.s32 v4, $0x2  }
0x1d0: {  	v4 =	vadd.s32 s0, v4  }
0x1d1: {  	(v2sf) =	vpush v4, $0xF  }
0x1d2: {  	(v2sf) =	vpush v4, $0xE  }
0x1d3: {  	(v2sf) =	vpush v4, $0xD  }
0x1d4: {  	(v2sf) =	vpush v4, $0xC  }
0x1d5: {  	(v2sf) =	vpush v4, $0xB  }
0x1d6: {  	(v2sf) =	vpush v4, $0xA  }
0x1d7: {  	(v2sf) =	vpush v4, $0x9  }
0x1d8: {  	(v2sf) =	vpush v4, $0x8  }
0x1d9: {  	v5 =	vld [tilespmem:s28+$0x0];
	(v2sf) =	vpush v4, $0x7  }
0x1da: {  	(v2sf) =	vpush v4, $0x6  }
0x1db: {  	(v2sf) =	vpush v4, $0x5  }
0x1dc: {  	(v2sf) =	vpush v4, $0x4  }
0x1dd: {  	(v2sf) =	vpush v4, $0x3  }
0x1de: {  	v5 =	vshll.u32 v5, $0x2;
	(v2sf) =	vpush v4, $0x2  }
0x1df: {  	v5 =	vshra.s32 v5, $0x2;
	(v2sf) =	vpush v4, $0x1  }
0x1e0: {  	s2 =	spop (v2sf);
	(v2sf) =	vpush v4, $0x0;
	v4 =	vadd.s32 s0, v5  }
0x1e1: {  	s20 =	spop (v2sf);
	(v2sf) =	vpush v4, $0xF  }
0x1e2: {  	s21 =	spop (v2sf);
	(v2sf) =	vpush v4, $0xE  }
0x1e3: {  	s19 =	spop (v2sf);
	(v2sf) =	vpush v4, $0xD  }
0x1e4: {  	[dreg:$0x1b] =	wrdreg s21;
	s21 =	spop (v2sf);
	(v2sf) =	vpush v4, $0xC  }
0x1e5: {  	s23 =	spop (v2sf);
	(v2sf) =	vpush v4, $0xB  }
0x1e6: {  	s5 =	spop (v2sf);
	(v2sf) =	vpush v4, $0xA  }
0x1e7: {  	s7 =	spop (v2sf);
	(v2sf) =	vpush v4, $0x9  }
0x1e8: {  	s9 =	spop (v2sf);
	(v2sf) =	vpush v4, $0x8  }
0x1e9: {  	s14 =	spop (v2sf);
	(v2sf) =	vpush v4, $0x7  }
0x1ea: {  	[dreg:$0xf] =	wrdreg s2;
	s2 =	spop (v2sf);
	(v2sf) =	vpush v4, $0x6  }
0x1eb: {  	s3 =	spop (v2sf);
	(v2sf) =	vpush v4, $0x5  }
0x1ec: {  	s4 =	spop (v2sf);
	(v2sf) =	vpush v4, $0x4  }
0x1ed: {  	s11 =	spop (v2sf);
	(v2sf) =	vpush v4, $0x3  }
0x1ee: {  	s13 =	spop (v2sf);
	(v2sf) =	vpush v4, $0x2  }
0x1ef: {  	s16 =	spop (v2sf);
	(v2sf) =	vpush v4, $0x1  }
0x1f0: {  	s22 =	spop (v2sf)  }
0x1f1: {  	(v2sf) =	vpush v4, $0x0;
	s18 =	spop (v2sf)  }
0x1f2: {  	[dreg:$0x13] =	wrdreg s20;
	s20 =	spop (v2sf)  }
0x1f3: {  	v54 =	vld [tilespmem:s5+$0xC80];
	[dreg:$0x17] =	wrdreg s22;
	s22 =	spop (v2sf)  }
0x1f4: {  	v55 =	vld [tilespmem:s5+$0xC90];
	s12 =	spop (v2sf)  }
0x1f5: {  	v50 =	vld [tilespmem:s7+$0xC00];
	s6 =	spop (v2sf)  }
0x1f6: {  	v42 =	vld [tilespmem:s14+$0xB00];
	s8 =	spop (v2sf)  }
0x1f7: {  	v43 =	vld [tilespmem:s14+$0xB10];
	s10 =	spop (v2sf)  }
0x1f8: {  	v33 =	vld [tilespmem:s2+$0xA80];
	s15 =	spop (v2sf)  }
0x1f9: {  	v12 =	vld [tilespmem:s11+$0x900];
	s17 =	spop (v2sf)  }
0x1fa: {  	v13 =	vld [tilespmem:s11+$0x910];
	s24 =	spop (v2sf)  }
0x1fb: {  	v8 =	vld [tilespmem:s13+$0x880];
	s0 =	spop (v2sf)  }
0x1fc: {  	v9 =	vld [tilespmem:s13+$0x890];
	s26 =	spop (v2sf)  }
0x1fd: {  	v4 =	vld [tilespmem:s16+$0x800];
	s31 =	spop (v2sf)  }
0x1fe: {  	v5 =	vld [tilespmem:s16+$0x810];
	s30 =	spop (v2sf)  }
0x1ff: {  	v10 =	vld [tilespmem:s30+$0x4880]  }
0x200: {  	s16 =	spop (v2sf);
	v11 =	vld [tilespmem:s30+$0x4890]  }
0x201: {  	v6 =	vld [tilespmem:s16+$0x4800]  }
0x202: {  	v7 =	vld [tilespmem:s16+$0x4810]  }
0x203: {  	v14 =	vld [tilespmem:s31+$0x4900]  }
0x204: {  	v15 =	vld [tilespmem:s31+$0x4910]  }
0x205: {  	v34 =	vld [tilespmem:s2+$0xA90]  }
0x206: {  	v16 =	vld [tilespmem:s4+$0x980];
	v8 =	vmul.f32 v10, v8;
	v9 =	vmul.f32 v11, v9  }
0x207: {  	v17 =	vld [tilespmem:s4+$0x990];
	v4 =	vmul.f32 v6, v4;
	v5 =	vmul.f32 v7, v5  }
0x208: {  	v18 =	vld [tilespmem:s26+$0x4980];
	v60 =	vmul.f32 v14, v12  }
0x209: {  	v19 =	vld [tilespmem:s26+$0x4990];
	v61 =	vmul.f32 v15, v13;
	v4 =	vadd.f32 v5, v4;
	v5 =	vadd.f32 v9, v8  }
0x20a: {  	v20 =	vld [tilespmem:s17+$0x4B00]  }
0x20b: {  	v21 =	vld [tilespmem:s17+$0x4B10];
	v10 =	vadd.f32 v61, v60;
	v36 =	vperm.xlane v4, v0;
	v37 =	vperm.xlane v5, v0  }
0x20c: {  	v58 =	vld [tilespmem:s3+$0xA00]  }
0x20d: {  	v62 =	vld [tilespmem:s0+$0x4A00];
	v40 =	vperm.xlane v10, v0;
	v4 =	vadd.f32 v4, v36;
	v5 =	vadd.f32 v5, v37  }
0x20e: {  	v38 =	vld [tilespmem:s24+$0x4A80];
	v31 =	vmul.f32 v18, v16;
	v32 =	vmul.f32 v19, v17  }
0x20f: {  	v39 =	vld [tilespmem:s24+$0x4A90];
	v10 =	vadd.f32 v10, v40;
	v44 =	vperm.xlane v4, v1;
	v45 =	vperm.xlane v5, v1  }
0x210: {  	v59 =	vld [tilespmem:s3+$0xA10];
	v56 =	vmul.f32 v20, v42;
	v57 =	vmul.f32 v21, v43;
	v35 =	vadd.f32 v32, v31  }
0x211: {  	v63 =	vld [tilespmem:s0+$0x4A10];
	v22 =	vperm.xlane v10, v1;
	v4 =	vadd.f32 v4, v44;
	v5 =	vadd.f32 v5, v45  }
0x212: {  	v47 =	vld [tilespmem:s9+$0xB90];
	v6 =	vmul.f32 v62, v58;
	v41 =	vperm.xlane v35, v0  }
0x213: {  	v25 =	vld [tilespmem:s15+$0x4B90];
	v10 =	vadd.f32 v10, v22;
	v48 =	vperm.xlane v4, v2;
	v49 =	vperm.xlane v5, v2  }
0x214: {  	v51 =	vld [tilespmem:s7+$0xC10];
	v8 =	vmul.f32 v38, v33;
	v9 =	vmul.f32 v39, v34;
	v11 =	vadd.f32 v35, v41  }
0x215: {  	v28 =	vld [tilespmem:s10+$0x4C00];
	v26 =	vperm.xlane v10, v2;
	v4 =	vadd.f32 v4, v48;
	v5 =	vadd.f32 v5, v49  }
0x216: {  	v46 =	vld [tilespmem:s9+$0xB80];
	v7 =	vmul.f32 v63, v59;
	v8 =	vadd.f32 v9, v8;
	v23 =	vperm.xlane v11, v1  }
0x217: {  	v24 =	vld [tilespmem:s15+$0x4B80];
	v10 =	vadd.f32 v10, v26;
	v52 =	vperm.xlane v4, v3;
	v53 =	vperm.xlane v5, v3  }
0x218: {  	v58 =	vld [tilespmem:s8+$0x4C80];
	v62 =	vmul.f32 v25, v47;
	v63 =	vperm.xlane v8, v0;
	v11 =	vadd.f32 v11, v23  }
0x219: {  	v59 =	vld [tilespmem:s8+$0x4C90];
	v30 =	vperm.xlane v10, v3;
	v4 =	vadd.f32 v4, v52;
	v5 =	vadd.f32 v5, v53  }
0x21a: {  	v29 =	vld [tilespmem:s10+$0x4C10];
	v25 =	vmul.f32 v28, v50;
	v6 =	vadd.f32 v7, v6;
	v8 =	vadd.f32 v8, v63  }
0x21b: {  	v20 =	vld [tilespmem:s6+$0x4D10];
	v27 =	vperm.xlane v11, v2;
	v4 =	vsel vm0, v4, v5;
	v5 =	vadd.f32 v10, v30  }
0x21c: {  	v19 =	vld [tilespmem:s6+$0x4D00];
	v7 =	vadd.f32 v57, v56;
	v61 =	vperm.xlane v6, v0;
	v32 =	vperm.xlane v8, v1  }
0x21d: {  	v18 =	vld [tilespmem:s12+$0x4D90];
	v11 =	vadd.f32 v11, v27;
	v4 =	vsel vm1, v4, v5;
	v5 =	vmul.f32 v24, v46  }
0x21e: {  	v14 =	vld [tilespmem:s23+$0xD10];
	v28 =	vmul.f32 v59, v55;
	v27 =	vmul.f32 v58, v54;
	v8 =	vadd.f32 v8, v32  }
0x21f: {  	v13 =	vld [tilespmem:s21+$0xD80];
	v26 =	vmul.f32 v29, v51;
	v31 =	vperm.xlane v11, v3;
	v5 =	vadd.f32 v62, v5  }
0x220: {  	s24 =	rddreg [dreg:$0x1b];
	v15 =	vld [tilespmem:s21+$0xD90];
	v6 =	vadd.f32 v6, v61;
	v40 =	vperm.xlane v8, v2;
	v24 =	vperm.xlane v7, v0  }
0x221: {  	v45 =	vld [tilespmem:s24+$0xE90];
	v60 =	vadd.f32 v11, v31;
	v30 =	vadd.f32 v26, v25;
	v29 =	vperm.xlane v5, v0  }
0x222: {  	v49 =	vld [tilespmem:s20+$0x4E90];
	v31 =	vperm.xlane v6, v1;
	v11 =	vadd.f32 v28, v27;
	v7 =	vadd.f32 v7, v24  }
0x223: {  	v12 =	vld [tilespmem:s12+$0x4D80];
	v8 =	vadd.f32 v8, v40;
	v33 =	vperm.xlane v30, v0;
	v5 =	vadd.f32 v5, v29  }
0x224: {  	v38 =	vld [tilespmem:s22+$0x4E00];
	v6 =	vadd.f32 v6, v31;
	v35 =	vperm.xlane v11, v0;
	v34 =	vperm.xlane v7, v1  }
0x225: {  	v23 =	vld [tilespmem:s19+$0xE00];
	v50 =	vperm.xlane v8, v3;
	v10 =	vadd.f32 v30, v33;
	v36 =	vperm.xlane v5, v1  }
0x226: {  	v39 =	vld [tilespmem:s22+$0x4E10];
	v37 =	vperm.xlane v6, v2;
	v11 =	vadd.f32 v11, v35;
	v7 =	vadd.f32 v7, v34  }
0x227: {  	v9 =	vld [tilespmem:s23+$0xD00];
	v40 =	vmul.f32 v49, v45;
	v41 =	vperm.xlane v10, v1;
	v5 =	vadd.f32 v5, v36  }
0x228: {  	v59 =	vld [tilespmem:s18+$0x4F10];
	v8 =	vadd.f32 v8, v50;
	v6 =	vadd.f32 v6, v37;
	v42 =	vperm.xlane v7, v2  }
0x229: {  	s26 =	rddreg [dreg:$0x13];
	v44 =	vld [tilespmem:s24+$0xE80];
	v43 =	vperm.xlane v11, v1;
	v10 =	vadd.f32 v10, v41;
	v46 =	vperm.xlane v5, v2  }
0x22a: {  	v54 =	vld [tilespmem:s26+$0xF00];
	v37 =	vmul.f32 v38, v23;
	v47 =	vperm.xlane v6, v3;
	v7 =	vadd.f32 v7, v42  }
0x22b: {  	v58 =	vld [tilespmem:s18+$0x4F00];
	v4 =	vsel vm2, v4, v60;
	v51 =	vperm.xlane v10, v2;
	v5 =	vadd.f32 v5, v46  }
0x22c: {  	v32 =	vld [tilespmem:s26+$0xF10];
	v11 =	vadd.f32 v11, v43;
	v6 =	vadd.f32 v6, v47;
	v52 =	vperm.xlane v7, v3  }
0x22d: {  	v48 =	vld [tilespmem:s20+$0x4E80];
	v30 =	vmul.f32 v19, v9;
	v10 =	vadd.f32 v10, v51;
	v55 =	vperm.xlane v5, v3  }
0x22e: {  	s30 =	rddreg [dreg:$0xf];
	v24 =	vld [tilespmem:s19+$0xE10];
	v53 =	vperm.xlane v11, v2;
	v4 =	vsel vm3, v4, v6;
	v56 =	vadd.f32 v7, v52  }
0x22f: {  	s31 =	rddreg [dreg:$0x17];
	v62 =	vld [tilespmem:s30+$0xF80];
	v4 =	vsel vm4, v4, v8;
	v60 =	vperm.xlane v10, v3;
	v5 =	vadd.f32 v5, v55  }
0x230: {  	v33 =	vmul.f32 v20, v14;
	v57 =	vadd.f32 v11, v53;
	v34 =	vld [tilespmem:s31+$0x4F80];
	v4 =	vsel vm5, v4, v56  }
0x231: {  	v63 =	vld [tilespmem:s30+$0xF90];
	v11 =	vmul.f32 v58, v54;
	v4 =	vsel vm6, v4, v5;
	v5 =	vadd.f32 v10, v60  }
0x232: {  	v35 =	vld [tilespmem:s31+$0x4F90];
	v41 =	vmul.f32 v59, v32;
	v61 =	vperm.xlane v57, v3  }
0x233: {  	v36 =	vmul.f32 v18, v15;
	v4 =	vsel vm7, v4, v5;
	v5 =	vmul.f32 v12, v13  }
0x234: {  	v38 =	vmul.f32 v39, v24;
	v6 =	vadd.f32 v57, v61;
	v7 =	vadd.f32 v33, v30  }
0x235: {  	v39 =	vmul.f32 v48, v44;
	v9 =	vmul.f32 v34, v62;
	v5 =	vadd.f32 v36, v5  }
0x236: {  	v42 =	vperm.xlane v7, v0;
	v4 =	vsel vm8, v4, v6;
	v6 =	vadd.f32 v38, v37  }
0x237: {  	v8 =	vadd.f32 v40, v39;
	v10 =	vmul.f32 v35, v63;
	v43 =	vperm.xlane v5, v0  }
0x238: {  	v11 =	vadd.f32 v41, v11;
	v7 =	vadd.f32 v7, v42;
	v44 =	vperm.xlane v6, v0  }
0x239: {  	v45 =	vperm.xlane v8, v0;
	v9 =	vadd.f32 v10, v9;
	v5 =	vadd.f32 v5, v43  }
0x23a: {  	v47 =	vperm.xlane v11, v0;
	v46 =	vperm.xlane v7, v1;
	v6 =	vadd.f32 v6, v44  }
0x23b: {  	v8 =	vadd.f32 v8, v45;
	v48 =	vperm.xlane v9, v0;
	v14 =	vperm.xlane v5, v1  }
0x23c: {  	v11 =	vadd.f32 v11, v47;
	v7 =	vadd.f32 v7, v46;
	v49 =	vperm.xlane v6, v1  }
0x23d: {  	v50 =	vperm.xlane v8, v1;
	v9 =	vadd.f32 v9, v48;
	v5 =	vadd.f32 v5, v14  }
0x23e: {  	v52 =	vperm.xlane v11, v1;
	v51 =	vperm.xlane v7, v2;
	v6 =	vadd.f32 v6, v49  }
0x23f: {  	v8 =	vadd.f32 v8, v50;
	v53 =	vperm.xlane v9, v1;
	v14 =	vperm.xlane v5, v2  }
0x240: {  	v10 =	vadd.f32 v11, v52;
	v7 =	vadd.f32 v7, v51;
	v54 =	vperm.xlane v6, v2  }
0x241: {  	v55 =	vperm.xlane v8, v2;
	v9 =	vadd.f32 v9, v53;
	v5 =	vadd.f32 v5, v14  }
0x242: {  	v57 =	vperm.xlane v10, v2;
	v56 =	vperm.xlane v7, v3;
	v6 =	vadd.f32 v6, v54  }
0x243: {  	v8 =	vadd.f32 v8, v55;
	v58 =	vperm.xlane v9, v2;
	v14 =	vperm.xlane v5, v3  }
0x244: {  	v10 =	vadd.f32 v10, v57;
	v7 =	vadd.f32 v7, v56;
	v59 =	vperm.xlane v6, v3  }
0x245: {  	v60 =	vperm.xlane v8, v3;
	v9 =	vadd.f32 v9, v58;
	v5 =	vadd.f32 v5, v14  }
0x246: {  	v61 =	vperm.xlane v10, v3;
	v4 =	vsel vm9, v4, v7;
	v6 =	vadd.f32 v6, v59  }
0x247: {  	p0 =	sne.s32 s25, $0xE000;
	v62 =	vperm.xlane v9, v3;
	v4 =	vsel vm10, v4, v5;
	v5 =	vadd.f32 v8, v60  }
.Ltmp3:
0x248: {  	v63 =	vadd.f32 v10, v61;
	v4 =	vsel vm11, v4, v6;
	(pc) =	sbr.rel @p0 .LBB2_8-.Ltmp3, $4  }
0x249: {  	v4 =	vsel vm12, v4, v5;
	v5 =	vadd.f32 v9, v62  }
0x24a: {  	v4 =	vsel vm13, v4, v63  }
0x24b: {  	s1 =	sadd.s32 $0x10, s1;
	v4 =	vsel vm14, v4, v5  }
0x24c: {  	s28 =	sadd.s32 $0x10, s28;
	s25 =	sadd.s32 $0x2000, s25;
	[tilespmem:s29+$0x0] =	vst v4;
	s29 =	sadd.s32 $0x10, s29  }
0x24d: {  	s2 =	simm.s32 $0x0  }
0x24e: {  	s0 =	rddreg [dreg:$0x9];
	s1 =	simm.s32 $0x8800;
	s3 =	simm.s32 $0x3  }
0x24f: {  	[hbm4b:s0+s2] =	stream.linear.scatter [tilespmem:s1], [sflag:$0x3], $0x200, $0x38;
	[tilespmem:$0x8A00] =	vst v63  }
0x250: {  	_ =	swait.ge [sflag:s3], $0x200  }
0x251: {  	s30 =	rddreg [dreg:$0xb]  }
0x252: {  	s31 =	rddreg [dreg:$0xa];
	s1 =	sadd.s32 $0x1, s30  }
0x253: {  	p0 =	sne.s32 s1, s31  }
.Ltmp4:
0x254: {  	_ = 	snop;
	(pc) =	sbr.rel @p0 .LBB2_1-.Ltmp4, $3  }
0x255: {  	_ =	sdelay $0x1  }
0x256: {  	[sflag:s3] =	ssyncset.done $0x0  }
0x257: {  	[sflag:s3] =	ssyncadd.s32 $0xFFFFFE00  }
0x258: {  	_ =	sfence.sel $0x180000  }
0x259: {  	[bflag:$0x0] =	sbarrier.arrive $0xFFFF  }
0x25a: {  	_ =	strace $0x90000047  }
0x25b: {  	s0 =	stileid.u32;
	[bflag:$0x2] =	sbarrier.arrive $0xFFFF  }
0x25c: {  	p0 =	sne.s32 s0, $0x0;
	s0 =	rddreg [dreg:$0x2]  }
0x25d: {  	s0 =	sadd.s32 @!p0 $0x100000, s0  }
0x25e: {  	[sflag:s0] =	ssyncadd.tile.s32 @!p0 $0x1;
	_ =	shalt  }
.Lfunc_end2:
_tile_overlayer_lowered:
.L_overlay_start_2:
0x25f: {  	(tag) =	ssettag $0x2  }
0x260: {  	s0 =	rddreg [dreg:$0x0];
	s2 =	stileid.u32  }
0x261: {  	s1 =	rddreg [dreg:$0x1];
	p0 =	sne.s32 s2, $0x0  }
0x262: {  	s3 =	rddreg [dreg:$0x2];
	[bflag:$0x3] =	sbarrier.arrive $0xFFFF;
	s2 =	simm.s32 @!p0 $0x1C03  }
0x263: {  	[timem:s3], [sflag:s2] =	dma.local @!p0 [hbm:s0], s1  }
0x264: {  	s0 =	simm.s32 @!p0 $0x3  }
0x265: {  	_ =	swait.ge @!p0 [sflag:s0], s1  }
0x266: {  	s1 =	ssub.s32 @!p0 $0x0, s1;
	[sflag:s0] =	ssyncset.done @!p0 $0x0  }
0x267: {  	[sflag:s0] =	ssyncadd.s32 @!p0 s1  }
0x268: {  	[bflag:$0x3] =	sbarrier.arrive $0xFFFF  }
0x269: {  	_ =	shalt  }

</sc_bundles>
